<compile_context>
chip_gen: v7x
topology: tpu7x:2x2x1
jax: 0.10.2.dev20260603
libtpu: 0.0.44.dev20260713+nightly
codegen_flags: <defaults>
</compile_context>

<pallas_src>
import functools

import jax
import jax.numpy as jnp
from jax import lax
from jax.experimental import pallas as pl
from jax.experimental.pallas import tpu as pltpu
from jax.experimental.pallas import tpu_sc as plsc

B, N, H = 32, 64, 32
PG = N * N
NDIST, NFEAT = 5, 3
NE = NDIST * NFEAT
TBL_E = 1537
SP_OFF = NDIST * TBL_E
TBL_ROWS = SP_OFF + 512
NC, NS = 2, 16
NW = NC * NS
CPOS = 64
NCHUNK = PG // CPOS
CROWS = CPOS * NE
NSUB = 8
SUB = CROWS // NSUB


def _sp_val(s):
    return jnp.clip(jnp.where(s == 0, 1, jnp.where(s > 1, s - 1, s)), 0, NDIST)


def _table_body(e_ref, w_ref, sp_ref, out_ref):
    E = e_ref[...]
    parts = [lax.dot(E, w_ref[d], preferred_element_type=jnp.float32) * (1.0 / 3.0)
             for d in range(NDIST)]
    s = lax.broadcasted_iota(jnp.int32, (512, 1), 0)
    parts.append(sp_ref[...] * _sp_val(s).astype(jnp.float32))
    out_ref[...] = jnp.concatenate(parts, axis=0)


def _sc_body(table, ge, gs, sidx_h, offs_h, acc_out,
             idxe_v, idxs_v, sidx_v, offs_v, rows_v, acc_v, acc_sh,
             gsem, ssem, osem, isem):
    cid = lax.axis_index("c")
    sid = lax.axis_index("s")
    wid = sid * NC + cid
    pltpu.sync_copy(sidx_h, sidx_v)
    pltpu.sync_copy(offs_h, offs_v)

    def fire_idx(g):
        p = g % 2
        pltpu.async_copy(ge.at[wid, g], idxe_v.at[p], isem)
        pltpu.async_copy(gs.at[wid, g], idxs_v.at[p], isem)

    def wait_idx(g):
        p = g % 2
        pltpu.make_async_copy(ge.at[wid, g], idxe_v.at[p], isem).wait()
        pltpu.make_async_copy(gs.at[wid, g], idxs_v.at[p], isem).wait()

    def compute_idx(g):
        p = g % 2

        def eb(i, carry):
            sl = pl.ds(i * 16, 16)
            idxe_v[p, sl] = idxe_v[p, sl] + offs_v[sl]
            return carry

        lax.fori_loop(0, CROWS // 16, eb, 0)

        def sb(i, carry):
            sl = pl.ds(i * 16, 16)
            idxs_v[p, sl] = idxs_v[p, sl] + jnp.full((16,), SP_OFF, jnp.int32)
            return carry

        lax.fori_loop(0, CPOS // 16, sb, 0)

    def fire_gathers(g):
        p, q = g % 2, g % 3
        for j in range(NSUB):
            pltpu.async_copy(table.at[idxe_v.at[p, pl.ds(j * SUB, SUB)]],
                             rows_v.at[p, pl.ds(j * SUB, SUB)], gsem)
        pltpu.async_copy(table.at[idxs_v.at[p]], acc_v.at[p], gsem)

    def wait_gathers(g):
        p = g % 2
        for j in range(NSUB):
            pltpu.make_async_copy(table.at[idxe_v.at[p, pl.ds(j * SUB, SUB)]],
                                  rows_v.at[p, pl.ds(j * SUB, SUB)], gsem).wait()
        pltpu.make_async_copy(table.at[idxs_v.at[p]], acc_v.at[p], gsem).wait()

    def fire_scatters(g):
        p, q = g % 2, g % 3
        for j in range(NSUB):
            pltpu.async_copy(rows_v.at[p, pl.ds(j * SUB, SUB)],
                             acc_sh.at[sid, q].at[sidx_v.at[j]], ssem, add=True)

    def wait_scatters(g):
        p, q = g % 2, g % 3
        for j in range(NSUB):
            pltpu.make_async_copy(rows_v.at[p, pl.ds(j * SUB, SUB)],
                                  acc_sh.at[sid, q].at[sidx_v.at[j]],
                                  ssem).wait()

    def fire_out(g):
        pltpu.async_copy(acc_sh.at[sid, g % 3],
                         acc_out.at[wid, g, :, pl.ds(0, H)], osem)

    def wait_out(g):
        pltpu.make_async_copy(acc_sh.at[sid, g % 3],
                              acc_out.at[wid, g, :, pl.ds(0, H)],
                              osem).wait()

    pltpu.sync_copy(ge.at[wid, 0], idxe_v.at[0])
    pltpu.sync_copy(gs.at[wid, 0], idxs_v.at[0])
    compute_idx(0)
    fire_gathers(0)
    fire_idx(1)

    def chunk(g, carry):
        @pl.when(g >= 1)
        def _():
            wait_scatters(g - 1)
            fire_out(g - 1)
        wait_gathers(g)
        @pl.when(g >= 2)
        def _():
            wait_out(g - 2)
        @pl.when(g <= NCHUNK - 2)
        def _():
            wait_idx(g + 1)
            compute_idx(g + 1)
            fire_gathers(g + 1)
        @pl.when(g <= NCHUNK - 3)
        def _():
            fire_idx(g + 2)
        pltpu.sync_copy(acc_v.at[g % 2], acc_sh.at[sid, g % 3])
        fire_scatters(g)
        return carry

    lax.fori_loop(0, NCHUNK, chunk, 0)
    wait_scatters(NCHUNK - 1)
    wait_out(NCHUNK - 2)
    fire_out(NCHUNK - 1)
    wait_out(NCHUNK - 1)


@functools.cache
def _sc_gather():
    return pl.kernel(
        _sc_body,
        out_type=jax.ShapeDtypeStruct((B, NCHUNK, CPOS, 4 * H), jnp.float32),
        mesh=plsc.VectorSubcoreMesh(core_axis_name="c", subcore_axis_name="s",
                                    num_cores=NC, num_subcores=NS),
        compiler_params=pltpu.CompilerParams(use_tc_tiling_on_sc=False),
        scratch_types=[
            pltpu.VMEM((2, CROWS), jnp.int32),
            pltpu.VMEM((2, CPOS), jnp.int32),
            pltpu.VMEM((NSUB, SUB), jnp.int32),
            pltpu.VMEM((CROWS,), jnp.int32),
            pltpu.VMEM((2, CROWS, H), jnp.float32),
            pltpu.VMEM((2, CPOS, H), jnp.float32),
            pltpu.VMEM_SHARED((NS, 3, CPOS, H), jnp.float32),
            pltpu.SemaphoreType.DMA,
            pltpu.SemaphoreType.DMA,
            pltpu.SemaphoreType.DMA,
            pltpu.SemaphoreType.DMA,
        ],
    )


def _sc_gather_call(table, ge, gs, sidx, offs):
    return _sc_gather()(table, ge, gs, sidx, offs)


def _final_body(acc_ref, s_ref, ab_ref, t_ref, out_ref):
    ab2 = 2.0 * ab_ref[0]
    t_col = t_ref[...]
    t_row = jnp.broadcast_to(t_col, (H, N + 1))
    ident = (lax.broadcasted_iota(jnp.int32, (H, H), 0)
             == lax.broadcasted_iota(jnp.int32, (H, H), 1)).astype(jnp.float32)
    lane65 = lax.broadcasted_iota(jnp.int32, (1, N + 1), 1)
    t0mask = jnp.where(lane65 == 0, t_row, 0.0)
    zcol = jnp.zeros((H, 1), jnp.float32)
    out_ref[0, :, 0, :] = ab2[0:1, :] + t_row
    for i in range(N):
        s = s_ref[0, pl.ds(i, 1), :]
        r = jnp.where(s <= 2, 1.0,
                      jnp.where(s == 3, 0.5,
                                jnp.where(s == 4, 1.0 / 3.0,
                                          jnp.where(s == 5, 0.25, 0.2))))
        e = acc_ref[0, i, :, pl.ds(0, H)]
        et = lax.dot_general(ident, e, (((1,), (1,)), ((), ())),
                             preferred_element_type=jnp.float32)
        et = et * r
        res = ab2[i + 1:i + 2, :] + t0mask + jnp.concatenate([zcol, et], axis=1)
        out_ref[0, :, i + 1, :] = res


def kernel(input_nodes, attn_bias, spatial_pos, input_edges, attn_edge_type,
           edge_encoder_w, edge_dis_encoder_w, spatial_pos_encoder_w, gtvd_w):
    w5 = edge_dis_encoder_w.reshape(128, H, H)[:NDIST]

    table = pl.pallas_call(
        _table_body,
        out_shape=jax.ShapeDtypeStruct((TBL_ROWS, H), jnp.float32),
    )(edge_encoder_w, w5, spatial_pos_encoder_w)

    ge = input_edges.reshape(B, NCHUNK, CROWS)
    gs = spatial_pos
    sidx = (jnp.arange(CROWS, dtype=jnp.int32) // NE).reshape(NSUB, SUB)
    offs = ((jnp.arange(CROWS, dtype=jnp.int32) // NFEAT) % NDIST) * TBL_E

    accv = _sc_gather_call(table, ge, gs, sidx, offs)

    t_col = gtvd_w.reshape(H, 1)

    out = pl.pallas_call(
        _final_body,
        grid=(B,),
        in_specs=[
            pl.BlockSpec((1, N, N, 4 * H), lambda b: (b, 0, 0, 0)),
            pl.BlockSpec((1, N, N), lambda b: (b, 0, 0)),
            pl.BlockSpec((1, N + 1, N + 1), lambda b: (b, 0, 0)),
            pl.BlockSpec((H, 1), lambda b: (0, 0)),
        ],
        out_specs=pl.BlockSpec((1, H, N + 1, N + 1), lambda b: (b, 0, 0, 0)),
        out_shape=jax.ShapeDtypeStruct((B, H, N + 1, N + 1), jnp.float32),
    )(accv, spatial_pos, attn_bias, t_col)
    return out

# --- scband reference (transcript-rebuilt; emitter-appended) ---
"""Pipeline reference for scband-graphormer-graph-attn-bias-12970801234641 (READ-ONLY COPY).

The authoritative reference and input builder live on the scoring server;
editing this copy changes nothing except your own understanding.
"""

import jax, jax.numpy as jnp
import numpy as np


def setup_inputs(seed: int = 0) -> dict:
    key = jax.random.key(seed)
    ks = jax.random.split(key, 9)
    B, N, H = 32, 64, 32
    input_nodes = jax.random.randint(ks[0], (B, N), 0, 100)
    attn_bias = jax.random.normal(ks[1], (B, N + 1, N + 1), dtype=jnp.float32)
    spatial_pos = jax.random.randint(ks[2], (B, N, N), 0, 512)
    input_edges = jax.random.randint(ks[3], (B, N, N, 5, 3), 0, 1536)
    attn_edge_type = jax.random.randint(ks[4], (B, N, N, 3), 0, 1536)
    edge_encoder_w = (jax.random.normal(ks[5], (1537, H), dtype=jnp.float32) * 0.02).at[0].set(0.0)
    edge_dis_encoder_w = jax.random.normal(ks[6], (128 * H * H, 1), dtype=jnp.float32) * 0.02
    spatial_pos_encoder_w = (jax.random.normal(ks[7], (512, H), dtype=jnp.float32) * 0.02).at[0].set(0.0)
    gtvd_w = jax.random.normal(ks[8], (1, H), dtype=jnp.float32) * 0.02
    return {
        "input_nodes": input_nodes,
        "attn_bias": attn_bias,
        "spatial_pos": spatial_pos,
        "input_edges": input_edges,
        "attn_edge_type": attn_edge_type,
        "edge_encoder_w": edge_encoder_w,
        "edge_dis_encoder_w": edge_dis_encoder_w,
        "spatial_pos_encoder_w": spatial_pos_encoder_w,
        "gtvd_w": gtvd_w,
    }


def reference(input_nodes, attn_bias, spatial_pos, input_edges, attn_edge_type,
              edge_encoder_w, edge_dis_encoder_w, spatial_pos_encoder_w, gtvd_w):
    num_heads = 32
    multi_hop_max_dist = 5
    n_graph, n_node = input_nodes.shape[0], input_nodes.shape[1]
    # graph_attn_bias = attn_bias.unsqueeze(1).repeat(1, H, 1, 1)
    gab = jnp.broadcast_to(attn_bias[:, None, :, :],
                           (n_graph, num_heads, attn_bias.shape[1], attn_bias.shape[2]))
    # spatial_pos_encoder(spatial_pos).permute(0,3,1,2)
    spb = jnp.take(spatial_pos_encoder_w, spatial_pos, axis=0).transpose(0, 3, 1, 2)
    gab = gab.at[:, :, 1:, 1:].add(spb)
    t = gtvd_w.reshape(1, num_heads, 1)
    gab = gab.at[:, :, 1:, 0].add(t)
    gab = gab.at[:, :, 0, :].add(t)
    # multi_hop edge encoding
    sp = jnp.where(spatial_pos == 0, 1, spatial_pos)
    sp = jnp.where(sp > 1, sp - 1, sp)
    sp = jnp.clip(sp, 0, multi_hop_max_dist)
    ie = input_edges[:, :, :, :multi_hop_max_dist, :]
    ie = jnp.take(edge_encoder_w, ie, axis=0).mean(axis=-2)  # [B,N,N,dist,H]
    max_dist = ie.shape[-2]
    flat = ie.transpose(3, 0, 1, 2, 4).reshape(max_dist, -1, num_heads)
    w = edge_dis_encoder_w.reshape(-1, num_heads, num_heads)[:max_dist, :, :]
    flat = jnp.einsum('dbh,dhk->dbk', flat, w)  # torch.bmm
    ie = flat.reshape(max_dist, n_graph, n_node, n_node, num_heads).transpose(1, 2, 3, 0, 4)
    ie = (jnp.sum(ie, axis=-2) / sp.astype(jnp.float32)[..., None]).transpose(0, 3, 1, 2)
    gab = gab.at[:, :, 1:, 1:].add(ie)
    gab = gab + attn_bias[:, None, :, :]
    return gab

if __name__ == "__main__":
    import jax
    _d = setup_inputs()
    print(jax.jit(kernel)(*tuple(_d.values())))

</pallas_src>

<mosaic_0001>
#map = affine_map<(d0, d1) -> (0, 0)>
#map1 = affine_map<(d0, d1) -> (0, 0, 0)>
#map2 = affine_map<(d0, d1) -> (0)>
#map3 = affine_map<(d0, d1) -> (0, 0, 0, 0)>
module attributes {stable_mosaic.version = 14 : i64} {
  func.func @_sc_body(%arg0: i32, %arg1: i32, %arg2: memref<8197x32xf32, #tpu.memory_space<hbm>>, %arg3: memref<32x64x960xi32, #tpu.memory_space<hbm>>, %arg4: memref<32x64x64xi32, #tpu.memory_space<hbm>>, %arg5: memref<8x120xi32, #tpu.memory_space<hbm>>, %arg6: memref<960xi32, #tpu.memory_space<hbm>>, %arg7: memref<32x64x64x128xf32, #tpu.memory_space<hbm>>, %arg8: memref<2x960xi32, #tpu.memory_space<vmem>>, %arg9: memref<2x64xi32, #tpu.memory_space<vmem>>, %arg10: memref<8x120xi32, #tpu.memory_space<vmem>>, %arg11: memref<960xi32, #tpu.memory_space<vmem>>, %arg12: memref<2x960x32xf32, #tpu.memory_space<vmem>>, %arg13: memref<2x64x32xf32, #tpu.memory_space<vmem>>, %arg14: memref<16x3x64x32xf32, #tpu.memory_space<vmem_shared>>, %arg15: memref<!tpu.dma_semaphore, #tpu.memory_space<semaphore_mem>>, %arg16: memref<!tpu.dma_semaphore, #tpu.memory_space<semaphore_mem>>, %arg17: memref<!tpu.dma_semaphore, #tpu.memory_space<semaphore_mem>>, %arg18: memref<!tpu.dma_semaphore, #tpu.memory_space<semaphore_mem>>) attributes {dimension_semantics = [#tpu.dimension_semantics<core_parallel>, #tpu.dimension_semantics<subcore_parallel>], iteration_bounds = array<i64: 2, 16>, scalar_prefetch = 0 : i64, scratch_operands = 11 : i64, tpu.core_type = #tpu.core_type<sc_vector_subcore>, window_params = [{transform_indices = #map}, {transform_indices = #map1}, {transform_indices = #map1}, {transform_indices = #map}, {transform_indices = #map2}, {transform_indices = #map3}]} {
    %mul3A = arith.constant 2 : i32
    %mul3A_0 = arith.muli %arg1, %mul3A : i32
    %add3A = arith.addi %mul3A_0, %arg0 : i32
    "tpu.region"() ({
      %run_scoped3A_321 = tpu.sem_alloc : memref<!tpu.dma_semaphore, #tpu.memory_space<semaphore_mem>>
      tpu.enqueue_dma source(%arg5 : memref<8x120xi32, #tpu.memory_space<hbm>>) target(%arg10 : memref<8x120xi32, #tpu.memory_space<vmem>>) target_semaphore(%run_scoped3A_321 : memref<!tpu.dma_semaphore, #tpu.memory_space<semaphore_mem>>)
      tpu.wait_dma2 semaphore(%run_scoped3A_321 : memref<!tpu.dma_semaphore, #tpu.memory_space<semaphore_mem>>) src(%arg5 : memref<8x120xi32, #tpu.memory_space<hbm>>) dst(%arg10 : memref<8x120xi32, #tpu.memory_space<vmem>>)
      tpu.yield
    }) : () -> ()
    "tpu.region"() ({
      %run_scoped3A_321 = tpu.sem_alloc : memref<!tpu.dma_semaphore, #tpu.memory_space<semaphore_mem>>
      tpu.enqueue_dma source(%arg6 : memref<960xi32, #tpu.memory_space<hbm>>) target(%arg11 : memref<960xi32, #tpu.memory_space<vmem>>) target_semaphore(%run_scoped3A_321 : memref<!tpu.dma_semaphore, #tpu.memory_space<semaphore_mem>>)
      tpu.wait_dma2 semaphore(%run_scoped3A_321 : memref<!tpu.dma_semaphore, #tpu.memory_space<semaphore_mem>>) src(%arg6 : memref<960xi32, #tpu.memory_space<hbm>>) dst(%arg11 : memref<960xi32, #tpu.memory_space<vmem>>)
      tpu.yield
    }) : () -> ()
    %run_scoped3A = arith.constant 0 : i32
    %run_scoped3A_1 = arith.constant 0 : i32
    "tpu.region"() ({
      %run_scoped3A_321 = tpu.sem_alloc : memref<!tpu.dma_semaphore, #tpu.memory_space<semaphore_mem>>
      %dma_start3A_322 = arith.constant 0 : i32
      %dma_start3A_323 = tpu.memref_slice %arg8[%run_scoped3A_1, %dma_start3A_322] : memref<2x960xi32, #tpu.memory_space<vmem>> -> memref<1x960xi32, #tpu.memory_space<vmem>>
      %dma_start3A_324 = tpu.memref_squeeze %dma_start3A_323 : memref<1x960xi32, #tpu.memory_space<vmem>> -> memref<960xi32, #tpu.memory_space<vmem>>
      %dma_start3A_325 = arith.constant 0 : i32
      %dma_start3A_326 = tpu.memref_slice %arg3[%add3A, %run_scoped3A, %dma_start3A_325] : memref<32x64x960xi32, #tpu.memory_space<hbm>> -> memref<1x1x960xi32, #tpu.memory_space<hbm>>
      %dma_start3A_327 = tpu.memref_squeeze %dma_start3A_326 : memref<1x1x960xi32, #tpu.memory_space<hbm>> -> memref<960xi32, #tpu.memory_space<hbm>>
      %dma_start3A_328 = arith.constant 0 : i32
      %dma_start3A_329 = tpu.memref_slice %arg8[%run_scoped3A_1, %dma_start3A_328] : memref<2x960xi32, #tpu.memory_space<vmem>> -> memref<1x960xi32, #tpu.memory_space<vmem>>
      %dma_start3A_330 = tpu.memref_squeeze %dma_start3A_329 : memref<1x960xi32, #tpu.memory_space<vmem>> -> memref<960xi32, #tpu.memory_space<vmem>>
      %dma_start3A_331 = arith.constant 0 : i32
      %dma_start3A_332 = tpu.memref_slice %arg3[%add3A, %run_scoped3A, %dma_start3A_331] : memref<32x64x960xi32, #tpu.memory_space<hbm>> -> memref<1x1x960xi32, #tpu.memory_space<hbm>>
      %dma_start3A_333 = tpu.memref_squeeze %dma_start3A_332 : memref<1x1x960xi32, #tpu.memory_space<hbm>> -> memref<960xi32, #tpu.memory_space<hbm>>
      tpu.enqueue_dma source(%dma_start3A_333 : memref<960xi32, #tpu.memory_space<hbm>>) target(%dma_start3A_330 : memref<960xi32, #tpu.memory_space<vmem>>) target_semaphore(%run_scoped3A_321 : memref<!tpu.dma_semaphore, #tpu.memory_space<semaphore_mem>>)
      %dma_wait3A_334 = arith.constant 0 : i32
      %dma_wait3A_335 = tpu.memref_slice %arg8[%run_scoped3A_1, %dma_wait3A_334] : memref<2x960xi32, #tpu.memory_space<vmem>> -> memref<1x960xi32, #tpu.memory_space<vmem>>
      %dma_wait3A_336 = tpu.memref_squeeze %dma_wait3A_335 : memref<1x960xi32, #tpu.memory_space<vmem>> -> memref<960xi32, #tpu.memory_space<vmem>>
      %dma_wait3A_337 = arith.constant 0 : i32
      %dma_wait3A_338 = tpu.memref_slice %arg3[%add3A, %run_scoped3A, %dma_wait3A_337] : memref<32x64x960xi32, #tpu.memory_space<hbm>> -> memref<1x1x960xi32, #tpu.memory_space<hbm>>
      %dma_wait3A_339 = tpu.memref_squeeze %dma_wait3A_338 : memref<1x1x960xi32, #tpu.memory_space<hbm>> -> memref<960xi32, #tpu.memory_space<hbm>>
      %dma_wait3A_340 = arith.constant 0 : i32
      %dma_wait3A_341 = tpu.memref_slice %arg8[%run_scoped3A_1, %dma_wait3A_340] : memref<2x960xi32, #tpu.memory_space<vmem>> -> memref<1x960xi32, #tpu.memory_space<vmem>>
      %dma_wait3A_342 = tpu.memref_squeeze %dma_wait3A_341 : memref<1x960xi32, #tpu.memory_space<vmem>> -> memref<960xi32, #tpu.memory_space<vmem>>
      %dma_wait3A_343 = arith.constant 0 : i32
      %dma_wait3A_344 = tpu.memref_slice %arg3[%add3A, %run_scoped3A, %dma_wait3A_343] : memref<32x64x960xi32, #tpu.memory_space<hbm>> -> memref<1x1x960xi32, #tpu.memory_space<hbm>>
      %dma_wait3A_345 = tpu.memref_squeeze %dma_wait3A_344 : memref<1x1x960xi32, #tpu.memory_space<hbm>> -> memref<960xi32, #tpu.memory_space<hbm>>
      tpu.wait_dma2 semaphore(%run_scoped3A_321 : memref<!tpu.dma_semaphore, #tpu.memory_space<semaphore_mem>>) src(%dma_wait3A_345 : memref<960xi32, #tpu.memory_space<hbm>>) dst(%dma_wait3A_342 : memref<960xi32, #tpu.memory_space<vmem>>)
      tpu.yield
    }) : () -> ()
    %run_scoped3A_2 = arith.constant 0 : i32
    %run_scoped3A_3 = arith.constant 0 : i32
    "tpu.region"() ({
      %run_scoped3A_321 = tpu.sem_alloc : memref<!tpu.dma_semaphore, #tpu.memory_space<semaphore_mem>>
      %dma_start3A_322 = arith.constant 0 : i32
      %dma_start3A_323 = tpu.memref_slice %arg9[%run_scoped3A_3, %dma_start3A_322] : memref<2x64xi32, #tpu.memory_space<vmem>> -> memref<1x64xi32, #tpu.memory_space<vmem>>
      %dma_start3A_324 = tpu.memref_squeeze %dma_start3A_323 : memref<1x64xi32, #tpu.memory_space<vmem>> -> memref<64xi32, #tpu.memory_space<vmem>>
      %dma_start3A_325 = arith.constant 0 : i32
      %dma_start3A_326 = tpu.memref_slice %arg4[%add3A, %run_scoped3A_2, %dma_start3A_325] : memref<32x64x64xi32, #tpu.memory_space<hbm>> -> memref<1x1x64xi32, #tpu.memory_space<hbm>>
      %dma_start3A_327 = tpu.memref_squeeze %dma_start3A_326 : memref<1x1x64xi32, #tpu.memory_space<hbm>> -> memref<64xi32, #tpu.memory_space<hbm>>
      %dma_start3A_328 = arith.constant 0 : i32
      %dma_start3A_329 = tpu.memref_slice %arg9[%run_scoped3A_3, %dma_start3A_328] : memref<2x64xi32, #tpu.memory_space<vmem>> -> memref<1x64xi32, #tpu.memory_space<vmem>>
      %dma_start3A_330 = tpu.memref_squeeze %dma_start3A_329 : memref<1x64xi32, #tpu.memory_space<vmem>> -> memref<64xi32, #tpu.memory_space<vmem>>
      %dma_start3A_331 = arith.constant 0 : i32
      %dma_start3A_332 = tpu.memref_slice %arg4[%add3A, %run_scoped3A_2, %dma_start3A_331] : memref<32x64x64xi32, #tpu.memory_space<hbm>> -> memref<1x1x64xi32, #tpu.memory_space<hbm>>
      %dma_start3A_333 = tpu.memref_squeeze %dma_start3A_332 : memref<1x1x64xi32, #tpu.memory_space<hbm>> -> memref<64xi32, #tpu.memory_space<hbm>>
      tpu.enqueue_dma source(%dma_start3A_333 : memref<64xi32, #tpu.memory_space<hbm>>) target(%dma_start3A_330 : memref<64xi32, #tpu.memory_space<vmem>>) target_semaphore(%run_scoped3A_321 : memref<!tpu.dma_semaphore, #tpu.memory_space<semaphore_mem>>)
      %dma_wait3A_334 = arith.constant 0 : i32
      %dma_wait3A_335 = tpu.memref_slice %arg9[%run_scoped3A_3, %dma_wait3A_334] : memref<2x64xi32, #tpu.memory_space<vmem>> -> memref<1x64xi32, #tpu.memory_space<vmem>>
      %dma_wait3A_336 = tpu.memref_squeeze %dma_wait3A_335 : memref<1x64xi32, #tpu.memory_space<vmem>> -> memref<64xi32, #tpu.memory_space<vmem>>
      %dma_wait3A_337 = arith.constant 0 : i32
      %dma_wait3A_338 = tpu.memref_slice %arg4[%add3A, %run_scoped3A_2, %dma_wait3A_337] : memref<32x64x64xi32, #tpu.memory_space<hbm>> -> memref<1x1x64xi32, #tpu.memory_space<hbm>>
      %dma_wait3A_339 = tpu.memref_squeeze %dma_wait3A_338 : memref<1x1x64xi32, #tpu.memory_space<hbm>> -> memref<64xi32, #tpu.memory_space<hbm>>
      %dma_wait3A_340 = arith.constant 0 : i32
      %dma_wait3A_341 = tpu.memref_slice %arg9[%run_scoped3A_3, %dma_wait3A_340] : memref<2x64xi32, #tpu.memory_space<vmem>> -> memref<1x64xi32, #tpu.memory_space<vmem>>
      %dma_wait3A_342 = tpu.memref_squeeze %dma_wait3A_341 : memref<1x64xi32, #tpu.memory_space<vmem>> -> memref<64xi32, #tpu.memory_space<vmem>>
      %dma_wait3A_343 = arith.constant 0 : i32
      %dma_wait3A_344 = tpu.memref_slice %arg4[%add3A, %run_scoped3A_2, %dma_wait3A_343] : memref<32x64x64xi32, #tpu.memory_space<hbm>> -> memref<1x1x64xi32, #tpu.memory_space<hbm>>
      %dma_wait3A_345 = tpu.memref_squeeze %dma_wait3A_344 : memref<1x1x64xi32, #tpu.memory_space<hbm>> -> memref<64xi32, #tpu.memory_space<hbm>>
      tpu.wait_dma2 semaphore(%run_scoped3A_321 : memref<!tpu.dma_semaphore, #tpu.memory_space<semaphore_mem>>) src(%dma_wait3A_345 : memref<64xi32, #tpu.memory_space<hbm>>) dst(%dma_wait3A_342 : memref<64xi32, #tpu.memory_space<vmem>>)
      tpu.yield
    }) : () -> ()
    %scan3A = arith.constant 0 : i32
    %scan3A_4 = arith.constant 0 : i32
    %scan3A_5 = arith.constant 60 : i32
    %scan3A_6 = arith.addi %scan3A_4, %scan3A_5 : i32
    %scan3A_7 = arith.constant 1 : i32
    scf.for %scan3A_321 = %scan3A_4 to %scan3A_6 step %scan3A_7  : i32 {
      %mul3A_322 = arith.constant 16 : i32
      %mul3A_323 = arith.muli %scan3A_321, %mul3A_322 : i32
      %get3A = arith.constant 0 : i32
      %get3A_324 = arith.index_cast %get3A : i32 to index
      %get3A_325 = arith.index_cast %mul3A_323 : i32 to index
      %get3A_326 = tpu.vector_load %arg8[%get3A_324, %get3A_325] {strides = array<i32>} : memref<2x960xi32, #tpu.memory_space<vmem>>, vector<1x16xi32>,
      %get3A_327 = vector.shape_cast %get3A_326 : vector<1x16xi32> to vector<16xi32>
      %get3A_328 = arith.index_cast %mul3A_323 : i32 to index
      %get3A_329 = tpu.vector_load %arg11[%get3A_328] {strides = array<i32>} : memref<960xi32, #tpu.memory_space<vmem>>, vector<16xi32>,
      %get3A_330 = vector.shape_cast %get3A_329 : vector<16xi32> to vector<16xi32>
      %add3A_331 = arith.addi %get3A_327, %get3A_330 : vector<16xi32>
      %swap3A = arith.constant 0 : i32
      %swap3A_332 = arith.index_cast %swap3A : i32 to index
      %swap3A_333 = arith.index_cast %mul3A_323 : i32 to index
      %swap3A_334 = tpu.vector_load %arg8[%swap3A_332, %swap3A_333] {strides = array<i32>} : memref<2x960xi32, #tpu.memory_space<vmem>>, vector<1x16xi32>,
      %swap3A_335 = vector.shape_cast %swap3A_334 : vector<1x16xi32> to vector<16xi32>
      %swap3A_336 = vector.shape_cast %add3A_331 : vector<16xi32> to vector<1x16xi32>
      tpu.vector_store %arg8[%swap3A_332, %swap3A_333], %swap3A_336 {strides = array<i32>} : memref<2x960xi32, #tpu.memory_space<vmem>>, vector<1x16xi32>,
    }
    %scan3A_8 = arith.constant 60 : i32
    %scan3A_9 = arith.constant 0 : i32
    %scan3A_10 = arith.constant 0 : i32
    %scan3A_11 = arith.constant 4 : i32
    %scan3A_12 = arith.addi %scan3A_10, %scan3A_11 : i32
    %scan3A_13 = arith.constant 1 : i32
    scf.for %scan3A_321 = %scan3A_10 to %scan3A_12 step %scan3A_13  : i32 {
      %mul3A_322 = arith.constant 16 : i32
      %mul3A_323 = arith.muli %scan3A_321, %mul3A_322 : i32
      %get3A = arith.constant 0 : i32
      %get3A_324 = arith.index_cast %get3A : i32 to index
      %get3A_325 = arith.index_cast %mul3A_323 : i32 to index
      %get3A_326 = tpu.vector_load %arg9[%get3A_324, %get3A_325] {strides = array<i32>} : memref<2x64xi32, #tpu.memory_space<vmem>>, vector<1x16xi32>,
      %get3A_327 = vector.shape_cast %get3A_326 : vector<1x16xi32> to vector<16xi32>
      %broadcast_in_dim3A = arith.constant 7685 : i32
      %broadcast_in_dim3A_328 = vector.broadcast %broadcast_in_dim3A : i32 to vector<16xi32>
      %add3A_329 = arith.addi %get3A_327, %broadcast_in_dim3A_328 : vector<16xi32>
      %swap3A = arith.constant 0 : i32
      %swap3A_330 = arith.index_cast %swap3A : i32 to index
      %swap3A_331 = arith.index_cast %mul3A_323 : i32 to index
      %swap3A_332 = tpu.vector_load %arg9[%swap3A_330, %swap3A_331] {strides = array<i32>} : memref<2x64xi32, #tpu.memory_space<vmem>>, vector<1x16xi32>,
      %swap3A_333 = vector.shape_cast %swap3A_332 : vector<1x16xi32> to vector<16xi32>
      %swap3A_334 = vector.shape_cast %add3A_329 : vector<16xi32> to vector<1x16xi32>
      tpu.vector_store %arg9[%swap3A_330, %swap3A_331], %swap3A_334 {strides = array<i32>} : memref<2x64xi32, #tpu.memory_space<vmem>>, vector<1x16xi32>,
    }
    %scan3A_14 = arith.constant 4 : i32
    %dma_start3A = arith.constant 0 : i32
    %dma_start3A_15 = arith.constant 0 : i32
    %dma_start3A_16 = arith.constant 0 : i32
    %dma_start3A_17 = arith.constant 0 : i32
    %dma_start3A_18 = tpu.memref_slice %arg12[%dma_start3A_15, %dma_start3A_16, %dma_start3A_17] : memref<2x960x32xf32, #tpu.memory_space<vmem>> -> memref<1x120x32xf32, #tpu.memory_space<vmem>>
    %dma_start3A_19 = tpu.memref_squeeze %dma_start3A_18 : memref<1x120x32xf32, #tpu.memory_space<vmem>> -> memref<120x32xf32, #tpu.memory_space<vmem>>
    %dma_start3A_20 = arith.constant 0 : i32
    %dma_start3A_21 = tpu.memref_slice %arg8[%dma_start3A, %dma_start3A_20] : memref<2x960xi32, #tpu.memory_space<vmem>> -> memref<1x120xi32, #tpu.memory_space<vmem>>
    %dma_start3A_22 = tpu.memref_squeeze %dma_start3A_21 : memref<1x120xi32, #tpu.memory_space<vmem>> -> memref<120xi32, #tpu.memory_space<vmem>>
    %dma_start3A_23 = arith.constant 0 : i32
    %dma_start3A_24 = arith.constant 0 : i32
    %dma_start3A_25 = tpu.memref_slice %arg2[%dma_start3A_23, %dma_start3A_24] : memref<8197x32xf32, #tpu.memory_space<hbm>> -> memref<8197x32xf32, #tpu.memory_space<hbm>>
    tpu.enqueue_indirect_dma source(%dma_start3A_25 : memref<8197x32xf32, #tpu.memory_space<hbm>>) target(%dma_start3A_19 : memref<120x32xf32, #tpu.memory_space<vmem>>) offsets(%dma_start3A_22 : memref<120xi32, #tpu.memory_space<vmem>>) semaphore(%arg15 : memref<!tpu.dma_semaphore, #tpu.memory_space<semaphore_mem>>)
    %dma_start3A_26 = arith.constant 0 : i32
    %dma_start3A_27 = arith.constant 0 : i32
    %dma_start3A_28 = arith.constant 120 : i32
    %dma_start3A_29 = arith.constant 0 : i32
    %dma_start3A_30 = tpu.memref_slice %arg12[%dma_start3A_27, %dma_start3A_28, %dma_start3A_29] : memref<2x960x32xf32, #tpu.memory_space<vmem>> -> memref<1x120x32xf32, #tpu.memory_space<vmem>>
    %dma_start3A_31 = tpu.memref_squeeze %dma_start3A_30 : memref<1x120x32xf32, #tpu.memory_space<vmem>> -> memref<120x32xf32, #tpu.memory_space<vmem>>
    %dma_start3A_32 = arith.constant 120 : i32
    %dma_start3A_33 = tpu.memref_slice %arg8[%dma_start3A_26, %dma_start3A_32] : memref<2x960xi32, #tpu.memory_space<vmem>> -> memref<1x120xi32, #tpu.memory_space<vmem>>
    %dma_start3A_34 = tpu.memref_squeeze %dma_start3A_33 : memref<1x120xi32, #tpu.memory_space<vmem>> -> memref<120xi32, #tpu.memory_space<vmem>>
    %dma_start3A_35 = arith.constant 0 : i32
    %dma_start3A_36 = arith.constant 0 : i32
    %dma_start3A_37 = tpu.memref_slice %arg2[%dma_start3A_35, %dma_start3A_36] : memref<8197x32xf32, #tpu.memory_space<hbm>> -> memref<8197x32xf32, #tpu.memory_space<hbm>>
    tpu.enqueue_indirect_dma source(%dma_start3A_37 : memref<8197x32xf32, #tpu.memory_space<hbm>>) target(%dma_start3A_31 : memref<120x32xf32, #tpu.memory_space<vmem>>) offsets(%dma_start3A_34 : memref<120xi32, #tpu.memory_space<vmem>>) semaphore(%arg15 : memref<!tpu.dma_semaphore, #tpu.memory_space<semaphore_mem>>)
    %dma_start3A_38 = arith.constant 0 : i32
    %dma_start3A_39 = arith.constant 0 : i32
    %dma_start3A_40 = arith.constant 240 : i32
    %dma_start3A_41 = arith.constant 0 : i32
    %dma_start3A_42 = tpu.memref_slice %arg12[%dma_start3A_39, %dma_start3A_40, %dma_start3A_41] : memref<2x960x32xf32, #tpu.memory_space<vmem>> -> memref<1x120x32xf32, #tpu.memory_space<vmem>>
    %dma_start3A_43 = tpu.memref_squeeze %dma_start3A_42 : memref<1x120x32xf32, #tpu.memory_space<vmem>> -> memref<120x32xf32, #tpu.memory_space<vmem>>
    %dma_start3A_44 = arith.constant 240 : i32
    %dma_start3A_45 = tpu.memref_slice %arg8[%dma_start3A_38, %dma_start3A_44] : memref<2x960xi32, #tpu.memory_space<vmem>> -> memref<1x120xi32, #tpu.memory_space<vmem>>
    %dma_start3A_46 = tpu.memref_squeeze %dma_start3A_45 : memref<1x120xi32, #tpu.memory_space<vmem>> -> memref<120xi32, #tpu.memory_space<vmem>>
    %dma_start3A_47 = arith.constant 0 : i32
    %dma_start3A_48 = arith.constant 0 : i32
    %dma_start3A_49 = tpu.memref_slice %arg2[%dma_start3A_47, %dma_start3A_48] : memref<8197x32xf32, #tpu.memory_space<hbm>> -> memref<8197x32xf32, #tpu.memory_space<hbm>>
    tpu.enqueue_indirect_dma source(%dma_start3A_49 : memref<8197x32xf32, #tpu.memory_space<hbm>>) target(%dma_start3A_43 : memref<120x32xf32, #tpu.memory_space<vmem>>) offsets(%dma_start3A_46 : memref<120xi32, #tpu.memory_space<vmem>>) semaphore(%arg15 : memref<!tpu.dma_semaphore, #tpu.memory_space<semaphore_mem>>)
    %dma_start3A_50 = arith.constant 0 : i32
    %dma_start3A_51 = arith.constant 0 : i32
    %dma_start3A_52 = arith.constant 360 : i32
    %dma_start3A_53 = arith.constant 0 : i32
    %dma_start3A_54 = tpu.memref_slice %arg12[%dma_start3A_51, %dma_start3A_52, %dma_start3A_53] : memref<2x960x32xf32, #tpu.memory_space<vmem>> -> memref<1x120x32xf32, #tpu.memory_space<vmem>>
    %dma_start3A_55 = tpu.memref_squeeze %dma_start3A_54 : memref<1x120x32xf32, #tpu.memory_space<vmem>> -> memref<120x32xf32, #tpu.memory_space<vmem>>
    %dma_start3A_56 = arith.constant 360 : i32
    %dma_start3A_57 = tpu.memref_slice %arg8[%dma_start3A_50, %dma_start3A_56] : memref<2x960xi32, #tpu.memory_space<vmem>> -> memref<1x120xi32, #tpu.memory_space<vmem>>
    %dma_start3A_58 = tpu.memref_squeeze %dma_start3A_57 : memref<1x120xi32, #tpu.memory_space<vmem>> -> memref<120xi32, #tpu.memory_space<vmem>>
    %dma_start3A_59 = arith.constant 0 : i32
    %dma_start3A_60 = arith.constant 0 : i32
    %dma_start3A_61 = tpu.memref_slice %arg2[%dma_start3A_59, %dma_start3A_60] : memref<8197x32xf32, #tpu.memory_space<hbm>> -> memref<8197x32xf32, #tpu.memory_space<hbm>>
    tpu.enqueue_indirect_dma source(%dma_start3A_61 : memref<8197x32xf32, #tpu.memory_space<hbm>>) target(%dma_start3A_55 : memref<120x32xf32, #tpu.memory_space<vmem>>) offsets(%dma_start3A_58 : memref<120xi32, #tpu.memory_space<vmem>>) semaphore(%arg15 : memref<!tpu.dma_semaphore, #tpu.memory_space<semaphore_mem>>)
    %dma_start3A_62 = arith.constant 0 : i32
    %dma_start3A_63 = arith.constant 0 : i32
    %dma_start3A_64 = arith.constant 480 : i32
    %dma_start3A_65 = arith.constant 0 : i32
    %dma_start3A_66 = tpu.memref_slice %arg12[%dma_start3A_63, %dma_start3A_64, %dma_start3A_65] : memref<2x960x32xf32, #tpu.memory_space<vmem>> -> memref<1x120x32xf32, #tpu.memory_space<vmem>>
    %dma_start3A_67 = tpu.memref_squeeze %dma_start3A_66 : memref<1x120x32xf32, #tpu.memory_space<vmem>> -> memref<120x32xf32, #tpu.memory_space<vmem>>
    %dma_start3A_68 = arith.constant 480 : i32
    %dma_start3A_69 = tpu.memref_slice %arg8[%dma_start3A_62, %dma_start3A_68] : memref<2x960xi32, #tpu.memory_space<vmem>> -> memref<1x120xi32, #tpu.memory_space<vmem>>
    %dma_start3A_70 = tpu.memref_squeeze %dma_start3A_69 : memref<1x120xi32, #tpu.memory_space<vmem>> -> memref<120xi32, #tpu.memory_space<vmem>>
    %dma_start3A_71 = arith.constant 0 : i32
    %dma_start3A_72 = arith.constant 0 : i32
    %dma_start3A_73 = tpu.memref_slice %arg2[%dma_start3A_71, %dma_start3A_72] : memref<8197x32xf32, #tpu.memory_space<hbm>> -> memref<8197x32xf32, #tpu.memory_space<hbm>>
    tpu.enqueue_indirect_dma source(%dma_start3A_73 : memref<8197x32xf32, #tpu.memory_space<hbm>>) target(%dma_start3A_67 : memref<120x32xf32, #tpu.memory_space<vmem>>) offsets(%dma_start3A_70 : memref<120xi32, #tpu.memory_space<vmem>>) semaphore(%arg15 : memref<!tpu.dma_semaphore, #tpu.memory_space<semaphore_mem>>)
    %dma_start3A_74 = arith.constant 0 : i32
    %dma_start3A_75 = arith.constant 0 : i32
    %dma_start3A_76 = arith.constant 600 : i32
    %dma_start3A_77 = arith.constant 0 : i32
    %dma_start3A_78 = tpu.memref_slice %arg12[%dma_start3A_75, %dma_start3A_76, %dma_start3A_77] : memref<2x960x32xf32, #tpu.memory_space<vmem>> -> memref<1x120x32xf32, #tpu.memory_space<vmem>>
    %dma_start3A_79 = tpu.memref_squeeze %dma_start3A_78 : memref<1x120x32xf32, #tpu.memory_space<vmem>> -> memref<120x32xf32, #tpu.memory_space<vmem>>
    %dma_start3A_80 = arith.constant 600 : i32
    %dma_start3A_81 = tpu.memref_slice %arg8[%dma_start3A_74, %dma_start3A_80] : memref<2x960xi32, #tpu.memory_space<vmem>> -> memref<1x120xi32, #tpu.memory_space<vmem>>
    %dma_start3A_82 = tpu.memref_squeeze %dma_start3A_81 : memref<1x120xi32, #tpu.memory_space<vmem>> -> memref<120xi32, #tpu.memory_space<vmem>>
    %dma_start3A_83 = arith.constant 0 : i32
    %dma_start3A_84 = arith.constant 0 : i32
    %dma_start3A_85 = tpu.memref_slice %arg2[%dma_start3A_83, %dma_start3A_84] : memref<8197x32xf32, #tpu.memory_space<hbm>> -> memref<8197x32xf32, #tpu.memory_space<hbm>>
    tpu.enqueue_indirect_dma source(%dma_start3A_85 : memref<8197x32xf32, #tpu.memory_space<hbm>>) target(%dma_start3A_79 : memref<120x32xf32, #tpu.memory_space<vmem>>) offsets(%dma_start3A_82 : memref<120xi32, #tpu.memory_space<vmem>>) semaphore(%arg15 : memref<!tpu.dma_semaphore, #tpu.memory_space<semaphore_mem>>)
    %dma_start3A_86 = arith.constant 0 : i32
    %dma_start3A_87 = arith.constant 0 : i32
    %dma_start3A_88 = arith.constant 720 : i32
    %dma_start3A_89 = arith.constant 0 : i32
    %dma_start3A_90 = tpu.memref_slice %arg12[%dma_start3A_87, %dma_start3A_88, %dma_start3A_89] : memref<2x960x32xf32, #tpu.memory_space<vmem>> -> memref<1x120x32xf32, #tpu.memory_space<vmem>>
    %dma_start3A_91 = tpu.memref_squeeze %dma_start3A_90 : memref<1x120x32xf32, #tpu.memory_space<vmem>> -> memref<120x32xf32, #tpu.memory_space<vmem>>
    %dma_start3A_92 = arith.constant 720 : i32
    %dma_start3A_93 = tpu.memref_slice %arg8[%dma_start3A_86, %dma_start3A_92] : memref<2x960xi32, #tpu.memory_space<vmem>> -> memref<1x120xi32, #tpu.memory_space<vmem>>
    %dma_start3A_94 = tpu.memref_squeeze %dma_start3A_93 : memref<1x120xi32, #tpu.memory_space<vmem>> -> memref<120xi32, #tpu.memory_space<vmem>>
    %dma_start3A_95 = arith.constant 0 : i32
    %dma_start3A_96 = arith.constant 0 : i32
    %dma_start3A_97 = tpu.memref_slice %arg2[%dma_start3A_95, %dma_start3A_96] : memref<8197x32xf32, #tpu.memory_space<hbm>> -> memref<8197x32xf32, #tpu.memory_space<hbm>>
    tpu.enqueue_indirect_dma source(%dma_start3A_97 : memref<8197x32xf32, #tpu.memory_space<hbm>>) target(%dma_start3A_91 : memref<120x32xf32, #tpu.memory_space<vmem>>) offsets(%dma_start3A_94 : memref<120xi32, #tpu.memory_space<vmem>>) semaphore(%arg15 : memref<!tpu.dma_semaphore, #tpu.memory_space<semaphore_mem>>)
    %dma_start3A_98 = arith.constant 0 : i32
    %dma_start3A_99 = arith.constant 0 : i32
    %dma_start3A_100 = arith.constant 840 : i32
    %dma_start3A_101 = arith.constant 0 : i32
    %dma_start3A_102 = tpu.memref_slice %arg12[%dma_start3A_99, %dma_start3A_100, %dma_start3A_101] : memref<2x960x32xf32, #tpu.memory_space<vmem>> -> memref<1x120x32xf32, #tpu.memory_space<vmem>>
    %dma_start3A_103 = tpu.memref_squeeze %dma_start3A_102 : memref<1x120x32xf32, #tpu.memory_space<vmem>> -> memref<120x32xf32, #tpu.memory_space<vmem>>
    %dma_start3A_104 = arith.constant 840 : i32
    %dma_start3A_105 = tpu.memref_slice %arg8[%dma_start3A_98, %dma_start3A_104] : memref<2x960xi32, #tpu.memory_space<vmem>> -> memref<1x120xi32, #tpu.memory_space<vmem>>
    %dma_start3A_106 = tpu.memref_squeeze %dma_start3A_105 : memref<1x120xi32, #tpu.memory_space<vmem>> -> memref<120xi32, #tpu.memory_space<vmem>>
    %dma_start3A_107 = arith.constant 0 : i32
    %dma_start3A_108 = arith.constant 0 : i32
    %dma_start3A_109 = tpu.memref_slice %arg2[%dma_start3A_107, %dma_start3A_108] : memref<8197x32xf32, #tpu.memory_space<hbm>> -> memref<8197x32xf32, #tpu.memory_space<hbm>>
    tpu.enqueue_indirect_dma source(%dma_start3A_109 : memref<8197x32xf32, #tpu.memory_space<hbm>>) target(%dma_start3A_103 : memref<120x32xf32, #tpu.memory_space<vmem>>) offsets(%dma_start3A_106 : memref<120xi32, #tpu.memory_space<vmem>>) semaphore(%arg15 : memref<!tpu.dma_semaphore, #tpu.memory_space<semaphore_mem>>)
    %dma_start3A_110 = arith.constant 0 : i32
    %dma_start3A_111 = arith.constant 0 : i32
    %dma_start3A_112 = arith.constant 0 : i32
    %dma_start3A_113 = arith.constant 0 : i32
    %dma_start3A_114 = tpu.memref_slice %arg13[%dma_start3A_111, %dma_start3A_112, %dma_start3A_113] : memref<2x64x32xf32, #tpu.memory_space<vmem>> -> memref<1x64x32xf32, #tpu.memory_space<vmem>>
    %dma_start3A_115 = tpu.memref_squeeze %dma_start3A_114 : memref<1x64x32xf32, #tpu.memory_space<vmem>> -> memref<64x32xf32, #tpu.memory_space<vmem>>
    %dma_start3A_116 = arith.constant 0 : i32
    %dma_start3A_117 = tpu.memref_slice %arg9[%dma_start3A_110, %dma_start3A_116] : memref<2x64xi32, #tpu.memory_space<vmem>> -> memref<1x64xi32, #tpu.memory_space<vmem>>
    %dma_start3A_118 = tpu.memref_squeeze %dma_start3A_117 : memref<1x64xi32, #tpu.memory_space<vmem>> -> memref<64xi32, #tpu.memory_space<vmem>>
    %dma_start3A_119 = arith.constant 0 : i32
    %dma_start3A_120 = arith.constant 0 : i32
    %dma_start3A_121 = tpu.memref_slice %arg2[%dma_start3A_119, %dma_start3A_120] : memref<8197x32xf32, #tpu.memory_space<hbm>> -> memref<8197x32xf32, #tpu.memory_space<hbm>>
    tpu.enqueue_indirect_dma source(%dma_start3A_121 : memref<8197x32xf32, #tpu.memory_space<hbm>>) target(%dma_start3A_115 : memref<64x32xf32, #tpu.memory_space<vmem>>) offsets(%dma_start3A_118 : memref<64xi32, #tpu.memory_space<vmem>>) semaphore(%arg15 : memref<!tpu.dma_semaphore, #tpu.memory_space<semaphore_mem>>)
    %dma_start3A_122 = arith.constant 1 : i32
    %dma_start3A_123 = arith.constant 1 : i32
    %dma_start3A_124 = arith.constant 0 : i32
    %dma_start3A_125 = tpu.memref_slice %arg8[%dma_start3A_123, %dma_start3A_124] : memref<2x960xi32, #tpu.memory_space<vmem>> -> memref<1x960xi32, #tpu.memory_space<vmem>>
    %dma_start3A_126 = tpu.memref_squeeze %dma_start3A_125 : memref<1x960xi32, #tpu.memory_space<vmem>> -> memref<960xi32, #tpu.memory_space<vmem>>
    %dma_start3A_127 = arith.constant 0 : i32
    %dma_start3A_128 = tpu.memref_slice %arg3[%add3A, %dma_start3A_122, %dma_start3A_127] : memref<32x64x960xi32, #tpu.memory_space<hbm>> -> memref<1x1x960xi32, #tpu.memory_space<hbm>>
    %dma_start3A_129 = tpu.memref_squeeze %dma_start3A_128 : memref<1x1x960xi32, #tpu.memory_space<hbm>> -> memref<960xi32, #tpu.memory_space<hbm>>
    %dma_start3A_130 = arith.constant 0 : i32
    %dma_start3A_131 = tpu.memref_slice %arg8[%dma_start3A_123, %dma_start3A_130] : memref<2x960xi32, #tpu.memory_space<vmem>> -> memref<1x960xi32, #tpu.memory_space<vmem>>
    %dma_start3A_132 = tpu.memref_squeeze %dma_start3A_131 : memref<1x960xi32, #tpu.memory_space<vmem>> -> memref<960xi32, #tpu.memory_space<vmem>>
    %dma_start3A_133 = arith.constant 0 : i32
    %dma_start3A_134 = tpu.memref_slice %arg3[%add3A, %dma_start3A_122, %dma_start3A_133] : memref<32x64x960xi32, #tpu.memory_space<hbm>> -> memref<1x1x960xi32, #tpu.memory_space<hbm>>
    %dma_start3A_135 = tpu.memref_squeeze %dma_start3A_134 : memref<1x1x960xi32, #tpu.memory_space<hbm>> -> memref<960xi32, #tpu.memory_space<hbm>>
    tpu.enqueue_dma source(%dma_start3A_135 : memref<960xi32, #tpu.memory_space<hbm>>) target(%dma_start3A_132 : memref<960xi32, #tpu.memory_space<vmem>>) target_semaphore(%arg18 : memref<!tpu.dma_semaphore, #tpu.memory_space<semaphore_mem>>)
    %dma_start3A_136 = arith.constant 1 : i32
    %dma_start3A_137 = arith.constant 1 : i32
    %dma_start3A_138 = arith.constant 0 : i32
    %dma_start3A_139 = tpu.memref_slice %arg9[%dma_start3A_137, %dma_start3A_138] : memref<2x64xi32, #tpu.memory_space<vmem>> -> memref<1x64xi32, #tpu.memory_space<vmem>>
    %dma_start3A_140 = tpu.memref_squeeze %dma_start3A_139 : memref<1x64xi32, #tpu.memory_space<vmem>> -> memref<64xi32, #tpu.memory_space<vmem>>
    %dma_start3A_141 = arith.constant 0 : i32
    %dma_start3A_142 = tpu.memref_slice %arg4[%add3A, %dma_start3A_136, %dma_start3A_141] : memref<32x64x64xi32, #tpu.memory_space<hbm>> -> memref<1x1x64xi32, #tpu.memory_space<hbm>>
    %dma_start3A_143 = tpu.memref_squeeze %dma_start3A_142 : memref<1x1x64xi32, #tpu.memory_space<hbm>> -> memref<64xi32, #tpu.memory_space<hbm>>
    %dma_start3A_144 = arith.constant 0 : i32
    %dma_start3A_145 = tpu.memref_slice %arg9[%dma_start3A_137, %dma_start3A_144] : memref<2x64xi32, #tpu.memory_space<vmem>> -> memref<1x64xi32, #tpu.memory_space<vmem>>
    %dma_start3A_146 = tpu.memref_squeeze %dma_start3A_145 : memref<1x64xi32, #tpu.memory_space<vmem>> -> memref<64xi32, #tpu.memory_space<vmem>>
    %dma_start3A_147 = arith.constant 0 : i32
    %dma_start3A_148 = tpu.memref_slice %arg4[%add3A, %dma_start3A_136, %dma_start3A_147] : memref<32x64x64xi32, #tpu.memory_space<hbm>> -> memref<1x1x64xi32, #tpu.memory_space<hbm>>
    %dma_start3A_149 = tpu.memref_squeeze %dma_start3A_148 : memref<1x1x64xi32, #tpu.memory_space<hbm>> -> memref<64xi32, #tpu.memory_space<hbm>>
    tpu.enqueue_dma source(%dma_start3A_149 : memref<64xi32, #tpu.memory_space<hbm>>) target(%dma_start3A_146 : memref<64xi32, #tpu.memory_space<vmem>>) target_semaphore(%arg18 : memref<!tpu.dma_semaphore, #tpu.memory_space<semaphore_mem>>)
    %scan3A_150 = arith.constant 0 : i32
    %scan3A_151 = arith.constant 0 : i32
    %scan3A_152 = arith.constant 64 : i32
    %scan3A_153 = arith.addi %scan3A_151, %scan3A_152 : i32
    %scan3A_154 = arith.constant 1 : i32
    scf.for %scan3A_321 = %scan3A_151 to %scan3A_153 step %scan3A_154  : i32 {
      %ge3A = arith.constant 1 : i32
      %ge3A_322 = arith.cmpi sge, %scan3A_321, %ge3A : i32
      %convert_element_type3A = arith.extui %ge3A_322 : i1 to i32
      %cond3A = arith.constant 0 : i32
      %cond3A_323 = arith.cmpi ne, %convert_element_type3A, %cond3A : i32
      scf.if %cond3A_323 {
        %sub3A = arith.constant 1 : i32
        %sub3A_621 = arith.subi %scan3A_321, %sub3A : i32
        %jit3A_622 = arith.constant 2 : i32
        %eq3A_623 = arith.constant 0 : i32
        %eq3A_624 = arith.cmpi eq, %jit3A_622, %eq3A_623 : i32
        %jit3A_625 = arith.constant 1 : i32
        %select_n3A_626 = arith.select %eq3A_624, %jit3A_625, %jit3A_622 : i32
        %rem3A_627 = arith.remsi %sub3A_621, %select_n3A_626 : i32
        %ne3A_628 = arith.constant 0 : i32
        %ne3A_629 = arith.cmpi ne, %rem3A_627, %ne3A_628 : i32
        %lt3A_630 = arith.constant 0 : i32
        %lt3A_631 = arith.cmpi slt, %rem3A_627, %lt3A_630 : i32
        %lt3A_632 = arith.constant 0 : i32
        %lt3A_633 = arith.cmpi slt, %select_n3A_626, %lt3A_632 : i32
        %ne3A_634 = arith.xori %lt3A_631, %lt3A_633 : i1
        %and3A_635 = arith.andi %ne3A_634, %ne3A_629 : i1
        %add3A_636 = arith.addi %rem3A_627, %select_n3A_626 : i32
        %select_n3A_637 = arith.select %and3A_635, %add3A_636, %rem3A_627 : i32
        %jit3A_638 = arith.constant 3 : i32
        %eq3A_639 = arith.constant 0 : i32
        %eq3A_640 = arith.cmpi eq, %jit3A_638, %eq3A_639 : i32
        %jit3A_641 = arith.constant 1 : i32
        %select_n3A_642 = arith.select %eq3A_640, %jit3A_641, %jit3A_638 : i32
        %rem3A_643 = arith.remsi %sub3A_621, %select_n3A_642 : i32
        %ne3A_644 = arith.constant 0 : i32
        %ne3A_645 = arith.cmpi ne, %rem3A_643, %ne3A_644 : i32
        %lt3A_646 = arith.constant 0 : i32
        %lt3A_647 = arith.cmpi slt, %rem3A_643, %lt3A_646 : i32
        %lt3A_648 = arith.constant 0 : i32
        %lt3A_649 = arith.cmpi slt, %select_n3A_642, %lt3A_648 : i32
        %ne3A_650 = arith.xori %lt3A_647, %lt3A_649 : i1
        %and3A_651 = arith.andi %ne3A_650, %ne3A_645 : i1
        %add3A_652 = arith.addi %rem3A_643, %select_n3A_642 : i32
        %select_n3A_653 = arith.select %and3A_651, %add3A_652, %rem3A_643 : i32
        %dma_wait3A_654 = arith.constant 0 : i32
        %dma_wait3A_655 = arith.constant 0 : i32
        %dma_wait3A_656 = arith.constant 0 : i32
        %dma_wait3A_657 = tpu.memref_slice %arg12[%select_n3A_637, %dma_wait3A_655, %dma_wait3A_656] : memref<2x960x32xf32, #tpu.memory_space<vmem>> -> memref<1x120x32xf32, #tpu.memory_space<vmem>>
        %dma_wait3A_658 = tpu.memref_squeeze %dma_wait3A_657 : memref<1x120x32xf32, #tpu.memory_space<vmem>> -> memref<120x32xf32, #tpu.memory_space<vmem>>
        %dma_wait3A_659 = arith.constant 0 : i32
        %dma_wait3A_660 = tpu.memref_slice %arg10[%dma_wait3A_654, %dma_wait3A_659] : memref<8x120xi32, #tpu.memory_space<vmem>> -> memref<1x120xi32, #tpu.memory_space<vmem>>
        %dma_wait3A_661 = tpu.memref_squeeze %dma_wait3A_660 : memref<1x120xi32, #tpu.memory_space<vmem>> -> memref<120xi32, #tpu.memory_space<vmem>>
        %dma_wait3A_662 = arith.constant 0 : i32
        %dma_wait3A_663 = arith.constant 0 : i32
        %dma_wait3A_664 = tpu.memref_slice %arg14[%arg1, %select_n3A_653, %dma_wait3A_662, %dma_wait3A_663] : memref<16x3x64x32xf32, #tpu.memory_space<vmem_shared>> -> memref<1x1x64x32xf32, #tpu.memory_space<vmem_shared>>
        %dma_wait3A_665 = tpu.memref_squeeze %dma_wait3A_664 : memref<1x1x64x32xf32, #tpu.memory_space<vmem_shared>> -> memref<64x32xf32, #tpu.memory_space<vmem_shared>>
        %dma_wait3A_666 = arith.constant 0 : i32
        %dma_wait3A_667 = arith.constant 0 : i32
        %dma_wait3A_668 = tpu.memref_slice %dma_wait3A_665[%dma_wait3A_666, %dma_wait3A_667] : memref<64x32xf32, #tpu.memory_space<vmem_shared>> -> memref<64x32xf32, #tpu.memory_space<vmem_shared>>
        tpu.wait_indirect_dma semaphore(%arg16 : memref<!tpu.dma_semaphore, #tpu.memory_space<semaphore_mem>>) src(%dma_wait3A_658 : memref<120x32xf32, #tpu.memory_space<vmem>>) dst(%dma_wait3A_668 : memref<64x32xf32, #tpu.memory_space<vmem_shared>>)
        %dma_wait3A_669 = arith.constant 1 : i32
        %dma_wait3A_670 = arith.constant 120 : i32
        %dma_wait3A_671 = arith.constant 0 : i32
        %dma_wait3A_672 = tpu.memref_slice %arg12[%select_n3A_637, %dma_wait3A_670, %dma_wait3A_671] : memref<2x960x32xf32, #tpu.memory_space<vmem>> -> memref<1x120x32xf32, #tpu.memory_space<vmem>>
        %dma_wait3A_673 = tpu.memref_squeeze %dma_wait3A_672 : memref<1x120x32xf32, #tpu.memory_space<vmem>> -> memref<120x32xf32, #tpu.memory_space<vmem>>
        %dma_wait3A_674 = arith.constant 0 : i32
        %dma_wait3A_675 = tpu.memref_slice %arg10[%dma_wait3A_669, %dma_wait3A_674] : memref<8x120xi32, #tpu.memory_space<vmem>> -> memref<1x120xi32, #tpu.memory_space<vmem>>
        %dma_wait3A_676 = tpu.memref_squeeze %dma_wait3A_675 : memref<1x120xi32, #tpu.memory_space<vmem>> -> memref<120xi32, #tpu.memory_space<vmem>>
        %dma_wait3A_677 = arith.constant 0 : i32
        %dma_wait3A_678 = arith.constant 0 : i32
        %dma_wait3A_679 = tpu.memref_slice %arg14[%arg1, %select_n3A_653, %dma_wait3A_677, %dma_wait3A_678] : memref<16x3x64x32xf32, #tpu.memory_space<vmem_shared>> -> memref<1x1x64x32xf32, #tpu.memory_space<vmem_shared>>
        %dma_wait3A_680 = tpu.memref_squeeze %dma_wait3A_679 : memref<1x1x64x32xf32, #tpu.memory_space<vmem_shared>> -> memref<64x32xf32, #tpu.memory_space<vmem_shared>>
        %dma_wait3A_681 = arith.constant 0 : i32
        %dma_wait3A_682 = arith.constant 0 : i32
        %dma_wait3A_683 = tpu.memref_slice %dma_wait3A_680[%dma_wait3A_681, %dma_wait3A_682] : memref<64x32xf32, #tpu.memory_space<vmem_shared>> -> memref<64x32xf32, #tpu.memory_space<vmem_shared>>
        tpu.wait_indirect_dma semaphore(%arg16 : memref<!tpu.dma_semaphore, #tpu.memory_space<semaphore_mem>>) src(%dma_wait3A_673 : memref<120x32xf32, #tpu.memory_space<vmem>>) dst(%dma_wait3A_683 : memref<64x32xf32, #tpu.memory_space<vmem_shared>>)
        %dma_wait3A_684 = arith.constant 2 : i32
        %dma_wait3A_685 = arith.constant 240 : i32
        %dma_wait3A_686 = arith.constant 0 : i32
        %dma_wait3A_687 = tpu.memref_slice %arg12[%select_n3A_637, %dma_wait3A_685, %dma_wait3A_686] : memref<2x960x32xf32, #tpu.memory_space<vmem>> -> memref<1x120x32xf32, #tpu.memory_space<vmem>>
        %dma_wait3A_688 = tpu.memref_squeeze %dma_wait3A_687 : memref<1x120x32xf32, #tpu.memory_space<vmem>> -> memref<120x32xf32, #tpu.memory_space<vmem>>
        %dma_wait3A_689 = arith.constant 0 : i32
        %dma_wait3A_690 = tpu.memref_slice %arg10[%dma_wait3A_684, %dma_wait3A_689] : memref<8x120xi32, #tpu.memory_space<vmem>> -> memref<1x120xi32, #tpu.memory_space<vmem>>
        %dma_wait3A_691 = tpu.memref_squeeze %dma_wait3A_690 : memref<1x120xi32, #tpu.memory_space<vmem>> -> memref<120xi32, #tpu.memory_space<vmem>>
        %dma_wait3A_692 = arith.constant 0 : i32
        %dma_wait3A_693 = arith.constant 0 : i32
        %dma_wait3A_694 = tpu.memref_slice %arg14[%arg1, %select_n3A_653, %dma_wait3A_692, %dma_wait3A_693] : memref<16x3x64x32xf32, #tpu.memory_space<vmem_shared>> -> memref<1x1x64x32xf32, #tpu.memory_space<vmem_shared>>
        %dma_wait3A_695 = tpu.memref_squeeze %dma_wait3A_694 : memref<1x1x64x32xf32, #tpu.memory_space<vmem_shared>> -> memref<64x32xf32, #tpu.memory_space<vmem_shared>>
        %dma_wait3A_696 = arith.constant 0 : i32
        %dma_wait3A_697 = arith.constant 0 : i32
        %dma_wait3A_698 = tpu.memref_slice %dma_wait3A_695[%dma_wait3A_696, %dma_wait3A_697] : memref<64x32xf32, #tpu.memory_space<vmem_shared>> -> memref<64x32xf32, #tpu.memory_space<vmem_shared>>
        tpu.wait_indirect_dma semaphore(%arg16 : memref<!tpu.dma_semaphore, #tpu.memory_space<semaphore_mem>>) src(%dma_wait3A_688 : memref<120x32xf32, #tpu.memory_space<vmem>>) dst(%dma_wait3A_698 : memref<64x32xf32, #tpu.memory_space<vmem_shared>>)
        %dma_wait3A_699 = arith.constant 3 : i32
        %dma_wait3A_700 = arith.constant 360 : i32
        %dma_wait3A_701 = arith.constant 0 : i32
        %dma_wait3A_702 = tpu.memref_slice %arg12[%select_n3A_637, %dma_wait3A_700, %dma_wait3A_701] : memref<2x960x32xf32, #tpu.memory_space<vmem>> -> memref<1x120x32xf32, #tpu.memory_space<vmem>>
        %dma_wait3A_703 = tpu.memref_squeeze %dma_wait3A_702 : memref<1x120x32xf32, #tpu.memory_space<vmem>> -> memref<120x32xf32, #tpu.memory_space<vmem>>
        %dma_wait3A_704 = arith.constant 0 : i32
        %dma_wait3A_705 = tpu.memref_slice %arg10[%dma_wait3A_699, %dma_wait3A_704] : memref<8x120xi32, #tpu.memory_space<vmem>> -> memref<1x120xi32, #tpu.memory_space<vmem>>
        %dma_wait3A_706 = tpu.memref_squeeze %dma_wait3A_705 : memref<1x120xi32, #tpu.memory_space<vmem>> -> memref<120xi32, #tpu.memory_space<vmem>>
        %dma_wait3A_707 = arith.constant 0 : i32
        %dma_wait3A_708 = arith.constant 0 : i32
        %dma_wait3A_709 = tpu.memref_slice %arg14[%arg1, %select_n3A_653, %dma_wait3A_707, %dma_wait3A_708] : memref<16x3x64x32xf32, #tpu.memory_space<vmem_shared>> -> memref<1x1x64x32xf32, #tpu.memory_space<vmem_shared>>
        %dma_wait3A_710 = tpu.memref_squeeze %dma_wait3A_709 : memref<1x1x64x32xf32, #tpu.memory_space<vmem_shared>> -> memref<64x32xf32, #tpu.memory_space<vmem_shared>>
        %dma_wait3A_711 = arith.constant 0 : i32
        %dma_wait3A_712 = arith.constant 0 : i32
        %dma_wait3A_713 = tpu.memref_slice %dma_wait3A_710[%dma_wait3A_711, %dma_wait3A_712] : memref<64x32xf32, #tpu.memory_space<vmem_shared>> -> memref<64x32xf32, #tpu.memory_space<vmem_shared>>
        tpu.wait_indirect_dma semaphore(%arg16 : memref<!tpu.dma_semaphore, #tpu.memory_space<semaphore_mem>>) src(%dma_wait3A_703 : memref<120x32xf32, #tpu.memory_space<vmem>>) dst(%dma_wait3A_713 : memref<64x32xf32, #tpu.memory_space<vmem_shared>>)
        %dma_wait3A_714 = arith.constant 4 : i32
        %dma_wait3A_715 = arith.constant 480 : i32
        %dma_wait3A_716 = arith.constant 0 : i32
        %dma_wait3A_717 = tpu.memref_slice %arg12[%select_n3A_637, %dma_wait3A_715, %dma_wait3A_716] : memref<2x960x32xf32, #tpu.memory_space<vmem>> -> memref<1x120x32xf32, #tpu.memory_space<vmem>>
        %dma_wait3A_718 = tpu.memref_squeeze %dma_wait3A_717 : memref<1x120x32xf32, #tpu.memory_space<vmem>> -> memref<120x32xf32, #tpu.memory_space<vmem>>
        %dma_wait3A_719 = arith.constant 0 : i32
        %dma_wait3A_720 = tpu.memref_slice %arg10[%dma_wait3A_714, %dma_wait3A_719] : memref<8x120xi32, #tpu.memory_space<vmem>> -> memref<1x120xi32, #tpu.memory_space<vmem>>
        %dma_wait3A_721 = tpu.memref_squeeze %dma_wait3A_720 : memref<1x120xi32, #tpu.memory_space<vmem>> -> memref<120xi32, #tpu.memory_space<vmem>>
        %dma_wait3A_722 = arith.constant 0 : i32
        %dma_wait3A_723 = arith.constant 0 : i32
        %dma_wait3A_724 = tpu.memref_slice %arg14[%arg1, %select_n3A_653, %dma_wait3A_722, %dma_wait3A_723] : memref<16x3x64x32xf32, #tpu.memory_space<vmem_shared>> -> memref<1x1x64x32xf32, #tpu.memory_space<vmem_shared>>
        %dma_wait3A_725 = tpu.memref_squeeze %dma_wait3A_724 : memref<1x1x64x32xf32, #tpu.memory_space<vmem_shared>> -> memref<64x32xf32, #tpu.memory_space<vmem_shared>>
        %dma_wait3A_726 = arith.constant 0 : i32
        %dma_wait3A_727 = arith.constant 0 : i32
        %dma_wait3A_728 = tpu.memref_slice %dma_wait3A_725[%dma_wait3A_726, %dma_wait3A_727] : memref<64x32xf32, #tpu.memory_space<vmem_shared>> -> memref<64x32xf32, #tpu.memory_space<vmem_shared>>
        tpu.wait_indirect_dma semaphore(%arg16 : memref<!tpu.dma_semaphore, #tpu.memory_space<semaphore_mem>>) src(%dma_wait3A_718 : memref<120x32xf32, #tpu.memory_space<vmem>>) dst(%dma_wait3A_728 : memref<64x32xf32, #tpu.memory_space<vmem_shared>>)
        %dma_wait3A_729 = arith.constant 5 : i32
        %dma_wait3A_730 = arith.constant 600 : i32
        %dma_wait3A_731 = arith.constant 0 : i32
        %dma_wait3A_732 = tpu.memref_slice %arg12[%select_n3A_637, %dma_wait3A_730, %dma_wait3A_731] : memref<2x960x32xf32, #tpu.memory_space<vmem>> -> memref<1x120x32xf32, #tpu.memory_space<vmem>>
        %dma_wait3A_733 = tpu.memref_squeeze %dma_wait3A_732 : memref<1x120x32xf32, #tpu.memory_space<vmem>> -> memref<120x32xf32, #tpu.memory_space<vmem>>
        %dma_wait3A_734 = arith.constant 0 : i32
        %dma_wait3A_735 = tpu.memref_slice %arg10[%dma_wait3A_729, %dma_wait3A_734] : memref<8x120xi32, #tpu.memory_space<vmem>> -> memref<1x120xi32, #tpu.memory_space<vmem>>
        %dma_wait3A_736 = tpu.memref_squeeze %dma_wait3A_735 : memref<1x120xi32, #tpu.memory_space<vmem>> -> memref<120xi32, #tpu.memory_space<vmem>>
        %dma_wait3A_737 = arith.constant 0 : i32
        %dma_wait3A_738 = arith.constant 0 : i32
        %dma_wait3A_739 = tpu.memref_slice %arg14[%arg1, %select_n3A_653, %dma_wait3A_737, %dma_wait3A_738] : memref<16x3x64x32xf32, #tpu.memory_space<vmem_shared>> -> memref<1x1x64x32xf32, #tpu.memory_space<vmem_shared>>
        %dma_wait3A_740 = tpu.memref_squeeze %dma_wait3A_739 : memref<1x1x64x32xf32, #tpu.memory_space<vmem_shared>> -> memref<64x32xf32, #tpu.memory_space<vmem_shared>>
        %dma_wait3A_741 = arith.constant 0 : i32
        %dma_wait3A_742 = arith.constant 0 : i32
        %dma_wait3A_743 = tpu.memref_slice %dma_wait3A_740[%dma_wait3A_741, %dma_wait3A_742] : memref<64x32xf32, #tpu.memory_space<vmem_shared>> -> memref<64x32xf32, #tpu.memory_space<vmem_shared>>
        tpu.wait_indirect_dma semaphore(%arg16 : memref<!tpu.dma_semaphore, #tpu.memory_space<semaphore_mem>>) src(%dma_wait3A_733 : memref<120x32xf32, #tpu.memory_space<vmem>>) dst(%dma_wait3A_743 : memref<64x32xf32, #tpu.memory_space<vmem_shared>>)
        %dma_wait3A_744 = arith.constant 6 : i32
        %dma_wait3A_745 = arith.constant 720 : i32
        %dma_wait3A_746 = arith.constant 0 : i32
        %dma_wait3A_747 = tpu.memref_slice %arg12[%select_n3A_637, %dma_wait3A_745, %dma_wait3A_746] : memref<2x960x32xf32, #tpu.memory_space<vmem>> -> memref<1x120x32xf32, #tpu.memory_space<vmem>>
        %dma_wait3A_748 = tpu.memref_squeeze %dma_wait3A_747 : memref<1x120x32xf32, #tpu.memory_space<vmem>> -> memref<120x32xf32, #tpu.memory_space<vmem>>
        %dma_wait3A_749 = arith.constant 0 : i32
        %dma_wait3A_750 = tpu.memref_slice %arg10[%dma_wait3A_744, %dma_wait3A_749] : memref<8x120xi32, #tpu.memory_space<vmem>> -> memref<1x120xi32, #tpu.memory_space<vmem>>
        %dma_wait3A_751 = tpu.memref_squeeze %dma_wait3A_750 : memref<1x120xi32, #tpu.memory_space<vmem>> -> memref<120xi32, #tpu.memory_space<vmem>>
        %dma_wait3A_752 = arith.constant 0 : i32
        %dma_wait3A_753 = arith.constant 0 : i32
        %dma_wait3A_754 = tpu.memref_slice %arg14[%arg1, %select_n3A_653, %dma_wait3A_752, %dma_wait3A_753] : memref<16x3x64x32xf32, #tpu.memory_space<vmem_shared>> -> memref<1x1x64x32xf32, #tpu.memory_space<vmem_shared>>
        %dma_wait3A_755 = tpu.memref_squeeze %dma_wait3A_754 : memref<1x1x64x32xf32, #tpu.memory_space<vmem_shared>> -> memref<64x32xf32, #tpu.memory_space<vmem_shared>>
        %dma_wait3A_756 = arith.constant 0 : i32
        %dma_wait3A_757 = arith.constant 0 : i32
        %dma_wait3A_758 = tpu.memref_slice %dma_wait3A_755[%dma_wait3A_756, %dma_wait3A_757] : memref<64x32xf32, #tpu.memory_space<vmem_shared>> -> memref<64x32xf32, #tpu.memory_space<vmem_shared>>
        tpu.wait_indirect_dma semaphore(%arg16 : memref<!tpu.dma_semaphore, #tpu.memory_space<semaphore_mem>>) src(%dma_wait3A_748 : memref<120x32xf32, #tpu.memory_space<vmem>>) dst(%dma_wait3A_758 : memref<64x32xf32, #tpu.memory_space<vmem_shared>>)
        %dma_wait3A_759 = arith.constant 7 : i32
        %dma_wait3A_760 = arith.constant 840 : i32
        %dma_wait3A_761 = arith.constant 0 : i32
        %dma_wait3A_762 = tpu.memref_slice %arg12[%select_n3A_637, %dma_wait3A_760, %dma_wait3A_761] : memref<2x960x32xf32, #tpu.memory_space<vmem>> -> memref<1x120x32xf32, #tpu.memory_space<vmem>>
        %dma_wait3A_763 = tpu.memref_squeeze %dma_wait3A_762 : memref<1x120x32xf32, #tpu.memory_space<vmem>> -> memref<120x32xf32, #tpu.memory_space<vmem>>
        %dma_wait3A_764 = arith.constant 0 : i32
        %dma_wait3A_765 = tpu.memref_slice %arg10[%dma_wait3A_759, %dma_wait3A_764] : memref<8x120xi32, #tpu.memory_space<vmem>> -> memref<1x120xi32, #tpu.memory_space<vmem>>
        %dma_wait3A_766 = tpu.memref_squeeze %dma_wait3A_765 : memref<1x120xi32, #tpu.memory_space<vmem>> -> memref<120xi32, #tpu.memory_space<vmem>>
        %dma_wait3A_767 = arith.constant 0 : i32
        %dma_wait3A_768 = arith.constant 0 : i32
        %dma_wait3A_769 = tpu.memref_slice %arg14[%arg1, %select_n3A_653, %dma_wait3A_767, %dma_wait3A_768] : memref<16x3x64x32xf32, #tpu.memory_space<vmem_shared>> -> memref<1x1x64x32xf32, #tpu.memory_space<vmem_shared>>
        %dma_wait3A_770 = tpu.memref_squeeze %dma_wait3A_769 : memref<1x1x64x32xf32, #tpu.memory_space<vmem_shared>> -> memref<64x32xf32, #tpu.memory_space<vmem_shared>>
        %dma_wait3A_771 = arith.constant 0 : i32
        %dma_wait3A_772 = arith.constant 0 : i32
        %dma_wait3A_773 = tpu.memref_slice %dma_wait3A_770[%dma_wait3A_771, %dma_wait3A_772] : memref<64x32xf32, #tpu.memory_space<vmem_shared>> -> memref<64x32xf32, #tpu.memory_space<vmem_shared>>
        tpu.wait_indirect_dma semaphore(%arg16 : memref<!tpu.dma_semaphore, #tpu.memory_space<semaphore_mem>>) src(%dma_wait3A_763 : memref<120x32xf32, #tpu.memory_space<vmem>>) dst(%dma_wait3A_773 : memref<64x32xf32, #tpu.memory_space<vmem_shared>>)
        %sub3A_774 = arith.constant 1 : i32
        %sub3A_775 = arith.subi %scan3A_321, %sub3A_774 : i32
        %jit3A_776 = arith.constant 3 : i32
        %eq3A_777 = arith.constant 0 : i32
        %eq3A_778 = arith.cmpi eq, %jit3A_776, %eq3A_777 : i32
        %jit3A_779 = arith.constant 1 : i32
        %select_n3A_780 = arith.select %eq3A_778, %jit3A_779, %jit3A_776 : i32
        %rem3A_781 = arith.remsi %sub3A_775, %select_n3A_780 : i32
        %ne3A_782 = arith.constant 0 : i32
        %ne3A_783 = arith.cmpi ne, %rem3A_781, %ne3A_782 : i32
        %lt3A_784 = arith.constant 0 : i32
        %lt3A_785 = arith.cmpi slt, %rem3A_781, %lt3A_784 : i32
        %lt3A_786 = arith.constant 0 : i32
        %lt3A_787 = arith.cmpi slt, %select_n3A_780, %lt3A_786 : i32
        %ne3A_788 = arith.xori %lt3A_785, %lt3A_787 : i1
        %and3A_789 = arith.andi %ne3A_788, %ne3A_783 : i1
        %add3A_790 = arith.addi %rem3A_781, %select_n3A_780 : i32
        %select_n3A_791 = arith.select %and3A_789, %add3A_790, %rem3A_781 : i32
        %dma_start3A_792 = arith.constant 0 : i32
        %dma_start3A_793 = arith.constant 0 : i32
        %dma_start3A_794 = tpu.memref_slice %arg7[%add3A, %sub3A_775, %dma_start3A_792, %dma_start3A_793] : memref<32x64x64x128xf32, #tpu.memory_space<hbm>> -> memref<1x1x64x32xf32, #tpu.memory_space<hbm>>
        %dma_start3A_795 = tpu.memref_squeeze %dma_start3A_794 : memref<1x1x64x32xf32, #tpu.memory_space<hbm>> -> memref<64x32xf32, #tpu.memory_space<hbm>>
        %dma_start3A_796 = arith.constant 0 : i32
        %dma_start3A_797 = arith.constant 0 : i32
        %dma_start3A_798 = tpu.memref_slice %arg14[%arg1, %select_n3A_791, %dma_start3A_796, %dma_start3A_797] : memref<16x3x64x32xf32, #tpu.memory_space<vmem_shared>> -> memref<1x1x64x32xf32, #tpu.memory_space<vmem_shared>>
        %dma_start3A_799 = tpu.memref_squeeze %dma_start3A_798 : memref<1x1x64x32xf32, #tpu.memory_space<vmem_shared>> -> memref<64x32xf32, #tpu.memory_space<vmem_shared>>
        tpu.enqueue_dma source(%dma_start3A_799 : memref<64x32xf32, #tpu.memory_space<vmem_shared>>) target(%dma_start3A_795 : memref<64x32xf32, #tpu.memory_space<hbm>>) target_semaphore(%arg17 : memref<!tpu.dma_semaphore, #tpu.memory_space<semaphore_mem>>)
      } else {
      }
      %jit3A = arith.constant 2 : i32
      %eq3A = arith.constant 0 : i32
      %eq3A_324 = arith.cmpi eq, %jit3A, %eq3A : i32
      %jit3A_325 = arith.constant 1 : i32
      %select_n3A = arith.select %eq3A_324, %jit3A_325, %jit3A : i32
      %rem3A = arith.remsi %scan3A_321, %select_n3A : i32
      %ne3A = arith.constant 0 : i32
      %ne3A_326 = arith.cmpi ne, %rem3A, %ne3A : i32
      %lt3A = arith.constant 0 : i32
      %lt3A_327 = arith.cmpi slt, %rem3A, %lt3A : i32
      %lt3A_328 = arith.constant 0 : i32
      %lt3A_329 = arith.cmpi slt, %select_n3A, %lt3A_328 : i32
      %ne3A_330 = arith.xori %lt3A_327, %lt3A_329 : i1
      %and3A = arith.andi %ne3A_330, %ne3A_326 : i1
      %add3A_331 = arith.addi %rem3A, %select_n3A : i32
      %select_n3A_332 = arith.select %and3A, %add3A_331, %rem3A : i32
      %dma_wait3A_333 = arith.constant 0 : i32
      %dma_wait3A_334 = arith.constant 0 : i32
      %dma_wait3A_335 = tpu.memref_slice %arg12[%select_n3A_332, %dma_wait3A_333, %dma_wait3A_334] : memref<2x960x32xf32, #tpu.memory_space<vmem>> -> memref<1x120x32xf32, #tpu.memory_space<vmem>>
      %dma_wait3A_336 = tpu.memref_squeeze %dma_wait3A_335 : memref<1x120x32xf32, #tpu.memory_space<vmem>> -> memref<120x32xf32, #tpu.memory_space<vmem>>
      %dma_wait3A_337 = arith.constant 0 : i32
      %dma_wait3A_338 = tpu.memref_slice %arg8[%select_n3A_332, %dma_wait3A_337] : memref<2x960xi32, #tpu.memory_space<vmem>> -> memref<1x120xi32, #tpu.memory_space<vmem>>
      %dma_wait3A_339 = tpu.memref_squeeze %dma_wait3A_338 : memref<1x120xi32, #tpu.memory_space<vmem>> -> memref<120xi32, #tpu.memory_space<vmem>>
      %dma_wait3A_340 = arith.constant 0 : i32
      %dma_wait3A_341 = arith.constant 0 : i32
      %dma_wait3A_342 = tpu.memref_slice %arg2[%dma_wait3A_340, %dma_wait3A_341] : memref<8197x32xf32, #tpu.memory_space<hbm>> -> memref<8197x32xf32, #tpu.memory_space<hbm>>
      tpu.wait_indirect_dma semaphore(%arg15 : memref<!tpu.dma_semaphore, #tpu.memory_space<semaphore_mem>>) src(%dma_wait3A_342 : memref<8197x32xf32, #tpu.memory_space<hbm>>) dst(%dma_wait3A_336 : memref<120x32xf32, #tpu.memory_space<vmem>>)
      %dma_wait3A_343 = arith.constant 120 : i32
      %dma_wait3A_344 = arith.constant 0 : i32
      %dma_wait3A_345 = tpu.memref_slice %arg12[%select_n3A_332, %dma_wait3A_343, %dma_wait3A_344] : memref<2x960x32xf32, #tpu.memory_space<vmem>> -> memref<1x120x32xf32, #tpu.memory_space<vmem>>
      %dma_wait3A_346 = tpu.memref_squeeze %dma_wait3A_345 : memref<1x120x32xf32, #tpu.memory_space<vmem>> -> memref<120x32xf32, #tpu.memory_space<vmem>>
      %dma_wait3A_347 = arith.constant 120 : i32
      %dma_wait3A_348 = tpu.memref_slice %arg8[%select_n3A_332, %dma_wait3A_347] : memref<2x960xi32, #tpu.memory_space<vmem>> -> memref<1x120xi32, #tpu.memory_space<vmem>>
      %dma_wait3A_349 = tpu.memref_squeeze %dma_wait3A_348 : memref<1x120xi32, #tpu.memory_space<vmem>> -> memref<120xi32, #tpu.memory_space<vmem>>
      %dma_wait3A_350 = arith.constant 0 : i32
      %dma_wait3A_351 = arith.constant 0 : i32
      %dma_wait3A_352 = tpu.memref_slice %arg2[%dma_wait3A_350, %dma_wait3A_351] : memref<8197x32xf32, #tpu.memory_space<hbm>> -> memref<8197x32xf32, #tpu.memory_space<hbm>>
      tpu.wait_indirect_dma semaphore(%arg15 : memref<!tpu.dma_semaphore, #tpu.memory_space<semaphore_mem>>) src(%dma_wait3A_352 : memref<8197x32xf32, #tpu.memory_space<hbm>>) dst(%dma_wait3A_346 : memref<120x32xf32, #tpu.memory_space<vmem>>)
      %dma_wait3A_353 = arith.constant 240 : i32
      %dma_wait3A_354 = arith.constant 0 : i32
      %dma_wait3A_355 = tpu.memref_slice %arg12[%select_n3A_332, %dma_wait3A_353, %dma_wait3A_354] : memref<2x960x32xf32, #tpu.memory_space<vmem>> -> memref<1x120x32xf32, #tpu.memory_space<vmem>>
      %dma_wait3A_356 = tpu.memref_squeeze %dma_wait3A_355 : memref<1x120x32xf32, #tpu.memory_space<vmem>> -> memref<120x32xf32, #tpu.memory_space<vmem>>
      %dma_wait3A_357 = arith.constant 240 : i32
      %dma_wait3A_358 = tpu.memref_slice %arg8[%select_n3A_332, %dma_wait3A_357] : memref<2x960xi32, #tpu.memory_space<vmem>> -> memref<1x120xi32, #tpu.memory_space<vmem>>
      %dma_wait3A_359 = tpu.memref_squeeze %dma_wait3A_358 : memref<1x120xi32, #tpu.memory_space<vmem>> -> memref<120xi32, #tpu.memory_space<vmem>>
      %dma_wait3A_360 = arith.constant 0 : i32
      %dma_wait3A_361 = arith.constant 0 : i32
      %dma_wait3A_362 = tpu.memref_slice %arg2[%dma_wait3A_360, %dma_wait3A_361] : memref<8197x32xf32, #tpu.memory_space<hbm>> -> memref<8197x32xf32, #tpu.memory_space<hbm>>
      tpu.wait_indirect_dma semaphore(%arg15 : memref<!tpu.dma_semaphore, #tpu.memory_space<semaphore_mem>>) src(%dma_wait3A_362 : memref<8197x32xf32, #tpu.memory_space<hbm>>) dst(%dma_wait3A_356 : memref<120x32xf32, #tpu.memory_space<vmem>>)
      %dma_wait3A_363 = arith.constant 360 : i32
      %dma_wait3A_364 = arith.constant 0 : i32
      %dma_wait3A_365 = tpu.memref_slice %arg12[%select_n3A_332, %dma_wait3A_363, %dma_wait3A_364] : memref<2x960x32xf32, #tpu.memory_space<vmem>> -> memref<1x120x32xf32, #tpu.memory_space<vmem>>
      %dma_wait3A_366 = tpu.memref_squeeze %dma_wait3A_365 : memref<1x120x32xf32, #tpu.memory_space<vmem>> -> memref<120x32xf32, #tpu.memory_space<vmem>>
      %dma_wait3A_367 = arith.constant 360 : i32
      %dma_wait3A_368 = tpu.memref_slice %arg8[%select_n3A_332, %dma_wait3A_367] : memref<2x960xi32, #tpu.memory_space<vmem>> -> memref<1x120xi32, #tpu.memory_space<vmem>>
      %dma_wait3A_369 = tpu.memref_squeeze %dma_wait3A_368 : memref<1x120xi32, #tpu.memory_space<vmem>> -> memref<120xi32, #tpu.memory_space<vmem>>
      %dma_wait3A_370 = arith.constant 0 : i32
      %dma_wait3A_371 = arith.constant 0 : i32
      %dma_wait3A_372 = tpu.memref_slice %arg2[%dma_wait3A_370, %dma_wait3A_371] : memref<8197x32xf32, #tpu.memory_space<hbm>> -> memref<8197x32xf32, #tpu.memory_space<hbm>>
      tpu.wait_indirect_dma semaphore(%arg15 : memref<!tpu.dma_semaphore, #tpu.memory_space<semaphore_mem>>) src(%dma_wait3A_372 : memref<8197x32xf32, #tpu.memory_space<hbm>>) dst(%dma_wait3A_366 : memref<120x32xf32, #tpu.memory_space<vmem>>)
      %dma_wait3A_373 = arith.constant 480 : i32
      %dma_wait3A_374 = arith.constant 0 : i32
      %dma_wait3A_375 = tpu.memref_slice %arg12[%select_n3A_332, %dma_wait3A_373, %dma_wait3A_374] : memref<2x960x32xf32, #tpu.memory_space<vmem>> -> memref<1x120x32xf32, #tpu.memory_space<vmem>>
      %dma_wait3A_376 = tpu.memref_squeeze %dma_wait3A_375 : memref<1x120x32xf32, #tpu.memory_space<vmem>> -> memref<120x32xf32, #tpu.memory_space<vmem>>
      %dma_wait3A_377 = arith.constant 480 : i32
      %dma_wait3A_378 = tpu.memref_slice %arg8[%select_n3A_332, %dma_wait3A_377] : memref<2x960xi32, #tpu.memory_space<vmem>> -> memref<1x120xi32, #tpu.memory_space<vmem>>
      %dma_wait3A_379 = tpu.memref_squeeze %dma_wait3A_378 : memref<1x120xi32, #tpu.memory_space<vmem>> -> memref<120xi32, #tpu.memory_space<vmem>>
      %dma_wait3A_380 = arith.constant 0 : i32
      %dma_wait3A_381 = arith.constant 0 : i32
      %dma_wait3A_382 = tpu.memref_slice %arg2[%dma_wait3A_380, %dma_wait3A_381] : memref<8197x32xf32, #tpu.memory_space<hbm>> -> memref<8197x32xf32, #tpu.memory_space<hbm>>
      tpu.wait_indirect_dma semaphore(%arg15 : memref<!tpu.dma_semaphore, #tpu.memory_space<semaphore_mem>>) src(%dma_wait3A_382 : memref<8197x32xf32, #tpu.memory_space<hbm>>) dst(%dma_wait3A_376 : memref<120x32xf32, #tpu.memory_space<vmem>>)
      %dma_wait3A_383 = arith.constant 600 : i32
      %dma_wait3A_384 = arith.constant 0 : i32
      %dma_wait3A_385 = tpu.memref_slice %arg12[%select_n3A_332, %dma_wait3A_383, %dma_wait3A_384] : memref<2x960x32xf32, #tpu.memory_space<vmem>> -> memref<1x120x32xf32, #tpu.memory_space<vmem>>
      %dma_wait3A_386 = tpu.memref_squeeze %dma_wait3A_385 : memref<1x120x32xf32, #tpu.memory_space<vmem>> -> memref<120x32xf32, #tpu.memory_space<vmem>>
      %dma_wait3A_387 = arith.constant 600 : i32
      %dma_wait3A_388 = tpu.memref_slice %arg8[%select_n3A_332, %dma_wait3A_387] : memref<2x960xi32, #tpu.memory_space<vmem>> -> memref<1x120xi32, #tpu.memory_space<vmem>>
      %dma_wait3A_389 = tpu.memref_squeeze %dma_wait3A_388 : memref<1x120xi32, #tpu.memory_space<vmem>> -> memref<120xi32, #tpu.memory_space<vmem>>
      %dma_wait3A_390 = arith.constant 0 : i32
      %dma_wait3A_391 = arith.constant 0 : i32
      %dma_wait3A_392 = tpu.memref_slice %arg2[%dma_wait3A_390, %dma_wait3A_391] : memref<8197x32xf32, #tpu.memory_space<hbm>> -> memref<8197x32xf32, #tpu.memory_space<hbm>>
      tpu.wait_indirect_dma semaphore(%arg15 : memref<!tpu.dma_semaphore, #tpu.memory_space<semaphore_mem>>) src(%dma_wait3A_392 : memref<8197x32xf32, #tpu.memory_space<hbm>>) dst(%dma_wait3A_386 : memref<120x32xf32, #tpu.memory_space<vmem>>)
      %dma_wait3A_393 = arith.constant 720 : i32
      %dma_wait3A_394 = arith.constant 0 : i32
      %dma_wait3A_395 = tpu.memref_slice %arg12[%select_n3A_332, %dma_wait3A_393, %dma_wait3A_394] : memref<2x960x32xf32, #tpu.memory_space<vmem>> -> memref<1x120x32xf32, #tpu.memory_space<vmem>>
      %dma_wait3A_396 = tpu.memref_squeeze %dma_wait3A_395 : memref<1x120x32xf32, #tpu.memory_space<vmem>> -> memref<120x32xf32, #tpu.memory_space<vmem>>
      %dma_wait3A_397 = arith.constant 720 : i32
      %dma_wait3A_398 = tpu.memref_slice %arg8[%select_n3A_332, %dma_wait3A_397] : memref<2x960xi32, #tpu.memory_space<vmem>> -> memref<1x120xi32, #tpu.memory_space<vmem>>
      %dma_wait3A_399 = tpu.memref_squeeze %dma_wait3A_398 : memref<1x120xi32, #tpu.memory_space<vmem>> -> memref<120xi32, #tpu.memory_space<vmem>>
      %dma_wait3A_400 = arith.constant 0 : i32
      %dma_wait3A_401 = arith.constant 0 : i32
      %dma_wait3A_402 = tpu.memref_slice %arg2[%dma_wait3A_400, %dma_wait3A_401] : memref<8197x32xf32, #tpu.memory_space<hbm>> -> memref<8197x32xf32, #tpu.memory_space<hbm>>
      tpu.wait_indirect_dma semaphore(%arg15 : memref<!tpu.dma_semaphore, #tpu.memory_space<semaphore_mem>>) src(%dma_wait3A_402 : memref<8197x32xf32, #tpu.memory_space<hbm>>) dst(%dma_wait3A_396 : memref<120x32xf32, #tpu.memory_space<vmem>>)
      %dma_wait3A_403 = arith.constant 840 : i32
      %dma_wait3A_404 = arith.constant 0 : i32
      %dma_wait3A_405 = tpu.memref_slice %arg12[%select_n3A_332, %dma_wait3A_403, %dma_wait3A_404] : memref<2x960x32xf32, #tpu.memory_space<vmem>> -> memref<1x120x32xf32, #tpu.memory_space<vmem>>
      %dma_wait3A_406 = tpu.memref_squeeze %dma_wait3A_405 : memref<1x120x32xf32, #tpu.memory_space<vmem>> -> memref<120x32xf32, #tpu.memory_space<vmem>>
      %dma_wait3A_407 = arith.constant 840 : i32
      %dma_wait3A_408 = tpu.memref_slice %arg8[%select_n3A_332, %dma_wait3A_407] : memref<2x960xi32, #tpu.memory_space<vmem>> -> memref<1x120xi32, #tpu.memory_space<vmem>>
      %dma_wait3A_409 = tpu.memref_squeeze %dma_wait3A_408 : memref<1x120xi32, #tpu.memory_space<vmem>> -> memref<120xi32, #tpu.memory_space<vmem>>
      %dma_wait3A_410 = arith.constant 0 : i32
      %dma_wait3A_411 = arith.constant 0 : i32
      %dma_wait3A_412 = tpu.memref_slice %arg2[%dma_wait3A_410, %dma_wait3A_411] : memref<8197x32xf32, #tpu.memory_space<hbm>> -> memref<8197x32xf32, #tpu.memory_space<hbm>>
      tpu.wait_indirect_dma semaphore(%arg15 : memref<!tpu.dma_semaphore, #tpu.memory_space<semaphore_mem>>) src(%dma_wait3A_412 : memref<8197x32xf32, #tpu.memory_space<hbm>>) dst(%dma_wait3A_406 : memref<120x32xf32, #tpu.memory_space<vmem>>)
      %dma_wait3A_413 = arith.constant 0 : i32
      %dma_wait3A_414 = arith.constant 0 : i32
      %dma_wait3A_415 = tpu.memref_slice %arg13[%select_n3A_332, %dma_wait3A_413, %dma_wait3A_414] : memref<2x64x32xf32, #tpu.memory_space<vmem>> -> memref<1x64x32xf32, #tpu.memory_space<vmem>>
      %dma_wait3A_416 = tpu.memref_squeeze %dma_wait3A_415 : memref<1x64x32xf32, #tpu.memory_space<vmem>> -> memref<64x32xf32, #tpu.memory_space<vmem>>
      %dma_wait3A_417 = arith.constant 0 : i32
      %dma_wait3A_418 = tpu.memref_slice %arg9[%select_n3A_332, %dma_wait3A_417] : memref<2x64xi32, #tpu.memory_space<vmem>> -> memref<1x64xi32, #tpu.memory_space<vmem>>
      %dma_wait3A_419 = tpu.memref_squeeze %dma_wait3A_418 : memref<1x64xi32, #tpu.memory_space<vmem>> -> memref<64xi32, #tpu.memory_space<vmem>>
      %dma_wait3A_420 = arith.constant 0 : i32
      %dma_wait3A_421 = arith.constant 0 : i32
      %dma_wait3A_422 = tpu.memref_slice %arg2[%dma_wait3A_420, %dma_wait3A_421] : memref<8197x32xf32, #tpu.memory_space<hbm>> -> memref<8197x32xf32, #tpu.memory_space<hbm>>
      tpu.wait_indirect_dma semaphore(%arg15 : memref<!tpu.dma_semaphore, #tpu.memory_space<semaphore_mem>>) src(%dma_wait3A_422 : memref<8197x32xf32, #tpu.memory_space<hbm>>) dst(%dma_wait3A_416 : memref<64x32xf32, #tpu.memory_space<vmem>>)
      %ge3A_423 = arith.constant 2 : i32
      %ge3A_424 = arith.cmpi sge, %scan3A_321, %ge3A_423 : i32
      %convert_element_type3A_425 = arith.extui %ge3A_424 : i1 to i32
      %cond3A_426 = arith.constant 0 : i32
      %cond3A_427 = arith.cmpi ne, %convert_element_type3A_425, %cond3A_426 : i32
      scf.if %cond3A_427 {
        %sub3A = arith.constant 2 : i32
        %sub3A_621 = arith.subi %scan3A_321, %sub3A : i32
        %jit3A_622 = arith.constant 3 : i32
        %eq3A_623 = arith.constant 0 : i32
        %eq3A_624 = arith.cmpi eq, %jit3A_622, %eq3A_623 : i32
        %jit3A_625 = arith.constant 1 : i32
        %select_n3A_626 = arith.select %eq3A_624, %jit3A_625, %jit3A_622 : i32
        %rem3A_627 = arith.remsi %sub3A_621, %select_n3A_626 : i32
        %ne3A_628 = arith.constant 0 : i32
        %ne3A_629 = arith.cmpi ne, %rem3A_627, %ne3A_628 : i32
        %lt3A_630 = arith.constant 0 : i32
        %lt3A_631 = arith.cmpi slt, %rem3A_627, %lt3A_630 : i32
        %lt3A_632 = arith.constant 0 : i32
        %lt3A_633 = arith.cmpi slt, %select_n3A_626, %lt3A_632 : i32
        %ne3A_634 = arith.xori %lt3A_631, %lt3A_633 : i1
        %and3A_635 = arith.andi %ne3A_634, %ne3A_629 : i1
        %add3A_636 = arith.addi %rem3A_627, %select_n3A_626 : i32
        %select_n3A_637 = arith.select %and3A_635, %add3A_636, %rem3A_627 : i32
        %dma_wait3A_638 = arith.constant 0 : i32
        %dma_wait3A_639 = arith.constant 0 : i32
        %dma_wait3A_640 = tpu.memref_slice %arg7[%add3A, %sub3A_621, %dma_wait3A_638, %dma_wait3A_639] : memref<32x64x64x128xf32, #tpu.memory_space<hbm>> -> memref<1x1x64x32xf32, #tpu.memory_space<hbm>>
        %dma_wait3A_641 = tpu.memref_squeeze %dma_wait3A_640 : memref<1x1x64x32xf32, #tpu.memory_space<hbm>> -> memref<64x32xf32, #tpu.memory_space<hbm>>
        %dma_wait3A_642 = arith.constant 0 : i32
        %dma_wait3A_643 = arith.constant 0 : i32
        %dma_wait3A_644 = tpu.memref_slice %arg14[%arg1, %select_n3A_637, %dma_wait3A_642, %dma_wait3A_643] : memref<16x3x64x32xf32, #tpu.memory_space<vmem_shared>> -> memref<1x1x64x32xf32, #tpu.memory_space<vmem_shared>>
        %dma_wait3A_645 = tpu.memref_squeeze %dma_wait3A_644 : memref<1x1x64x32xf32, #tpu.memory_space<vmem_shared>> -> memref<64x32xf32, #tpu.memory_space<vmem_shared>>
        tpu.wait_dma2 semaphore(%arg17 : memref<!tpu.dma_semaphore, #tpu.memory_space<semaphore_mem>>) src(%dma_wait3A_645 : memref<64x32xf32, #tpu.memory_space<vmem_shared>>) dst(%dma_wait3A_641 : memref<64x32xf32, #tpu.memory_space<hbm>>)
      } else {
      }
      %le3A = arith.constant 62 : i32
      %le3A_428 = arith.cmpi sle, %scan3A_321, %le3A : i32
      %convert_element_type3A_429 = arith.extui %le3A_428 : i1 to i32
      %cond3A_430 = arith.constant 0 : i32
      %cond3A_431 = arith.cmpi ne, %convert_element_type3A_429, %cond3A_430 : i32
      scf.if %cond3A_431 {
        %add3A_621 = arith.constant 1 : i32
        %add3A_622 = arith.addi %scan3A_321, %add3A_621 : i32
        %jit3A_623 = arith.constant 2 : i32
        %eq3A_624 = arith.constant 0 : i32
        %eq3A_625 = arith.cmpi eq, %jit3A_623, %eq3A_624 : i32
        %jit3A_626 = arith.constant 1 : i32
        %select_n3A_627 = arith.select %eq3A_625, %jit3A_626, %jit3A_623 : i32
        %rem3A_628 = arith.remsi %add3A_622, %select_n3A_627 : i32
        %ne3A_629 = arith.constant 0 : i32
        %ne3A_630 = arith.cmpi ne, %rem3A_628, %ne3A_629 : i32
        %lt3A_631 = arith.constant 0 : i32
        %lt3A_632 = arith.cmpi slt, %rem3A_628, %lt3A_631 : i32
        %lt3A_633 = arith.constant 0 : i32
        %lt3A_634 = arith.cmpi slt, %select_n3A_627, %lt3A_633 : i32
        %ne3A_635 = arith.xori %lt3A_632, %lt3A_634 : i1
        %and3A_636 = arith.andi %ne3A_635, %ne3A_630 : i1
        %add3A_637 = arith.addi %rem3A_628, %select_n3A_627 : i32
        %select_n3A_638 = arith.select %and3A_636, %add3A_637, %rem3A_628 : i32
        %dma_wait3A_639 = arith.constant 0 : i32
        %dma_wait3A_640 = tpu.memref_slice %arg8[%select_n3A_638, %dma_wait3A_639] : memref<2x960xi32, #tpu.memory_space<vmem>> -> memref<1x960xi32, #tpu.memory_space<vmem>>
        %dma_wait3A_641 = tpu.memref_squeeze %dma_wait3A_640 : memref<1x960xi32, #tpu.memory_space<vmem>> -> memref<960xi32, #tpu.memory_space<vmem>>
        %dma_wait3A_642 = arith.constant 0 : i32
        %dma_wait3A_643 = tpu.memref_slice %arg3[%add3A, %add3A_622, %dma_wait3A_642] : memref<32x64x960xi32, #tpu.memory_space<hbm>> -> memref<1x1x960xi32, #tpu.memory_space<hbm>>
        %dma_wait3A_644 = tpu.memref_squeeze %dma_wait3A_643 : memref<1x1x960xi32, #tpu.memory_space<hbm>> -> memref<960xi32, #tpu.memory_space<hbm>>
        %dma_wait3A_645 = arith.constant 0 : i32
        %dma_wait3A_646 = tpu.memref_slice %arg8[%select_n3A_638, %dma_wait3A_645] : memref<2x960xi32, #tpu.memory_space<vmem>> -> memref<1x960xi32, #tpu.memory_space<vmem>>
        %dma_wait3A_647 = tpu.memref_squeeze %dma_wait3A_646 : memref<1x960xi32, #tpu.memory_space<vmem>> -> memref<960xi32, #tpu.memory_space<vmem>>
        %dma_wait3A_648 = arith.constant 0 : i32
        %dma_wait3A_649 = tpu.memref_slice %arg3[%add3A, %add3A_622, %dma_wait3A_648] : memref<32x64x960xi32, #tpu.memory_space<hbm>> -> memref<1x1x960xi32, #tpu.memory_space<hbm>>
        %dma_wait3A_650 = tpu.memref_squeeze %dma_wait3A_649 : memref<1x1x960xi32, #tpu.memory_space<hbm>> -> memref<960xi32, #tpu.memory_space<hbm>>
        tpu.wait_dma2 semaphore(%arg18 : memref<!tpu.dma_semaphore, #tpu.memory_space<semaphore_mem>>) src(%dma_wait3A_650 : memref<960xi32, #tpu.memory_space<hbm>>) dst(%dma_wait3A_647 : memref<960xi32, #tpu.memory_space<vmem>>)
        %dma_wait3A_651 = arith.constant 0 : i32
        %dma_wait3A_652 = tpu.memref_slice %arg9[%select_n3A_638, %dma_wait3A_651] : memref<2x64xi32, #tpu.memory_space<vmem>> -> memref<1x64xi32, #tpu.memory_space<vmem>>
        %dma_wait3A_653 = tpu.memref_squeeze %dma_wait3A_652 : memref<1x64xi32, #tpu.memory_space<vmem>> -> memref<64xi32, #tpu.memory_space<vmem>>
        %dma_wait3A_654 = arith.constant 0 : i32
        %dma_wait3A_655 = tpu.memref_slice %arg4[%add3A, %add3A_622, %dma_wait3A_654] : memref<32x64x64xi32, #tpu.memory_space<hbm>> -> memref<1x1x64xi32, #tpu.memory_space<hbm>>
        %dma_wait3A_656 = tpu.memref_squeeze %dma_wait3A_655 : memref<1x1x64xi32, #tpu.memory_space<hbm>> -> memref<64xi32, #tpu.memory_space<hbm>>
        %dma_wait3A_657 = arith.constant 0 : i32
        %dma_wait3A_658 = tpu.memref_slice %arg9[%select_n3A_638, %dma_wait3A_657] : memref<2x64xi32, #tpu.memory_space<vmem>> -> memref<1x64xi32, #tpu.memory_space<vmem>>
        %dma_wait3A_659 = tpu.memref_squeeze %dma_wait3A_658 : memref<1x64xi32, #tpu.memory_space<vmem>> -> memref<64xi32, #tpu.memory_space<vmem>>
        %dma_wait3A_660 = arith.constant 0 : i32
        %dma_wait3A_661 = tpu.memref_slice %arg4[%add3A, %add3A_622, %dma_wait3A_660] : memref<32x64x64xi32, #tpu.memory_space<hbm>> -> memref<1x1x64xi32, #tpu.memory_space<hbm>>
        %dma_wait3A_662 = tpu.memref_squeeze %dma_wait3A_661 : memref<1x1x64xi32, #tpu.memory_space<hbm>> -> memref<64xi32, #tpu.memory_space<hbm>>
        tpu.wait_dma2 semaphore(%arg18 : memref<!tpu.dma_semaphore, #tpu.memory_space<semaphore_mem>>) src(%dma_wait3A_662 : memref<64xi32, #tpu.memory_space<hbm>>) dst(%dma_wait3A_659 : memref<64xi32, #tpu.memory_space<vmem>>)
        %add3A_663 = arith.constant 1 : i32
        %add3A_664 = arith.addi %scan3A_321, %add3A_663 : i32
        %jit3A_665 = arith.constant 2 : i32
        %eq3A_666 = arith.constant 0 : i32
        %eq3A_667 = arith.cmpi eq, %jit3A_665, %eq3A_666 : i32
        %jit3A_668 = arith.constant 1 : i32
        %select_n3A_669 = arith.select %eq3A_667, %jit3A_668, %jit3A_665 : i32
        %rem3A_670 = arith.remsi %add3A_664, %select_n3A_669 : i32
        %ne3A_671 = arith.constant 0 : i32
        %ne3A_672 = arith.cmpi ne, %rem3A_670, %ne3A_671 : i32
        %lt3A_673 = arith.constant 0 : i32
        %lt3A_674 = arith.cmpi slt, %rem3A_670, %lt3A_673 : i32
        %lt3A_675 = arith.constant 0 : i32
        %lt3A_676 = arith.cmpi slt, %select_n3A_669, %lt3A_675 : i32
        %ne3A_677 = arith.xori %lt3A_674, %lt3A_676 : i1
        %and3A_678 = arith.andi %ne3A_677, %ne3A_672 : i1
        %add3A_679 = arith.addi %rem3A_670, %select_n3A_669 : i32
        %select_n3A_680 = arith.select %and3A_678, %add3A_679, %rem3A_670 : i32
        %scan3A_681 = arith.constant 0 : i32
        %scan3A_682 = arith.constant 0 : i32
        %scan3A_683 = arith.constant 60 : i32
        %scan3A_684 = arith.addi %scan3A_682, %scan3A_683 : i32
        %scan3A_685 = arith.constant 1 : i32
        scf.for %scan3A_817 = %scan3A_682 to %scan3A_684 step %scan3A_685  : i32 {
          %mul3A_818 = arith.constant 16 : i32
          %mul3A_819 = arith.muli %scan3A_817, %mul3A_818 : i32
          %get3A = arith.index_cast %select_n3A_680 : i32 to index
          %get3A_820 = arith.index_cast %mul3A_819 : i32 to index
          %get3A_821 = tpu.vector_load %arg8[%get3A, %get3A_820] {strides = array<i32>} : memref<2x960xi32, #tpu.memory_space<vmem>>, vector<1x16xi32>,
          %get3A_822 = vector.shape_cast %get3A_821 : vector<1x16xi32> to vector<16xi32>
          %get3A_823 = arith.index_cast %mul3A_819 : i32 to index
          %get3A_824 = tpu.vector_load %arg11[%get3A_823] {strides = array<i32>} : memref<960xi32, #tpu.memory_space<vmem>>, vector<16xi32>,
          %get3A_825 = vector.shape_cast %get3A_824 : vector<16xi32> to vector<16xi32>
          %add3A_826 = arith.addi %get3A_822, %get3A_825 : vector<16xi32>
          %swap3A = arith.index_cast %select_n3A_680 : i32 to index
          %swap3A_827 = arith.index_cast %mul3A_819 : i32 to index
          %swap3A_828 = tpu.vector_load %arg8[%swap3A, %swap3A_827] {strides = array<i32>} : memref<2x960xi32, #tpu.memory_space<vmem>>, vector<1x16xi32>,
          %swap3A_829 = vector.shape_cast %swap3A_828 : vector<1x16xi32> to vector<16xi32>
          %swap3A_830 = vector.shape_cast %add3A_826 : vector<16xi32> to vector<1x16xi32>
          tpu.vector_store %arg8[%swap3A, %swap3A_827], %swap3A_830 {strides = array<i32>} : memref<2x960xi32, #tpu.memory_space<vmem>>, vector<1x16xi32>,
        }
        %scan3A_686 = arith.constant 60 : i32
        %scan3A_687 = arith.constant 0 : i32
        %scan3A_688 = arith.constant 0 : i32
        %scan3A_689 = arith.constant 4 : i32
        %scan3A_690 = arith.addi %scan3A_688, %scan3A_689 : i32
        %scan3A_691 = arith.constant 1 : i32
        scf.for %scan3A_817 = %scan3A_688 to %scan3A_690 step %scan3A_691  : i32 {
          %mul3A_818 = arith.constant 16 : i32
          %mul3A_819 = arith.muli %scan3A_817, %mul3A_818 : i32
          %get3A = arith.index_cast %select_n3A_680 : i32 to index
          %get3A_820 = arith.index_cast %mul3A_819 : i32 to index
          %get3A_821 = tpu.vector_load %arg9[%get3A, %get3A_820] {strides = array<i32>} : memref<2x64xi32, #tpu.memory_space<vmem>>, vector<1x16xi32>,
          %get3A_822 = vector.shape_cast %get3A_821 : vector<1x16xi32> to vector<16xi32>
          %broadcast_in_dim3A = arith.constant 7685 : i32
          %broadcast_in_dim3A_823 = vector.broadcast %broadcast_in_dim3A : i32 to vector<16xi32>
          %add3A_824 = arith.addi %get3A_822, %broadcast_in_dim3A_823 : vector<16xi32>
          %swap3A = arith.index_cast %select_n3A_680 : i32 to index
          %swap3A_825 = arith.index_cast %mul3A_819 : i32 to index
          %swap3A_826 = tpu.vector_load %arg9[%swap3A, %swap3A_825] {strides = array<i32>} : memref<2x64xi32, #tpu.memory_space<vmem>>, vector<1x16xi32>,
          %swap3A_827 = vector.shape_cast %swap3A_826 : vector<1x16xi32> to vector<16xi32>
          %swap3A_828 = vector.shape_cast %add3A_824 : vector<16xi32> to vector<1x16xi32>
          tpu.vector_store %arg9[%swap3A, %swap3A_825], %swap3A_828 {strides = array<i32>} : memref<2x64xi32, #tpu.memory_space<vmem>>, vector<1x16xi32>,
        }
        %scan3A_692 = arith.constant 4 : i32
        %add3A_693 = arith.constant 1 : i32
        %add3A_694 = arith.addi %scan3A_321, %add3A_693 : i32
        %jit3A_695 = arith.constant 2 : i32
        %eq3A_696 = arith.constant 0 : i32
        %eq3A_697 = arith.cmpi eq, %jit3A_695, %eq3A_696 : i32
        %jit3A_698 = arith.constant 1 : i32
        %select_n3A_699 = arith.select %eq3A_697, %jit3A_698, %jit3A_695 : i32
        %rem3A_700 = arith.remsi %add3A_694, %select_n3A_699 : i32
        %ne3A_701 = arith.constant 0 : i32
        %ne3A_702 = arith.cmpi ne, %rem3A_700, %ne3A_701 : i32
        %lt3A_703 = arith.constant 0 : i32
        %lt3A_704 = arith.cmpi slt, %rem3A_700, %lt3A_703 : i32
        %lt3A_705 = arith.constant 0 : i32
        %lt3A_706 = arith.cmpi slt, %select_n3A_699, %lt3A_705 : i32
        %ne3A_707 = arith.xori %lt3A_704, %lt3A_706 : i1
        %and3A_708 = arith.andi %ne3A_707, %ne3A_702 : i1
        %add3A_709 = arith.addi %rem3A_700, %select_n3A_699 : i32
        %select_n3A_710 = arith.select %and3A_708, %add3A_709, %rem3A_700 : i32
        %jit3A_711 = arith.constant 3 : i32
        %eq3A_712 = arith.constant 0 : i32
        %eq3A_713 = arith.cmpi eq, %jit3A_711, %eq3A_712 : i32
        %jit3A_714 = arith.constant 1 : i32
        %select_n3A_715 = arith.select %eq3A_713, %jit3A_714, %jit3A_711 : i32
        %rem3A_716 = arith.remsi %add3A_694, %select_n3A_715 : i32
        %ne3A_717 = arith.constant 0 : i32
        %ne3A_718 = arith.cmpi ne, %rem3A_716, %ne3A_717 : i32
        %lt3A_719 = arith.constant 0 : i32
        %lt3A_720 = arith.cmpi slt, %rem3A_716, %lt3A_719 : i32
        %lt3A_721 = arith.constant 0 : i32
        %lt3A_722 = arith.cmpi slt, %select_n3A_715, %lt3A_721 : i32
        %ne3A_723 = arith.xori %lt3A_720, %lt3A_722 : i1
        %and3A_724 = arith.andi %ne3A_723, %ne3A_718 : i1
        %add3A_725 = arith.addi %rem3A_716, %select_n3A_715 : i32
        %select_n3A_726 = arith.select %and3A_724, %add3A_725, %rem3A_716 : i32
        %dma_start3A_727 = arith.constant 0 : i32
        %dma_start3A_728 = arith.constant 0 : i32
        %dma_start3A_729 = tpu.memref_slice %arg12[%select_n3A_710, %dma_start3A_727, %dma_start3A_728] : memref<2x960x32xf32, #tpu.memory_space<vmem>> -> memref<1x120x32xf32, #tpu.memory_space<vmem>>
        %dma_start3A_730 = tpu.memref_squeeze %dma_start3A_729 : memref<1x120x32xf32, #tpu.memory_space<vmem>> -> memref<120x32xf32, #tpu.memory_space<vmem>>
        %dma_start3A_731 = arith.constant 0 : i32
        %dma_start3A_732 = tpu.memref_slice %arg8[%select_n3A_710, %dma_start3A_731] : memref<2x960xi32, #tpu.memory_space<vmem>> -> memref<1x120xi32, #tpu.memory_space<vmem>>
        %dma_start3A_733 = tpu.memref_squeeze %dma_start3A_732 : memref<1x120xi32, #tpu.memory_space<vmem>> -> memref<120xi32, #tpu.memory_space<vmem>>
        %dma_start3A_734 = arith.constant 0 : i32
        %dma_start3A_735 = arith.constant 0 : i32
        %dma_start3A_736 = tpu.memref_slice %arg2[%dma_start3A_734, %dma_start3A_735] : memref<8197x32xf32, #tpu.memory_space<hbm>> -> memref<8197x32xf32, #tpu.memory_space<hbm>>
        tpu.enqueue_indirect_dma source(%dma_start3A_736 : memref<8197x32xf32, #tpu.memory_space<hbm>>) target(%dma_start3A_730 : memref<120x32xf32, #tpu.memory_space<vmem>>) offsets(%dma_start3A_733 : memref<120xi32, #tpu.memory_space<vmem>>) semaphore(%arg15 : memref<!tpu.dma_semaphore, #tpu.memory_space<semaphore_mem>>)
        %dma_start3A_737 = arith.constant 120 : i32
        %dma_start3A_738 = arith.constant 0 : i32
        %dma_start3A_739 = tpu.memref_slice %arg12[%select_n3A_710, %dma_start3A_737, %dma_start3A_738] : memref<2x960x32xf32, #tpu.memory_space<vmem>> -> memref<1x120x32xf32, #tpu.memory_space<vmem>>
        %dma_start3A_740 = tpu.memref_squeeze %dma_start3A_739 : memref<1x120x32xf32, #tpu.memory_space<vmem>> -> memref<120x32xf32, #tpu.memory_space<vmem>>
        %dma_start3A_741 = arith.constant 120 : i32
        %dma_start3A_742 = tpu.memref_slice %arg8[%select_n3A_710, %dma_start3A_741] : memref<2x960xi32, #tpu.memory_space<vmem>> -> memref<1x120xi32, #tpu.memory_space<vmem>>
        %dma_start3A_743 = tpu.memref_squeeze %dma_start3A_742 : memref<1x120xi32, #tpu.memory_space<vmem>> -> memref<120xi32, #tpu.memory_space<vmem>>
        %dma_start3A_744 = arith.constant 0 : i32
        %dma_start3A_745 = arith.constant 0 : i32
        %dma_start3A_746 = tpu.memref_slice %arg2[%dma_start3A_744, %dma_start3A_745] : memref<8197x32xf32, #tpu.memory_space<hbm>> -> memref<8197x32xf32, #tpu.memory_space<hbm>>
        tpu.enqueue_indirect_dma source(%dma_start3A_746 : memref<8197x32xf32, #tpu.memory_space<hbm>>) target(%dma_start3A_740 : memref<120x32xf32, #tpu.memory_space<vmem>>) offsets(%dma_start3A_743 : memref<120xi32, #tpu.memory_space<vmem>>) semaphore(%arg15 : memref<!tpu.dma_semaphore, #tpu.memory_space<semaphore_mem>>)
        %dma_start3A_747 = arith.constant 240 : i32
        %dma_start3A_748 = arith.constant 0 : i32
        %dma_start3A_749 = tpu.memref_slice %arg12[%select_n3A_710, %dma_start3A_747, %dma_start3A_748] : memref<2x960x32xf32, #tpu.memory_space<vmem>> -> memref<1x120x32xf32, #tpu.memory_space<vmem>>
        %dma_start3A_750 = tpu.memref_squeeze %dma_start3A_749 : memref<1x120x32xf32, #tpu.memory_space<vmem>> -> memref<120x32xf32, #tpu.memory_space<vmem>>
        %dma_start3A_751 = arith.constant 240 : i32
        %dma_start3A_752 = tpu.memref_slice %arg8[%select_n3A_710, %dma_start3A_751] : memref<2x960xi32, #tpu.memory_space<vmem>> -> memref<1x120xi32, #tpu.memory_space<vmem>>
        %dma_start3A_753 = tpu.memref_squeeze %dma_start3A_752 : memref<1x120xi32, #tpu.memory_space<vmem>> -> memref<120xi32, #tpu.memory_space<vmem>>
        %dma_start3A_754 = arith.constant 0 : i32
        %dma_start3A_755 = arith.constant 0 : i32
        %dma_start3A_756 = tpu.memref_slice %arg2[%dma_start3A_754, %dma_start3A_755] : memref<8197x32xf32, #tpu.memory_space<hbm>> -> memref<8197x32xf32, #tpu.memory_space<hbm>>
        tpu.enqueue_indirect_dma source(%dma_start3A_756 : memref<8197x32xf32, #tpu.memory_space<hbm>>) target(%dma_start3A_750 : memref<120x32xf32, #tpu.memory_space<vmem>>) offsets(%dma_start3A_753 : memref<120xi32, #tpu.memory_space<vmem>>) semaphore(%arg15 : memref<!tpu.dma_semaphore, #tpu.memory_space<semaphore_mem>>)
        %dma_start3A_757 = arith.constant 360 : i32
        %dma_start3A_758 = arith.constant 0 : i32
        %dma_start3A_759 = tpu.memref_slice %arg12[%select_n3A_710, %dma_start3A_757, %dma_start3A_758] : memref<2x960x32xf32, #tpu.memory_space<vmem>> -> memref<1x120x32xf32, #tpu.memory_space<vmem>>
        %dma_start3A_760 = tpu.memref_squeeze %dma_start3A_759 : memref<1x120x32xf32, #tpu.memory_space<vmem>> -> memref<120x32xf32, #tpu.memory_space<vmem>>
        %dma_start3A_761 = arith.constant 360 : i32
        %dma_start3A_762 = tpu.memref_slice %arg8[%select_n3A_710, %dma_start3A_761] : memref<2x960xi32, #tpu.memory_space<vmem>> -> memref<1x120xi32, #tpu.memory_space<vmem>>
        %dma_start3A_763 = tpu.memref_squeeze %dma_start3A_762 : memref<1x120xi32, #tpu.memory_space<vmem>> -> memref<120xi32, #tpu.memory_space<vmem>>
        %dma_start3A_764 = arith.constant 0 : i32
        %dma_start3A_765 = arith.constant 0 : i32
        %dma_start3A_766 = tpu.memref_slice %arg2[%dma_start3A_764, %dma_start3A_765] : memref<8197x32xf32, #tpu.memory_space<hbm>> -> memref<8197x32xf32, #tpu.memory_space<hbm>>
        tpu.enqueue_indirect_dma source(%dma_start3A_766 : memref<8197x32xf32, #tpu.memory_space<hbm>>) target(%dma_start3A_760 : memref<120x32xf32, #tpu.memory_space<vmem>>) offsets(%dma_start3A_763 : memref<120xi32, #tpu.memory_space<vmem>>) semaphore(%arg15 : memref<!tpu.dma_semaphore, #tpu.memory_space<semaphore_mem>>)
        %dma_start3A_767 = arith.constant 480 : i32
        %dma_start3A_768 = arith.constant 0 : i32
        %dma_start3A_769 = tpu.memref_slice %arg12[%select_n3A_710, %dma_start3A_767, %dma_start3A_768] : memref<2x960x32xf32, #tpu.memory_space<vmem>> -> memref<1x120x32xf32, #tpu.memory_space<vmem>>
        %dma_start3A_770 = tpu.memref_squeeze %dma_start3A_769 : memref<1x120x32xf32, #tpu.memory_space<vmem>> -> memref<120x32xf32, #tpu.memory_space<vmem>>
        %dma_start3A_771 = arith.constant 480 : i32
        %dma_start3A_772 = tpu.memref_slice %arg8[%select_n3A_710, %dma_start3A_771] : memref<2x960xi32, #tpu.memory_space<vmem>> -> memref<1x120xi32, #tpu.memory_space<vmem>>
        %dma_start3A_773 = tpu.memref_squeeze %dma_start3A_772 : memref<1x120xi32, #tpu.memory_space<vmem>> -> memref<120xi32, #tpu.memory_space<vmem>>
        %dma_start3A_774 = arith.constant 0 : i32
        %dma_start3A_775 = arith.constant 0 : i32
        %dma_start3A_776 = tpu.memref_slice %arg2[%dma_start3A_774, %dma_start3A_775] : memref<8197x32xf32, #tpu.memory_space<hbm>> -> memref<8197x32xf32, #tpu.memory_space<hbm>>
        tpu.enqueue_indirect_dma source(%dma_start3A_776 : memref<8197x32xf32, #tpu.memory_space<hbm>>) target(%dma_start3A_770 : memref<120x32xf32, #tpu.memory_space<vmem>>) offsets(%dma_start3A_773 : memref<120xi32, #tpu.memory_space<vmem>>) semaphore(%arg15 : memref<!tpu.dma_semaphore, #tpu.memory_space<semaphore_mem>>)
        %dma_start3A_777 = arith.constant 600 : i32
        %dma_start3A_778 = arith.constant 0 : i32
        %dma_start3A_779 = tpu.memref_slice %arg12[%select_n3A_710, %dma_start3A_777, %dma_start3A_778] : memref<2x960x32xf32, #tpu.memory_space<vmem>> -> memref<1x120x32xf32, #tpu.memory_space<vmem>>
        %dma_start3A_780 = tpu.memref_squeeze %dma_start3A_779 : memref<1x120x32xf32, #tpu.memory_space<vmem>> -> memref<120x32xf32, #tpu.memory_space<vmem>>
        %dma_start3A_781 = arith.constant 600 : i32
        %dma_start3A_782 = tpu.memref_slice %arg8[%select_n3A_710, %dma_start3A_781] : memref<2x960xi32, #tpu.memory_space<vmem>> -> memref<1x120xi32, #tpu.memory_space<vmem>>
        %dma_start3A_783 = tpu.memref_squeeze %dma_start3A_782 : memref<1x120xi32, #tpu.memory_space<vmem>> -> memref<120xi32, #tpu.memory_space<vmem>>
        %dma_start3A_784 = arith.constant 0 : i32
        %dma_start3A_785 = arith.constant 0 : i32
        %dma_start3A_786 = tpu.memref_slice %arg2[%dma_start3A_784, %dma_start3A_785] : memref<8197x32xf32, #tpu.memory_space<hbm>> -> memref<8197x32xf32, #tpu.memory_space<hbm>>
        tpu.enqueue_indirect_dma source(%dma_start3A_786 : memref<8197x32xf32, #tpu.memory_space<hbm>>) target(%dma_start3A_780 : memref<120x32xf32, #tpu.memory_space<vmem>>) offsets(%dma_start3A_783 : memref<120xi32, #tpu.memory_space<vmem>>) semaphore(%arg15 : memref<!tpu.dma_semaphore, #tpu.memory_space<semaphore_mem>>)
        %dma_start3A_787 = arith.constant 720 : i32
        %dma_start3A_788 = arith.constant 0 : i32
        %dma_start3A_789 = tpu.memref_slice %arg12[%select_n3A_710, %dma_start3A_787, %dma_start3A_788] : memref<2x960x32xf32, #tpu.memory_space<vmem>> -> memref<1x120x32xf32, #tpu.memory_space<vmem>>
        %dma_start3A_790 = tpu.memref_squeeze %dma_start3A_789 : memref<1x120x32xf32, #tpu.memory_space<vmem>> -> memref<120x32xf32, #tpu.memory_space<vmem>>
        %dma_start3A_791 = arith.constant 720 : i32
        %dma_start3A_792 = tpu.memref_slice %arg8[%select_n3A_710, %dma_start3A_791] : memref<2x960xi32, #tpu.memory_space<vmem>> -> memref<1x120xi32, #tpu.memory_space<vmem>>
        %dma_start3A_793 = tpu.memref_squeeze %dma_start3A_792 : memref<1x120xi32, #tpu.memory_space<vmem>> -> memref<120xi32, #tpu.memory_space<vmem>>
        %dma_start3A_794 = arith.constant 0 : i32
        %dma_start3A_795 = arith.constant 0 : i32
        %dma_start3A_796 = tpu.memref_slice %arg2[%dma_start3A_794, %dma_start3A_795] : memref<8197x32xf32, #tpu.memory_space<hbm>> -> memref<8197x32xf32, #tpu.memory_space<hbm>>
        tpu.enqueue_indirect_dma source(%dma_start3A_796 : memref<8197x32xf32, #tpu.memory_space<hbm>>) target(%dma_start3A_790 : memref<120x32xf32, #tpu.memory_space<vmem>>) offsets(%dma_start3A_793 : memref<120xi32, #tpu.memory_space<vmem>>) semaphore(%arg15 : memref<!tpu.dma_semaphore, #tpu.memory_space<semaphore_mem>>)
        %dma_start3A_797 = arith.constant 840 : i32
        %dma_start3A_798 = arith.constant 0 : i32
        %dma_start3A_799 = tpu.memref_slice %arg12[%select_n3A_710, %dma_start3A_797, %dma_start3A_798] : memref<2x960x32xf32, #tpu.memory_space<vmem>> -> memref<1x120x32xf32, #tpu.memory_space<vmem>>
        %dma_start3A_800 = tpu.memref_squeeze %dma_start3A_799 : memref<1x120x32xf32, #tpu.memory_space<vmem>> -> memref<120x32xf32, #tpu.memory_space<vmem>>
        %dma_start3A_801 = arith.constant 840 : i32
        %dma_start3A_802 = tpu.memref_slice %arg8[%select_n3A_710, %dma_start3A_801] : memref<2x960xi32, #tpu.memory_space<vmem>> -> memref<1x120xi32, #tpu.memory_space<vmem>>
        %dma_start3A_803 = tpu.memref_squeeze %dma_start3A_802 : memref<1x120xi32, #tpu.memory_space<vmem>> -> memref<120xi32, #tpu.memory_space<vmem>>
        %dma_start3A_804 = arith.constant 0 : i32
        %dma_start3A_805 = arith.constant 0 : i32
        %dma_start3A_806 = tpu.memref_slice %arg2[%dma_start3A_804, %dma_start3A_805] : memref<8197x32xf32, #tpu.memory_space<hbm>> -> memref<8197x32xf32, #tpu.memory_space<hbm>>
        tpu.enqueue_indirect_dma source(%dma_start3A_806 : memref<8197x32xf32, #tpu.memory_space<hbm>>) target(%dma_start3A_800 : memref<120x32xf32, #tpu.memory_space<vmem>>) offsets(%dma_start3A_803 : memref<120xi32, #tpu.memory_space<vmem>>) semaphore(%arg15 : memref<!tpu.dma_semaphore, #tpu.memory_space<semaphore_mem>>)
        %dma_start3A_807 = arith.constant 0 : i32
        %dma_start3A_808 = arith.constant 0 : i32
        %dma_start3A_809 = tpu.memref_slice %arg13[%select_n3A_710, %dma_start3A_807, %dma_start3A_808] : memref<2x64x32xf32, #tpu.memory_space<vmem>> -> memref<1x64x32xf32, #tpu.memory_space<vmem>>
        %dma_start3A_810 = tpu.memref_squeeze %dma_start3A_809 : memref<1x64x32xf32, #tpu.memory_space<vmem>> -> memref<64x32xf32, #tpu.memory_space<vmem>>
        %dma_start3A_811 = arith.constant 0 : i32
        %dma_start3A_812 = tpu.memref_slice %arg9[%select_n3A_710, %dma_start3A_811] : memref<2x64xi32, #tpu.memory_space<vmem>> -> memref<1x64xi32, #tpu.memory_space<vmem>>
        %dma_start3A_813 = tpu.memref_squeeze %dma_start3A_812 : memref<1x64xi32, #tpu.memory_space<vmem>> -> memref<64xi32, #tpu.memory_space<vmem>>
        %dma_start3A_814 = arith.constant 0 : i32
        %dma_start3A_815 = arith.constant 0 : i32
        %dma_start3A_816 = tpu.memref_slice %arg2[%dma_start3A_814, %dma_start3A_815] : memref<8197x32xf32, #tpu.memory_space<hbm>> -> memref<8197x32xf32, #tpu.memory_space<hbm>>
        tpu.enqueue_indirect_dma source(%dma_start3A_816 : memref<8197x32xf32, #tpu.memory_space<hbm>>) target(%dma_start3A_810 : memref<64x32xf32, #tpu.memory_space<vmem>>) offsets(%dma_start3A_813 : memref<64xi32, #tpu.memory_space<vmem>>) semaphore(%arg15 : memref<!tpu.dma_semaphore, #tpu.memory_space<semaphore_mem>>)
      } else {
      }
      %le3A_432 = arith.constant 61 : i32
      %le3A_433 = arith.cmpi sle, %scan3A_321, %le3A_432 : i32
      %convert_element_type3A_434 = arith.extui %le3A_433 : i1 to i32
      %cond3A_435 = arith.constant 0 : i32
      %cond3A_436 = arith.cmpi ne, %convert_element_type3A_434, %cond3A_435 : i32
      scf.if %cond3A_436 {
        %add3A_621 = arith.constant 2 : i32
        %add3A_622 = arith.addi %scan3A_321, %add3A_621 : i32
        %jit3A_623 = arith.constant 2 : i32
        %eq3A_624 = arith.constant 0 : i32
        %eq3A_625 = arith.cmpi eq, %jit3A_623, %eq3A_624 : i32
        %jit3A_626 = arith.constant 1 : i32
        %select_n3A_627 = arith.select %eq3A_625, %jit3A_626, %jit3A_623 : i32
        %rem3A_628 = arith.remsi %add3A_622, %select_n3A_627 : i32
        %ne3A_629 = arith.constant 0 : i32
        %ne3A_630 = arith.cmpi ne, %rem3A_628, %ne3A_629 : i32
        %lt3A_631 = arith.constant 0 : i32
        %lt3A_632 = arith.cmpi slt, %rem3A_628, %lt3A_631 : i32
        %lt3A_633 = arith.constant 0 : i32
        %lt3A_634 = arith.cmpi slt, %select_n3A_627, %lt3A_633 : i32
        %ne3A_635 = arith.xori %lt3A_632, %lt3A_634 : i1
        %and3A_636 = arith.andi %ne3A_635, %ne3A_630 : i1
        %add3A_637 = arith.addi %rem3A_628, %select_n3A_627 : i32
        %select_n3A_638 = arith.select %and3A_636, %add3A_637, %rem3A_628 : i32
        %dma_start3A_639 = arith.constant 0 : i32
        %dma_start3A_640 = tpu.memref_slice %arg8[%select_n3A_638, %dma_start3A_639] : memref<2x960xi32, #tpu.memory_space<vmem>> -> memref<1x960xi32, #tpu.memory_space<vmem>>
        %dma_start3A_641 = tpu.memref_squeeze %dma_start3A_640 : memref<1x960xi32, #tpu.memory_space<vmem>> -> memref<960xi32, #tpu.memory_space<vmem>>
        %dma_start3A_642 = arith.constant 0 : i32
        %dma_start3A_643 = tpu.memref_slice %arg3[%add3A, %add3A_622, %dma_start3A_642] : memref<32x64x960xi32, #tpu.memory_space<hbm>> -> memref<1x1x960xi32, #tpu.memory_space<hbm>>
        %dma_start3A_644 = tpu.memref_squeeze %dma_start3A_643 : memref<1x1x960xi32, #tpu.memory_space<hbm>> -> memref<960xi32, #tpu.memory_space<hbm>>
        %dma_start3A_645 = arith.constant 0 : i32
        %dma_start3A_646 = tpu.memref_slice %arg8[%select_n3A_638, %dma_start3A_645] : memref<2x960xi32, #tpu.memory_space<vmem>> -> memref<1x960xi32, #tpu.memory_space<vmem>>
        %dma_start3A_647 = tpu.memref_squeeze %dma_start3A_646 : memref<1x960xi32, #tpu.memory_space<vmem>> -> memref<960xi32, #tpu.memory_space<vmem>>
        %dma_start3A_648 = arith.constant 0 : i32
        %dma_start3A_649 = tpu.memref_slice %arg3[%add3A, %add3A_622, %dma_start3A_648] : memref<32x64x960xi32, #tpu.memory_space<hbm>> -> memref<1x1x960xi32, #tpu.memory_space<hbm>>
        %dma_start3A_650 = tpu.memref_squeeze %dma_start3A_649 : memref<1x1x960xi32, #tpu.memory_space<hbm>> -> memref<960xi32, #tpu.memory_space<hbm>>
        tpu.enqueue_dma source(%dma_start3A_650 : memref<960xi32, #tpu.memory_space<hbm>>) target(%dma_start3A_647 : memref<960xi32, #tpu.memory_space<vmem>>) target_semaphore(%arg18 : memref<!tpu.dma_semaphore, #tpu.memory_space<semaphore_mem>>)
        %dma_start3A_651 = arith.constant 0 : i32
        %dma_start3A_652 = tpu.memref_slice %arg9[%select_n3A_638, %dma_start3A_651] : memref<2x64xi32, #tpu.memory_space<vmem>> -> memref<1x64xi32, #tpu.memory_space<vmem>>
        %dma_start3A_653 = tpu.memref_squeeze %dma_start3A_652 : memref<1x64xi32, #tpu.memory_space<vmem>> -> memref<64xi32, #tpu.memory_space<vmem>>
        %dma_start3A_654 = arith.constant 0 : i32
        %dma_start3A_655 = tpu.memref_slice %arg4[%add3A, %add3A_622, %dma_start3A_654] : memref<32x64x64xi32, #tpu.memory_space<hbm>> -> memref<1x1x64xi32, #tpu.memory_space<hbm>>
        %dma_start3A_656 = tpu.memref_squeeze %dma_start3A_655 : memref<1x1x64xi32, #tpu.memory_space<hbm>> -> memref<64xi32, #tpu.memory_space<hbm>>
        %dma_start3A_657 = arith.constant 0 : i32
        %dma_start3A_658 = tpu.memref_slice %arg9[%select_n3A_638, %dma_start3A_657] : memref<2x64xi32, #tpu.memory_space<vmem>> -> memref<1x64xi32, #tpu.memory_space<vmem>>
        %dma_start3A_659 = tpu.memref_squeeze %dma_start3A_658 : memref<1x64xi32, #tpu.memory_space<vmem>> -> memref<64xi32, #tpu.memory_space<vmem>>
        %dma_start3A_660 = arith.constant 0 : i32
        %dma_start3A_661 = tpu.memref_slice %arg4[%add3A, %add3A_622, %dma_start3A_660] : memref<32x64x64xi32, #tpu.memory_space<hbm>> -> memref<1x1x64xi32, #tpu.memory_space<hbm>>
        %dma_start3A_662 = tpu.memref_squeeze %dma_start3A_661 : memref<1x1x64xi32, #tpu.memory_space<hbm>> -> memref<64xi32, #tpu.memory_space<hbm>>
        tpu.enqueue_dma source(%dma_start3A_662 : memref<64xi32, #tpu.memory_space<hbm>>) target(%dma_start3A_659 : memref<64xi32, #tpu.memory_space<vmem>>) target_semaphore(%arg18 : memref<!tpu.dma_semaphore, #tpu.memory_space<semaphore_mem>>)
      } else {
      }
      %jit3A_437 = arith.constant 2 : i32
      %eq3A_438 = arith.constant 0 : i32
      %eq3A_439 = arith.cmpi eq, %jit3A_437, %eq3A_438 : i32
      %jit3A_440 = arith.constant 1 : i32
      %select_n3A_441 = arith.select %eq3A_439, %jit3A_440, %jit3A_437 : i32
      %rem3A_442 = arith.remsi %scan3A_321, %select_n3A_441 : i32
      %ne3A_443 = arith.constant 0 : i32
      %ne3A_444 = arith.cmpi ne, %rem3A_442, %ne3A_443 : i32
      %lt3A_445 = arith.constant 0 : i32
      %lt3A_446 = arith.cmpi slt, %rem3A_442, %lt3A_445 : i32
      %lt3A_447 = arith.constant 0 : i32
      %lt3A_448 = arith.cmpi slt, %select_n3A_441, %lt3A_447 : i32
      %ne3A_449 = arith.xori %lt3A_446, %lt3A_448 : i1
      %and3A_450 = arith.andi %ne3A_449, %ne3A_444 : i1
      %add3A_451 = arith.addi %rem3A_442, %select_n3A_441 : i32
      %select_n3A_452 = arith.select %and3A_450, %add3A_451, %rem3A_442 : i32
      %jit3A_453 = arith.constant 3 : i32
      %eq3A_454 = arith.constant 0 : i32
      %eq3A_455 = arith.cmpi eq, %jit3A_453, %eq3A_454 : i32
      %jit3A_456 = arith.constant 1 : i32
      %select_n3A_457 = arith.select %eq3A_455, %jit3A_456, %jit3A_453 : i32
      %rem3A_458 = arith.remsi %scan3A_321, %select_n3A_457 : i32
      %ne3A_459 = arith.constant 0 : i32
      %ne3A_460 = arith.cmpi ne, %rem3A_458, %ne3A_459 : i32
      %lt3A_461 = arith.constant 0 : i32
      %lt3A_462 = arith.cmpi slt, %rem3A_458, %lt3A_461 : i32
      %lt3A_463 = arith.constant 0 : i32
      %lt3A_464 = arith.cmpi slt, %select_n3A_457, %lt3A_463 : i32
      %ne3A_465 = arith.xori %lt3A_462, %lt3A_464 : i1
      %and3A_466 = arith.andi %ne3A_465, %ne3A_460 : i1
      %add3A_467 = arith.addi %rem3A_458, %select_n3A_457 : i32
      %select_n3A_468 = arith.select %and3A_466, %add3A_467, %rem3A_458 : i32
      "tpu.region"() ({
        %run_scoped3A_621 = tpu.sem_alloc : memref<!tpu.dma_semaphore, #tpu.memory_space<semaphore_mem>>
        %dma_start3A_622 = arith.constant 0 : i32
        %dma_start3A_623 = arith.constant 0 : i32
        %dma_start3A_624 = tpu.memref_slice %arg13[%select_n3A_452, %dma_start3A_622, %dma_start3A_623] : memref<2x64x32xf32, #tpu.memory_space<vmem>> -> memref<1x64x32xf32, #tpu.memory_space<vmem>>
        %dma_start3A_625 = tpu.memref_squeeze %dma_start3A_624 : memref<1x64x32xf32, #tpu.memory_space<vmem>> -> memref<64x32xf32, #tpu.memory_space<vmem>>
        %dma_start3A_626 = arith.constant 0 : i32
        %dma_start3A_627 = arith.constant 0 : i32
        %dma_start3A_628 = tpu.memref_slice %arg14[%arg1, %select_n3A_468, %dma_start3A_626, %dma_start3A_627] : memref<16x3x64x32xf32, #tpu.memory_space<vmem_shared>> -> memref<1x1x64x32xf32, #tpu.memory_space<vmem_shared>>
        %dma_start3A_629 = tpu.memref_squeeze %dma_start3A_628 : memref<1x1x64x32xf32, #tpu.memory_space<vmem_shared>> -> memref<64x32xf32, #tpu.memory_space<vmem_shared>>
        %dma_start3A_630 = arith.constant 0 : i32
        %dma_start3A_631 = arith.constant 0 : i32
        %dma_start3A_632 = tpu.memref_slice %arg14[%arg1, %select_n3A_468, %dma_start3A_630, %dma_start3A_631] : memref<16x3x64x32xf32, #tpu.memory_space<vmem_shared>> -> memref<1x1x64x32xf32, #tpu.memory_space<vmem_shared>>
        %dma_start3A_633 = tpu.memref_squeeze %dma_start3A_632 : memref<1x1x64x32xf32, #tpu.memory_space<vmem_shared>> -> memref<64x32xf32, #tpu.memory_space<vmem_shared>>
        %dma_start3A_634 = arith.constant 0 : i32
        %dma_start3A_635 = arith.constant 0 : i32
        %dma_start3A_636 = tpu.memref_slice %arg13[%select_n3A_452, %dma_start3A_634, %dma_start3A_635] : memref<2x64x32xf32, #tpu.memory_space<vmem>> -> memref<1x64x32xf32, #tpu.memory_space<vmem>>
        %dma_start3A_637 = tpu.memref_squeeze %dma_start3A_636 : memref<1x64x32xf32, #tpu.memory_space<vmem>> -> memref<64x32xf32, #tpu.memory_space<vmem>>
        tpu.enqueue_dma source(%dma_start3A_637 : memref<64x32xf32, #tpu.memory_space<vmem>>) target(%dma_start3A_633 : memref<64x32xf32, #tpu.memory_space<vmem_shared>>) target_semaphore(%run_scoped3A_621 : memref<!tpu.dma_semaphore, #tpu.memory_space<semaphore_mem>>)
        %dma_wait3A_638 = arith.constant 0 : i32
        %dma_wait3A_639 = arith.constant 0 : i32
        %dma_wait3A_640 = tpu.memref_slice %arg13[%select_n3A_452, %dma_wait3A_638, %dma_wait3A_639] : memref<2x64x32xf32, #tpu.memory_space<vmem>> -> memref<1x64x32xf32, #tpu.memory_space<vmem>>
        %dma_wait3A_641 = tpu.memref_squeeze %dma_wait3A_640 : memref<1x64x32xf32, #tpu.memory_space<vmem>> -> memref<64x32xf32, #tpu.memory_space<vmem>>
        %dma_wait3A_642 = arith.constant 0 : i32
        %dma_wait3A_643 = arith.constant 0 : i32
        %dma_wait3A_644 = tpu.memref_slice %arg14[%arg1, %select_n3A_468, %dma_wait3A_642, %dma_wait3A_643] : memref<16x3x64x32xf32, #tpu.memory_space<vmem_shared>> -> memref<1x1x64x32xf32, #tpu.memory_space<vmem_shared>>
        %dma_wait3A_645 = tpu.memref_squeeze %dma_wait3A_644 : memref<1x1x64x32xf32, #tpu.memory_space<vmem_shared>> -> memref<64x32xf32, #tpu.memory_space<vmem_shared>>
        %dma_wait3A_646 = arith.constant 0 : i32
        %dma_wait3A_647 = arith.constant 0 : i32
        %dma_wait3A_648 = tpu.memref_slice %arg14[%arg1, %select_n3A_468, %dma_wait3A_646, %dma_wait3A_647] : memref<16x3x64x32xf32, #tpu.memory_space<vmem_shared>> -> memref<1x1x64x32xf32, #tpu.memory_space<vmem_shared>>
        %dma_wait3A_649 = tpu.memref_squeeze %dma_wait3A_648 : memref<1x1x64x32xf32, #tpu.memory_space<vmem_shared>> -> memref<64x32xf32, #tpu.memory_space<vmem_shared>>
        %dma_wait3A_650 = arith.constant 0 : i32
        %dma_wait3A_651 = arith.constant 0 : i32
        %dma_wait3A_652 = tpu.memref_slice %arg13[%select_n3A_452, %dma_wait3A_650, %dma_wait3A_651] : memref<2x64x32xf32, #tpu.memory_space<vmem>> -> memref<1x64x32xf32, #tpu.memory_space<vmem>>
        %dma_wait3A_653 = tpu.memref_squeeze %dma_wait3A_652 : memref<1x64x32xf32, #tpu.memory_space<vmem>> -> memref<64x32xf32, #tpu.memory_space<vmem>>
        tpu.wait_dma2 semaphore(%run_scoped3A_621 : memref<!tpu.dma_semaphore, #tpu.memory_space<semaphore_mem>>) src(%dma_wait3A_653 : memref<64x32xf32, #tpu.memory_space<vmem>>) dst(%dma_wait3A_649 : memref<64x32xf32, #tpu.memory_space<vmem_shared>>)
        tpu.yield
      }) : () -> ()
      %jit3A_469 = arith.constant 2 : i32
      %eq3A_470 = arith.constant 0 : i32
      %eq3A_471 = arith.cmpi eq, %jit3A_469, %eq3A_470 : i32
      %jit3A_472 = arith.constant 1 : i32
      %select_n3A_473 = arith.select %eq3A_471, %jit3A_472, %jit3A_469 : i32
      %rem3A_474 = arith.remsi %scan3A_321, %select_n3A_473 : i32
      %ne3A_475 = arith.constant 0 : i32
      %ne3A_476 = arith.cmpi ne, %rem3A_474, %ne3A_475 : i32
      %lt3A_477 = arith.constant 0 : i32
      %lt3A_478 = arith.cmpi slt, %rem3A_474, %lt3A_477 : i32
      %lt3A_479 = arith.constant 0 : i32
      %lt3A_480 = arith.cmpi slt, %select_n3A_473, %lt3A_479 : i32
      %ne3A_481 = arith.xori %lt3A_478, %lt3A_480 : i1
      %and3A_482 = arith.andi %ne3A_481, %ne3A_476 : i1
      %add3A_483 = arith.addi %rem3A_474, %select_n3A_473 : i32
      %select_n3A_484 = arith.select %and3A_482, %add3A_483, %rem3A_474 : i32
      %jit3A_485 = arith.constant 3 : i32
      %eq3A_486 = arith.constant 0 : i32
      %eq3A_487 = arith.cmpi eq, %jit3A_485, %eq3A_486 : i32
      %jit3A_488 = arith.constant 1 : i32
      %select_n3A_489 = arith.select %eq3A_487, %jit3A_488, %jit3A_485 : i32
      %rem3A_490 = arith.remsi %scan3A_321, %select_n3A_489 : i32
      %ne3A_491 = arith.constant 0 : i32
      %ne3A_492 = arith.cmpi ne, %rem3A_490, %ne3A_491 : i32
      %lt3A_493 = arith.constant 0 : i32
      %lt3A_494 = arith.cmpi slt, %rem3A_490, %lt3A_493 : i32
      %lt3A_495 = arith.constant 0 : i32
      %lt3A_496 = arith.cmpi slt, %select_n3A_489, %lt3A_495 : i32
      %ne3A_497 = arith.xori %lt3A_494, %lt3A_496 : i1
      %and3A_498 = arith.andi %ne3A_497, %ne3A_492 : i1
      %add3A_499 = arith.addi %rem3A_490, %select_n3A_489 : i32
      %select_n3A_500 = arith.select %and3A_498, %add3A_499, %rem3A_490 : i32
      %dma_start3A_501 = arith.constant 0 : i32
      %dma_start3A_502 = arith.constant 0 : i32
      %dma_start3A_503 = arith.constant 0 : i32
      %dma_start3A_504 = tpu.memref_slice %arg12[%select_n3A_484, %dma_start3A_502, %dma_start3A_503] : memref<2x960x32xf32, #tpu.memory_space<vmem>> -> memref<1x120x32xf32, #tpu.memory_space<vmem>>
      %dma_start3A_505 = tpu.memref_squeeze %dma_start3A_504 : memref<1x120x32xf32, #tpu.memory_space<vmem>> -> memref<120x32xf32, #tpu.memory_space<vmem>>
      %dma_start3A_506 = arith.constant 0 : i32
      %dma_start3A_507 = tpu.memref_slice %arg10[%dma_start3A_501, %dma_start3A_506] : memref<8x120xi32, #tpu.memory_space<vmem>> -> memref<1x120xi32, #tpu.memory_space<vmem>>
      %dma_start3A_508 = tpu.memref_squeeze %dma_start3A_507 : memref<1x120xi32, #tpu.memory_space<vmem>> -> memref<120xi32, #tpu.memory_space<vmem>>
      %dma_start3A_509 = arith.constant 0 : i32
      %dma_start3A_510 = arith.constant 0 : i32
      %dma_start3A_511 = tpu.memref_slice %arg14[%arg1, %select_n3A_500, %dma_start3A_509, %dma_start3A_510] : memref<16x3x64x32xf32, #tpu.memory_space<vmem_shared>> -> memref<1x1x64x32xf32, #tpu.memory_space<vmem_shared>>
      %dma_start3A_512 = tpu.memref_squeeze %dma_start3A_511 : memref<1x1x64x32xf32, #tpu.memory_space<vmem_shared>> -> memref<64x32xf32, #tpu.memory_space<vmem_shared>>
      %dma_start3A_513 = arith.constant 0 : i32
      %dma_start3A_514 = arith.constant 0 : i32
      %dma_start3A_515 = tpu.memref_slice %dma_start3A_512[%dma_start3A_513, %dma_start3A_514] : memref<64x32xf32, #tpu.memory_space<vmem_shared>> -> memref<64x32xf32, #tpu.memory_space<vmem_shared>>
      tpu.enqueue_indirect_dma source(%dma_start3A_505 : memref<120x32xf32, #tpu.memory_space<vmem>>) target(%dma_start3A_515 : memref<64x32xf32, #tpu.memory_space<vmem_shared>>) offsets(%dma_start3A_508 : memref<120xi32, #tpu.memory_space<vmem>>) semaphore(%arg16 : memref<!tpu.dma_semaphore, #tpu.memory_space<semaphore_mem>>) {add = true}
      %dma_start3A_516 = arith.constant 1 : i32
      %dma_start3A_517 = arith.constant 120 : i32
      %dma_start3A_518 = arith.constant 0 : i32
      %dma_start3A_519 = tpu.memref_slice %arg12[%select_n3A_484, %dma_start3A_517, %dma_start3A_518] : memref<2x960x32xf32, #tpu.memory_space<vmem>> -> memref<1x120x32xf32, #tpu.memory_space<vmem>>
      %dma_start3A_520 = tpu.memref_squeeze %dma_start3A_519 : memref<1x120x32xf32, #tpu.memory_space<vmem>> -> memref<120x32xf32, #tpu.memory_space<vmem>>
      %dma_start3A_521 = arith.constant 0 : i32
      %dma_start3A_522 = tpu.memref_slice %arg10[%dma_start3A_516, %dma_start3A_521] : memref<8x120xi32, #tpu.memory_space<vmem>> -> memref<1x120xi32, #tpu.memory_space<vmem>>
      %dma_start3A_523 = tpu.memref_squeeze %dma_start3A_522 : memref<1x120xi32, #tpu.memory_space<vmem>> -> memref<120xi32, #tpu.memory_space<vmem>>
      %dma_start3A_524 = arith.constant 0 : i32
      %dma_start3A_525 = arith.constant 0 : i32
      %dma_start3A_526 = tpu.memref_slice %arg14[%arg1, %select_n3A_500, %dma_start3A_524, %dma_start3A_525] : memref<16x3x64x32xf32, #tpu.memory_space<vmem_shared>> -> memref<1x1x64x32xf32, #tpu.memory_space<vmem_shared>>
      %dma_start3A_527 = tpu.memref_squeeze %dma_start3A_526 : memref<1x1x64x32xf32, #tpu.memory_space<vmem_shared>> -> memref<64x32xf32, #tpu.memory_space<vmem_shared>>
      %dma_start3A_528 = arith.constant 0 : i32
      %dma_start3A_529 = arith.constant 0 : i32
      %dma_start3A_530 = tpu.memref_slice %dma_start3A_527[%dma_start3A_528, %dma_start3A_529] : memref<64x32xf32, #tpu.memory_space<vmem_shared>> -> memref<64x32xf32, #tpu.memory_space<vmem_shared>>
      tpu.enqueue_indirect_dma source(%dma_start3A_520 : memref<120x32xf32, #tpu.memory_space<vmem>>) target(%dma_start3A_530 : memref<64x32xf32, #tpu.memory_space<vmem_shared>>) offsets(%dma_start3A_523 : memref<120xi32, #tpu.memory_space<vmem>>) semaphore(%arg16 : memref<!tpu.dma_semaphore, #tpu.memory_space<semaphore_mem>>) {add = true}
      %dma_start3A_531 = arith.constant 2 : i32
      %dma_start3A_532 = arith.constant 240 : i32
      %dma_start3A_533 = arith.constant 0 : i32
      %dma_start3A_534 = tpu.memref_slice %arg12[%select_n3A_484, %dma_start3A_532, %dma_start3A_533] : memref<2x960x32xf32, #tpu.memory_space<vmem>> -> memref<1x120x32xf32, #tpu.memory_space<vmem>>
      %dma_start3A_535 = tpu.memref_squeeze %dma_start3A_534 : memref<1x120x32xf32, #tpu.memory_space<vmem>> -> memref<120x32xf32, #tpu.memory_space<vmem>>
      %dma_start3A_536 = arith.constant 0 : i32
      %dma_start3A_537 = tpu.memref_slice %arg10[%dma_start3A_531, %dma_start3A_536] : memref<8x120xi32, #tpu.memory_space<vmem>> -> memref<1x120xi32, #tpu.memory_space<vmem>>
      %dma_start3A_538 = tpu.memref_squeeze %dma_start3A_537 : memref<1x120xi32, #tpu.memory_space<vmem>> -> memref<120xi32, #tpu.memory_space<vmem>>
      %dma_start3A_539 = arith.constant 0 : i32
      %dma_start3A_540 = arith.constant 0 : i32
      %dma_start3A_541 = tpu.memref_slice %arg14[%arg1, %select_n3A_500, %dma_start3A_539, %dma_start3A_540] : memref<16x3x64x32xf32, #tpu.memory_space<vmem_shared>> -> memref<1x1x64x32xf32, #tpu.memory_space<vmem_shared>>
      %dma_start3A_542 = tpu.memref_squeeze %dma_start3A_541 : memref<1x1x64x32xf32, #tpu.memory_space<vmem_shared>> -> memref<64x32xf32, #tpu.memory_space<vmem_shared>>
      %dma_start3A_543 = arith.constant 0 : i32
      %dma_start3A_544 = arith.constant 0 : i32
      %dma_start3A_545 = tpu.memref_slice %dma_start3A_542[%dma_start3A_543, %dma_start3A_544] : memref<64x32xf32, #tpu.memory_space<vmem_shared>> -> memref<64x32xf32, #tpu.memory_space<vmem_shared>>
      tpu.enqueue_indirect_dma source(%dma_start3A_535 : memref<120x32xf32, #tpu.memory_space<vmem>>) target(%dma_start3A_545 : memref<64x32xf32, #tpu.memory_space<vmem_shared>>) offsets(%dma_start3A_538 : memref<120xi32, #tpu.memory_space<vmem>>) semaphore(%arg16 : memref<!tpu.dma_semaphore, #tpu.memory_space<semaphore_mem>>) {add = true}
      %dma_start3A_546 = arith.constant 3 : i32
      %dma_start3A_547 = arith.constant 360 : i32
      %dma_start3A_548 = arith.constant 0 : i32
      %dma_start3A_549 = tpu.memref_slice %arg12[%select_n3A_484, %dma_start3A_547, %dma_start3A_548] : memref<2x960x32xf32, #tpu.memory_space<vmem>> -> memref<1x120x32xf32, #tpu.memory_space<vmem>>
      %dma_start3A_550 = tpu.memref_squeeze %dma_start3A_549 : memref<1x120x32xf32, #tpu.memory_space<vmem>> -> memref<120x32xf32, #tpu.memory_space<vmem>>
      %dma_start3A_551 = arith.constant 0 : i32
      %dma_start3A_552 = tpu.memref_slice %arg10[%dma_start3A_546, %dma_start3A_551] : memref<8x120xi32, #tpu.memory_space<vmem>> -> memref<1x120xi32, #tpu.memory_space<vmem>>
      %dma_start3A_553 = tpu.memref_squeeze %dma_start3A_552 : memref<1x120xi32, #tpu.memory_space<vmem>> -> memref<120xi32, #tpu.memory_space<vmem>>
      %dma_start3A_554 = arith.constant 0 : i32
      %dma_start3A_555 = arith.constant 0 : i32
      %dma_start3A_556 = tpu.memref_slice %arg14[%arg1, %select_n3A_500, %dma_start3A_554, %dma_start3A_555] : memref<16x3x64x32xf32, #tpu.memory_space<vmem_shared>> -> memref<1x1x64x32xf32, #tpu.memory_space<vmem_shared>>
      %dma_start3A_557 = tpu.memref_squeeze %dma_start3A_556 : memref<1x1x64x32xf32, #tpu.memory_space<vmem_shared>> -> memref<64x32xf32, #tpu.memory_space<vmem_shared>>
      %dma_start3A_558 = arith.constant 0 : i32
      %dma_start3A_559 = arith.constant 0 : i32
      %dma_start3A_560 = tpu.memref_slice %dma_start3A_557[%dma_start3A_558, %dma_start3A_559] : memref<64x32xf32, #tpu.memory_space<vmem_shared>> -> memref<64x32xf32, #tpu.memory_space<vmem_shared>>
      tpu.enqueue_indirect_dma source(%dma_start3A_550 : memref<120x32xf32, #tpu.memory_space<vmem>>) target(%dma_start3A_560 : memref<64x32xf32, #tpu.memory_space<vmem_shared>>) offsets(%dma_start3A_553 : memref<120xi32, #tpu.memory_space<vmem>>) semaphore(%arg16 : memref<!tpu.dma_semaphore, #tpu.memory_space<semaphore_mem>>) {add = true}
      %dma_start3A_561 = arith.constant 4 : i32
      %dma_start3A_562 = arith.constant 480 : i32
      %dma_start3A_563 = arith.constant 0 : i32
      %dma_start3A_564 = tpu.memref_slice %arg12[%select_n3A_484, %dma_start3A_562, %dma_start3A_563] : memref<2x960x32xf32, #tpu.memory_space<vmem>> -> memref<1x120x32xf32, #tpu.memory_space<vmem>>
      %dma_start3A_565 = tpu.memref_squeeze %dma_start3A_564 : memref<1x120x32xf32, #tpu.memory_space<vmem>> -> memref<120x32xf32, #tpu.memory_space<vmem>>
      %dma_start3A_566 = arith.constant 0 : i32
      %dma_start3A_567 = tpu.memref_slice %arg10[%dma_start3A_561, %dma_start3A_566] : memref<8x120xi32, #tpu.memory_space<vmem>> -> memref<1x120xi32, #tpu.memory_space<vmem>>
      %dma_start3A_568 = tpu.memref_squeeze %dma_start3A_567 : memref<1x120xi32, #tpu.memory_space<vmem>> -> memref<120xi32, #tpu.memory_space<vmem>>
      %dma_start3A_569 = arith.constant 0 : i32
      %dma_start3A_570 = arith.constant 0 : i32
      %dma_start3A_571 = tpu.memref_slice %arg14[%arg1, %select_n3A_500, %dma_start3A_569, %dma_start3A_570] : memref<16x3x64x32xf32, #tpu.memory_space<vmem_shared>> -> memref<1x1x64x32xf32, #tpu.memory_space<vmem_shared>>
      %dma_start3A_572 = tpu.memref_squeeze %dma_start3A_571 : memref<1x1x64x32xf32, #tpu.memory_space<vmem_shared>> -> memref<64x32xf32, #tpu.memory_space<vmem_shared>>
      %dma_start3A_573 = arith.constant 0 : i32
      %dma_start3A_574 = arith.constant 0 : i32
      %dma_start3A_575 = tpu.memref_slice %dma_start3A_572[%dma_start3A_573, %dma_start3A_574] : memref<64x32xf32, #tpu.memory_space<vmem_shared>> -> memref<64x32xf32, #tpu.memory_space<vmem_shared>>
      tpu.enqueue_indirect_dma source(%dma_start3A_565 : memref<120x32xf32, #tpu.memory_space<vmem>>) target(%dma_start3A_575 : memref<64x32xf32, #tpu.memory_space<vmem_shared>>) offsets(%dma_start3A_568 : memref<120xi32, #tpu.memory_space<vmem>>) semaphore(%arg16 : memref<!tpu.dma_semaphore, #tpu.memory_space<semaphore_mem>>) {add = true}
      %dma_start3A_576 = arith.constant 5 : i32
      %dma_start3A_577 = arith.constant 600 : i32
      %dma_start3A_578 = arith.constant 0 : i32
      %dma_start3A_579 = tpu.memref_slice %arg12[%select_n3A_484, %dma_start3A_577, %dma_start3A_578] : memref<2x960x32xf32, #tpu.memory_space<vmem>> -> memref<1x120x32xf32, #tpu.memory_space<vmem>>
      %dma_start3A_580 = tpu.memref_squeeze %dma_start3A_579 : memref<1x120x32xf32, #tpu.memory_space<vmem>> -> memref<120x32xf32, #tpu.memory_space<vmem>>
      %dma_start3A_581 = arith.constant 0 : i32
      %dma_start3A_582 = tpu.memref_slice %arg10[%dma_start3A_576, %dma_start3A_581] : memref<8x120xi32, #tpu.memory_space<vmem>> -> memref<1x120xi32, #tpu.memory_space<vmem>>
      %dma_start3A_583 = tpu.memref_squeeze %dma_start3A_582 : memref<1x120xi32, #tpu.memory_space<vmem>> -> memref<120xi32, #tpu.memory_space<vmem>>
      %dma_start3A_584 = arith.constant 0 : i32
      %dma_start3A_585 = arith.constant 0 : i32
      %dma_start3A_586 = tpu.memref_slice %arg14[%arg1, %select_n3A_500, %dma_start3A_584, %dma_start3A_585] : memref<16x3x64x32xf32, #tpu.memory_space<vmem_shared>> -> memref<1x1x64x32xf32, #tpu.memory_space<vmem_shared>>
      %dma_start3A_587 = tpu.memref_squeeze %dma_start3A_586 : memref<1x1x64x32xf32, #tpu.memory_space<vmem_shared>> -> memref<64x32xf32, #tpu.memory_space<vmem_shared>>
      %dma_start3A_588 = arith.constant 0 : i32
      %dma_start3A_589 = arith.constant 0 : i32
      %dma_start3A_590 = tpu.memref_slice %dma_start3A_587[%dma_start3A_588, %dma_start3A_589] : memref<64x32xf32, #tpu.memory_space<vmem_shared>> -> memref<64x32xf32, #tpu.memory_space<vmem_shared>>
      tpu.enqueue_indirect_dma source(%dma_start3A_580 : memref<120x32xf32, #tpu.memory_space<vmem>>) target(%dma_start3A_590 : memref<64x32xf32, #tpu.memory_space<vmem_shared>>) offsets(%dma_start3A_583 : memref<120xi32, #tpu.memory_space<vmem>>) semaphore(%arg16 : memref<!tpu.dma_semaphore, #tpu.memory_space<semaphore_mem>>) {add = true}
      %dma_start3A_591 = arith.constant 6 : i32
      %dma_start3A_592 = arith.constant 720 : i32
      %dma_start3A_593 = arith.constant 0 : i32
      %dma_start3A_594 = tpu.memref_slice %arg12[%select_n3A_484, %dma_start3A_592, %dma_start3A_593] : memref<2x960x32xf32, #tpu.memory_space<vmem>> -> memref<1x120x32xf32, #tpu.memory_space<vmem>>
      %dma_start3A_595 = tpu.memref_squeeze %dma_start3A_594 : memref<1x120x32xf32, #tpu.memory_space<vmem>> -> memref<120x32xf32, #tpu.memory_space<vmem>>
      %dma_start3A_596 = arith.constant 0 : i32
      %dma_start3A_597 = tpu.memref_slice %arg10[%dma_start3A_591, %dma_start3A_596] : memref<8x120xi32, #tpu.memory_space<vmem>> -> memref<1x120xi32, #tpu.memory_space<vmem>>
      %dma_start3A_598 = tpu.memref_squeeze %dma_start3A_597 : memref<1x120xi32, #tpu.memory_space<vmem>> -> memref<120xi32, #tpu.memory_space<vmem>>
      %dma_start3A_599 = arith.constant 0 : i32
      %dma_start3A_600 = arith.constant 0 : i32
      %dma_start3A_601 = tpu.memref_slice %arg14[%arg1, %select_n3A_500, %dma_start3A_599, %dma_start3A_600] : memref<16x3x64x32xf32, #tpu.memory_space<vmem_shared>> -> memref<1x1x64x32xf32, #tpu.memory_space<vmem_shared>>
      %dma_start3A_602 = tpu.memref_squeeze %dma_start3A_601 : memref<1x1x64x32xf32, #tpu.memory_space<vmem_shared>> -> memref<64x32xf32, #tpu.memory_space<vmem_shared>>
      %dma_start3A_603 = arith.constant 0 : i32
      %dma_start3A_604 = arith.constant 0 : i32
      %dma_start3A_605 = tpu.memref_slice %dma_start3A_602[%dma_start3A_603, %dma_start3A_604] : memref<64x32xf32, #tpu.memory_space<vmem_shared>> -> memref<64x32xf32, #tpu.memory_space<vmem_shared>>
      tpu.enqueue_indirect_dma source(%dma_start3A_595 : memref<120x32xf32, #tpu.memory_space<vmem>>) target(%dma_start3A_605 : memref<64x32xf32, #tpu.memory_space<vmem_shared>>) offsets(%dma_start3A_598 : memref<120xi32, #tpu.memory_space<vmem>>) semaphore(%arg16 : memref<!tpu.dma_semaphore, #tpu.memory_space<semaphore_mem>>) {add = true}
      %dma_start3A_606 = arith.constant 7 : i32
      %dma_start3A_607 = arith.constant 840 : i32
      %dma_start3A_608 = arith.constant 0 : i32
      %dma_start3A_609 = tpu.memref_slice %arg12[%select_n3A_484, %dma_start3A_607, %dma_start3A_608] : memref<2x960x32xf32, #tpu.memory_space<vmem>> -> memref<1x120x32xf32, #tpu.memory_space<vmem>>
      %dma_start3A_610 = tpu.memref_squeeze %dma_start3A_609 : memref<1x120x32xf32, #tpu.memory_space<vmem>> -> memref<120x32xf32, #tpu.memory_space<vmem>>
      %dma_start3A_611 = arith.constant 0 : i32
      %dma_start3A_612 = tpu.memref_slice %arg10[%dma_start3A_606, %dma_start3A_611] : memref<8x120xi32, #tpu.memory_space<vmem>> -> memref<1x120xi32, #tpu.memory_space<vmem>>
      %dma_start3A_613 = tpu.memref_squeeze %dma_start3A_612 : memref<1x120xi32, #tpu.memory_space<vmem>> -> memref<120xi32, #tpu.memory_space<vmem>>
      %dma_start3A_614 = arith.constant 0 : i32
      %dma_start3A_615 = arith.constant 0 : i32
      %dma_start3A_616 = tpu.memref_slice %arg14[%arg1, %select_n3A_500, %dma_start3A_614, %dma_start3A_615] : memref<16x3x64x32xf32, #tpu.memory_space<vmem_shared>> -> memref<1x1x64x32xf32, #tpu.memory_space<vmem_shared>>
      %dma_start3A_617 = tpu.memref_squeeze %dma_start3A_616 : memref<1x1x64x32xf32, #tpu.memory_space<vmem_shared>> -> memref<64x32xf32, #tpu.memory_space<vmem_shared>>
      %dma_start3A_618 = arith.constant 0 : i32
      %dma_start3A_619 = arith.constant 0 : i32
      %dma_start3A_620 = tpu.memref_slice %dma_start3A_617[%dma_start3A_618, %dma_start3A_619] : memref<64x32xf32, #tpu.memory_space<vmem_shared>> -> memref<64x32xf32, #tpu.memory_space<vmem_shared>>
      tpu.enqueue_indirect_dma source(%dma_start3A_610 : memref<120x32xf32, #tpu.memory_space<vmem>>) target(%dma_start3A_620 : memref<64x32xf32, #tpu.memory_space<vmem_shared>>) offsets(%dma_start3A_613 : memref<120xi32, #tpu.memory_space<vmem>>) semaphore(%arg16 : memref<!tpu.dma_semaphore, #tpu.memory_space<semaphore_mem>>) {add = true}
    }
    %scan3A_155 = arith.constant 64 : i32
    %dma_wait3A = arith.constant 1 : i32
    %dma_wait3A_156 = arith.constant 0 : i32
    %dma_wait3A_157 = arith.constant 0 : i32
    %dma_wait3A_158 = arith.constant 0 : i32
    %dma_wait3A_159 = arith.constant 0 : i32
    %dma_wait3A_160 = tpu.memref_slice %arg12[%dma_wait3A, %dma_wait3A_158, %dma_wait3A_159] : memref<2x960x32xf32, #tpu.memory_space<vmem>> -> memref<1x120x32xf32, #tpu.memory_space<vmem>>
    %dma_wait3A_161 = tpu.memref_squeeze %dma_wait3A_160 : memref<1x120x32xf32, #tpu.memory_space<vmem>> -> memref<120x32xf32, #tpu.memory_space<vmem>>
    %dma_wait3A_162 = arith.constant 0 : i32
    %dma_wait3A_163 = tpu.memref_slice %arg10[%dma_wait3A_157, %dma_wait3A_162] : memref<8x120xi32, #tpu.memory_space<vmem>> -> memref<1x120xi32, #tpu.memory_space<vmem>>
    %dma_wait3A_164 = tpu.memref_squeeze %dma_wait3A_163 : memref<1x120xi32, #tpu.memory_space<vmem>> -> memref<120xi32, #tpu.memory_space<vmem>>
    %dma_wait3A_165 = arith.constant 0 : i32
    %dma_wait3A_166 = arith.constant 0 : i32
    %dma_wait3A_167 = tpu.memref_slice %arg14[%arg1, %dma_wait3A_156, %dma_wait3A_165, %dma_wait3A_166] : memref<16x3x64x32xf32, #tpu.memory_space<vmem_shared>> -> memref<1x1x64x32xf32, #tpu.memory_space<vmem_shared>>
    %dma_wait3A_168 = tpu.memref_squeeze %dma_wait3A_167 : memref<1x1x64x32xf32, #tpu.memory_space<vmem_shared>> -> memref<64x32xf32, #tpu.memory_space<vmem_shared>>
    %dma_wait3A_169 = arith.constant 0 : i32
    %dma_wait3A_170 = arith.constant 0 : i32
    %dma_wait3A_171 = tpu.memref_slice %dma_wait3A_168[%dma_wait3A_169, %dma_wait3A_170] : memref<64x32xf32, #tpu.memory_space<vmem_shared>> -> memref<64x32xf32, #tpu.memory_space<vmem_shared>>
    tpu.wait_indirect_dma semaphore(%arg16 : memref<!tpu.dma_semaphore, #tpu.memory_space<semaphore_mem>>) src(%dma_wait3A_161 : memref<120x32xf32, #tpu.memory_space<vmem>>) dst(%dma_wait3A_171 : memref<64x32xf32, #tpu.memory_space<vmem_shared>>)
    %dma_wait3A_172 = arith.constant 1 : i32
    %dma_wait3A_173 = arith.constant 0 : i32
    %dma_wait3A_174 = arith.constant 1 : i32
    %dma_wait3A_175 = arith.constant 120 : i32
    %dma_wait3A_176 = arith.constant 0 : i32
    %dma_wait3A_177 = tpu.memref_slice %arg12[%dma_wait3A_172, %dma_wait3A_175, %dma_wait3A_176] : memref<2x960x32xf32, #tpu.memory_space<vmem>> -> memref<1x120x32xf32, #tpu.memory_space<vmem>>
    %dma_wait3A_178 = tpu.memref_squeeze %dma_wait3A_177 : memref<1x120x32xf32, #tpu.memory_space<vmem>> -> memref<120x32xf32, #tpu.memory_space<vmem>>
    %dma_wait3A_179 = arith.constant 0 : i32
    %dma_wait3A_180 = tpu.memref_slice %arg10[%dma_wait3A_174, %dma_wait3A_179] : memref<8x120xi32, #tpu.memory_space<vmem>> -> memref<1x120xi32, #tpu.memory_space<vmem>>
    %dma_wait3A_181 = tpu.memref_squeeze %dma_wait3A_180 : memref<1x120xi32, #tpu.memory_space<vmem>> -> memref<120xi32, #tpu.memory_space<vmem>>
    %dma_wait3A_182 = arith.constant 0 : i32
    %dma_wait3A_183 = arith.constant 0 : i32
    %dma_wait3A_184 = tpu.memref_slice %arg14[%arg1, %dma_wait3A_173, %dma_wait3A_182, %dma_wait3A_183] : memref<16x3x64x32xf32, #tpu.memory_space<vmem_shared>> -> memref<1x1x64x32xf32, #tpu.memory_space<vmem_shared>>
    %dma_wait3A_185 = tpu.memref_squeeze %dma_wait3A_184 : memref<1x1x64x32xf32, #tpu.memory_space<vmem_shared>> -> memref<64x32xf32, #tpu.memory_space<vmem_shared>>
    %dma_wait3A_186 = arith.constant 0 : i32
    %dma_wait3A_187 = arith.constant 0 : i32
    %dma_wait3A_188 = tpu.memref_slice %dma_wait3A_185[%dma_wait3A_186, %dma_wait3A_187] : memref<64x32xf32, #tpu.memory_space<vmem_shared>> -> memref<64x32xf32, #tpu.memory_space<vmem_shared>>
    tpu.wait_indirect_dma semaphore(%arg16 : memref<!tpu.dma_semaphore, #tpu.memory_space<semaphore_mem>>) src(%dma_wait3A_178 : memref<120x32xf32, #tpu.memory_space<vmem>>) dst(%dma_wait3A_188 : memref<64x32xf32, #tpu.memory_space<vmem_shared>>)
    %dma_wait3A_189 = arith.constant 1 : i32
    %dma_wait3A_190 = arith.constant 0 : i32
    %dma_wait3A_191 = arith.constant 2 : i32
    %dma_wait3A_192 = arith.constant 240 : i32
    %dma_wait3A_193 = arith.constant 0 : i32
    %dma_wait3A_194 = tpu.memref_slice %arg12[%dma_wait3A_189, %dma_wait3A_192, %dma_wait3A_193] : memref<2x960x32xf32, #tpu.memory_space<vmem>> -> memref<1x120x32xf32, #tpu.memory_space<vmem>>
    %dma_wait3A_195 = tpu.memref_squeeze %dma_wait3A_194 : memref<1x120x32xf32, #tpu.memory_space<vmem>> -> memref<120x32xf32, #tpu.memory_space<vmem>>
    %dma_wait3A_196 = arith.constant 0 : i32
    %dma_wait3A_197 = tpu.memref_slice %arg10[%dma_wait3A_191, %dma_wait3A_196] : memref<8x120xi32, #tpu.memory_space<vmem>> -> memref<1x120xi32, #tpu.memory_space<vmem>>
    %dma_wait3A_198 = tpu.memref_squeeze %dma_wait3A_197 : memref<1x120xi32, #tpu.memory_space<vmem>> -> memref<120xi32, #tpu.memory_space<vmem>>
    %dma_wait3A_199 = arith.constant 0 : i32
    %dma_wait3A_200 = arith.constant 0 : i32
    %dma_wait3A_201 = tpu.memref_slice %arg14[%arg1, %dma_wait3A_190, %dma_wait3A_199, %dma_wait3A_200] : memref<16x3x64x32xf32, #tpu.memory_space<vmem_shared>> -> memref<1x1x64x32xf32, #tpu.memory_space<vmem_shared>>
    %dma_wait3A_202 = tpu.memref_squeeze %dma_wait3A_201 : memref<1x1x64x32xf32, #tpu.memory_space<vmem_shared>> -> memref<64x32xf32, #tpu.memory_space<vmem_shared>>
    %dma_wait3A_203 = arith.constant 0 : i32
    %dma_wait3A_204 = arith.constant 0 : i32
    %dma_wait3A_205 = tpu.memref_slice %dma_wait3A_202[%dma_wait3A_203, %dma_wait3A_204] : memref<64x32xf32, #tpu.memory_space<vmem_shared>> -> memref<64x32xf32, #tpu.memory_space<vmem_shared>>
    tpu.wait_indirect_dma semaphore(%arg16 : memref<!tpu.dma_semaphore, #tpu.memory_space<semaphore_mem>>) src(%dma_wait3A_195 : memref<120x32xf32, #tpu.memory_space<vmem>>) dst(%dma_wait3A_205 : memref<64x32xf32, #tpu.memory_space<vmem_shared>>)
    %dma_wait3A_206 = arith.constant 1 : i32
    %dma_wait3A_207 = arith.constant 0 : i32
    %dma_wait3A_208 = arith.constant 3 : i32
    %dma_wait3A_209 = arith.constant 360 : i32
    %dma_wait3A_210 = arith.constant 0 : i32
    %dma_wait3A_211 = tpu.memref_slice %arg12[%dma_wait3A_206, %dma_wait3A_209, %dma_wait3A_210] : memref<2x960x32xf32, #tpu.memory_space<vmem>> -> memref<1x120x32xf32, #tpu.memory_space<vmem>>
    %dma_wait3A_212 = tpu.memref_squeeze %dma_wait3A_211 : memref<1x120x32xf32, #tpu.memory_space<vmem>> -> memref<120x32xf32, #tpu.memory_space<vmem>>
    %dma_wait3A_213 = arith.constant 0 : i32
    %dma_wait3A_214 = tpu.memref_slice %arg10[%dma_wait3A_208, %dma_wait3A_213] : memref<8x120xi32, #tpu.memory_space<vmem>> -> memref<1x120xi32, #tpu.memory_space<vmem>>
    %dma_wait3A_215 = tpu.memref_squeeze %dma_wait3A_214 : memref<1x120xi32, #tpu.memory_space<vmem>> -> memref<120xi32, #tpu.memory_space<vmem>>
    %dma_wait3A_216 = arith.constant 0 : i32
    %dma_wait3A_217 = arith.constant 0 : i32
    %dma_wait3A_218 = tpu.memref_slice %arg14[%arg1, %dma_wait3A_207, %dma_wait3A_216, %dma_wait3A_217] : memref<16x3x64x32xf32, #tpu.memory_space<vmem_shared>> -> memref<1x1x64x32xf32, #tpu.memory_space<vmem_shared>>
    %dma_wait3A_219 = tpu.memref_squeeze %dma_wait3A_218 : memref<1x1x64x32xf32, #tpu.memory_space<vmem_shared>> -> memref<64x32xf32, #tpu.memory_space<vmem_shared>>
    %dma_wait3A_220 = arith.constant 0 : i32
    %dma_wait3A_221 = arith.constant 0 : i32
    %dma_wait3A_222 = tpu.memref_slice %dma_wait3A_219[%dma_wait3A_220, %dma_wait3A_221] : memref<64x32xf32, #tpu.memory_space<vmem_shared>> -> memref<64x32xf32, #tpu.memory_space<vmem_shared>>
    tpu.wait_indirect_dma semaphore(%arg16 : memref<!tpu.dma_semaphore, #tpu.memory_space<semaphore_mem>>) src(%dma_wait3A_212 : memref<120x32xf32, #tpu.memory_space<vmem>>) dst(%dma_wait3A_222 : memref<64x32xf32, #tpu.memory_space<vmem_shared>>)
    %dma_wait3A_223 = arith.constant 1 : i32
    %dma_wait3A_224 = arith.constant 0 : i32
    %dma_wait3A_225 = arith.constant 4 : i32
    %dma_wait3A_226 = arith.constant 480 : i32
    %dma_wait3A_227 = arith.constant 0 : i32
    %dma_wait3A_228 = tpu.memref_slice %arg12[%dma_wait3A_223, %dma_wait3A_226, %dma_wait3A_227] : memref<2x960x32xf32, #tpu.memory_space<vmem>> -> memref<1x120x32xf32, #tpu.memory_space<vmem>>
    %dma_wait3A_229 = tpu.memref_squeeze %dma_wait3A_228 : memref<1x120x32xf32, #tpu.memory_space<vmem>> -> memref<120x32xf32, #tpu.memory_space<vmem>>
    %dma_wait3A_230 = arith.constant 0 : i32
    %dma_wait3A_231 = tpu.memref_slice %arg10[%dma_wait3A_225, %dma_wait3A_230] : memref<8x120xi32, #tpu.memory_space<vmem>> -> memref<1x120xi32, #tpu.memory_space<vmem>>
    %dma_wait3A_232 = tpu.memref_squeeze %dma_wait3A_231 : memref<1x120xi32, #tpu.memory_space<vmem>> -> memref<120xi32, #tpu.memory_space<vmem>>
    %dma_wait3A_233 = arith.constant 0 : i32
    %dma_wait3A_234 = arith.constant 0 : i32
    %dma_wait3A_235 = tpu.memref_slice %arg14[%arg1, %dma_wait3A_224, %dma_wait3A_233, %dma_wait3A_234] : memref<16x3x64x32xf32, #tpu.memory_space<vmem_shared>> -> memref<1x1x64x32xf32, #tpu.memory_space<vmem_shared>>
    %dma_wait3A_236 = tpu.memref_squeeze %dma_wait3A_235 : memref<1x1x64x32xf32, #tpu.memory_space<vmem_shared>> -> memref<64x32xf32, #tpu.memory_space<vmem_shared>>
    %dma_wait3A_237 = arith.constant 0 : i32
    %dma_wait3A_238 = arith.constant 0 : i32
    %dma_wait3A_239 = tpu.memref_slice %dma_wait3A_236[%dma_wait3A_237, %dma_wait3A_238] : memref<64x32xf32, #tpu.memory_space<vmem_shared>> -> memref<64x32xf32, #tpu.memory_space<vmem_shared>>
    tpu.wait_indirect_dma semaphore(%arg16 : memref<!tpu.dma_semaphore, #tpu.memory_space<semaphore_mem>>) src(%dma_wait3A_229 : memref<120x32xf32, #tpu.memory_space<vmem>>) dst(%dma_wait3A_239 : memref<64x32xf32, #tpu.memory_space<vmem_shared>>)
    %dma_wait3A_240 = arith.constant 1 : i32
    %dma_wait3A_241 = arith.constant 0 : i32
    %dma_wait3A_242 = arith.constant 5 : i32
    %dma_wait3A_243 = arith.constant 600 : i32
    %dma_wait3A_244 = arith.constant 0 : i32
    %dma_wait3A_245 = tpu.memref_slice %arg12[%dma_wait3A_240, %dma_wait3A_243, %dma_wait3A_244] : memref<2x960x32xf32, #tpu.memory_space<vmem>> -> memref<1x120x32xf32, #tpu.memory_space<vmem>>
    %dma_wait3A_246 = tpu.memref_squeeze %dma_wait3A_245 : memref<1x120x32xf32, #tpu.memory_space<vmem>> -> memref<120x32xf32, #tpu.memory_space<vmem>>
    %dma_wait3A_247 = arith.constant 0 : i32
    %dma_wait3A_248 = tpu.memref_slice %arg10[%dma_wait3A_242, %dma_wait3A_247] : memref<8x120xi32, #tpu.memory_space<vmem>> -> memref<1x120xi32, #tpu.memory_space<vmem>>
    %dma_wait3A_249 = tpu.memref_squeeze %dma_wait3A_248 : memref<1x120xi32, #tpu.memory_space<vmem>> -> memref<120xi32, #tpu.memory_space<vmem>>
    %dma_wait3A_250 = arith.constant 0 : i32
    %dma_wait3A_251 = arith.constant 0 : i32
    %dma_wait3A_252 = tpu.memref_slice %arg14[%arg1, %dma_wait3A_241, %dma_wait3A_250, %dma_wait3A_251] : memref<16x3x64x32xf32, #tpu.memory_space<vmem_shared>> -> memref<1x1x64x32xf32, #tpu.memory_space<vmem_shared>>
    %dma_wait3A_253 = tpu.memref_squeeze %dma_wait3A_252 : memref<1x1x64x32xf32, #tpu.memory_space<vmem_shared>> -> memref<64x32xf32, #tpu.memory_space<vmem_shared>>
    %dma_wait3A_254 = arith.constant 0 : i32
    %dma_wait3A_255 = arith.constant 0 : i32
    %dma_wait3A_256 = tpu.memref_slice %dma_wait3A_253[%dma_wait3A_254, %dma_wait3A_255] : memref<64x32xf32, #tpu.memory_space<vmem_shared>> -> memref<64x32xf32, #tpu.memory_space<vmem_shared>>
    tpu.wait_indirect_dma semaphore(%arg16 : memref<!tpu.dma_semaphore, #tpu.memory_space<semaphore_mem>>) src(%dma_wait3A_246 : memref<120x32xf32, #tpu.memory_space<vmem>>) dst(%dma_wait3A_256 : memref<64x32xf32, #tpu.memory_space<vmem_shared>>)
    %dma_wait3A_257 = arith.constant 1 : i32
    %dma_wait3A_258 = arith.constant 0 : i32
    %dma_wait3A_259 = arith.constant 6 : i32
    %dma_wait3A_260 = arith.constant 720 : i32
    %dma_wait3A_261 = arith.constant 0 : i32
    %dma_wait3A_262 = tpu.memref_slice %arg12[%dma_wait3A_257, %dma_wait3A_260, %dma_wait3A_261] : memref<2x960x32xf32, #tpu.memory_space<vmem>> -> memref<1x120x32xf32, #tpu.memory_space<vmem>>
    %dma_wait3A_263 = tpu.memref_squeeze %dma_wait3A_262 : memref<1x120x32xf32, #tpu.memory_space<vmem>> -> memref<120x32xf32, #tpu.memory_space<vmem>>
    %dma_wait3A_264 = arith.constant 0 : i32
    %dma_wait3A_265 = tpu.memref_slice %arg10[%dma_wait3A_259, %dma_wait3A_264] : memref<8x120xi32, #tpu.memory_space<vmem>> -> memref<1x120xi32, #tpu.memory_space<vmem>>
    %dma_wait3A_266 = tpu.memref_squeeze %dma_wait3A_265 : memref<1x120xi32, #tpu.memory_space<vmem>> -> memref<120xi32, #tpu.memory_space<vmem>>
    %dma_wait3A_267 = arith.constant 0 : i32
    %dma_wait3A_268 = arith.constant 0 : i32
    %dma_wait3A_269 = tpu.memref_slice %arg14[%arg1, %dma_wait3A_258, %dma_wait3A_267, %dma_wait3A_268] : memref<16x3x64x32xf32, #tpu.memory_space<vmem_shared>> -> memref<1x1x64x32xf32, #tpu.memory_space<vmem_shared>>
    %dma_wait3A_270 = tpu.memref_squeeze %dma_wait3A_269 : memref<1x1x64x32xf32, #tpu.memory_space<vmem_shared>> -> memref<64x32xf32, #tpu.memory_space<vmem_shared>>
    %dma_wait3A_271 = arith.constant 0 : i32
    %dma_wait3A_272 = arith.constant 0 : i32
    %dma_wait3A_273 = tpu.memref_slice %dma_wait3A_270[%dma_wait3A_271, %dma_wait3A_272] : memref<64x32xf32, #tpu.memory_space<vmem_shared>> -> memref<64x32xf32, #tpu.memory_space<vmem_shared>>
    tpu.wait_indirect_dma semaphore(%arg16 : memref<!tpu.dma_semaphore, #tpu.memory_space<semaphore_mem>>) src(%dma_wait3A_263 : memref<120x32xf32, #tpu.memory_space<vmem>>) dst(%dma_wait3A_273 : memref<64x32xf32, #tpu.memory_space<vmem_shared>>)
    %dma_wait3A_274 = arith.constant 1 : i32
    %dma_wait3A_275 = arith.constant 0 : i32
    %dma_wait3A_276 = arith.constant 7 : i32
    %dma_wait3A_277 = arith.constant 840 : i32
    %dma_wait3A_278 = arith.constant 0 : i32
    %dma_wait3A_279 = tpu.memref_slice %arg12[%dma_wait3A_274, %dma_wait3A_277, %dma_wait3A_278] : memref<2x960x32xf32, #tpu.memory_space<vmem>> -> memref<1x120x32xf32, #tpu.memory_space<vmem>>
    %dma_wait3A_280 = tpu.memref_squeeze %dma_wait3A_279 : memref<1x120x32xf32, #tpu.memory_space<vmem>> -> memref<120x32xf32, #tpu.memory_space<vmem>>
    %dma_wait3A_281 = arith.constant 0 : i32
    %dma_wait3A_282 = tpu.memref_slice %arg10[%dma_wait3A_276, %dma_wait3A_281] : memref<8x120xi32, #tpu.memory_space<vmem>> -> memref<1x120xi32, #tpu.memory_space<vmem>>
    %dma_wait3A_283 = tpu.memref_squeeze %dma_wait3A_282 : memref<1x120xi32, #tpu.memory_space<vmem>> -> memref<120xi32, #tpu.memory_space<vmem>>
    %dma_wait3A_284 = arith.constant 0 : i32
    %dma_wait3A_285 = arith.constant 0 : i32
    %dma_wait3A_286 = tpu.memref_slice %arg14[%arg1, %dma_wait3A_275, %dma_wait3A_284, %dma_wait3A_285] : memref<16x3x64x32xf32, #tpu.memory_space<vmem_shared>> -> memref<1x1x64x32xf32, #tpu.memory_space<vmem_shared>>
    %dma_wait3A_287 = tpu.memref_squeeze %dma_wait3A_286 : memref<1x1x64x32xf32, #tpu.memory_space<vmem_shared>> -> memref<64x32xf32, #tpu.memory_space<vmem_shared>>
    %dma_wait3A_288 = arith.constant 0 : i32
    %dma_wait3A_289 = arith.constant 0 : i32
    %dma_wait3A_290 = tpu.memref_slice %dma_wait3A_287[%dma_wait3A_288, %dma_wait3A_289] : memref<64x32xf32, #tpu.memory_space<vmem_shared>> -> memref<64x32xf32, #tpu.memory_space<vmem_shared>>
    tpu.wait_indirect_dma semaphore(%arg16 : memref<!tpu.dma_semaphore, #tpu.memory_space<semaphore_mem>>) src(%dma_wait3A_280 : memref<120x32xf32, #tpu.memory_space<vmem>>) dst(%dma_wait3A_290 : memref<64x32xf32, #tpu.memory_space<vmem_shared>>)
    %dma_wait3A_291 = arith.constant 2 : i32
    %dma_wait3A_292 = arith.constant 62 : i32
    %dma_wait3A_293 = arith.constant 0 : i32
    %dma_wait3A_294 = arith.constant 0 : i32
    %dma_wait3A_295 = tpu.memref_slice %arg7[%add3A, %dma_wait3A_292, %dma_wait3A_293, %dma_wait3A_294] : memref<32x64x64x128xf32, #tpu.memory_space<hbm>> -> memref<1x1x64x32xf32, #tpu.memory_space<hbm>>
    %dma_wait3A_296 = tpu.memref_squeeze %dma_wait3A_295 : memref<1x1x64x32xf32, #tpu.memory_space<hbm>> -> memref<64x32xf32, #tpu.memory_space<hbm>>
    %dma_wait3A_297 = arith.constant 0 : i32
    %dma_wait3A_298 = arith.constant 0 : i32
    %dma_wait3A_299 = tpu.memref_slice %arg14[%arg1, %dma_wait3A_291, %dma_wait3A_297, %dma_wait3A_298] : memref<16x3x64x32xf32, #tpu.memory_space<vmem_shared>> -> memref<1x1x64x32xf32, #tpu.memory_space<vmem_shared>>
    %dma_wait3A_300 = tpu.memref_squeeze %dma_wait3A_299 : memref<1x1x64x32xf32, #tpu.memory_space<vmem_shared>> -> memref<64x32xf32, #tpu.memory_space<vmem_shared>>
    tpu.wait_dma2 semaphore(%arg17 : memref<!tpu.dma_semaphore, #tpu.memory_space<semaphore_mem>>) src(%dma_wait3A_300 : memref<64x32xf32, #tpu.memory_space<vmem_shared>>) dst(%dma_wait3A_296 : memref<64x32xf32, #tpu.memory_space<hbm>>)
    %dma_start3A_301 = arith.constant 0 : i32
    %dma_start3A_302 = arith.constant 63 : i32
    %dma_start3A_303 = arith.constant 0 : i32
    %dma_start3A_304 = arith.constant 0 : i32
    %dma_start3A_305 = tpu.memref_slice %arg7[%add3A, %dma_start3A_302, %dma_start3A_303, %dma_start3A_304] : memref<32x64x64x128xf32, #tpu.memory_space<hbm>> -> memref<1x1x64x32xf32, #tpu.memory_space<hbm>>
    %dma_start3A_306 = tpu.memref_squeeze %dma_start3A_305 : memref<1x1x64x32xf32, #tpu.memory_space<hbm>> -> memref<64x32xf32, #tpu.memory_space<hbm>>
    %dma_start3A_307 = arith.constant 0 : i32
    %dma_start3A_308 = arith.constant 0 : i32
    %dma_start3A_309 = tpu.memref_slice %arg14[%arg1, %dma_start3A_301, %dma_start3A_307, %dma_start3A_308] : memref<16x3x64x32xf32, #tpu.memory_space<vmem_shared>> -> memref<1x1x64x32xf32, #tpu.memory_space<vmem_shared>>
    %dma_start3A_310 = tpu.memref_squeeze %dma_start3A_309 : memref<1x1x64x32xf32, #tpu.memory_space<vmem_shared>> -> memref<64x32xf32, #tpu.memory_space<vmem_shared>>
    tpu.enqueue_dma source(%dma_start3A_310 : memref<64x32xf32, #tpu.memory_space<vmem_shared>>) target(%dma_start3A_306 : memref<64x32xf32, #tpu.memory_space<hbm>>) target_semaphore(%arg17 : memref<!tpu.dma_semaphore, #tpu.memory_space<semaphore_mem>>)
    %dma_wait3A_311 = arith.constant 0 : i32
    %dma_wait3A_312 = arith.constant 63 : i32
    %dma_wait3A_313 = arith.constant 0 : i32
    %dma_wait3A_314 = arith.constant 0 : i32
    %dma_wait3A_315 = tpu.memref_slice %arg7[%add3A, %dma_wait3A_312, %dma_wait3A_313, %dma_wait3A_314] : memref<32x64x64x128xf32, #tpu.memory_space<hbm>> -> memref<1x1x64x32xf32, #tpu.memory_space<hbm>>
    %dma_wait3A_316 = tpu.memref_squeeze %dma_wait3A_315 : memref<1x1x64x32xf32, #tpu.memory_space<hbm>> -> memref<64x32xf32, #tpu.memory_space<hbm>>
    %dma_wait3A_317 = arith.constant 0 : i32
    %dma_wait3A_318 = arith.constant 0 : i32
    %dma_wait3A_319 = tpu.memref_slice %arg14[%arg1, %dma_wait3A_311, %dma_wait3A_317, %dma_wait3A_318] : memref<16x3x64x32xf32, #tpu.memory_space<vmem_shared>> -> memref<1x1x64x32xf32, #tpu.memory_space<vmem_shared>>
    %dma_wait3A_320 = tpu.memref_squeeze %dma_wait3A_319 : memref<1x1x64x32xf32, #tpu.memory_space<vmem_shared>> -> memref<64x32xf32, #tpu.memory_space<vmem_shared>>
    tpu.wait_dma2 semaphore(%arg17 : memref<!tpu.dma_semaphore, #tpu.memory_space<semaphore_mem>>) src(%dma_wait3A_320 : memref<64x32xf32, #tpu.memory_space<vmem_shared>>) dst(%dma_wait3A_316 : memref<64x32xf32, #tpu.memory_space<hbm>>)
    return
  }
}

module attributes {stable_mosaic.version = 14 : i64} {
  func.func @_table_body(%arg0: memref<1537x32xf32, #tpu.memory_space<vmem>>, %arg1: memref<5x32x32xf32, #tpu.memory_space<vmem>>, %arg2: memref<512x32xf32, #tpu.memory_space<vmem>>, %arg3: memref<8197x32xf32, #tpu.memory_space<vmem>>) attributes {dimension_semantics = [], scalar_prefetch = 0 : i64, scratch_operands = 0 : i64, tpu.core_type = #tpu.core_type<tc>} {
    %get3A = arith.constant 0 : index
    %get3A_0 = arith.constant 0 : index
    %get3A_1 = vector.load %arg0[%get3A, %get3A_0] : memref<1537x32xf32, #tpu.memory_space<vmem>>, vector<1537x32xf32>
    %get3A_2 = arith.constant 0 : index
    %get3A_3 = arith.constant 0 : index
    %get3A_4 = arith.constant 0 : index
    %get3A_5 = vector.load %arg1[%get3A_2, %get3A_3, %get3A_4] : memref<5x32x32xf32, #tpu.memory_space<vmem>>, vector<1x32x32xf32>
    %get3A_6 = vector.shape_cast %get3A_5 : vector<1x32x32xf32> to vector<32x32xf32>
    %dot_general3A = arith.constant dense<0.000000e+00> : vector<1537x32xf32>
    %dot_general3A_7 = tpu.matmul %get3A_1, %get3A_6, %dot_general3A {dimension_numbers = #tpu.dot_dimension_numbers<[1], [0], [0], [1], [0, 0, 1, 1], [], []>, transpose_lhs_hint = false} : vector<1537x32xf32>, vector<32x32xf32>, vector<1537x32xf32> -> vector<1537x32xf32>
    %mul3A = arith.constant 0.333333343 : f32
    %mul3A_8 = vector.broadcast %mul3A : f32 to vector<1537x32xf32>
    %mul3A_9 = arith.mulf %dot_general3A_7, %mul3A_8 : vector<1537x32xf32>
    %get3A_10 = arith.constant 1 : index
    %get3A_11 = arith.constant 0 : index
    %get3A_12 = arith.constant 0 : index
    %get3A_13 = vector.load %arg1[%get3A_10, %get3A_11, %get3A_12] : memref<5x32x32xf32, #tpu.memory_space<vmem>>, vector<1x32x32xf32>
    %get3A_14 = vector.shape_cast %get3A_13 : vector<1x32x32xf32> to vector<32x32xf32>
    %dot_general3A_15 = arith.constant dense<0.000000e+00> : vector<1537x32xf32>
    %dot_general3A_16 = tpu.matmul %get3A_1, %get3A_14, %dot_general3A_15 {dimension_numbers = #tpu.dot_dimension_numbers<[1], [0], [0], [1], [0, 0, 1, 1], [], []>, transpose_lhs_hint = false} : vector<1537x32xf32>, vector<32x32xf32>, vector<1537x32xf32> -> vector<1537x32xf32>
    %mul3A_17 = arith.constant 0.333333343 : f32
    %mul3A_18 = vector.broadcast %mul3A_17 : f32 to vector<1537x32xf32>
    %mul3A_19 = arith.mulf %dot_general3A_16, %mul3A_18 : vector<1537x32xf32>
    %get3A_20 = arith.constant 2 : index
    %get3A_21 = arith.constant 0 : index
    %get3A_22 = arith.constant 0 : index
    %get3A_23 = vector.load %arg1[%get3A_20, %get3A_21, %get3A_22] : memref<5x32x32xf32, #tpu.memory_space<vmem>>, vector<1x32x32xf32>
    %get3A_24 = vector.shape_cast %get3A_23 : vector<1x32x32xf32> to vector<32x32xf32>
    %dot_general3A_25 = arith.constant dense<0.000000e+00> : vector<1537x32xf32>
    %dot_general3A_26 = tpu.matmul %get3A_1, %get3A_24, %dot_general3A_25 {dimension_numbers = #tpu.dot_dimension_numbers<[1], [0], [0], [1], [0, 0, 1, 1], [], []>, transpose_lhs_hint = false} : vector<1537x32xf32>, vector<32x32xf32>, vector<1537x32xf32> -> vector<1537x32xf32>
    %mul3A_27 = arith.constant 0.333333343 : f32
    %mul3A_28 = vector.broadcast %mul3A_27 : f32 to vector<1537x32xf32>
    %mul3A_29 = arith.mulf %dot_general3A_26, %mul3A_28 : vector<1537x32xf32>
    %get3A_30 = arith.constant 3 : index
    %get3A_31 = arith.constant 0 : index
    %get3A_32 = arith.constant 0 : index
    %get3A_33 = vector.load %arg1[%get3A_30, %get3A_31, %get3A_32] : memref<5x32x32xf32, #tpu.memory_space<vmem>>, vector<1x32x32xf32>
    %get3A_34 = vector.shape_cast %get3A_33 : vector<1x32x32xf32> to vector<32x32xf32>
    %dot_general3A_35 = arith.constant dense<0.000000e+00> : vector<1537x32xf32>
    %dot_general3A_36 = tpu.matmul %get3A_1, %get3A_34, %dot_general3A_35 {dimension_numbers = #tpu.dot_dimension_numbers<[1], [0], [0], [1], [0, 0, 1, 1], [], []>, transpose_lhs_hint = false} : vector<1537x32xf32>, vector<32x32xf32>, vector<1537x32xf32> -> vector<1537x32xf32>
    %mul3A_37 = arith.constant 0.333333343 : f32
    %mul3A_38 = vector.broadcast %mul3A_37 : f32 to vector<1537x32xf32>
    %mul3A_39 = arith.mulf %dot_general3A_36, %mul3A_38 : vector<1537x32xf32>
    %get3A_40 = arith.constant 4 : index
    %get3A_41 = arith.constant 0 : index
    %get3A_42 = arith.constant 0 : index
    %get3A_43 = vector.load %arg1[%get3A_40, %get3A_41, %get3A_42] : memref<5x32x32xf32, #tpu.memory_space<vmem>>, vector<1x32x32xf32>
    %get3A_44 = vector.shape_cast %get3A_43 : vector<1x32x32xf32> to vector<32x32xf32>
    %dot_general3A_45 = arith.constant dense<0.000000e+00> : vector<1537x32xf32>
    %dot_general3A_46 = tpu.matmul %get3A_1, %get3A_44, %dot_general3A_45 {dimension_numbers = #tpu.dot_dimension_numbers<[1], [0], [0], [1], [0, 0, 1, 1], [], []>, transpose_lhs_hint = false} : vector<1537x32xf32>, vector<32x32xf32>, vector<1537x32xf32> -> vector<1537x32xf32>
    %mul3A_47 = arith.constant 0.333333343 : f32
    %mul3A_48 = vector.broadcast %mul3A_47 : f32 to vector<1537x32xf32>
    %mul3A_49 = arith.mulf %dot_general3A_46, %mul3A_48 : vector<1537x32xf32>
    %iota3A = tpu.iota {dimensions = array<i32: 0>} : vector<512x1xi32>
    %get3A_50 = arith.constant 0 : index
    %get3A_51 = arith.constant 0 : index
    %get3A_52 = vector.load %arg2[%get3A_50, %get3A_51] : memref<512x32xf32, #tpu.memory_space<vmem>>, vector<512x32xf32>
    %eq3A = arith.constant 0 : i32
    %eq3A_53 = vector.broadcast %eq3A : i32 to vector<512x1xi32>
    %eq3A_54 = arith.cmpi eq, %iota3A, %eq3A_53 : vector<512x1xi32>
    %gt3A = arith.constant 1 : i32
    %gt3A_55 = vector.broadcast %gt3A : i32 to vector<512x1xi32>
    %gt3A_56 = arith.cmpi sgt, %iota3A, %gt3A_55 : vector<512x1xi32>
    %sub3A = arith.constant 1 : i32
    %sub3A_57 = vector.broadcast %sub3A : i32 to vector<512x1xi32>
    %sub3A_58 = arith.subi %iota3A, %sub3A_57 : vector<512x1xi32>
    %select_n3A = arith.select %gt3A_56, %sub3A_58, %iota3A : vector<512x1xi1>, vector<512x1xi32>
    %jit3A = arith.constant 1 : i32
    %broadcast_in_dim3A = vector.broadcast %jit3A : i32 to vector<512x1xi32>
    %select_n3A_59 = arith.select %eq3A_54, %broadcast_in_dim3A, %select_n3A : vector<512x1xi1>, vector<512x1xi32>
    %jit3A_60 = arith.constant 0 : i32
    %jit3A_61 = arith.constant 5 : i32
    %max3A = vector.broadcast %jit3A_60 : i32 to vector<512x1xi32>
    %max3A_62 = arith.maxsi %max3A, %select_n3A_59 : vector<512x1xi32>
    %min3A = vector.broadcast %jit3A_61 : i32 to vector<512x1xi32>
    %min3A_63 = arith.minsi %min3A, %max3A_62 : vector<512x1xi32>
    %convert_element_type3A = arith.sitofp %min3A_63 : vector<512x1xi32> to vector<512x1xf32>
    %mul3A_64 = vector.broadcast %convert_element_type3A : vector<512x1xf32> to vector<512x32xf32>
    %mul3A_65 = arith.mulf %get3A_52, %mul3A_64 : vector<512x32xf32>
    %concatenate3A = tpu.concatenate %mul3A_9, %mul3A_19, %mul3A_29, %mul3A_39, %mul3A_49, %mul3A_65 in 0 : vector<1537x32xf32>, vector<1537x32xf32>, vector<1537x32xf32>, vector<1537x32xf32>, vector<1537x32xf32>, vector<512x32xf32> -> vector<8197x32xf32>
    %swap3A = arith.constant 0 : index
    %swap3A_66 = arith.constant 0 : index
    %swap3A_67 = vector.load %arg3[%swap3A, %swap3A_66] : memref<8197x32xf32, #tpu.memory_space<vmem>>, vector<8197x32xf32>
    tpu.vector_store %arg3[%swap3A, %swap3A_66], %concatenate3A {strides = array<i32>} : memref<8197x32xf32, #tpu.memory_space<vmem>>, vector<8197x32xf32>,
    return
  }
}

module attributes {stable_mosaic.version = 14 : i64} {
  func.func @_final_body(%arg0: i32, %arg1: memref<1x64x64x128xf32, #tpu.memory_space<vmem>>, %arg2: memref<1x64x64xi32, #tpu.memory_space<vmem>>, %arg3: memref<1x65x65xf32, #tpu.memory_space<vmem>>, %arg4: memref<32x1xf32, #tpu.memory_space<vmem>>, %arg5: memref<1x32x65x65xf32, #tpu.memory_space<vmem>>) attributes {dimension_semantics = [#tpu.dimension_semantics<arbitrary>], iteration_bounds = array<i64: 32>, scalar_prefetch = 0 : i64, scratch_operands = 0 : i64, tpu.core_type = #tpu.core_type<tc>, window_params = [{transform_indices = @transform_0, window_bounds = array<i64: 1, 64, 64, 128>}, {transform_indices = @transform_1, window_bounds = array<i64: 1, 64, 64>}, {transform_indices = @transform_2, window_bounds = array<i64: 1, 65, 65>}, {pipeline_mode = #tpu.pipeline_mode<synchronous>, transform_indices = @transform_3, window_bounds = array<i64: 32, 1>}, {transform_indices = @transform_4, window_bounds = array<i64: 1, 32, 65, 65>}]} {
    %get3A = arith.constant 0 : index
    %get3A_0 = arith.constant 0 : index
    %get3A_1 = arith.constant 0 : index
    %get3A_2 = vector.load %arg3[%get3A, %get3A_0, %get3A_1] : memref<1x65x65xf32, #tpu.memory_space<vmem>>, vector<1x65x65xf32>
    %get3A_3 = vector.shape_cast %get3A_2 : vector<1x65x65xf32> to vector<65x65xf32>
    %mul3A = arith.constant 2.000000e+00 : f32
    %mul3A_4 = vector.broadcast %mul3A : f32 to vector<65x65xf32>
    %mul3A_5 = arith.mulf %mul3A_4, %get3A_3 : vector<65x65xf32>
    %get3A_6 = arith.constant 0 : index
    %get3A_7 = arith.constant 0 : index
    %get3A_8 = vector.load %arg4[%get3A_6, %get3A_7] : memref<32x1xf32, #tpu.memory_space<vmem>>, vector<32x1xf32>
    %broadcast_in_dim3A = vector.shape_cast %get3A_8 : vector<32x1xf32> to vector<32x1xf32>
    %broadcast_in_dim3A_9 = vector.broadcast %broadcast_in_dim3A : vector<32x1xf32> to vector<32x65xf32>
    %iota3A = tpu.iota {dimensions = array<i32: 0>} : vector<32x32xi32>
    %iota3A_10 = tpu.iota {dimensions = array<i32: 1>} : vector<32x32xi32>
    %eq3A = arith.cmpi eq, %iota3A, %iota3A_10 : vector<32x32xi32>
    %convert_element_type3A = arith.extui %eq3A : vector<32x32xi1> to vector<32x32xi32>
    %convert_element_type3A_11 = arith.sitofp %convert_element_type3A : vector<32x32xi32> to vector<32x32xf32>
    %iota3A_12 = tpu.iota {dimensions = array<i32: 1>} : vector<1x65xi32>
    %eq3A_13 = arith.constant 0 : i32
    %eq3A_14 = vector.broadcast %eq3A_13 : i32 to vector<1x65xi32>
    %eq3A_15 = arith.cmpi eq, %iota3A_12, %eq3A_14 : vector<1x65xi32>
    %jit3A = arith.constant 0.000000e+00 : f32
    %broadcast_in_dim3A_16 = vector.shape_cast %eq3A_15 : vector<1x65xi1> to vector<1x65xi1>
    %broadcast_in_dim3A_17 = vector.broadcast %broadcast_in_dim3A_16 : vector<1x65xi1> to vector<32x65xi1>
    %broadcast_in_dim3A_18 = vector.broadcast %jit3A : f32 to vector<32x65xf32>
    %select_n3A = arith.select %broadcast_in_dim3A_17, %broadcast_in_dim3A_9, %broadcast_in_dim3A_18 : vector<32x65xi1>, vector<32x65xf32>
    %broadcast_in_dim3A_19 = arith.constant 0.000000e+00 : f32
    %broadcast_in_dim3A_20 = vector.broadcast %broadcast_in_dim3A_19 : f32 to vector<32x1xf32>
    %slice3A = vector.extract_strided_slice %mul3A_5 {offsets = [0, 0], sizes = [1, 65], strides = [1, 1]} : vector<65x65xf32> to vector<1x65xf32>
    %add3A = vector.broadcast %slice3A : vector<1x65xf32> to vector<32x65xf32>
    %add3A_21 = arith.addf %add3A, %broadcast_in_dim3A_9 : vector<32x65xf32>
    %swap3A = arith.constant 0 : index
    %swap3A_22 = arith.constant 0 : index
    %swap3A_23 = arith.constant 0 : index
    %swap3A_24 = arith.constant 0 : index
    %swap3A_25 = vector.load %arg5[%swap3A, %swap3A_22, %swap3A_23, %swap3A_24] : memref<1x32x65x65xf32, #tpu.memory_space<vmem>>, vector<1x32x1x65xf32>
    %swap3A_26 = vector.shape_cast %swap3A_25 : vector<1x32x1x65xf32> to vector<32x65xf32>
    %swap3A_27 = vector.shape_cast %add3A_21 : vector<32x65xf32> to vector<1x32x1x65xf32>
    tpu.vector_store %arg5[%swap3A, %swap3A_22, %swap3A_23, %swap3A_24], %swap3A_27 {strides = array<i32>} : memref<1x32x65x65xf32, #tpu.memory_space<vmem>>, vector<1x32x1x65xf32>,
    %get3A_28 = arith.constant 0 : index
    %get3A_29 = arith.constant 0 : index
    %get3A_30 = arith.constant 0 : index
    %get3A_31 = vector.load %arg2[%get3A_28, %get3A_29, %get3A_30] : memref<1x64x64xi32, #tpu.memory_space<vmem>>, vector<1x1x64xi32>
    %get3A_32 = vector.shape_cast %get3A_31 : vector<1x1x64xi32> to vector<1x64xi32>
    %le3A = arith.constant 2 : i32
    %le3A_33 = vector.broadcast %le3A : i32 to vector<1x64xi32>
    %le3A_34 = arith.cmpi sle, %get3A_32, %le3A_33 : vector<1x64xi32>
    %eq3A_35 = arith.constant 3 : i32
    %eq3A_36 = vector.broadcast %eq3A_35 : i32 to vector<1x64xi32>
    %eq3A_37 = arith.cmpi eq, %get3A_32, %eq3A_36 : vector<1x64xi32>
    %eq3A_38 = arith.constant 4 : i32
    %eq3A_39 = vector.broadcast %eq3A_38 : i32 to vector<1x64xi32>
    %eq3A_40 = arith.cmpi eq, %get3A_32, %eq3A_39 : vector<1x64xi32>
    %eq3A_41 = arith.constant 5 : i32
    %eq3A_42 = vector.broadcast %eq3A_41 : i32 to vector<1x64xi32>
    %eq3A_43 = arith.cmpi eq, %get3A_32, %eq3A_42 : vector<1x64xi32>
    %jit3A_44 = arith.constant 2.500000e-01 : f32
    %jit3A_45 = arith.constant 2.000000e-01 : f32
    %broadcast_in_dim3A_46 = vector.broadcast %jit3A_44 : f32 to vector<1x64xf32>
    %broadcast_in_dim3A_47 = vector.broadcast %jit3A_45 : f32 to vector<1x64xf32>
    %select_n3A_48 = arith.select %eq3A_43, %broadcast_in_dim3A_46, %broadcast_in_dim3A_47 : vector<1x64xi1>, vector<1x64xf32>
    %jit3A_49 = arith.constant 0.333333343 : f32
    %broadcast_in_dim3A_50 = vector.broadcast %jit3A_49 : f32 to vector<1x64xf32>
    %select_n3A_51 = arith.select %eq3A_40, %broadcast_in_dim3A_50, %select_n3A_48 : vector<1x64xi1>, vector<1x64xf32>
    %jit3A_52 = arith.constant 5.000000e-01 : f32
    %broadcast_in_dim3A_53 = vector.broadcast %jit3A_52 : f32 to vector<1x64xf32>
    %select_n3A_54 = arith.select %eq3A_37, %broadcast_in_dim3A_53, %select_n3A_51 : vector<1x64xi1>, vector<1x64xf32>
    %jit3A_55 = arith.constant 1.000000e+00 : f32
    %broadcast_in_dim3A_56 = vector.broadcast %jit3A_55 : f32 to vector<1x64xf32>
    %select_n3A_57 = arith.select %le3A_34, %broadcast_in_dim3A_56, %select_n3A_54 : vector<1x64xi1>, vector<1x64xf32>
    %get3A_58 = arith.constant 0 : index
    %get3A_59 = arith.constant 0 : index
    %get3A_60 = arith.constant 0 : index
    %get3A_61 = arith.constant 0 : index
    %get3A_62 = vector.load %arg1[%get3A_58, %get3A_59, %get3A_60, %get3A_61] : memref<1x64x64x128xf32, #tpu.memory_space<vmem>>, vector<1x1x64x32xf32>
    %get3A_63 = vector.shape_cast %get3A_62 : vector<1x1x64x32xf32> to vector<64x32xf32>
    %dot_general3A = arith.constant dense<0.000000e+00> : vector<32x64xf32>
    %dot_general3A_64 = tpu.matmul %convert_element_type3A_11, %get3A_63, %dot_general3A {dimension_numbers = #tpu.dot_dimension_numbers<[1], [1], [0], [0], [0, 0, 1, 0], [], []>, transpose_lhs_hint = false} : vector<32x32xf32>, vector<64x32xf32>, vector<32x64xf32> -> vector<32x64xf32>
    %mul3A_65 = vector.broadcast %select_n3A_57 : vector<1x64xf32> to vector<32x64xf32>
    %mul3A_66 = arith.mulf %dot_general3A_64, %mul3A_65 : vector<32x64xf32>
    %slice3A_67 = vector.extract_strided_slice %mul3A_5 {offsets = [1, 0], sizes = [1, 65], strides = [1, 1]} : vector<65x65xf32> to vector<1x65xf32>
    %add3A_68 = vector.broadcast %slice3A_67 : vector<1x65xf32> to vector<32x65xf32>
    %add3A_69 = arith.addf %add3A_68, %select_n3A : vector<32x65xf32>
    %concatenate3A = tpu.concatenate %broadcast_in_dim3A_20, %mul3A_66 in 1 : vector<32x1xf32>, vector<32x64xf32> -> vector<32x65xf32>
    %add3A_70 = arith.addf %add3A_69, %concatenate3A : vector<32x65xf32>
    %swap3A_71 = arith.constant 0 : index
    %swap3A_72 = arith.constant 0 : index
    %swap3A_73 = arith.constant 1 : index
    %swap3A_74 = arith.constant 0 : index
    %swap3A_75 = vector.load %arg5[%swap3A_71, %swap3A_72, %swap3A_73, %swap3A_74] : memref<1x32x65x65xf32, #tpu.memory_space<vmem>>, vector<1x32x1x65xf32>
    %swap3A_76 = vector.shape_cast %swap3A_75 : vector<1x32x1x65xf32> to vector<32x65xf32>
    %swap3A_77 = vector.shape_cast %add3A_70 : vector<32x65xf32> to vector<1x32x1x65xf32>
    tpu.vector_store %arg5[%swap3A_71, %swap3A_72, %swap3A_73, %swap3A_74], %swap3A_77 {strides = array<i32>} : memref<1x32x65x65xf32, #tpu.memory_space<vmem>>, vector<1x32x1x65xf32>,
    %get3A_78 = arith.constant 0 : index
    %get3A_79 = arith.constant 1 : index
    %get3A_80 = arith.constant 0 : index
    %get3A_81 = vector.load %arg2[%get3A_78, %get3A_79, %get3A_80] : memref<1x64x64xi32, #tpu.memory_space<vmem>>, vector<1x1x64xi32>
    %get3A_82 = vector.shape_cast %get3A_81 : vector<1x1x64xi32> to vector<1x64xi32>
    %le3A_83 = arith.constant 2 : i32
    %le3A_84 = vector.broadcast %le3A_83 : i32 to vector<1x64xi32>
    %le3A_85 = arith.cmpi sle, %get3A_82, %le3A_84 : vector<1x64xi32>
    %eq3A_86 = arith.constant 3 : i32
    %eq3A_87 = vector.broadcast %eq3A_86 : i32 to vector<1x64xi32>
    %eq3A_88 = arith.cmpi eq, %get3A_82, %eq3A_87 : vector<1x64xi32>
    %eq3A_89 = arith.constant 4 : i32
    %eq3A_90 = vector.broadcast %eq3A_89 : i32 to vector<1x64xi32>
    %eq3A_91 = arith.cmpi eq, %get3A_82, %eq3A_90 : vector<1x64xi32>
    %eq3A_92 = arith.constant 5 : i32
    %eq3A_93 = vector.broadcast %eq3A_92 : i32 to vector<1x64xi32>
    %eq3A_94 = arith.cmpi eq, %get3A_82, %eq3A_93 : vector<1x64xi32>
    %jit3A_95 = arith.constant 2.500000e-01 : f32
    %jit3A_96 = arith.constant 2.000000e-01 : f32
    %broadcast_in_dim3A_97 = vector.broadcast %jit3A_95 : f32 to vector<1x64xf32>
    %broadcast_in_dim3A_98 = vector.broadcast %jit3A_96 : f32 to vector<1x64xf32>
    %select_n3A_99 = arith.select %eq3A_94, %broadcast_in_dim3A_97, %broadcast_in_dim3A_98 : vector<1x64xi1>, vector<1x64xf32>
    %jit3A_100 = arith.constant 0.333333343 : f32
    %broadcast_in_dim3A_101 = vector.broadcast %jit3A_100 : f32 to vector<1x64xf32>
    %select_n3A_102 = arith.select %eq3A_91, %broadcast_in_dim3A_101, %select_n3A_99 : vector<1x64xi1>, vector<1x64xf32>
    %jit3A_103 = arith.constant 5.000000e-01 : f32
    %broadcast_in_dim3A_104 = vector.broadcast %jit3A_103 : f32 to vector<1x64xf32>
    %select_n3A_105 = arith.select %eq3A_88, %broadcast_in_dim3A_104, %select_n3A_102 : vector<1x64xi1>, vector<1x64xf32>
    %jit3A_106 = arith.constant 1.000000e+00 : f32
    %broadcast_in_dim3A_107 = vector.broadcast %jit3A_106 : f32 to vector<1x64xf32>
    %select_n3A_108 = arith.select %le3A_85, %broadcast_in_dim3A_107, %select_n3A_105 : vector<1x64xi1>, vector<1x64xf32>
    %get3A_109 = arith.constant 0 : index
    %get3A_110 = arith.constant 1 : index
    %get3A_111 = arith.constant 0 : index
    %get3A_112 = arith.constant 0 : index
    %get3A_113 = vector.load %arg1[%get3A_109, %get3A_110, %get3A_111, %get3A_112] : memref<1x64x64x128xf32, #tpu.memory_space<vmem>>, vector<1x1x64x32xf32>
    %get3A_114 = vector.shape_cast %get3A_113 : vector<1x1x64x32xf32> to vector<64x32xf32>
    %dot_general3A_115 = arith.constant dense<0.000000e+00> : vector<32x64xf32>
    %dot_general3A_116 = tpu.matmul %convert_element_type3A_11, %get3A_114, %dot_general3A_115 {dimension_numbers = #tpu.dot_dimension_numbers<[1], [1], [0], [0], [0, 0, 1, 0], [], []>, transpose_lhs_hint = false} : vector<32x32xf32>, vector<64x32xf32>, vector<32x64xf32> -> vector<32x64xf32>
    %mul3A_117 = vector.broadcast %select_n3A_108 : vector<1x64xf32> to vector<32x64xf32>
    %mul3A_118 = arith.mulf %dot_general3A_116, %mul3A_117 : vector<32x64xf32>
    %slice3A_119 = vector.extract_strided_slice %mul3A_5 {offsets = [2, 0], sizes = [1, 65], strides = [1, 1]} : vector<65x65xf32> to vector<1x65xf32>
    %add3A_120 = vector.broadcast %slice3A_119 : vector<1x65xf32> to vector<32x65xf32>
    %add3A_121 = arith.addf %add3A_120, %select_n3A : vector<32x65xf32>
    %concatenate3A_122 = tpu.concatenate %broadcast_in_dim3A_20, %mul3A_118 in 1 : vector<32x1xf32>, vector<32x64xf32> -> vector<32x65xf32>
    %add3A_123 = arith.addf %add3A_121, %concatenate3A_122 : vector<32x65xf32>
    %swap3A_124 = arith.constant 0 : index
    %swap3A_125 = arith.constant 0 : index
    %swap3A_126 = arith.constant 2 : index
    %swap3A_127 = arith.constant 0 : index
    %swap3A_128 = vector.load %arg5[%swap3A_124, %swap3A_125, %swap3A_126, %swap3A_127] : memref<1x32x65x65xf32, #tpu.memory_space<vmem>>, vector<1x32x1x65xf32>
    %swap3A_129 = vector.shape_cast %swap3A_128 : vector<1x32x1x65xf32> to vector<32x65xf32>
    %swap3A_130 = vector.shape_cast %add3A_123 : vector<32x65xf32> to vector<1x32x1x65xf32>
    tpu.vector_store %arg5[%swap3A_124, %swap3A_125, %swap3A_126, %swap3A_127], %swap3A_130 {strides = array<i32>} : memref<1x32x65x65xf32, #tpu.memory_space<vmem>>, vector<1x32x1x65xf32>,
    %get3A_131 = arith.constant 0 : index
    %get3A_132 = arith.constant 2 : index
    %get3A_133 = arith.constant 0 : index
    %get3A_134 = vector.load %arg2[%get3A_131, %get3A_132, %get3A_133] : memref<1x64x64xi32, #tpu.memory_space<vmem>>, vector<1x1x64xi32>
    %get3A_135 = vector.shape_cast %get3A_134 : vector<1x1x64xi32> to vector<1x64xi32>
    %le3A_136 = arith.constant 2 : i32
    %le3A_137 = vector.broadcast %le3A_136 : i32 to vector<1x64xi32>
    %le3A_138 = arith.cmpi sle, %get3A_135, %le3A_137 : vector<1x64xi32>
    %eq3A_139 = arith.constant 3 : i32
    %eq3A_140 = vector.broadcast %eq3A_139 : i32 to vector<1x64xi32>
    %eq3A_141 = arith.cmpi eq, %get3A_135, %eq3A_140 : vector<1x64xi32>
    %eq3A_142 = arith.constant 4 : i32
    %eq3A_143 = vector.broadcast %eq3A_142 : i32 to vector<1x64xi32>
    %eq3A_144 = arith.cmpi eq, %get3A_135, %eq3A_143 : vector<1x64xi32>
    %eq3A_145 = arith.constant 5 : i32
    %eq3A_146 = vector.broadcast %eq3A_145 : i32 to vector<1x64xi32>
    %eq3A_147 = arith.cmpi eq, %get3A_135, %eq3A_146 : vector<1x64xi32>
    %jit3A_148 = arith.constant 2.500000e-01 : f32
    %jit3A_149 = arith.constant 2.000000e-01 : f32
    %broadcast_in_dim3A_150 = vector.broadcast %jit3A_148 : f32 to vector<1x64xf32>
    %broadcast_in_dim3A_151 = vector.broadcast %jit3A_149 : f32 to vector<1x64xf32>
    %select_n3A_152 = arith.select %eq3A_147, %broadcast_in_dim3A_150, %broadcast_in_dim3A_151 : vector<1x64xi1>, vector<1x64xf32>
    %jit3A_153 = arith.constant 0.333333343 : f32
    %broadcast_in_dim3A_154 = vector.broadcast %jit3A_153 : f32 to vector<1x64xf32>
    %select_n3A_155 = arith.select %eq3A_144, %broadcast_in_dim3A_154, %select_n3A_152 : vector<1x64xi1>, vector<1x64xf32>
    %jit3A_156 = arith.constant 5.000000e-01 : f32
    %broadcast_in_dim3A_157 = vector.broadcast %jit3A_156 : f32 to vector<1x64xf32>
    %select_n3A_158 = arith.select %eq3A_141, %broadcast_in_dim3A_157, %select_n3A_155 : vector<1x64xi1>, vector<1x64xf32>
    %jit3A_159 = arith.constant 1.000000e+00 : f32
    %broadcast_in_dim3A_160 = vector.broadcast %jit3A_159 : f32 to vector<1x64xf32>
    %select_n3A_161 = arith.select %le3A_138, %broadcast_in_dim3A_160, %select_n3A_158 : vector<1x64xi1>, vector<1x64xf32>
    %get3A_162 = arith.constant 0 : index
    %get3A_163 = arith.constant 2 : index
    %get3A_164 = arith.constant 0 : index
    %get3A_165 = arith.constant 0 : index
    %get3A_166 = vector.load %arg1[%get3A_162, %get3A_163, %get3A_164, %get3A_165] : memref<1x64x64x128xf32, #tpu.memory_space<vmem>>, vector<1x1x64x32xf32>
    %get3A_167 = vector.shape_cast %get3A_166 : vector<1x1x64x32xf32> to vector<64x32xf32>
    %dot_general3A_168 = arith.constant dense<0.000000e+00> : vector<32x64xf32>
    %dot_general3A_169 = tpu.matmul %convert_element_type3A_11, %get3A_167, %dot_general3A_168 {dimension_numbers = #tpu.dot_dimension_numbers<[1], [1], [0], [0], [0, 0, 1, 0], [], []>, transpose_lhs_hint = false} : vector<32x32xf32>, vector<64x32xf32>, vector<32x64xf32> -> vector<32x64xf32>
    %mul3A_170 = vector.broadcast %select_n3A_161 : vector<1x64xf32> to vector<32x64xf32>
    %mul3A_171 = arith.mulf %dot_general3A_169, %mul3A_170 : vector<32x64xf32>
    %slice3A_172 = vector.extract_strided_slice %mul3A_5 {offsets = [3, 0], sizes = [1, 65], strides = [1, 1]} : vector<65x65xf32> to vector<1x65xf32>
    %add3A_173 = vector.broadcast %slice3A_172 : vector<1x65xf32> to vector<32x65xf32>
    %add3A_174 = arith.addf %add3A_173, %select_n3A : vector<32x65xf32>
    %concatenate3A_175 = tpu.concatenate %broadcast_in_dim3A_20, %mul3A_171 in 1 : vector<32x1xf32>, vector<32x64xf32> -> vector<32x65xf32>
    %add3A_176 = arith.addf %add3A_174, %concatenate3A_175 : vector<32x65xf32>
    %swap3A_177 = arith.constant 0 : index
    %swap3A_178 = arith.constant 0 : index
    %swap3A_179 = arith.constant 3 : index
    %swap3A_180 = arith.constant 0 : index
    %swap3A_181 = vector.load %arg5[%swap3A_177, %swap3A_178, %swap3A_179, %swap3A_180] : memref<1x32x65x65xf32, #tpu.memory_space<vmem>>, vector<1x32x1x65xf32>
    %swap3A_182 = vector.shape_cast %swap3A_181 : vector<1x32x1x65xf32> to vector<32x65xf32>
    %swap3A_183 = vector.shape_cast %add3A_176 : vector<32x65xf32> to vector<1x32x1x65xf32>
    tpu.vector_store %arg5[%swap3A_177, %swap3A_178, %swap3A_179, %swap3A_180], %swap3A_183 {strides = array<i32>} : memref<1x32x65x65xf32, #tpu.memory_space<vmem>>, vector<1x32x1x65xf32>,
    %get3A_184 = arith.constant 0 : index
    %get3A_185 = arith.constant 3 : index
    %get3A_186 = arith.constant 0 : index
    %get3A_187 = vector.load %arg2[%get3A_184, %get3A_185, %get3A_186] : memref<1x64x64xi32, #tpu.memory_space<vmem>>, vector<1x1x64xi32>
    %get3A_188 = vector.shape_cast %get3A_187 : vector<1x1x64xi32> to vector<1x64xi32>
    %le3A_189 = arith.constant 2 : i32
    %le3A_190 = vector.broadcast %le3A_189 : i32 to vector<1x64xi32>
    %le3A_191 = arith.cmpi sle, %get3A_188, %le3A_190 : vector<1x64xi32>
    %eq3A_192 = arith.constant 3 : i32
    %eq3A_193 = vector.broadcast %eq3A_192 : i32 to vector<1x64xi32>
    %eq3A_194 = arith.cmpi eq, %get3A_188, %eq3A_193 : vector<1x64xi32>
    %eq3A_195 = arith.constant 4 : i32
    %eq3A_196 = vector.broadcast %eq3A_195 : i32 to vector<1x64xi32>
    %eq3A_197 = arith.cmpi eq, %get3A_188, %eq3A_196 : vector<1x64xi32>
    %eq3A_198 = arith.constant 5 : i32
    %eq3A_199 = vector.broadcast %eq3A_198 : i32 to vector<1x64xi32>
    %eq3A_200 = arith.cmpi eq, %get3A_188, %eq3A_199 : vector<1x64xi32>
    %jit3A_201 = arith.constant 2.500000e-01 : f32
    %jit3A_202 = arith.constant 2.000000e-01 : f32
    %broadcast_in_dim3A_203 = vector.broadcast %jit3A_201 : f32 to vector<1x64xf32>
    %broadcast_in_dim3A_204 = vector.broadcast %jit3A_202 : f32 to vector<1x64xf32>
    %select_n3A_205 = arith.select %eq3A_200, %broadcast_in_dim3A_203, %broadcast_in_dim3A_204 : vector<1x64xi1>, vector<1x64xf32>
    %jit3A_206 = arith.constant 0.333333343 : f32
    %broadcast_in_dim3A_207 = vector.broadcast %jit3A_206 : f32 to vector<1x64xf32>
    %select_n3A_208 = arith.select %eq3A_197, %broadcast_in_dim3A_207, %select_n3A_205 : vector<1x64xi1>, vector<1x64xf32>
    %jit3A_209 = arith.constant 5.000000e-01 : f32
    %broadcast_in_dim3A_210 = vector.broadcast %jit3A_209 : f32 to vector<1x64xf32>
    %select_n3A_211 = arith.select %eq3A_194, %broadcast_in_dim3A_210, %select_n3A_208 : vector<1x64xi1>, vector<1x64xf32>
    %jit3A_212 = arith.constant 1.000000e+00 : f32
    %broadcast_in_dim3A_213 = vector.broadcast %jit3A_212 : f32 to vector<1x64xf32>
    %select_n3A_214 = arith.select %le3A_191, %broadcast_in_dim3A_213, %select_n3A_211 : vector<1x64xi1>, vector<1x64xf32>
    %get3A_215 = arith.constant 0 : index
    %get3A_216 = arith.constant 3 : index
    %get3A_217 = arith.constant 0 : index
    %get3A_218 = arith.constant 0 : index
    %get3A_219 = vector.load %arg1[%get3A_215, %get3A_216, %get3A_217, %get3A_218] : memref<1x64x64x128xf32, #tpu.memory_space<vmem>>, vector<1x1x64x32xf32>
    %get3A_220 = vector.shape_cast %get3A_219 : vector<1x1x64x32xf32> to vector<64x32xf32>
    %dot_general3A_221 = arith.constant dense<0.000000e+00> : vector<32x64xf32>
    %dot_general3A_222 = tpu.matmul %convert_element_type3A_11, %get3A_220, %dot_general3A_221 {dimension_numbers = #tpu.dot_dimension_numbers<[1], [1], [0], [0], [0, 0, 1, 0], [], []>, transpose_lhs_hint = false} : vector<32x32xf32>, vector<64x32xf32>, vector<32x64xf32> -> vector<32x64xf32>
    %mul3A_223 = vector.broadcast %select_n3A_214 : vector<1x64xf32> to vector<32x64xf32>
    %mul3A_224 = arith.mulf %dot_general3A_222, %mul3A_223 : vector<32x64xf32>
    %slice3A_225 = vector.extract_strided_slice %mul3A_5 {offsets = [4, 0], sizes = [1, 65], strides = [1, 1]} : vector<65x65xf32> to vector<1x65xf32>
    %add3A_226 = vector.broadcast %slice3A_225 : vector<1x65xf32> to vector<32x65xf32>
    %add3A_227 = arith.addf %add3A_226, %select_n3A : vector<32x65xf32>
    %concatenate3A_228 = tpu.concatenate %broadcast_in_dim3A_20, %mul3A_224 in 1 : vector<32x1xf32>, vector<32x64xf32> -> vector<32x65xf32>
    %add3A_229 = arith.addf %add3A_227, %concatenate3A_228 : vector<32x65xf32>
    %swap3A_230 = arith.constant 0 : index
    %swap3A_231 = arith.constant 0 : index
    %swap3A_232 = arith.constant 4 : index
    %swap3A_233 = arith.constant 0 : index
    %swap3A_234 = vector.load %arg5[%swap3A_230, %swap3A_231, %swap3A_232, %swap3A_233] : memref<1x32x65x65xf32, #tpu.memory_space<vmem>>, vector<1x32x1x65xf32>
    %swap3A_235 = vector.shape_cast %swap3A_234 : vector<1x32x1x65xf32> to vector<32x65xf32>
    %swap3A_236 = vector.shape_cast %add3A_229 : vector<32x65xf32> to vector<1x32x1x65xf32>
    tpu.vector_store %arg5[%swap3A_230, %swap3A_231, %swap3A_232, %swap3A_233], %swap3A_236 {strides = array<i32>} : memref<1x32x65x65xf32, #tpu.memory_space<vmem>>, vector<1x32x1x65xf32>,
    %get3A_237 = arith.constant 0 : index
    %get3A_238 = arith.constant 4 : index
    %get3A_239 = arith.constant 0 : index
    %get3A_240 = vector.load %arg2[%get3A_237, %get3A_238, %get3A_239] : memref<1x64x64xi32, #tpu.memory_space<vmem>>, vector<1x1x64xi32>
    %get3A_241 = vector.shape_cast %get3A_240 : vector<1x1x64xi32> to vector<1x64xi32>
    %le3A_242 = arith.constant 2 : i32
    %le3A_243 = vector.broadcast %le3A_242 : i32 to vector<1x64xi32>
    %le3A_244 = arith.cmpi sle, %get3A_241, %le3A_243 : vector<1x64xi32>
    %eq3A_245 = arith.constant 3 : i32
    %eq3A_246 = vector.broadcast %eq3A_245 : i32 to vector<1x64xi32>
    %eq3A_247 = arith.cmpi eq, %get3A_241, %eq3A_246 : vector<1x64xi32>
    %eq3A_248 = arith.constant 4 : i32
    %eq3A_249 = vector.broadcast %eq3A_248 : i32 to vector<1x64xi32>
    %eq3A_250 = arith.cmpi eq, %get3A_241, %eq3A_249 : vector<1x64xi32>
    %eq3A_251 = arith.constant 5 : i32
    %eq3A_252 = vector.broadcast %eq3A_251 : i32 to vector<1x64xi32>
    %eq3A_253 = arith.cmpi eq, %get3A_241, %eq3A_252 : vector<1x64xi32>
    %jit3A_254 = arith.constant 2.500000e-01 : f32
    %jit3A_255 = arith.constant 2.000000e-01 : f32
    %broadcast_in_dim3A_256 = vector.broadcast %jit3A_254 : f32 to vector<1x64xf32>
    %broadcast_in_dim3A_257 = vector.broadcast %jit3A_255 : f32 to vector<1x64xf32>
    %select_n3A_258 = arith.select %eq3A_253, %broadcast_in_dim3A_256, %broadcast_in_dim3A_257 : vector<1x64xi1>, vector<1x64xf32>
    %jit3A_259 = arith.constant 0.333333343 : f32
    %broadcast_in_dim3A_260 = vector.broadcast %jit3A_259 : f32 to vector<1x64xf32>
    %select_n3A_261 = arith.select %eq3A_250, %broadcast_in_dim3A_260, %select_n3A_258 : vector<1x64xi1>, vector<1x64xf32>
    %jit3A_262 = arith.constant 5.000000e-01 : f32
    %broadcast_in_dim3A_263 = vector.broadcast %jit3A_262 : f32 to vector<1x64xf32>
    %select_n3A_264 = arith.select %eq3A_247, %broadcast_in_dim3A_263, %select_n3A_261 : vector<1x64xi1>, vector<1x64xf32>
    %jit3A_265 = arith.constant 1.000000e+00 : f32
    %broadcast_in_dim3A_266 = vector.broadcast %jit3A_265 : f32 to vector<1x64xf32>
    %select_n3A_267 = arith.select %le3A_244, %broadcast_in_dim3A_266, %select_n3A_264 : vector<1x64xi1>, vector<1x64xf32>
    %get3A_268 = arith.constant 0 : index
    %get3A_269 = arith.constant 4 : index
    %get3A_270 = arith.constant 0 : index
    %get3A_271 = arith.constant 0 : index
    %get3A_272 = vector.load %arg1[%get3A_268, %get3A_269, %get3A_270, %get3A_271] : memref<1x64x64x128xf32, #tpu.memory_space<vmem>>, vector<1x1x64x32xf32>
    %get3A_273 = vector.shape_cast %get3A_272 : vector<1x1x64x32xf32> to vector<64x32xf32>
    %dot_general3A_274 = arith.constant dense<0.000000e+00> : vector<32x64xf32>
    %dot_general3A_275 = tpu.matmul %convert_element_type3A_11, %get3A_273, %dot_general3A_274 {dimension_numbers = #tpu.dot_dimension_numbers<[1], [1], [0], [0], [0, 0, 1, 0], [], []>, transpose_lhs_hint = false} : vector<32x32xf32>, vector<64x32xf32>, vector<32x64xf32> -> vector<32x64xf32>
    %mul3A_276 = vector.broadcast %select_n3A_267 : vector<1x64xf32> to vector<32x64xf32>
    %mul3A_277 = arith.mulf %dot_general3A_275, %mul3A_276 : vector<32x64xf32>
    %slice3A_278 = vector.extract_strided_slice %mul3A_5 {offsets = [5, 0], sizes = [1, 65], strides = [1, 1]} : vector<65x65xf32> to vector<1x65xf32>
    %add3A_279 = vector.broadcast %slice3A_278 : vector<1x65xf32> to vector<32x65xf32>
    %add3A_280 = arith.addf %add3A_279, %select_n3A : vector<32x65xf32>
    %concatenate3A_281 = tpu.concatenate %broadcast_in_dim3A_20, %mul3A_277 in 1 : vector<32x1xf32>, vector<32x64xf32> -> vector<32x65xf32>
    %add3A_282 = arith.addf %add3A_280, %concatenate3A_281 : vector<32x65xf32>
    %swap3A_283 = arith.constant 0 : index
    %swap3A_284 = arith.constant 0 : index
    %swap3A_285 = arith.constant 5 : index
    %swap3A_286 = arith.constant 0 : index
    %swap3A_287 = vector.load %arg5[%swap3A_283, %swap3A_284, %swap3A_285, %swap3A_286] : memref<1x32x65x65xf32, #tpu.memory_space<vmem>>, vector<1x32x1x65xf32>
    %swap3A_288 = vector.shape_cast %swap3A_287 : vector<1x32x1x65xf32> to vector<32x65xf32>
    %swap3A_289 = vector.shape_cast %add3A_282 : vector<32x65xf32> to vector<1x32x1x65xf32>
    tpu.vector_store %arg5[%swap3A_283, %swap3A_284, %swap3A_285, %swap3A_286], %swap3A_289 {strides = array<i32>} : memref<1x32x65x65xf32, #tpu.memory_space<vmem>>, vector<1x32x1x65xf32>,
    %get3A_290 = arith.constant 0 : index
    %get3A_291 = arith.constant 5 : index
    %get3A_292 = arith.constant 0 : index
    %get3A_293 = vector.load %arg2[%get3A_290, %get3A_291, %get3A_292] : memref<1x64x64xi32, #tpu.memory_space<vmem>>, vector<1x1x64xi32>
    %get3A_294 = vector.shape_cast %get3A_293 : vector<1x1x64xi32> to vector<1x64xi32>
    %le3A_295 = arith.constant 2 : i32
    %le3A_296 = vector.broadcast %le3A_295 : i32 to vector<1x64xi32>
    %le3A_297 = arith.cmpi sle, %get3A_294, %le3A_296 : vector<1x64xi32>
    %eq3A_298 = arith.constant 3 : i32
    %eq3A_299 = vector.broadcast %eq3A_298 : i32 to vector<1x64xi32>
    %eq3A_300 = arith.cmpi eq, %get3A_294, %eq3A_299 : vector<1x64xi32>
    %eq3A_301 = arith.constant 4 : i32
    %eq3A_302 = vector.broadcast %eq3A_301 : i32 to vector<1x64xi32>
    %eq3A_303 = arith.cmpi eq, %get3A_294, %eq3A_302 : vector<1x64xi32>
    %eq3A_304 = arith.constant 5 : i32
    %eq3A_305 = vector.broadcast %eq3A_304 : i32 to vector<1x64xi32>
    %eq3A_306 = arith.cmpi eq, %get3A_294, %eq3A_305 : vector<1x64xi32>
    %jit3A_307 = arith.constant 2.500000e-01 : f32
    %jit3A_308 = arith.constant 2.000000e-01 : f32
    %broadcast_in_dim3A_309 = vector.broadcast %jit3A_307 : f32 to vector<1x64xf32>
    %broadcast_in_dim3A_310 = vector.broadcast %jit3A_308 : f32 to vector<1x64xf32>
    %select_n3A_311 = arith.select %eq3A_306, %broadcast_in_dim3A_309, %broadcast_in_dim3A_310 : vector<1x64xi1>, vector<1x64xf32>
    %jit3A_312 = arith.constant 0.333333343 : f32
    %broadcast_in_dim3A_313 = vector.broadcast %jit3A_312 : f32 to vector<1x64xf32>
    %select_n3A_314 = arith.select %eq3A_303, %broadcast_in_dim3A_313, %select_n3A_311 : vector<1x64xi1>, vector<1x64xf32>
    %jit3A_315 = arith.constant 5.000000e-01 : f32
    %broadcast_in_dim3A_316 = vector.broadcast %jit3A_315 : f32 to vector<1x64xf32>
    %select_n3A_317 = arith.select %eq3A_300, %broadcast_in_dim3A_316, %select_n3A_314 : vector<1x64xi1>, vector<1x64xf32>
    %jit3A_318 = arith.constant 1.000000e+00 : f32
    %broadcast_in_dim3A_319 = vector.broadcast %jit3A_318 : f32 to vector<1x64xf32>
    %select_n3A_320 = arith.select %le3A_297, %broadcast_in_dim3A_319, %select_n3A_317 : vector<1x64xi1>, vector<1x64xf32>
    %get3A_321 = arith.constant 0 : index
    %get3A_322 = arith.constant 5 : index
    %get3A_323 = arith.constant 0 : index
    %get3A_324 = arith.constant 0 : index
    %get3A_325 = vector.load %arg1[%get3A_321, %get3A_322, %get3A_323, %get3A_324] : memref<1x64x64x128xf32, #tpu.memory_space<vmem>>, vector<1x1x64x32xf32>
    %get3A_326 = vector.shape_cast %get3A_325 : vector<1x1x64x32xf32> to vector<64x32xf32>
    %dot_general3A_327 = arith.constant dense<0.000000e+00> : vector<32x64xf32>
    %dot_general3A_328 = tpu.matmul %convert_element_type3A_11, %get3A_326, %dot_general3A_327 {dimension_numbers = #tpu.dot_dimension_numbers<[1], [1], [0], [0], [0, 0, 1, 0], [], []>, transpose_lhs_hint = false} : vector<32x32xf32>, vector<64x32xf32>, vector<32x64xf32> -> vector<32x64xf32>
    %mul3A_329 = vector.broadcast %select_n3A_320 : vector<1x64xf32> to vector<32x64xf32>
    %mul3A_330 = arith.mulf %dot_general3A_328, %mul3A_329 : vector<32x64xf32>
    %slice3A_331 = vector.extract_strided_slice %mul3A_5 {offsets = [6, 0], sizes = [1, 65], strides = [1, 1]} : vector<65x65xf32> to vector<1x65xf32>
    %add3A_332 = vector.broadcast %slice3A_331 : vector<1x65xf32> to vector<32x65xf32>
    %add3A_333 = arith.addf %add3A_332, %select_n3A : vector<32x65xf32>
    %concatenate3A_334 = tpu.concatenate %broadcast_in_dim3A_20, %mul3A_330 in 1 : vector<32x1xf32>, vector<32x64xf32> -> vector<32x65xf32>
    %add3A_335 = arith.addf %add3A_333, %concatenate3A_334 : vector<32x65xf32>
    %swap3A_336 = arith.constant 0 : index
    %swap3A_337 = arith.constant 0 : index
    %swap3A_338 = arith.constant 6 : index
    %swap3A_339 = arith.constant 0 : index
    %swap3A_340 = vector.load %arg5[%swap3A_336, %swap3A_337, %swap3A_338, %swap3A_339] : memref<1x32x65x65xf32, #tpu.memory_space<vmem>>, vector<1x32x1x65xf32>
    %swap3A_341 = vector.shape_cast %swap3A_340 : vector<1x32x1x65xf32> to vector<32x65xf32>
    %swap3A_342 = vector.shape_cast %add3A_335 : vector<32x65xf32> to vector<1x32x1x65xf32>
    tpu.vector_store %arg5[%swap3A_336, %swap3A_337, %swap3A_338, %swap3A_339], %swap3A_342 {strides = array<i32>} : memref<1x32x65x65xf32, #tpu.memory_space<vmem>>, vector<1x32x1x65xf32>,
    %get3A_343 = arith.constant 0 : index
    %get3A_344 = arith.constant 6 : index
    %get3A_345 = arith.constant 0 : index
    %get3A_346 = vector.load %arg2[%get3A_343, %get3A_344, %get3A_345] : memref<1x64x64xi32, #tpu.memory_space<vmem>>, vector<1x1x64xi32>
    %get3A_347 = vector.shape_cast %get3A_346 : vector<1x1x64xi32> to vector<1x64xi32>
    %le3A_348 = arith.constant 2 : i32
    %le3A_349 = vector.broadcast %le3A_348 : i32 to vector<1x64xi32>
    %le3A_350 = arith.cmpi sle, %get3A_347, %le3A_349 : vector<1x64xi32>
    %eq3A_351 = arith.constant 3 : i32
    %eq3A_352 = vector.broadcast %eq3A_351 : i32 to vector<1x64xi32>
    %eq3A_353 = arith.cmpi eq, %get3A_347, %eq3A_352 : vector<1x64xi32>
    %eq3A_354 = arith.constant 4 : i32
    %eq3A_355 = vector.broadcast %eq3A_354 : i32 to vector<1x64xi32>
    %eq3A_356 = arith.cmpi eq, %get3A_347, %eq3A_355 : vector<1x64xi32>
    %eq3A_357 = arith.constant 5 : i32
    %eq3A_358 = vector.broadcast %eq3A_357 : i32 to vector<1x64xi32>
    %eq3A_359 = arith.cmpi eq, %get3A_347, %eq3A_358 : vector<1x64xi32>
    %jit3A_360 = arith.constant 2.500000e-01 : f32
    %jit3A_361 = arith.constant 2.000000e-01 : f32
    %broadcast_in_dim3A_362 = vector.broadcast %jit3A_360 : f32 to vector<1x64xf32>
    %broadcast_in_dim3A_363 = vector.broadcast %jit3A_361 : f32 to vector<1x64xf32>
    %select_n3A_364 = arith.select %eq3A_359, %broadcast_in_dim3A_362, %broadcast_in_dim3A_363 : vector<1x64xi1>, vector<1x64xf32>
    %jit3A_365 = arith.constant 0.333333343 : f32
    %broadcast_in_dim3A_366 = vector.broadcast %jit3A_365 : f32 to vector<1x64xf32>
    %select_n3A_367 = arith.select %eq3A_356, %broadcast_in_dim3A_366, %select_n3A_364 : vector<1x64xi1>, vector<1x64xf32>
    %jit3A_368 = arith.constant 5.000000e-01 : f32
    %broadcast_in_dim3A_369 = vector.broadcast %jit3A_368 : f32 to vector<1x64xf32>
    %select_n3A_370 = arith.select %eq3A_353, %broadcast_in_dim3A_369, %select_n3A_367 : vector<1x64xi1>, vector<1x64xf32>
    %jit3A_371 = arith.constant 1.000000e+00 : f32
    %broadcast_in_dim3A_372 = vector.broadcast %jit3A_371 : f32 to vector<1x64xf32>
    %select_n3A_373 = arith.select %le3A_350, %broadcast_in_dim3A_372, %select_n3A_370 : vector<1x64xi1>, vector<1x64xf32>
    %get3A_374 = arith.constant 0 : index
    %get3A_375 = arith.constant 6 : index
    %get3A_376 = arith.constant 0 : index
    %get3A_377 = arith.constant 0 : index
    %get3A_378 = vector.load %arg1[%get3A_374, %get3A_375, %get3A_376, %get3A_377] : memref<1x64x64x128xf32, #tpu.memory_space<vmem>>, vector<1x1x64x32xf32>
    %get3A_379 = vector.shape_cast %get3A_378 : vector<1x1x64x32xf32> to vector<64x32xf32>
    %dot_general3A_380 = arith.constant dense<0.000000e+00> : vector<32x64xf32>
    %dot_general3A_381 = tpu.matmul %convert_element_type3A_11, %get3A_379, %dot_general3A_380 {dimension_numbers = #tpu.dot_dimension_numbers<[1], [1], [0], [0], [0, 0, 1, 0], [], []>, transpose_lhs_hint = false} : vector<32x32xf32>, vector<64x32xf32>, vector<32x64xf32> -> vector<32x64xf32>
    %mul3A_382 = vector.broadcast %select_n3A_373 : vector<1x64xf32> to vector<32x64xf32>
    %mul3A_383 = arith.mulf %dot_general3A_381, %mul3A_382 : vector<32x64xf32>
    %slice3A_384 = vector.extract_strided_slice %mul3A_5 {offsets = [7, 0], sizes = [1, 65], strides = [1, 1]} : vector<65x65xf32> to vector<1x65xf32>
    %add3A_385 = vector.broadcast %slice3A_384 : vector<1x65xf32> to vector<32x65xf32>
    %add3A_386 = arith.addf %add3A_385, %select_n3A : vector<32x65xf32>
    %concatenate3A_387 = tpu.concatenate %broadcast_in_dim3A_20, %mul3A_383 in 1 : vector<32x1xf32>, vector<32x64xf32> -> vector<32x65xf32>
    %add3A_388 = arith.addf %add3A_386, %concatenate3A_387 : vector<32x65xf32>
    %swap3A_389 = arith.constant 0 : index
    %swap3A_390 = arith.constant 0 : index
    %swap3A_391 = arith.constant 7 : index
    %swap3A_392 = arith.constant 0 : index
    %swap3A_393 = vector.load %arg5[%swap3A_389, %swap3A_390, %swap3A_391, %swap3A_392] : memref<1x32x65x65xf32, #tpu.memory_space<vmem>>, vector<1x32x1x65xf32>
    %swap3A_394 = vector.shape_cast %swap3A_393 : vector<1x32x1x65xf32> to vector<32x65xf32>
    %swap3A_395 = vector.shape_cast %add3A_388 : vector<32x65xf32> to vector<1x32x1x65xf32>
    tpu.vector_store %arg5[%swap3A_389, %swap3A_390, %swap3A_391, %swap3A_392], %swap3A_395 {strides = array<i32>} : memref<1x32x65x65xf32, #tpu.memory_space<vmem>>, vector<1x32x1x65xf32>,
    %get3A_396 = arith.constant 0 : index
    %get3A_397 = arith.constant 7 : index
    %get3A_398 = arith.constant 0 : index
    %get3A_399 = vector.load %arg2[%get3A_396, %get3A_397, %get3A_398] : memref<1x64x64xi32, #tpu.memory_space<vmem>>, vector<1x1x64xi32>
    %get3A_400 = vector.shape_cast %get3A_399 : vector<1x1x64xi32> to vector<1x64xi32>
    %le3A_401 = arith.constant 2 : i32
    %le3A_402 = vector.broadcast %le3A_401 : i32 to vector<1x64xi32>
    %le3A_403 = arith.cmpi sle, %get3A_400, %le3A_402 : vector<1x64xi32>
    %eq3A_404 = arith.constant 3 : i32
    %eq3A_405 = vector.broadcast %eq3A_404 : i32 to vector<1x64xi32>
    %eq3A_406 = arith.cmpi eq, %get3A_400, %eq3A_405 : vector<1x64xi32>
    %eq3A_407 = arith.constant 4 : i32
    %eq3A_408 = vector.broadcast %eq3A_407 : i32 to vector<1x64xi32>
    %eq3A_409 = arith.cmpi eq, %get3A_400, %eq3A_408 : vector<1x64xi32>
    %eq3A_410 = arith.constant 5 : i32
    %eq3A_411 = vector.broadcast %eq3A_410 : i32 to vector<1x64xi32>
    %eq3A_412 = arith.cmpi eq, %get3A_400, %eq3A_411 : vector<1x64xi32>
    %jit3A_413 = arith.constant 2.500000e-01 : f32
    %jit3A_414 = arith.constant 2.000000e-01 : f32
    %broadcast_in_dim3A_415 = vector.broadcast %jit3A_413 : f32 to vector<1x64xf32>
    %broadcast_in_dim3A_416 = vector.broadcast %jit3A_414 : f32 to vector<1x64xf32>
    %select_n3A_417 = arith.select %eq3A_412, %broadcast_in_dim3A_415, %broadcast_in_dim3A_416 : vector<1x64xi1>, vector<1x64xf32>
    %jit3A_418 = arith.constant 0.333333343 : f32
    %broadcast_in_dim3A_419 = vector.broadcast %jit3A_418 : f32 to vector<1x64xf32>
    %select_n3A_420 = arith.select %eq3A_409, %broadcast_in_dim3A_419, %select_n3A_417 : vector<1x64xi1>, vector<1x64xf32>
    %jit3A_421 = arith.constant 5.000000e-01 : f32
    %broadcast_in_dim3A_422 = vector.broadcast %jit3A_421 : f32 to vector<1x64xf32>
    %select_n3A_423 = arith.select %eq3A_406, %broadcast_in_dim3A_422, %select_n3A_420 : vector<1x64xi1>, vector<1x64xf32>
    %jit3A_424 = arith.constant 1.000000e+00 : f32
    %broadcast_in_dim3A_425 = vector.broadcast %jit3A_424 : f32 to vector<1x64xf32>
    %select_n3A_426 = arith.select %le3A_403, %broadcast_in_dim3A_425, %select_n3A_423 : vector<1x64xi1>, vector<1x64xf32>
    %get3A_427 = arith.constant 0 : index
    %get3A_428 = arith.constant 7 : index
    %get3A_429 = arith.constant 0 : index
    %get3A_430 = arith.constant 0 : index
    %get3A_431 = vector.load %arg1[%get3A_427, %get3A_428, %get3A_429, %get3A_430] : memref<1x64x64x128xf32, #tpu.memory_space<vmem>>, vector<1x1x64x32xf32>
    %get3A_432 = vector.shape_cast %get3A_431 : vector<1x1x64x32xf32> to vector<64x32xf32>
    %dot_general3A_433 = arith.constant dense<0.000000e+00> : vector<32x64xf32>
    %dot_general3A_434 = tpu.matmul %convert_element_type3A_11, %get3A_432, %dot_general3A_433 {dimension_numbers = #tpu.dot_dimension_numbers<[1], [1], [0], [0], [0, 0, 1, 0], [], []>, transpose_lhs_hint = false} : vector<32x32xf32>, vector<64x32xf32>, vector<32x64xf32> -> vector<32x64xf32>
    %mul3A_435 = vector.broadcast %select_n3A_426 : vector<1x64xf32> to vector<32x64xf32>
    %mul3A_436 = arith.mulf %dot_general3A_434, %mul3A_435 : vector<32x64xf32>
    %slice3A_437 = vector.extract_strided_slice %mul3A_5 {offsets = [8, 0], sizes = [1, 65], strides = [1, 1]} : vector<65x65xf32> to vector<1x65xf32>
    %add3A_438 = vector.broadcast %slice3A_437 : vector<1x65xf32> to vector<32x65xf32>
    %add3A_439 = arith.addf %add3A_438, %select_n3A : vector<32x65xf32>
    %concatenate3A_440 = tpu.concatenate %broadcast_in_dim3A_20, %mul3A_436 in 1 : vector<32x1xf32>, vector<32x64xf32> -> vector<32x65xf32>
    %add3A_441 = arith.addf %add3A_439, %concatenate3A_440 : vector<32x65xf32>
    %swap3A_442 = arith.constant 0 : index
    %swap3A_443 = arith.constant 0 : index
    %swap3A_444 = arith.constant 8 : index
    %swap3A_445 = arith.constant 0 : index
    %swap3A_446 = vector.load %arg5[%swap3A_442, %swap3A_443, %swap3A_444, %swap3A_445] : memref<1x32x65x65xf32, #tpu.memory_space<vmem>>, vector<1x32x1x65xf32>
    %swap3A_447 = vector.shape_cast %swap3A_446 : vector<1x32x1x65xf32> to vector<32x65xf32>
    %swap3A_448 = vector.shape_cast %add3A_441 : vector<32x65xf32> to vector<1x32x1x65xf32>
    tpu.vector_store %arg5[%swap3A_442, %swap3A_443, %swap3A_444, %swap3A_445], %swap3A_448 {strides = array<i32>} : memref<1x32x65x65xf32, #tpu.memory_space<vmem>>, vector<1x32x1x65xf32>,
    %get3A_449 = arith.constant 0 : index
    %get3A_450 = arith.constant 8 : index
    %get3A_451 = arith.constant 0 : index
    %get3A_452 = vector.load %arg2[%get3A_449, %get3A_450, %get3A_451] : memref<1x64x64xi32, #tpu.memory_space<vmem>>, vector<1x1x64xi32>
    %get3A_453 = vector.shape_cast %get3A_452 : vector<1x1x64xi32> to vector<1x64xi32>
    %le3A_454 = arith.constant 2 : i32
    %le3A_455 = vector.broadcast %le3A_454 : i32 to vector<1x64xi32>
    %le3A_456 = arith.cmpi sle, %get3A_453, %le3A_455 : vector<1x64xi32>
    %eq3A_457 = arith.constant 3 : i32
    %eq3A_458 = vector.broadcast %eq3A_457 : i32 to vector<1x64xi32>
    %eq3A_459 = arith.cmpi eq, %get3A_453, %eq3A_458 : vector<1x64xi32>
    %eq3A_460 = arith.constant 4 : i32
    %eq3A_461 = vector.broadcast %eq3A_460 : i32 to vector<1x64xi32>
    %eq3A_462 = arith.cmpi eq, %get3A_453, %eq3A_461 : vector<1x64xi32>
    %eq3A_463 = arith.constant 5 : i32
    %eq3A_464 = vector.broadcast %eq3A_463 : i32 to vector<1x64xi32>
    %eq3A_465 = arith.cmpi eq, %get3A_453, %eq3A_464 : vector<1x64xi32>
    %jit3A_466 = arith.constant 2.500000e-01 : f32
    %jit3A_467 = arith.constant 2.000000e-01 : f32
    %broadcast_in_dim3A_468 = vector.broadcast %jit3A_466 : f32 to vector<1x64xf32>
    %broadcast_in_dim3A_469 = vector.broadcast %jit3A_467 : f32 to vector<1x64xf32>
    %select_n3A_470 = arith.select %eq3A_465, %broadcast_in_dim3A_468, %broadcast_in_dim3A_469 : vector<1x64xi1>, vector<1x64xf32>
    %jit3A_471 = arith.constant 0.333333343 : f32
    %broadcast_in_dim3A_472 = vector.broadcast %jit3A_471 : f32 to vector<1x64xf32>
    %select_n3A_473 = arith.select %eq3A_462, %broadcast_in_dim3A_472, %select_n3A_470 : vector<1x64xi1>, vector<1x64xf32>
    %jit3A_474 = arith.constant 5.000000e-01 : f32
    %broadcast_in_dim3A_475 = vector.broadcast %jit3A_474 : f32 to vector<1x64xf32>
    %select_n3A_476 = arith.select %eq3A_459, %broadcast_in_dim3A_475, %select_n3A_473 : vector<1x64xi1>, vector<1x64xf32>
    %jit3A_477 = arith.constant 1.000000e+00 : f32
    %broadcast_in_dim3A_478 = vector.broadcast %jit3A_477 : f32 to vector<1x64xf32>
    %select_n3A_479 = arith.select %le3A_456, %broadcast_in_dim3A_478, %select_n3A_476 : vector<1x64xi1>, vector<1x64xf32>
    %get3A_480 = arith.constant 0 : index
    %get3A_481 = arith.constant 8 : index
    %get3A_482 = arith.constant 0 : index
    %get3A_483 = arith.constant 0 : index
    %get3A_484 = vector.load %arg1[%get3A_480, %get3A_481, %get3A_482, %get3A_483] : memref<1x64x64x128xf32, #tpu.memory_space<vmem>>, vector<1x1x64x32xf32>
    %get3A_485 = vector.shape_cast %get3A_484 : vector<1x1x64x32xf32> to vector<64x32xf32>
    %dot_general3A_486 = arith.constant dense<0.000000e+00> : vector<32x64xf32>
    %dot_general3A_487 = tpu.matmul %convert_element_type3A_11, %get3A_485, %dot_general3A_486 {dimension_numbers = #tpu.dot_dimension_numbers<[1], [1], [0], [0], [0, 0, 1, 0], [], []>, transpose_lhs_hint = false} : vector<32x32xf32>, vector<64x32xf32>, vector<32x64xf32> -> vector<32x64xf32>
    %mul3A_488 = vector.broadcast %select_n3A_479 : vector<1x64xf32> to vector<32x64xf32>
    %mul3A_489 = arith.mulf %dot_general3A_487, %mul3A_488 : vector<32x64xf32>
    %slice3A_490 = vector.extract_strided_slice %mul3A_5 {offsets = [9, 0], sizes = [1, 65], strides = [1, 1]} : vector<65x65xf32> to vector<1x65xf32>
    %add3A_491 = vector.broadcast %slice3A_490 : vector<1x65xf32> to vector<32x65xf32>
    %add3A_492 = arith.addf %add3A_491, %select_n3A : vector<32x65xf32>
    %concatenate3A_493 = tpu.concatenate %broadcast_in_dim3A_20, %mul3A_489 in 1 : vector<32x1xf32>, vector<32x64xf32> -> vector<32x65xf32>
    %add3A_494 = arith.addf %add3A_492, %concatenate3A_493 : vector<32x65xf32>
    %swap3A_495 = arith.constant 0 : index
    %swap3A_496 = arith.constant 0 : index
    %swap3A_497 = arith.constant 9 : index
    %swap3A_498 = arith.constant 0 : index
    %swap3A_499 = vector.load %arg5[%swap3A_495, %swap3A_496, %swap3A_497, %swap3A_498] : memref<1x32x65x65xf32, #tpu.memory_space<vmem>>, vector<1x32x1x65xf32>
    %swap3A_500 = vector.shape_cast %swap3A_499 : vector<1x32x1x65xf32> to vector<32x65xf32>
    %swap3A_501 = vector.shape_cast %add3A_494 : vector<32x65xf32> to vector<1x32x1x65xf32>
    tpu.vector_store %arg5[%swap3A_495, %swap3A_496, %swap3A_497, %swap3A_498], %swap3A_501 {strides = array<i32>} : memref<1x32x65x65xf32, #tpu.memory_space<vmem>>, vector<1x32x1x65xf32>,
    %get3A_502 = arith.constant 0 : index
    %get3A_503 = arith.constant 9 : index
    %get3A_504 = arith.constant 0 : index
    %get3A_505 = vector.load %arg2[%get3A_502, %get3A_503, %get3A_504] : memref<1x64x64xi32, #tpu.memory_space<vmem>>, vector<1x1x64xi32>
    %get3A_506 = vector.shape_cast %get3A_505 : vector<1x1x64xi32> to vector<1x64xi32>
    %le3A_507 = arith.constant 2 : i32
    %le3A_508 = vector.broadcast %le3A_507 : i32 to vector<1x64xi32>
    %le3A_509 = arith.cmpi sle, %get3A_506, %le3A_508 : vector<1x64xi32>
    %eq3A_510 = arith.constant 3 : i32
    %eq3A_511 = vector.broadcast %eq3A_510 : i32 to vector<1x64xi32>
    %eq3A_512 = arith.cmpi eq, %get3A_506, %eq3A_511 : vector<1x64xi32>
    %eq3A_513 = arith.constant 4 : i32
    %eq3A_514 = vector.broadcast %eq3A_513 : i32 to vector<1x64xi32>
    %eq3A_515 = arith.cmpi eq, %get3A_506, %eq3A_514 : vector<1x64xi32>
    %eq3A_516 = arith.constant 5 : i32
    %eq3A_517 = vector.broadcast %eq3A_516 : i32 to vector<1x64xi32>
    %eq3A_518 = arith.cmpi eq, %get3A_506, %eq3A_517 : vector<1x64xi32>
    %jit3A_519 = arith.constant 2.500000e-01 : f32
    %jit3A_520 = arith.constant 2.000000e-01 : f32
    %broadcast_in_dim3A_521 = vector.broadcast %jit3A_519 : f32 to vector<1x64xf32>
    %broadcast_in_dim3A_522 = vector.broadcast %jit3A_520 : f32 to vector<1x64xf32>
    %select_n3A_523 = arith.select %eq3A_518, %broadcast_in_dim3A_521, %broadcast_in_dim3A_522 : vector<1x64xi1>, vector<1x64xf32>
    %jit3A_524 = arith.constant 0.333333343 : f32
    %broadcast_in_dim3A_525 = vector.broadcast %jit3A_524 : f32 to vector<1x64xf32>
    %select_n3A_526 = arith.select %eq3A_515, %broadcast_in_dim3A_525, %select_n3A_523 : vector<1x64xi1>, vector<1x64xf32>
    %jit3A_527 = arith.constant 5.000000e-01 : f32
    %broadcast_in_dim3A_528 = vector.broadcast %jit3A_527 : f32 to vector<1x64xf32>
    %select_n3A_529 = arith.select %eq3A_512, %broadcast_in_dim3A_528, %select_n3A_526 : vector<1x64xi1>, vector<1x64xf32>
    %jit3A_530 = arith.constant 1.000000e+00 : f32
    %broadcast_in_dim3A_531 = vector.broadcast %jit3A_530 : f32 to vector<1x64xf32>
    %select_n3A_532 = arith.select %le3A_509, %broadcast_in_dim3A_531, %select_n3A_529 : vector<1x64xi1>, vector<1x64xf32>
    %get3A_533 = arith.constant 0 : index
    %get3A_534 = arith.constant 9 : index
    %get3A_535 = arith.constant 0 : index
    %get3A_536 = arith.constant 0 : index
    %get3A_537 = vector.load %arg1[%get3A_533, %get3A_534, %get3A_535, %get3A_536] : memref<1x64x64x128xf32, #tpu.memory_space<vmem>>, vector<1x1x64x32xf32>
    %get3A_538 = vector.shape_cast %get3A_537 : vector<1x1x64x32xf32> to vector<64x32xf32>
    %dot_general3A_539 = arith.constant dense<0.000000e+00> : vector<32x64xf32>
    %dot_general3A_540 = tpu.matmul %convert_element_type3A_11, %get3A_538, %dot_general3A_539 {dimension_numbers = #tpu.dot_dimension_numbers<[1], [1], [0], [0], [0, 0, 1, 0], [], []>, transpose_lhs_hint = false} : vector<32x32xf32>, vector<64x32xf32>, vector<32x64xf32> -> vector<32x64xf32>
    %mul3A_541 = vector.broadcast %select_n3A_532 : vector<1x64xf32> to vector<32x64xf32>
    %mul3A_542 = arith.mulf %dot_general3A_540, %mul3A_541 : vector<32x64xf32>
    %slice3A_543 = vector.extract_strided_slice %mul3A_5 {offsets = [10, 0], sizes = [1, 65], strides = [1, 1]} : vector<65x65xf32> to vector<1x65xf32>
    %add3A_544 = vector.broadcast %slice3A_543 : vector<1x65xf32> to vector<32x65xf32>
    %add3A_545 = arith.addf %add3A_544, %select_n3A : vector<32x65xf32>
    %concatenate3A_546 = tpu.concatenate %broadcast_in_dim3A_20, %mul3A_542 in 1 : vector<32x1xf32>, vector<32x64xf32> -> vector<32x65xf32>
    %add3A_547 = arith.addf %add3A_545, %concatenate3A_546 : vector<32x65xf32>
    %swap3A_548 = arith.constant 0 : index
    %swap3A_549 = arith.constant 0 : index
    %swap3A_550 = arith.constant 10 : index
    %swap3A_551 = arith.constant 0 : index
    %swap3A_552 = vector.load %arg5[%swap3A_548, %swap3A_549, %swap3A_550, %swap3A_551] : memref<1x32x65x65xf32, #tpu.memory_space<vmem>>, vector<1x32x1x65xf32>
    %swap3A_553 = vector.shape_cast %swap3A_552 : vector<1x32x1x65xf32> to vector<32x65xf32>
    %swap3A_554 = vector.shape_cast %add3A_547 : vector<32x65xf32> to vector<1x32x1x65xf32>
    tpu.vector_store %arg5[%swap3A_548, %swap3A_549, %swap3A_550, %swap3A_551], %swap3A_554 {strides = array<i32>} : memref<1x32x65x65xf32, #tpu.memory_space<vmem>>, vector<1x32x1x65xf32>,
    %get3A_555 = arith.constant 0 : index
    %get3A_556 = arith.constant 10 : index
    %get3A_557 = arith.constant 0 : index
    %get3A_558 = vector.load %arg2[%get3A_555, %get3A_556, %get3A_557] : memref<1x64x64xi32, #tpu.memory_space<vmem>>, vector<1x1x64xi32>
    %get3A_559 = vector.shape_cast %get3A_558 : vector<1x1x64xi32> to vector<1x64xi32>
    %le3A_560 = arith.constant 2 : i32
    %le3A_561 = vector.broadcast %le3A_560 : i32 to vector<1x64xi32>
    %le3A_562 = arith.cmpi sle, %get3A_559, %le3A_561 : vector<1x64xi32>
    %eq3A_563 = arith.constant 3 : i32
    %eq3A_564 = vector.broadcast %eq3A_563 : i32 to vector<1x64xi32>
    %eq3A_565 = arith.cmpi eq, %get3A_559, %eq3A_564 : vector<1x64xi32>
    %eq3A_566 = arith.constant 4 : i32
    %eq3A_567 = vector.broadcast %eq3A_566 : i32 to vector<1x64xi32>
    %eq3A_568 = arith.cmpi eq, %get3A_559, %eq3A_567 : vector<1x64xi32>
    %eq3A_569 = arith.constant 5 : i32
    %eq3A_570 = vector.broadcast %eq3A_569 : i32 to vector<1x64xi32>
    %eq3A_571 = arith.cmpi eq, %get3A_559, %eq3A_570 : vector<1x64xi32>
    %jit3A_572 = arith.constant 2.500000e-01 : f32
    %jit3A_573 = arith.constant 2.000000e-01 : f32
    %broadcast_in_dim3A_574 = vector.broadcast %jit3A_572 : f32 to vector<1x64xf32>
    %broadcast_in_dim3A_575 = vector.broadcast %jit3A_573 : f32 to vector<1x64xf32>
    %select_n3A_576 = arith.select %eq3A_571, %broadcast_in_dim3A_574, %broadcast_in_dim3A_575 : vector<1x64xi1>, vector<1x64xf32>
    %jit3A_577 = arith.constant 0.333333343 : f32
    %broadcast_in_dim3A_578 = vector.broadcast %jit3A_577 : f32 to vector<1x64xf32>
    %select_n3A_579 = arith.select %eq3A_568, %broadcast_in_dim3A_578, %select_n3A_576 : vector<1x64xi1>, vector<1x64xf32>
    %jit3A_580 = arith.constant 5.000000e-01 : f32
    %broadcast_in_dim3A_581 = vector.broadcast %jit3A_580 : f32 to vector<1x64xf32>
    %select_n3A_582 = arith.select %eq3A_565, %broadcast_in_dim3A_581, %select_n3A_579 : vector<1x64xi1>, vector<1x64xf32>
    %jit3A_583 = arith.constant 1.000000e+00 : f32
    %broadcast_in_dim3A_584 = vector.broadcast %jit3A_583 : f32 to vector<1x64xf32>
    %select_n3A_585 = arith.select %le3A_562, %broadcast_in_dim3A_584, %select_n3A_582 : vector<1x64xi1>, vector<1x64xf32>
    %get3A_586 = arith.constant 0 : index
    %get3A_587 = arith.constant 10 : index
    %get3A_588 = arith.constant 0 : index
    %get3A_589 = arith.constant 0 : index
    %get3A_590 = vector.load %arg1[%get3A_586, %get3A_587, %get3A_588, %get3A_589] : memref<1x64x64x128xf32, #tpu.memory_space<vmem>>, vector<1x1x64x32xf32>
    %get3A_591 = vector.shape_cast %get3A_590 : vector<1x1x64x32xf32> to vector<64x32xf32>
    %dot_general3A_592 = arith.constant dense<0.000000e+00> : vector<32x64xf32>
    %dot_general3A_593 = tpu.matmul %convert_element_type3A_11, %get3A_591, %dot_general3A_592 {dimension_numbers = #tpu.dot_dimension_numbers<[1], [1], [0], [0], [0, 0, 1, 0], [], []>, transpose_lhs_hint = false} : vector<32x32xf32>, vector<64x32xf32>, vector<32x64xf32> -> vector<32x64xf32>
    %mul3A_594 = vector.broadcast %select_n3A_585 : vector<1x64xf32> to vector<32x64xf32>
    %mul3A_595 = arith.mulf %dot_general3A_593, %mul3A_594 : vector<32x64xf32>
    %slice3A_596 = vector.extract_strided_slice %mul3A_5 {offsets = [11, 0], sizes = [1, 65], strides = [1, 1]} : vector<65x65xf32> to vector<1x65xf32>
    %add3A_597 = vector.broadcast %slice3A_596 : vector<1x65xf32> to vector<32x65xf32>
    %add3A_598 = arith.addf %add3A_597, %select_n3A : vector<32x65xf32>
    %concatenate3A_599 = tpu.concatenate %broadcast_in_dim3A_20, %mul3A_595 in 1 : vector<32x1xf32>, vector<32x64xf32> -> vector<32x65xf32>
    %add3A_600 = arith.addf %add3A_598, %concatenate3A_599 : vector<32x65xf32>
    %swap3A_601 = arith.constant 0 : index
    %swap3A_602 = arith.constant 0 : index
    %swap3A_603 = arith.constant 11 : index
    %swap3A_604 = arith.constant 0 : index
    %swap3A_605 = vector.load %arg5[%swap3A_601, %swap3A_602, %swap3A_603, %swap3A_604] : memref<1x32x65x65xf32, #tpu.memory_space<vmem>>, vector<1x32x1x65xf32>
    %swap3A_606 = vector.shape_cast %swap3A_605 : vector<1x32x1x65xf32> to vector<32x65xf32>
    %swap3A_607 = vector.shape_cast %add3A_600 : vector<32x65xf32> to vector<1x32x1x65xf32>
    tpu.vector_store %arg5[%swap3A_601, %swap3A_602, %swap3A_603, %swap3A_604], %swap3A_607 {strides = array<i32>} : memref<1x32x65x65xf32, #tpu.memory_space<vmem>>, vector<1x32x1x65xf32>,
    %get3A_608 = arith.constant 0 : index
    %get3A_609 = arith.constant 11 : index
    %get3A_610 = arith.constant 0 : index
    %get3A_611 = vector.load %arg2[%get3A_608, %get3A_609, %get3A_610] : memref<1x64x64xi32, #tpu.memory_space<vmem>>, vector<1x1x64xi32>
    %get3A_612 = vector.shape_cast %get3A_611 : vector<1x1x64xi32> to vector<1x64xi32>
    %le3A_613 = arith.constant 2 : i32
    %le3A_614 = vector.broadcast %le3A_613 : i32 to vector<1x64xi32>
    %le3A_615 = arith.cmpi sle, %get3A_612, %le3A_614 : vector<1x64xi32>
    %eq3A_616 = arith.constant 3 : i32
    %eq3A_617 = vector.broadcast %eq3A_616 : i32 to vector<1x64xi32>
    %eq3A_618 = arith.cmpi eq, %get3A_612, %eq3A_617 : vector<1x64xi32>
    %eq3A_619 = arith.constant 4 : i32
    %eq3A_620 = vector.broadcast %eq3A_619 : i32 to vector<1x64xi32>
    %eq3A_621 = arith.cmpi eq, %get3A_612, %eq3A_620 : vector<1x64xi32>
    %eq3A_622 = arith.constant 5 : i32
    %eq3A_623 = vector.broadcast %eq3A_622 : i32 to vector<1x64xi32>
    %eq3A_624 = arith.cmpi eq, %get3A_612, %eq3A_623 : vector<1x64xi32>
    %jit3A_625 = arith.constant 2.500000e-01 : f32
    %jit3A_626 = arith.constant 2.000000e-01 : f32
    %broadcast_in_dim3A_627 = vector.broadcast %jit3A_625 : f32 to vector<1x64xf32>
    %broadcast_in_dim3A_628 = vector.broadcast %jit3A_626 : f32 to vector<1x64xf32>
    %select_n3A_629 = arith.select %eq3A_624, %broadcast_in_dim3A_627, %broadcast_in_dim3A_628 : vector<1x64xi1>, vector<1x64xf32>
    %jit3A_630 = arith.constant 0.333333343 : f32
    %broadcast_in_dim3A_631 = vector.broadcast %jit3A_630 : f32 to vector<1x64xf32>
    %select_n3A_632 = arith.select %eq3A_621, %broadcast_in_dim3A_631, %select_n3A_629 : vector<1x64xi1>, vector<1x64xf32>
    %jit3A_633 = arith.constant 5.000000e-01 : f32
    %broadcast_in_dim3A_634 = vector.broadcast %jit3A_633 : f32 to vector<1x64xf32>
    %select_n3A_635 = arith.select %eq3A_618, %broadcast_in_dim3A_634, %select_n3A_632 : vector<1x64xi1>, vector<1x64xf32>
    %jit3A_636 = arith.constant 1.000000e+00 : f32
    %broadcast_in_dim3A_637 = vector.broadcast %jit3A_636 : f32 to vector<1x64xf32>
    %select_n3A_638 = arith.select %le3A_615, %broadcast_in_dim3A_637, %select_n3A_635 : vector<1x64xi1>, vector<1x64xf32>
    %get3A_639 = arith.constant 0 : index
    %get3A_640 = arith.constant 11 : index
    %get3A_641 = arith.constant 0 : index
    %get3A_642 = arith.constant 0 : index
    %get3A_643 = vector.load %arg1[%get3A_639, %get3A_640, %get3A_641, %get3A_642] : memref<1x64x64x128xf32, #tpu.memory_space<vmem>>, vector<1x1x64x32xf32>
    %get3A_644 = vector.shape_cast %get3A_643 : vector<1x1x64x32xf32> to vector<64x32xf32>
    %dot_general3A_645 = arith.constant dense<0.000000e+00> : vector<32x64xf32>
    %dot_general3A_646 = tpu.matmul %convert_element_type3A_11, %get3A_644, %dot_general3A_645 {dimension_numbers = #tpu.dot_dimension_numbers<[1], [1], [0], [0], [0, 0, 1, 0], [], []>, transpose_lhs_hint = false} : vector<32x32xf32>, vector<64x32xf32>, vector<32x64xf32> -> vector<32x64xf32>
    %mul3A_647 = vector.broadcast %select_n3A_638 : vector<1x64xf32> to vector<32x64xf32>
    %mul3A_648 = arith.mulf %dot_general3A_646, %mul3A_647 : vector<32x64xf32>
    %slice3A_649 = vector.extract_strided_slice %mul3A_5 {offsets = [12, 0], sizes = [1, 65], strides = [1, 1]} : vector<65x65xf32> to vector<1x65xf32>
    %add3A_650 = vector.broadcast %slice3A_649 : vector<1x65xf32> to vector<32x65xf32>
    %add3A_651 = arith.addf %add3A_650, %select_n3A : vector<32x65xf32>
    %concatenate3A_652 = tpu.concatenate %broadcast_in_dim3A_20, %mul3A_648 in 1 : vector<32x1xf32>, vector<32x64xf32> -> vector<32x65xf32>
    %add3A_653 = arith.addf %add3A_651, %concatenate3A_652 : vector<32x65xf32>
    %swap3A_654 = arith.constant 0 : index
    %swap3A_655 = arith.constant 0 : index
    %swap3A_656 = arith.constant 12 : index
    %swap3A_657 = arith.constant 0 : index
    %swap3A_658 = vector.load %arg5[%swap3A_654, %swap3A_655, %swap3A_656, %swap3A_657] : memref<1x32x65x65xf32, #tpu.memory_space<vmem>>, vector<1x32x1x65xf32>
    %swap3A_659 = vector.shape_cast %swap3A_658 : vector<1x32x1x65xf32> to vector<32x65xf32>
    %swap3A_660 = vector.shape_cast %add3A_653 : vector<32x65xf32> to vector<1x32x1x65xf32>
    tpu.vector_store %arg5[%swap3A_654, %swap3A_655, %swap3A_656, %swap3A_657], %swap3A_660 {strides = array<i32>} : memref<1x32x65x65xf32, #tpu.memory_space<vmem>>, vector<1x32x1x65xf32>,
    %get3A_661 = arith.constant 0 : index
    %get3A_662 = arith.constant 12 : index
    %get3A_663 = arith.constant 0 : index
    %get3A_664 = vector.load %arg2[%get3A_661, %get3A_662, %get3A_663] : memref<1x64x64xi32, #tpu.memory_space<vmem>>, vector<1x1x64xi32>
    %get3A_665 = vector.shape_cast %get3A_664 : vector<1x1x64xi32> to vector<1x64xi32>
    %le3A_666 = arith.constant 2 : i32
    %le3A_667 = vector.broadcast %le3A_666 : i32 to vector<1x64xi32>
    %le3A_668 = arith.cmpi sle, %get3A_665, %le3A_667 : vector<1x64xi32>
    %eq3A_669 = arith.constant 3 : i32
    %eq3A_670 = vector.broadcast %eq3A_669 : i32 to vector<1x64xi32>
    %eq3A_671 = arith.cmpi eq, %get3A_665, %eq3A_670 : vector<1x64xi32>
    %eq3A_672 = arith.constant 4 : i32
    %eq3A_673 = vector.broadcast %eq3A_672 : i32 to vector<1x64xi32>
    %eq3A_674 = arith.cmpi eq, %get3A_665, %eq3A_673 : vector<1x64xi32>
    %eq3A_675 = arith.constant 5 : i32
    %eq3A_676 = vector.broadcast %eq3A_675 : i32 to vector<1x64xi32>
    %eq3A_677 = arith.cmpi eq, %get3A_665, %eq3A_676 : vector<1x64xi32>
    %jit3A_678 = arith.constant 2.500000e-01 : f32
    %jit3A_679 = arith.constant 2.000000e-01 : f32
    %broadcast_in_dim3A_680 = vector.broadcast %jit3A_678 : f32 to vector<1x64xf32>
    %broadcast_in_dim3A_681 = vector.broadcast %jit3A_679 : f32 to vector<1x64xf32>
    %select_n3A_682 = arith.select %eq3A_677, %broadcast_in_dim3A_680, %broadcast_in_dim3A_681 : vector<1x64xi1>, vector<1x64xf32>
    %jit3A_683 = arith.constant 0.333333343 : f32
    %broadcast_in_dim3A_684 = vector.broadcast %jit3A_683 : f32 to vector<1x64xf32>
    %select_n3A_685 = arith.select %eq3A_674, %broadcast_in_dim3A_684, %select_n3A_682 : vector<1x64xi1>, vector<1x64xf32>
    %jit3A_686 = arith.constant 5.000000e-01 : f32
    %broadcast_in_dim3A_687 = vector.broadcast %jit3A_686 : f32 to vector<1x64xf32>
    %select_n3A_688 = arith.select %eq3A_671, %broadcast_in_dim3A_687, %select_n3A_685 : vector<1x64xi1>, vector<1x64xf32>
    %jit3A_689 = arith.constant 1.000000e+00 : f32
    %broadcast_in_dim3A_690 = vector.broadcast %jit3A_689 : f32 to vector<1x64xf32>
    %select_n3A_691 = arith.select %le3A_668, %broadcast_in_dim3A_690, %select_n3A_688 : vector<1x64xi1>, vector<1x64xf32>
    %get3A_692 = arith.constant 0 : index
    %get3A_693 = arith.constant 12 : index
    %get3A_694 = arith.constant 0 : index
    %get3A_695 = arith.constant 0 : index
    %get3A_696 = vector.load %arg1[%get3A_692, %get3A_693, %get3A_694, %get3A_695] : memref<1x64x64x128xf32, #tpu.memory_space<vmem>>, vector<1x1x64x32xf32>
    %get3A_697 = vector.shape_cast %get3A_696 : vector<1x1x64x32xf32> to vector<64x32xf32>
    %dot_general3A_698 = arith.constant dense<0.000000e+00> : vector<32x64xf32>
    %dot_general3A_699 = tpu.matmul %convert_element_type3A_11, %get3A_697, %dot_general3A_698 {dimension_numbers = #tpu.dot_dimension_numbers<[1], [1], [0], [0], [0, 0, 1, 0], [], []>, transpose_lhs_hint = false} : vector<32x32xf32>, vector<64x32xf32>, vector<32x64xf32> -> vector<32x64xf32>
    %mul3A_700 = vector.broadcast %select_n3A_691 : vector<1x64xf32> to vector<32x64xf32>
    %mul3A_701 = arith.mulf %dot_general3A_699, %mul3A_700 : vector<32x64xf32>
    %slice3A_702 = vector.extract_strided_slice %mul3A_5 {offsets = [13, 0], sizes = [1, 65], strides = [1, 1]} : vector<65x65xf32> to vector<1x65xf32>
    %add3A_703 = vector.broadcast %slice3A_702 : vector<1x65xf32> to vector<32x65xf32>
    %add3A_704 = arith.addf %add3A_703, %select_n3A : vector<32x65xf32>
    %concatenate3A_705 = tpu.concatenate %broadcast_in_dim3A_20, %mul3A_701 in 1 : vector<32x1xf32>, vector<32x64xf32> -> vector<32x65xf32>
    %add3A_706 = arith.addf %add3A_704, %concatenate3A_705 : vector<32x65xf32>
    %swap3A_707 = arith.constant 0 : index
    %swap3A_708 = arith.constant 0 : index
    %swap3A_709 = arith.constant 13 : index
    %swap3A_710 = arith.constant 0 : index
    %swap3A_711 = vector.load %arg5[%swap3A_707, %swap3A_708, %swap3A_709, %swap3A_710] : memref<1x32x65x65xf32, #tpu.memory_space<vmem>>, vector<1x32x1x65xf32>
    %swap3A_712 = vector.shape_cast %swap3A_711 : vector<1x32x1x65xf32> to vector<32x65xf32>
    %swap3A_713 = vector.shape_cast %add3A_706 : vector<32x65xf32> to vector<1x32x1x65xf32>
    tpu.vector_store %arg5[%swap3A_707, %swap3A_708, %swap3A_709, %swap3A_710], %swap3A_713 {strides = array<i32>} : memref<1x32x65x65xf32, #tpu.memory_space<vmem>>, vector<1x32x1x65xf32>,
    %get3A_714 = arith.constant 0 : index
    %get3A_715 = arith.constant 13 : index
    %get3A_716 = arith.constant 0 : index
    %get3A_717 = vector.load %arg2[%get3A_714, %get3A_715, %get3A_716] : memref<1x64x64xi32, #tpu.memory_space<vmem>>, vector<1x1x64xi32>
    %get3A_718 = vector.shape_cast %get3A_717 : vector<1x1x64xi32> to vector<1x64xi32>
    %le3A_719 = arith.constant 2 : i32
    %le3A_720 = vector.broadcast %le3A_719 : i32 to vector<1x64xi32>
    %le3A_721 = arith.cmpi sle, %get3A_718, %le3A_720 : vector<1x64xi32>
    %eq3A_722 = arith.constant 3 : i32
    %eq3A_723 = vector.broadcast %eq3A_722 : i32 to vector<1x64xi32>
    %eq3A_724 = arith.cmpi eq, %get3A_718, %eq3A_723 : vector<1x64xi32>
    %eq3A_725 = arith.constant 4 : i32
    %eq3A_726 = vector.broadcast %eq3A_725 : i32 to vector<1x64xi32>
    %eq3A_727 = arith.cmpi eq, %get3A_718, %eq3A_726 : vector<1x64xi32>
    %eq3A_728 = arith.constant 5 : i32
    %eq3A_729 = vector.broadcast %eq3A_728 : i32 to vector<1x64xi32>
    %eq3A_730 = arith.cmpi eq, %get3A_718, %eq3A_729 : vector<1x64xi32>
    %jit3A_731 = arith.constant 2.500000e-01 : f32
    %jit3A_732 = arith.constant 2.000000e-01 : f32
    %broadcast_in_dim3A_733 = vector.broadcast %jit3A_731 : f32 to vector<1x64xf32>
    %broadcast_in_dim3A_734 = vector.broadcast %jit3A_732 : f32 to vector<1x64xf32>
    %select_n3A_735 = arith.select %eq3A_730, %broadcast_in_dim3A_733, %broadcast_in_dim3A_734 : vector<1x64xi1>, vector<1x64xf32>
    %jit3A_736 = arith.constant 0.333333343 : f32
    %broadcast_in_dim3A_737 = vector.broadcast %jit3A_736 : f32 to vector<1x64xf32>
    %select_n3A_738 = arith.select %eq3A_727, %broadcast_in_dim3A_737, %select_n3A_735 : vector<1x64xi1>, vector<1x64xf32>
    %jit3A_739 = arith.constant 5.000000e-01 : f32
    %broadcast_in_dim3A_740 = vector.broadcast %jit3A_739 : f32 to vector<1x64xf32>
    %select_n3A_741 = arith.select %eq3A_724, %broadcast_in_dim3A_740, %select_n3A_738 : vector<1x64xi1>, vector<1x64xf32>
    %jit3A_742 = arith.constant 1.000000e+00 : f32
    %broadcast_in_dim3A_743 = vector.broadcast %jit3A_742 : f32 to vector<1x64xf32>
    %select_n3A_744 = arith.select %le3A_721, %broadcast_in_dim3A_743, %select_n3A_741 : vector<1x64xi1>, vector<1x64xf32>
    %get3A_745 = arith.constant 0 : index
    %get3A_746 = arith.constant 13 : index
    %get3A_747 = arith.constant 0 : index
    %get3A_748 = arith.constant 0 : index
    %get3A_749 = vector.load %arg1[%get3A_745, %get3A_746, %get3A_747, %get3A_748] : memref<1x64x64x128xf32, #tpu.memory_space<vmem>>, vector<1x1x64x32xf32>
    %get3A_750 = vector.shape_cast %get3A_749 : vector<1x1x64x32xf32> to vector<64x32xf32>
    %dot_general3A_751 = arith.constant dense<0.000000e+00> : vector<32x64xf32>
    %dot_general3A_752 = tpu.matmul %convert_element_type3A_11, %get3A_750, %dot_general3A_751 {dimension_numbers = #tpu.dot_dimension_numbers<[1], [1], [0], [0], [0, 0, 1, 0], [], []>, transpose_lhs_hint = false} : vector<32x32xf32>, vector<64x32xf32>, vector<32x64xf32> -> vector<32x64xf32>
    %mul3A_753 = vector.broadcast %select_n3A_744 : vector<1x64xf32> to vector<32x64xf32>
    %mul3A_754 = arith.mulf %dot_general3A_752, %mul3A_753 : vector<32x64xf32>
    %slice3A_755 = vector.extract_strided_slice %mul3A_5 {offsets = [14, 0], sizes = [1, 65], strides = [1, 1]} : vector<65x65xf32> to vector<1x65xf32>
    %add3A_756 = vector.broadcast %slice3A_755 : vector<1x65xf32> to vector<32x65xf32>
    %add3A_757 = arith.addf %add3A_756, %select_n3A : vector<32x65xf32>
    %concatenate3A_758 = tpu.concatenate %broadcast_in_dim3A_20, %mul3A_754 in 1 : vector<32x1xf32>, vector<32x64xf32> -> vector<32x65xf32>
    %add3A_759 = arith.addf %add3A_757, %concatenate3A_758 : vector<32x65xf32>
    %swap3A_760 = arith.constant 0 : index
    %swap3A_761 = arith.constant 0 : index
    %swap3A_762 = arith.constant 14 : index
    %swap3A_763 = arith.constant 0 : index
    %swap3A_764 = vector.load %arg5[%swap3A_760, %swap3A_761, %swap3A_762, %swap3A_763] : memref<1x32x65x65xf32, #tpu.memory_space<vmem>>, vector<1x32x1x65xf32>
    %swap3A_765 = vector.shape_cast %swap3A_764 : vector<1x32x1x65xf32> to vector<32x65xf32>
    %swap3A_766 = vector.shape_cast %add3A_759 : vector<32x65xf32> to vector<1x32x1x65xf32>
    tpu.vector_store %arg5[%swap3A_760, %swap3A_761, %swap3A_762, %swap3A_763], %swap3A_766 {strides = array<i32>} : memref<1x32x65x65xf32, #tpu.memory_space<vmem>>, vector<1x32x1x65xf32>,
    %get3A_767 = arith.constant 0 : index
    %get3A_768 = arith.constant 14 : index
    %get3A_769 = arith.constant 0 : index
    %get3A_770 = vector.load %arg2[%get3A_767, %get3A_768, %get3A_769] : memref<1x64x64xi32, #tpu.memory_space<vmem>>, vector<1x1x64xi32>
    %get3A_771 = vector.shape_cast %get3A_770 : vector<1x1x64xi32> to vector<1x64xi32>
    %le3A_772 = arith.constant 2 : i32
    %le3A_773 = vector.broadcast %le3A_772 : i32 to vector<1x64xi32>
    %le3A_774 = arith.cmpi sle, %get3A_771, %le3A_773 : vector<1x64xi32>
    %eq3A_775 = arith.constant 3 : i32
    %eq3A_776 = vector.broadcast %eq3A_775 : i32 to vector<1x64xi32>
    %eq3A_777 = arith.cmpi eq, %get3A_771, %eq3A_776 : vector<1x64xi32>
    %eq3A_778 = arith.constant 4 : i32
    %eq3A_779 = vector.broadcast %eq3A_778 : i32 to vector<1x64xi32>
    %eq3A_780 = arith.cmpi eq, %get3A_771, %eq3A_779 : vector<1x64xi32>
    %eq3A_781 = arith.constant 5 : i32
    %eq3A_782 = vector.broadcast %eq3A_781 : i32 to vector<1x64xi32>
    %eq3A_783 = arith.cmpi eq, %get3A_771, %eq3A_782 : vector<1x64xi32>
    %jit3A_784 = arith.constant 2.500000e-01 : f32
    %jit3A_785 = arith.constant 2.000000e-01 : f32
    %broadcast_in_dim3A_786 = vector.broadcast %jit3A_784 : f32 to vector<1x64xf32>
    %broadcast_in_dim3A_787 = vector.broadcast %jit3A_785 : f32 to vector<1x64xf32>
    %select_n3A_788 = arith.select %eq3A_783, %broadcast_in_dim3A_786, %broadcast_in_dim3A_787 : vector<1x64xi1>, vector<1x64xf32>
    %jit3A_789 = arith.constant 0.333333343 : f32
    %broadcast_in_dim3A_790 = vector.broadcast %jit3A_789 : f32 to vector<1x64xf32>
    %select_n3A_791 = arith.select %eq3A_780, %broadcast_in_dim3A_790, %select_n3A_788 : vector<1x64xi1>, vector<1x64xf32>
    %jit3A_792 = arith.constant 5.000000e-01 : f32
    %broadcast_in_dim3A_793 = vector.broadcast %jit3A_792 : f32 to vector<1x64xf32>
    %select_n3A_794 = arith.select %eq3A_777, %broadcast_in_dim3A_793, %select_n3A_791 : vector<1x64xi1>, vector<1x64xf32>
    %jit3A_795 = arith.constant 1.000000e+00 : f32
    %broadcast_in_dim3A_796 = vector.broadcast %jit3A_795 : f32 to vector<1x64xf32>
    %select_n3A_797 = arith.select %le3A_774, %broadcast_in_dim3A_796, %select_n3A_794 : vector<1x64xi1>, vector<1x64xf32>
    %get3A_798 = arith.constant 0 : index
    %get3A_799 = arith.constant 14 : index
    %get3A_800 = arith.constant 0 : index
    %get3A_801 = arith.constant 0 : index
    %get3A_802 = vector.load %arg1[%get3A_798, %get3A_799, %get3A_800, %get3A_801] : memref<1x64x64x128xf32, #tpu.memory_space<vmem>>, vector<1x1x64x32xf32>
    %get3A_803 = vector.shape_cast %get3A_802 : vector<1x1x64x32xf32> to vector<64x32xf32>
    %dot_general3A_804 = arith.constant dense<0.000000e+00> : vector<32x64xf32>
    %dot_general3A_805 = tpu.matmul %convert_element_type3A_11, %get3A_803, %dot_general3A_804 {dimension_numbers = #tpu.dot_dimension_numbers<[1], [1], [0], [0], [0, 0, 1, 0], [], []>, transpose_lhs_hint = false} : vector<32x32xf32>, vector<64x32xf32>, vector<32x64xf32> -> vector<32x64xf32>
    %mul3A_806 = vector.broadcast %select_n3A_797 : vector<1x64xf32> to vector<32x64xf32>
    %mul3A_807 = arith.mulf %dot_general3A_805, %mul3A_806 : vector<32x64xf32>
    %slice3A_808 = vector.extract_strided_slice %mul3A_5 {offsets = [15, 0], sizes = [1, 65], strides = [1, 1]} : vector<65x65xf32> to vector<1x65xf32>
    %add3A_809 = vector.broadcast %slice3A_808 : vector<1x65xf32> to vector<32x65xf32>
    %add3A_810 = arith.addf %add3A_809, %select_n3A : vector<32x65xf32>
    %concatenate3A_811 = tpu.concatenate %broadcast_in_dim3A_20, %mul3A_807 in 1 : vector<32x1xf32>, vector<32x64xf32> -> vector<32x65xf32>
    %add3A_812 = arith.addf %add3A_810, %concatenate3A_811 : vector<32x65xf32>
    %swap3A_813 = arith.constant 0 : index
    %swap3A_814 = arith.constant 0 : index
    %swap3A_815 = arith.constant 15 : index
    %swap3A_816 = arith.constant 0 : index
    %swap3A_817 = vector.load %arg5[%swap3A_813, %swap3A_814, %swap3A_815, %swap3A_816] : memref<1x32x65x65xf32, #tpu.memory_space<vmem>>, vector<1x32x1x65xf32>
    %swap3A_818 = vector.shape_cast %swap3A_817 : vector<1x32x1x65xf32> to vector<32x65xf32>
    %swap3A_819 = vector.shape_cast %add3A_812 : vector<32x65xf32> to vector<1x32x1x65xf32>
    tpu.vector_store %arg5[%swap3A_813, %swap3A_814, %swap3A_815, %swap3A_816], %swap3A_819 {strides = array<i32>} : memref<1x32x65x65xf32, #tpu.memory_space<vmem>>, vector<1x32x1x65xf32>,
    %get3A_820 = arith.constant 0 : index
    %get3A_821 = arith.constant 15 : index
    %get3A_822 = arith.constant 0 : index
    %get3A_823 = vector.load %arg2[%get3A_820, %get3A_821, %get3A_822] : memref<1x64x64xi32, #tpu.memory_space<vmem>>, vector<1x1x64xi32>
    %get3A_824 = vector.shape_cast %get3A_823 : vector<1x1x64xi32> to vector<1x64xi32>
    %le3A_825 = arith.constant 2 : i32
    %le3A_826 = vector.broadcast %le3A_825 : i32 to vector<1x64xi32>
    %le3A_827 = arith.cmpi sle, %get3A_824, %le3A_826 : vector<1x64xi32>
    %eq3A_828 = arith.constant 3 : i32
    %eq3A_829 = vector.broadcast %eq3A_828 : i32 to vector<1x64xi32>
    %eq3A_830 = arith.cmpi eq, %get3A_824, %eq3A_829 : vector<1x64xi32>
    %eq3A_831 = arith.constant 4 : i32
    %eq3A_832 = vector.broadcast %eq3A_831 : i32 to vector<1x64xi32>
    %eq3A_833 = arith.cmpi eq, %get3A_824, %eq3A_832 : vector<1x64xi32>
    %eq3A_834 = arith.constant 5 : i32
    %eq3A_835 = vector.broadcast %eq3A_834 : i32 to vector<1x64xi32>
    %eq3A_836 = arith.cmpi eq, %get3A_824, %eq3A_835 : vector<1x64xi32>
    %jit3A_837 = arith.constant 2.500000e-01 : f32
    %jit3A_838 = arith.constant 2.000000e-01 : f32
    %broadcast_in_dim3A_839 = vector.broadcast %jit3A_837 : f32 to vector<1x64xf32>
    %broadcast_in_dim3A_840 = vector.broadcast %jit3A_838 : f32 to vector<1x64xf32>
    %select_n3A_841 = arith.select %eq3A_836, %broadcast_in_dim3A_839, %broadcast_in_dim3A_840 : vector<1x64xi1>, vector<1x64xf32>
    %jit3A_842 = arith.constant 0.333333343 : f32
    %broadcast_in_dim3A_843 = vector.broadcast %jit3A_842 : f32 to vector<1x64xf32>
    %select_n3A_844 = arith.select %eq3A_833, %broadcast_in_dim3A_843, %select_n3A_841 : vector<1x64xi1>, vector<1x64xf32>
    %jit3A_845 = arith.constant 5.000000e-01 : f32
    %broadcast_in_dim3A_846 = vector.broadcast %jit3A_845 : f32 to vector<1x64xf32>
    %select_n3A_847 = arith.select %eq3A_830, %broadcast_in_dim3A_846, %select_n3A_844 : vector<1x64xi1>, vector<1x64xf32>
    %jit3A_848 = arith.constant 1.000000e+00 : f32
    %broadcast_in_dim3A_849 = vector.broadcast %jit3A_848 : f32 to vector<1x64xf32>
    %select_n3A_850 = arith.select %le3A_827, %broadcast_in_dim3A_849, %select_n3A_847 : vector<1x64xi1>, vector<1x64xf32>
    %get3A_851 = arith.constant 0 : index
    %get3A_852 = arith.constant 15 : index
    %get3A_853 = arith.constant 0 : index
    %get3A_854 = arith.constant 0 : index
    %get3A_855 = vector.load %arg1[%get3A_851, %get3A_852, %get3A_853, %get3A_854] : memref<1x64x64x128xf32, #tpu.memory_space<vmem>>, vector<1x1x64x32xf32>
    %get3A_856 = vector.shape_cast %get3A_855 : vector<1x1x64x32xf32> to vector<64x32xf32>
    %dot_general3A_857 = arith.constant dense<0.000000e+00> : vector<32x64xf32>
    %dot_general3A_858 = tpu.matmul %convert_element_type3A_11, %get3A_856, %dot_general3A_857 {dimension_numbers = #tpu.dot_dimension_numbers<[1], [1], [0], [0], [0, 0, 1, 0], [], []>, transpose_lhs_hint = false} : vector<32x32xf32>, vector<64x32xf32>, vector<32x64xf32> -> vector<32x64xf32>
    %mul3A_859 = vector.broadcast %select_n3A_850 : vector<1x64xf32> to vector<32x64xf32>
    %mul3A_860 = arith.mulf %dot_general3A_858, %mul3A_859 : vector<32x64xf32>
    %slice3A_861 = vector.extract_strided_slice %mul3A_5 {offsets = [16, 0], sizes = [1, 65], strides = [1, 1]} : vector<65x65xf32> to vector<1x65xf32>
    %add3A_862 = vector.broadcast %slice3A_861 : vector<1x65xf32> to vector<32x65xf32>
    %add3A_863 = arith.addf %add3A_862, %select_n3A : vector<32x65xf32>
    %concatenate3A_864 = tpu.concatenate %broadcast_in_dim3A_20, %mul3A_860 in 1 : vector<32x1xf32>, vector<32x64xf32> -> vector<32x65xf32>
    %add3A_865 = arith.addf %add3A_863, %concatenate3A_864 : vector<32x65xf32>
    %swap3A_866 = arith.constant 0 : index
    %swap3A_867 = arith.constant 0 : index
    %swap3A_868 = arith.constant 16 : index
    %swap3A_869 = arith.constant 0 : index
    %swap3A_870 = vector.load %arg5[%swap3A_866, %swap3A_867, %swap3A_868, %swap3A_869] : memref<1x32x65x65xf32, #tpu.memory_space<vmem>>, vector<1x32x1x65xf32>
    %swap3A_871 = vector.shape_cast %swap3A_870 : vector<1x32x1x65xf32> to vector<32x65xf32>
    %swap3A_872 = vector.shape_cast %add3A_865 : vector<32x65xf32> to vector<1x32x1x65xf32>
    tpu.vector_store %arg5[%swap3A_866, %swap3A_867, %swap3A_868, %swap3A_869], %swap3A_872 {strides = array<i32>} : memref<1x32x65x65xf32, #tpu.memory_space<vmem>>, vector<1x32x1x65xf32>,
    %get3A_873 = arith.constant 0 : index
    %get3A_874 = arith.constant 16 : index
    %get3A_875 = arith.constant 0 : index
    %get3A_876 = vector.load %arg2[%get3A_873, %get3A_874, %get3A_875] : memref<1x64x64xi32, #tpu.memory_space<vmem>>, vector<1x1x64xi32>
    %get3A_877 = vector.shape_cast %get3A_876 : vector<1x1x64xi32> to vector<1x64xi32>
    %le3A_878 = arith.constant 2 : i32
    %le3A_879 = vector.broadcast %le3A_878 : i32 to vector<1x64xi32>
    %le3A_880 = arith.cmpi sle, %get3A_877, %le3A_879 : vector<1x64xi32>
    %eq3A_881 = arith.constant 3 : i32
    %eq3A_882 = vector.broadcast %eq3A_881 : i32 to vector<1x64xi32>
    %eq3A_883 = arith.cmpi eq, %get3A_877, %eq3A_882 : vector<1x64xi32>
    %eq3A_884 = arith.constant 4 : i32
    %eq3A_885 = vector.broadcast %eq3A_884 : i32 to vector<1x64xi32>
    %eq3A_886 = arith.cmpi eq, %get3A_877, %eq3A_885 : vector<1x64xi32>
    %eq3A_887 = arith.constant 5 : i32
    %eq3A_888 = vector.broadcast %eq3A_887 : i32 to vector<1x64xi32>
    %eq3A_889 = arith.cmpi eq, %get3A_877, %eq3A_888 : vector<1x64xi32>
    %jit3A_890 = arith.constant 2.500000e-01 : f32
    %jit3A_891 = arith.constant 2.000000e-01 : f32
    %broadcast_in_dim3A_892 = vector.broadcast %jit3A_890 : f32 to vector<1x64xf32>
    %broadcast_in_dim3A_893 = vector.broadcast %jit3A_891 : f32 to vector<1x64xf32>
    %select_n3A_894 = arith.select %eq3A_889, %broadcast_in_dim3A_892, %broadcast_in_dim3A_893 : vector<1x64xi1>, vector<1x64xf32>
    %jit3A_895 = arith.constant 0.333333343 : f32
    %broadcast_in_dim3A_896 = vector.broadcast %jit3A_895 : f32 to vector<1x64xf32>
    %select_n3A_897 = arith.select %eq3A_886, %broadcast_in_dim3A_896, %select_n3A_894 : vector<1x64xi1>, vector<1x64xf32>
    %jit3A_898 = arith.constant 5.000000e-01 : f32
    %broadcast_in_dim3A_899 = vector.broadcast %jit3A_898 : f32 to vector<1x64xf32>
    %select_n3A_900 = arith.select %eq3A_883, %broadcast_in_dim3A_899, %select_n3A_897 : vector<1x64xi1>, vector<1x64xf32>
    %jit3A_901 = arith.constant 1.000000e+00 : f32
    %broadcast_in_dim3A_902 = vector.broadcast %jit3A_901 : f32 to vector<1x64xf32>
    %select_n3A_903 = arith.select %le3A_880, %broadcast_in_dim3A_902, %select_n3A_900 : vector<1x64xi1>, vector<1x64xf32>
    %get3A_904 = arith.constant 0 : index
    %get3A_905 = arith.constant 16 : index
    %get3A_906 = arith.constant 0 : index
    %get3A_907 = arith.constant 0 : index
    %get3A_908 = vector.load %arg1[%get3A_904, %get3A_905, %get3A_906, %get3A_907] : memref<1x64x64x128xf32, #tpu.memory_space<vmem>>, vector<1x1x64x32xf32>
    %get3A_909 = vector.shape_cast %get3A_908 : vector<1x1x64x32xf32> to vector<64x32xf32>
    %dot_general3A_910 = arith.constant dense<0.000000e+00> : vector<32x64xf32>
    %dot_general3A_911 = tpu.matmul %convert_element_type3A_11, %get3A_909, %dot_general3A_910 {dimension_numbers = #tpu.dot_dimension_numbers<[1], [1], [0], [0], [0, 0, 1, 0], [], []>, transpose_lhs_hint = false} : vector<32x32xf32>, vector<64x32xf32>, vector<32x64xf32> -> vector<32x64xf32>
    %mul3A_912 = vector.broadcast %select_n3A_903 : vector<1x64xf32> to vector<32x64xf32>
    %mul3A_913 = arith.mulf %dot_general3A_911, %mul3A_912 : vector<32x64xf32>
    %slice3A_914 = vector.extract_strided_slice %mul3A_5 {offsets = [17, 0], sizes = [1, 65], strides = [1, 1]} : vector<65x65xf32> to vector<1x65xf32>
    %add3A_915 = vector.broadcast %slice3A_914 : vector<1x65xf32> to vector<32x65xf32>
    %add3A_916 = arith.addf %add3A_915, %select_n3A : vector<32x65xf32>
    %concatenate3A_917 = tpu.concatenate %broadcast_in_dim3A_20, %mul3A_913 in 1 : vector<32x1xf32>, vector<32x64xf32> -> vector<32x65xf32>
    %add3A_918 = arith.addf %add3A_916, %concatenate3A_917 : vector<32x65xf32>
    %swap3A_919 = arith.constant 0 : index
    %swap3A_920 = arith.constant 0 : index
    %swap3A_921 = arith.constant 17 : index
    %swap3A_922 = arith.constant 0 : index
    %swap3A_923 = vector.load %arg5[%swap3A_919, %swap3A_920, %swap3A_921, %swap3A_922] : memref<1x32x65x65xf32, #tpu.memory_space<vmem>>, vector<1x32x1x65xf32>
    %swap3A_924 = vector.shape_cast %swap3A_923 : vector<1x32x1x65xf32> to vector<32x65xf32>
    %swap3A_925 = vector.shape_cast %add3A_918 : vector<32x65xf32> to vector<1x32x1x65xf32>
    tpu.vector_store %arg5[%swap3A_919, %swap3A_920, %swap3A_921, %swap3A_922], %swap3A_925 {strides = array<i32>} : memref<1x32x65x65xf32, #tpu.memory_space<vmem>>, vector<1x32x1x65xf32>,
    %get3A_926 = arith.constant 0 : index
    %get3A_927 = arith.constant 17 : index
    %get3A_928 = arith.constant 0 : index
    %get3A_929 = vector.load %arg2[%get3A_926, %get3A_927, %get3A_928] : memref<1x64x64xi32, #tpu.memory_space<vmem>>, vector<1x1x64xi32>
    %get3A_930 = vector.shape_cast %get3A_929 : vector<1x1x64xi32> to vector<1x64xi32>
    %le3A_931 = arith.constant 2 : i32
    %le3A_932 = vector.broadcast %le3A_931 : i32 to vector<1x64xi32>
    %le3A_933 = arith.cmpi sle, %get3A_930, %le3A_932 : vector<1x64xi32>
    %eq3A_934 = arith.constant 3 : i32
    %eq3A_935 = vector.broadcast %eq3A_934 : i32 to vector<1x64xi32>
    %eq3A_936 = arith.cmpi eq, %get3A_930, %eq3A_935 : vector<1x64xi32>
    %eq3A_937 = arith.constant 4 : i32
    %eq3A_938 = vector.broadcast %eq3A_937 : i32 to vector<1x64xi32>
    %eq3A_939 = arith.cmpi eq, %get3A_930, %eq3A_938 : vector<1x64xi32>
    %eq3A_940 = arith.constant 5 : i32
    %eq3A_941 = vector.broadcast %eq3A_940 : i32 to vector<1x64xi32>
    %eq3A_942 = arith.cmpi eq, %get3A_930, %eq3A_941 : vector<1x64xi32>
    %jit3A_943 = arith.constant 2.500000e-01 : f32
    %jit3A_944 = arith.constant 2.000000e-01 : f32
    %broadcast_in_dim3A_945 = vector.broadcast %jit3A_943 : f32 to vector<1x64xf32>
    %broadcast_in_dim3A_946 = vector.broadcast %jit3A_944 : f32 to vector<1x64xf32>
    %select_n3A_947 = arith.select %eq3A_942, %broadcast_in_dim3A_945, %broadcast_in_dim3A_946 : vector<1x64xi1>, vector<1x64xf32>
    %jit3A_948 = arith.constant 0.333333343 : f32
    %broadcast_in_dim3A_949 = vector.broadcast %jit3A_948 : f32 to vector<1x64xf32>
    %select_n3A_950 = arith.select %eq3A_939, %broadcast_in_dim3A_949, %select_n3A_947 : vector<1x64xi1>, vector<1x64xf32>
    %jit3A_951 = arith.constant 5.000000e-01 : f32
    %broadcast_in_dim3A_952 = vector.broadcast %jit3A_951 : f32 to vector<1x64xf32>
    %select_n3A_953 = arith.select %eq3A_936, %broadcast_in_dim3A_952, %select_n3A_950 : vector<1x64xi1>, vector<1x64xf32>
    %jit3A_954 = arith.constant 1.000000e+00 : f32
    %broadcast_in_dim3A_955 = vector.broadcast %jit3A_954 : f32 to vector<1x64xf32>
    %select_n3A_956 = arith.select %le3A_933, %broadcast_in_dim3A_955, %select_n3A_953 : vector<1x64xi1>, vector<1x64xf32>
    %get3A_957 = arith.constant 0 : index
    %get3A_958 = arith.constant 17 : index
    %get3A_959 = arith.constant 0 : index
    %get3A_960 = arith.constant 0 : index
    %get3A_961 = vector.load %arg1[%get3A_957, %get3A_958, %get3A_959, %get3A_960] : memref<1x64x64x128xf32, #tpu.memory_space<vmem>>, vector<1x1x64x32xf32>
    %get3A_962 = vector.shape_cast %get3A_961 : vector<1x1x64x32xf32> to vector<64x32xf32>
    %dot_general3A_963 = arith.constant dense<0.000000e+00> : vector<32x64xf32>
    %dot_general3A_964 = tpu.matmul %convert_element_type3A_11, %get3A_962, %dot_general3A_963 {dimension_numbers = #tpu.dot_dimension_numbers<[1], [1], [0], [0], [0, 0, 1, 0], [], []>, transpose_lhs_hint = false} : vector<32x32xf32>, vector<64x32xf32>, vector<32x64xf32> -> vector<32x64xf32>
    %mul3A_965 = vector.broadcast %select_n3A_956 : vector<1x64xf32> to vector<32x64xf32>
    %mul3A_966 = arith.mulf %dot_general3A_964, %mul3A_965 : vector<32x64xf32>
    %slice3A_967 = vector.extract_strided_slice %mul3A_5 {offsets = [18, 0], sizes = [1, 65], strides = [1, 1]} : vector<65x65xf32> to vector<1x65xf32>
    %add3A_968 = vector.broadcast %slice3A_967 : vector<1x65xf32> to vector<32x65xf32>
    %add3A_969 = arith.addf %add3A_968, %select_n3A : vector<32x65xf32>
    %concatenate3A_970 = tpu.concatenate %broadcast_in_dim3A_20, %mul3A_966 in 1 : vector<32x1xf32>, vector<32x64xf32> -> vector<32x65xf32>
    %add3A_971 = arith.addf %add3A_969, %concatenate3A_970 : vector<32x65xf32>
    %swap3A_972 = arith.constant 0 : index
    %swap3A_973 = arith.constant 0 : index
    %swap3A_974 = arith.constant 18 : index
    %swap3A_975 = arith.constant 0 : index
    %swap3A_976 = vector.load %arg5[%swap3A_972, %swap3A_973, %swap3A_974, %swap3A_975] : memref<1x32x65x65xf32, #tpu.memory_space<vmem>>, vector<1x32x1x65xf32>
    %swap3A_977 = vector.shape_cast %swap3A_976 : vector<1x32x1x65xf32> to vector<32x65xf32>
    %swap3A_978 = vector.shape_cast %add3A_971 : vector<32x65xf32> to vector<1x32x1x65xf32>
    tpu.vector_store %arg5[%swap3A_972, %swap3A_973, %swap3A_974, %swap3A_975], %swap3A_978 {strides = array<i32>} : memref<1x32x65x65xf32, #tpu.memory_space<vmem>>, vector<1x32x1x65xf32>,
    %get3A_979 = arith.constant 0 : index
    %get3A_980 = arith.constant 18 : index
    %get3A_981 = arith.constant 0 : index
    %get3A_982 = vector.load %arg2[%get3A_979, %get3A_980, %get3A_981] : memref<1x64x64xi32, #tpu.memory_space<vmem>>, vector<1x1x64xi32>
    %get3A_983 = vector.shape_cast %get3A_982 : vector<1x1x64xi32> to vector<1x64xi32>
    %le3A_984 = arith.constant 2 : i32
    %le3A_985 = vector.broadcast %le3A_984 : i32 to vector<1x64xi32>
    %le3A_986 = arith.cmpi sle, %get3A_983, %le3A_985 : vector<1x64xi32>
    %eq3A_987 = arith.constant 3 : i32
    %eq3A_988 = vector.broadcast %eq3A_987 : i32 to vector<1x64xi32>
    %eq3A_989 = arith.cmpi eq, %get3A_983, %eq3A_988 : vector<1x64xi32>
    %eq3A_990 = arith.constant 4 : i32
    %eq3A_991 = vector.broadcast %eq3A_990 : i32 to vector<1x64xi32>
    %eq3A_992 = arith.cmpi eq, %get3A_983, %eq3A_991 : vector<1x64xi32>
    %eq3A_993 = arith.constant 5 : i32
    %eq3A_994 = vector.broadcast %eq3A_993 : i32 to vector<1x64xi32>
    %eq3A_995 = arith.cmpi eq, %get3A_983, %eq3A_994 : vector<1x64xi32>
    %jit3A_996 = arith.constant 2.500000e-01 : f32
    %jit3A_997 = arith.constant 2.000000e-01 : f32
    %broadcast_in_dim3A_998 = vector.broadcast %jit3A_996 : f32 to vector<1x64xf32>
    %broadcast_in_dim3A_999 = vector.broadcast %jit3A_997 : f32 to vector<1x64xf32>
    %select_n3A_1000 = arith.select %eq3A_995, %broadcast_in_dim3A_998, %broadcast_in_dim3A_999 : vector<1x64xi1>, vector<1x64xf32>
    %jit3A_1001 = arith.constant 0.333333343 : f32
    %broadcast_in_dim3A_1002 = vector.broadcast %jit3A_1001 : f32 to vector<1x64xf32>
    %select_n3A_1003 = arith.select %eq3A_992, %broadcast_in_dim3A_1002, %select_n3A_1000 : vector<1x64xi1>, vector<1x64xf32>
    %jit3A_1004 = arith.constant 5.000000e-01 : f32
    %broadcast_in_dim3A_1005 = vector.broadcast %jit3A_1004 : f32 to vector<1x64xf32>
    %select_n3A_1006 = arith.select %eq3A_989, %broadcast_in_dim3A_1005, %select_n3A_1003 : vector<1x64xi1>, vector<1x64xf32>
    %jit3A_1007 = arith.constant 1.000000e+00 : f32
    %broadcast_in_dim3A_1008 = vector.broadcast %jit3A_1007 : f32 to vector<1x64xf32>
    %select_n3A_1009 = arith.select %le3A_986, %broadcast_in_dim3A_1008, %select_n3A_1006 : vector<1x64xi1>, vector<1x64xf32>
    %get3A_1010 = arith.constant 0 : index
    %get3A_1011 = arith.constant 18 : index
    %get3A_1012 = arith.constant 0 : index
    %get3A_1013 = arith.constant 0 : index
    %get3A_1014 = vector.load %arg1[%get3A_1010, %get3A_1011, %get3A_1012, %get3A_1013] : memref<1x64x64x128xf32, #tpu.memory_space<vmem>>, vector<1x1x64x32xf32>
    %get3A_1015 = vector.shape_cast %get3A_1014 : vector<1x1x64x32xf32> to vector<64x32xf32>
    %dot_general3A_1016 = arith.constant dense<0.000000e+00> : vector<32x64xf32>
    %dot_general3A_1017 = tpu.matmul %convert_element_type3A_11, %get3A_1015, %dot_general3A_1016 {dimension_numbers = #tpu.dot_dimension_numbers<[1], [1], [0], [0], [0, 0, 1, 0], [], []>, transpose_lhs_hint = false} : vector<32x32xf32>, vector<64x32xf32>, vector<32x64xf32> -> vector<32x64xf32>
    %mul3A_1018 = vector.broadcast %select_n3A_1009 : vector<1x64xf32> to vector<32x64xf32>
    %mul3A_1019 = arith.mulf %dot_general3A_1017, %mul3A_1018 : vector<32x64xf32>
    %slice3A_1020 = vector.extract_strided_slice %mul3A_5 {offsets = [19, 0], sizes = [1, 65], strides = [1, 1]} : vector<65x65xf32> to vector<1x65xf32>
    %add3A_1021 = vector.broadcast %slice3A_1020 : vector<1x65xf32> to vector<32x65xf32>
    %add3A_1022 = arith.addf %add3A_1021, %select_n3A : vector<32x65xf32>
    %concatenate3A_1023 = tpu.concatenate %broadcast_in_dim3A_20, %mul3A_1019 in 1 : vector<32x1xf32>, vector<32x64xf32> -> vector<32x65xf32>
    %add3A_1024 = arith.addf %add3A_1022, %concatenate3A_1023 : vector<32x65xf32>
    %swap3A_1025 = arith.constant 0 : index
    %swap3A_1026 = arith.constant 0 : index
    %swap3A_1027 = arith.constant 19 : index
    %swap3A_1028 = arith.constant 0 : index
    %swap3A_1029 = vector.load %arg5[%swap3A_1025, %swap3A_1026, %swap3A_1027, %swap3A_1028] : memref<1x32x65x65xf32, #tpu.memory_space<vmem>>, vector<1x32x1x65xf32>
    %swap3A_1030 = vector.shape_cast %swap3A_1029 : vector<1x32x1x65xf32> to vector<32x65xf32>
    %swap3A_1031 = vector.shape_cast %add3A_1024 : vector<32x65xf32> to vector<1x32x1x65xf32>
    tpu.vector_store %arg5[%swap3A_1025, %swap3A_1026, %swap3A_1027, %swap3A_1028], %swap3A_1031 {strides = array<i32>} : memref<1x32x65x65xf32, #tpu.memory_space<vmem>>, vector<1x32x1x65xf32>,
    %get3A_1032 = arith.constant 0 : index
    %get3A_1033 = arith.constant 19 : index
    %get3A_1034 = arith.constant 0 : index
    %get3A_1035 = vector.load %arg2[%get3A_1032, %get3A_1033, %get3A_1034] : memref<1x64x64xi32, #tpu.memory_space<vmem>>, vector<1x1x64xi32>
    %get3A_1036 = vector.shape_cast %get3A_1035 : vector<1x1x64xi32> to vector<1x64xi32>
    %le3A_1037 = arith.constant 2 : i32
    %le3A_1038 = vector.broadcast %le3A_1037 : i32 to vector<1x64xi32>
    %le3A_1039 = arith.cmpi sle, %get3A_1036, %le3A_1038 : vector<1x64xi32>
    %eq3A_1040 = arith.constant 3 : i32
    %eq3A_1041 = vector.broadcast %eq3A_1040 : i32 to vector<1x64xi32>
    %eq3A_1042 = arith.cmpi eq, %get3A_1036, %eq3A_1041 : vector<1x64xi32>
    %eq3A_1043 = arith.constant 4 : i32
    %eq3A_1044 = vector.broadcast %eq3A_1043 : i32 to vector<1x64xi32>
    %eq3A_1045 = arith.cmpi eq, %get3A_1036, %eq3A_1044 : vector<1x64xi32>
    %eq3A_1046 = arith.constant 5 : i32
    %eq3A_1047 = vector.broadcast %eq3A_1046 : i32 to vector<1x64xi32>
    %eq3A_1048 = arith.cmpi eq, %get3A_1036, %eq3A_1047 : vector<1x64xi32>
    %jit3A_1049 = arith.constant 2.500000e-01 : f32
    %jit3A_1050 = arith.constant 2.000000e-01 : f32
    %broadcast_in_dim3A_1051 = vector.broadcast %jit3A_1049 : f32 to vector<1x64xf32>
    %broadcast_in_dim3A_1052 = vector.broadcast %jit3A_1050 : f32 to vector<1x64xf32>
    %select_n3A_1053 = arith.select %eq3A_1048, %broadcast_in_dim3A_1051, %broadcast_in_dim3A_1052 : vector<1x64xi1>, vector<1x64xf32>
    %jit3A_1054 = arith.constant 0.333333343 : f32
    %broadcast_in_dim3A_1055 = vector.broadcast %jit3A_1054 : f32 to vector<1x64xf32>
    %select_n3A_1056 = arith.select %eq3A_1045, %broadcast_in_dim3A_1055, %select_n3A_1053 : vector<1x64xi1>, vector<1x64xf32>
    %jit3A_1057 = arith.constant 5.000000e-01 : f32
    %broadcast_in_dim3A_1058 = vector.broadcast %jit3A_1057 : f32 to vector<1x64xf32>
    %select_n3A_1059 = arith.select %eq3A_1042, %broadcast_in_dim3A_1058, %select_n3A_1056 : vector<1x64xi1>, vector<1x64xf32>
    %jit3A_1060 = arith.constant 1.000000e+00 : f32
    %broadcast_in_dim3A_1061 = vector.broadcast %jit3A_1060 : f32 to vector<1x64xf32>
    %select_n3A_1062 = arith.select %le3A_1039, %broadcast_in_dim3A_1061, %select_n3A_1059 : vector<1x64xi1>, vector<1x64xf32>
    %get3A_1063 = arith.constant 0 : index
    %get3A_1064 = arith.constant 19 : index
    %get3A_1065 = arith.constant 0 : index
    %get3A_1066 = arith.constant 0 : index
    %get3A_1067 = vector.load %arg1[%get3A_1063, %get3A_1064, %get3A_1065, %get3A_1066] : memref<1x64x64x128xf32, #tpu.memory_space<vmem>>, vector<1x1x64x32xf32>
    %get3A_1068 = vector.shape_cast %get3A_1067 : vector<1x1x64x32xf32> to vector<64x32xf32>
    %dot_general3A_1069 = arith.constant dense<0.000000e+00> : vector<32x64xf32>
    %dot_general3A_1070 = tpu.matmul %convert_element_type3A_11, %get3A_1068, %dot_general3A_1069 {dimension_numbers = #tpu.dot_dimension_numbers<[1], [1], [0], [0], [0, 0, 1, 0], [], []>, transpose_lhs_hint = false} : vector<32x32xf32>, vector<64x32xf32>, vector<32x64xf32> -> vector<32x64xf32>
    %mul3A_1071 = vector.broadcast %select_n3A_1062 : vector<1x64xf32> to vector<32x64xf32>
    %mul3A_1072 = arith.mulf %dot_general3A_1070, %mul3A_1071 : vector<32x64xf32>
    %slice3A_1073 = vector.extract_strided_slice %mul3A_5 {offsets = [20, 0], sizes = [1, 65], strides = [1, 1]} : vector<65x65xf32> to vector<1x65xf32>
    %add3A_1074 = vector.broadcast %slice3A_1073 : vector<1x65xf32> to vector<32x65xf32>
    %add3A_1075 = arith.addf %add3A_1074, %select_n3A : vector<32x65xf32>
    %concatenate3A_1076 = tpu.concatenate %broadcast_in_dim3A_20, %mul3A_1072 in 1 : vector<32x1xf32>, vector<32x64xf32> -> vector<32x65xf32>
    %add3A_1077 = arith.addf %add3A_1075, %concatenate3A_1076 : vector<32x65xf32>
    %swap3A_1078 = arith.constant 0 : index
    %swap3A_1079 = arith.constant 0 : index
    %swap3A_1080 = arith.constant 20 : index
    %swap3A_1081 = arith.constant 0 : index
    %swap3A_1082 = vector.load %arg5[%swap3A_1078, %swap3A_1079, %swap3A_1080, %swap3A_1081] : memref<1x32x65x65xf32, #tpu.memory_space<vmem>>, vector<1x32x1x65xf32>
    %swap3A_1083 = vector.shape_cast %swap3A_1082 : vector<1x32x1x65xf32> to vector<32x65xf32>
    %swap3A_1084 = vector.shape_cast %add3A_1077 : vector<32x65xf32> to vector<1x32x1x65xf32>
    tpu.vector_store %arg5[%swap3A_1078, %swap3A_1079, %swap3A_1080, %swap3A_1081], %swap3A_1084 {strides = array<i32>} : memref<1x32x65x65xf32, #tpu.memory_space<vmem>>, vector<1x32x1x65xf32>,
    %get3A_1085 = arith.constant 0 : index
    %get3A_1086 = arith.constant 20 : index
    %get3A_1087 = arith.constant 0 : index
    %get3A_1088 = vector.load %arg2[%get3A_1085, %get3A_1086, %get3A_1087] : memref<1x64x64xi32, #tpu.memory_space<vmem>>, vector<1x1x64xi32>
    %get3A_1089 = vector.shape_cast %get3A_1088 : vector<1x1x64xi32> to vector<1x64xi32>
    %le3A_1090 = arith.constant 2 : i32
    %le3A_1091 = vector.broadcast %le3A_1090 : i32 to vector<1x64xi32>
    %le3A_1092 = arith.cmpi sle, %get3A_1089, %le3A_1091 : vector<1x64xi32>
    %eq3A_1093 = arith.constant 3 : i32
    %eq3A_1094 = vector.broadcast %eq3A_1093 : i32 to vector<1x64xi32>
    %eq3A_1095 = arith.cmpi eq, %get3A_1089, %eq3A_1094 : vector<1x64xi32>
    %eq3A_1096 = arith.constant 4 : i32
    %eq3A_1097 = vector.broadcast %eq3A_1096 : i32 to vector<1x64xi32>
    %eq3A_1098 = arith.cmpi eq, %get3A_1089, %eq3A_1097 : vector<1x64xi32>
    %eq3A_1099 = arith.constant 5 : i32
    %eq3A_1100 = vector.broadcast %eq3A_1099 : i32 to vector<1x64xi32>
    %eq3A_1101 = arith.cmpi eq, %get3A_1089, %eq3A_1100 : vector<1x64xi32>
    %jit3A_1102 = arith.constant 2.500000e-01 : f32
    %jit3A_1103 = arith.constant 2.000000e-01 : f32
    %broadcast_in_dim3A_1104 = vector.broadcast %jit3A_1102 : f32 to vector<1x64xf32>
    %broadcast_in_dim3A_1105 = vector.broadcast %jit3A_1103 : f32 to vector<1x64xf32>
    %select_n3A_1106 = arith.select %eq3A_1101, %broadcast_in_dim3A_1104, %broadcast_in_dim3A_1105 : vector<1x64xi1>, vector<1x64xf32>
    %jit3A_1107 = arith.constant 0.333333343 : f32
    %broadcast_in_dim3A_1108 = vector.broadcast %jit3A_1107 : f32 to vector<1x64xf32>
    %select_n3A_1109 = arith.select %eq3A_1098, %broadcast_in_dim3A_1108, %select_n3A_1106 : vector<1x64xi1>, vector<1x64xf32>
    %jit3A_1110 = arith.constant 5.000000e-01 : f32
    %broadcast_in_dim3A_1111 = vector.broadcast %jit3A_1110 : f32 to vector<1x64xf32>
    %select_n3A_1112 = arith.select %eq3A_1095, %broadcast_in_dim3A_1111, %select_n3A_1109 : vector<1x64xi1>, vector<1x64xf32>
    %jit3A_1113 = arith.constant 1.000000e+00 : f32
    %broadcast_in_dim3A_1114 = vector.broadcast %jit3A_1113 : f32 to vector<1x64xf32>
    %select_n3A_1115 = arith.select %le3A_1092, %broadcast_in_dim3A_1114, %select_n3A_1112 : vector<1x64xi1>, vector<1x64xf32>
    %get3A_1116 = arith.constant 0 : index
    %get3A_1117 = arith.constant 20 : index
    %get3A_1118 = arith.constant 0 : index
    %get3A_1119 = arith.constant 0 : index
    %get3A_1120 = vector.load %arg1[%get3A_1116, %get3A_1117, %get3A_1118, %get3A_1119] : memref<1x64x64x128xf32, #tpu.memory_space<vmem>>, vector<1x1x64x32xf32>
    %get3A_1121 = vector.shape_cast %get3A_1120 : vector<1x1x64x32xf32> to vector<64x32xf32>
    %dot_general3A_1122 = arith.constant dense<0.000000e+00> : vector<32x64xf32>
    %dot_general3A_1123 = tpu.matmul %convert_element_type3A_11, %get3A_1121, %dot_general3A_1122 {dimension_numbers = #tpu.dot_dimension_numbers<[1], [1], [0], [0], [0, 0, 1, 0], [], []>, transpose_lhs_hint = false} : vector<32x32xf32>, vector<64x32xf32>, vector<32x64xf32> -> vector<32x64xf32>
    %mul3A_1124 = vector.broadcast %select_n3A_1115 : vector<1x64xf32> to vector<32x64xf32>
    %mul3A_1125 = arith.mulf %dot_general3A_1123, %mul3A_1124 : vector<32x64xf32>
    %slice3A_1126 = vector.extract_strided_slice %mul3A_5 {offsets = [21, 0], sizes = [1, 65], strides = [1, 1]} : vector<65x65xf32> to vector<1x65xf32>
    %add3A_1127 = vector.broadcast %slice3A_1126 : vector<1x65xf32> to vector<32x65xf32>
    %add3A_1128 = arith.addf %add3A_1127, %select_n3A : vector<32x65xf32>
    %concatenate3A_1129 = tpu.concatenate %broadcast_in_dim3A_20, %mul3A_1125 in 1 : vector<32x1xf32>, vector<32x64xf32> -> vector<32x65xf32>
    %add3A_1130 = arith.addf %add3A_1128, %concatenate3A_1129 : vector<32x65xf32>
    %swap3A_1131 = arith.constant 0 : index
    %swap3A_1132 = arith.constant 0 : index
    %swap3A_1133 = arith.constant 21 : index
    %swap3A_1134 = arith.constant 0 : index
    %swap3A_1135 = vector.load %arg5[%swap3A_1131, %swap3A_1132, %swap3A_1133, %swap3A_1134] : memref<1x32x65x65xf32, #tpu.memory_space<vmem>>, vector<1x32x1x65xf32>
    %swap3A_1136 = vector.shape_cast %swap3A_1135 : vector<1x32x1x65xf32> to vector<32x65xf32>
    %swap3A_1137 = vector.shape_cast %add3A_1130 : vector<32x65xf32> to vector<1x32x1x65xf32>
    tpu.vector_store %arg5[%swap3A_1131, %swap3A_1132, %swap3A_1133, %swap3A_1134], %swap3A_1137 {strides = array<i32>} : memref<1x32x65x65xf32, #tpu.memory_space<vmem>>, vector<1x32x1x65xf32>,
    %get3A_1138 = arith.constant 0 : index
    %get3A_1139 = arith.constant 21 : index
    %get3A_1140 = arith.constant 0 : index
    %get3A_1141 = vector.load %arg2[%get3A_1138, %get3A_1139, %get3A_1140] : memref<1x64x64xi32, #tpu.memory_space<vmem>>, vector<1x1x64xi32>
    %get3A_1142 = vector.shape_cast %get3A_1141 : vector<1x1x64xi32> to vector<1x64xi32>
    %le3A_1143 = arith.constant 2 : i32
    %le3A_1144 = vector.broadcast %le3A_1143 : i32 to vector<1x64xi32>
    %le3A_1145 = arith.cmpi sle, %get3A_1142, %le3A_1144 : vector<1x64xi32>
    %eq3A_1146 = arith.constant 3 : i32
    %eq3A_1147 = vector.broadcast %eq3A_1146 : i32 to vector<1x64xi32>
    %eq3A_1148 = arith.cmpi eq, %get3A_1142, %eq3A_1147 : vector<1x64xi32>
    %eq3A_1149 = arith.constant 4 : i32
    %eq3A_1150 = vector.broadcast %eq3A_1149 : i32 to vector<1x64xi32>
    %eq3A_1151 = arith.cmpi eq, %get3A_1142, %eq3A_1150 : vector<1x64xi32>
    %eq3A_1152 = arith.constant 5 : i32
    %eq3A_1153 = vector.broadcast %eq3A_1152 : i32 to vector<1x64xi32>
    %eq3A_1154 = arith.cmpi eq, %get3A_1142, %eq3A_1153 : vector<1x64xi32>
    %jit3A_1155 = arith.constant 2.500000e-01 : f32
    %jit3A_1156 = arith.constant 2.000000e-01 : f32
    %broadcast_in_dim3A_1157 = vector.broadcast %jit3A_1155 : f32 to vector<1x64xf32>
    %broadcast_in_dim3A_1158 = vector.broadcast %jit3A_1156 : f32 to vector<1x64xf32>
    %select_n3A_1159 = arith.select %eq3A_1154, %broadcast_in_dim3A_1157, %broadcast_in_dim3A_1158 : vector<1x64xi1>, vector<1x64xf32>
    %jit3A_1160 = arith.constant 0.333333343 : f32
    %broadcast_in_dim3A_1161 = vector.broadcast %jit3A_1160 : f32 to vector<1x64xf32>
    %select_n3A_1162 = arith.select %eq3A_1151, %broadcast_in_dim3A_1161, %select_n3A_1159 : vector<1x64xi1>, vector<1x64xf32>
    %jit3A_1163 = arith.constant 5.000000e-01 : f32
    %broadcast_in_dim3A_1164 = vector.broadcast %jit3A_1163 : f32 to vector<1x64xf32>
    %select_n3A_1165 = arith.select %eq3A_1148, %broadcast_in_dim3A_1164, %select_n3A_1162 : vector<1x64xi1>, vector<1x64xf32>
    %jit3A_1166 = arith.constant 1.000000e+00 : f32
    %broadcast_in_dim3A_1167 = vector.broadcast %jit3A_1166 : f32 to vector<1x64xf32>
    %select_n3A_1168 = arith.select %le3A_1145, %broadcast_in_dim3A_1167, %select_n3A_1165 : vector<1x64xi1>, vector<1x64xf32>
    %get3A_1169 = arith.constant 0 : index
    %get3A_1170 = arith.constant 21 : index
    %get3A_1171 = arith.constant 0 : index
    %get3A_1172 = arith.constant 0 : index
    %get3A_1173 = vector.load %arg1[%get3A_1169, %get3A_1170, %get3A_1171, %get3A_1172] : memref<1x64x64x128xf32, #tpu.memory_space<vmem>>, vector<1x1x64x32xf32>
    %get3A_1174 = vector.shape_cast %get3A_1173 : vector<1x1x64x32xf32> to vector<64x32xf32>
    %dot_general3A_1175 = arith.constant dense<0.000000e+00> : vector<32x64xf32>
    %dot_general3A_1176 = tpu.matmul %convert_element_type3A_11, %get3A_1174, %dot_general3A_1175 {dimension_numbers = #tpu.dot_dimension_numbers<[1], [1], [0], [0], [0, 0, 1, 0], [], []>, transpose_lhs_hint = false} : vector<32x32xf32>, vector<64x32xf32>, vector<32x64xf32> -> vector<32x64xf32>
    %mul3A_1177 = vector.broadcast %select_n3A_1168 : vector<1x64xf32> to vector<32x64xf32>
    %mul3A_1178 = arith.mulf %dot_general3A_1176, %mul3A_1177 : vector<32x64xf32>
    %slice3A_1179 = vector.extract_strided_slice %mul3A_5 {offsets = [22, 0], sizes = [1, 65], strides = [1, 1]} : vector<65x65xf32> to vector<1x65xf32>
    %add3A_1180 = vector.broadcast %slice3A_1179 : vector<1x65xf32> to vector<32x65xf32>
    %add3A_1181 = arith.addf %add3A_1180, %select_n3A : vector<32x65xf32>
    %concatenate3A_1182 = tpu.concatenate %broadcast_in_dim3A_20, %mul3A_1178 in 1 : vector<32x1xf32>, vector<32x64xf32> -> vector<32x65xf32>
    %add3A_1183 = arith.addf %add3A_1181, %concatenate3A_1182 : vector<32x65xf32>
    %swap3A_1184 = arith.constant 0 : index
    %swap3A_1185 = arith.constant 0 : index
    %swap3A_1186 = arith.constant 22 : index
    %swap3A_1187 = arith.constant 0 : index
    %swap3A_1188 = vector.load %arg5[%swap3A_1184, %swap3A_1185, %swap3A_1186, %swap3A_1187] : memref<1x32x65x65xf32, #tpu.memory_space<vmem>>, vector<1x32x1x65xf32>
    %swap3A_1189 = vector.shape_cast %swap3A_1188 : vector<1x32x1x65xf32> to vector<32x65xf32>
    %swap3A_1190 = vector.shape_cast %add3A_1183 : vector<32x65xf32> to vector<1x32x1x65xf32>
    tpu.vector_store %arg5[%swap3A_1184, %swap3A_1185, %swap3A_1186, %swap3A_1187], %swap3A_1190 {strides = array<i32>} : memref<1x32x65x65xf32, #tpu.memory_space<vmem>>, vector<1x32x1x65xf32>,
    %get3A_1191 = arith.constant 0 : index
    %get3A_1192 = arith.constant 22 : index
    %get3A_1193 = arith.constant 0 : index
    %get3A_1194 = vector.load %arg2[%get3A_1191, %get3A_1192, %get3A_1193] : memref<1x64x64xi32, #tpu.memory_space<vmem>>, vector<1x1x64xi32>
    %get3A_1195 = vector.shape_cast %get3A_1194 : vector<1x1x64xi32> to vector<1x64xi32>
    %le3A_1196 = arith.constant 2 : i32
    %le3A_1197 = vector.broadcast %le3A_1196 : i32 to vector<1x64xi32>
    %le3A_1198 = arith.cmpi sle, %get3A_1195, %le3A_1197 : vector<1x64xi32>
    %eq3A_1199 = arith.constant 3 : i32
    %eq3A_1200 = vector.broadcast %eq3A_1199 : i32 to vector<1x64xi32>
    %eq3A_1201 = arith.cmpi eq, %get3A_1195, %eq3A_1200 : vector<1x64xi32>
    %eq3A_1202 = arith.constant 4 : i32
    %eq3A_1203 = vector.broadcast %eq3A_1202 : i32 to vector<1x64xi32>
    %eq3A_1204 = arith.cmpi eq, %get3A_1195, %eq3A_1203 : vector<1x64xi32>
    %eq3A_1205 = arith.constant 5 : i32
    %eq3A_1206 = vector.broadcast %eq3A_1205 : i32 to vector<1x64xi32>
    %eq3A_1207 = arith.cmpi eq, %get3A_1195, %eq3A_1206 : vector<1x64xi32>
    %jit3A_1208 = arith.constant 2.500000e-01 : f32
    %jit3A_1209 = arith.constant 2.000000e-01 : f32
    %broadcast_in_dim3A_1210 = vector.broadcast %jit3A_1208 : f32 to vector<1x64xf32>
    %broadcast_in_dim3A_1211 = vector.broadcast %jit3A_1209 : f32 to vector<1x64xf32>
    %select_n3A_1212 = arith.select %eq3A_1207, %broadcast_in_dim3A_1210, %broadcast_in_dim3A_1211 : vector<1x64xi1>, vector<1x64xf32>
    %jit3A_1213 = arith.constant 0.333333343 : f32
    %broadcast_in_dim3A_1214 = vector.broadcast %jit3A_1213 : f32 to vector<1x64xf32>
    %select_n3A_1215 = arith.select %eq3A_1204, %broadcast_in_dim3A_1214, %select_n3A_1212 : vector<1x64xi1>, vector<1x64xf32>
    %jit3A_1216 = arith.constant 5.000000e-01 : f32
    %broadcast_in_dim3A_1217 = vector.broadcast %jit3A_1216 : f32 to vector<1x64xf32>
    %select_n3A_1218 = arith.select %eq3A_1201, %broadcast_in_dim3A_1217, %select_n3A_1215 : vector<1x64xi1>, vector<1x64xf32>
    %jit3A_1219 = arith.constant 1.000000e+00 : f32
    %broadcast_in_dim3A_1220 = vector.broadcast %jit3A_1219 : f32 to vector<1x64xf32>
    %select_n3A_1221 = arith.select %le3A_1198, %broadcast_in_dim3A_1220, %select_n3A_1218 : vector<1x64xi1>, vector<1x64xf32>
    %get3A_1222 = arith.constant 0 : index
    %get3A_1223 = arith.constant 22 : index
    %get3A_1224 = arith.constant 0 : index
    %get3A_1225 = arith.constant 0 : index
    %get3A_1226 = vector.load %arg1[%get3A_1222, %get3A_1223, %get3A_1224, %get3A_1225] : memref<1x64x64x128xf32, #tpu.memory_space<vmem>>, vector<1x1x64x32xf32>
    %get3A_1227 = vector.shape_cast %get3A_1226 : vector<1x1x64x32xf32> to vector<64x32xf32>
    %dot_general3A_1228 = arith.constant dense<0.000000e+00> : vector<32x64xf32>
    %dot_general3A_1229 = tpu.matmul %convert_element_type3A_11, %get3A_1227, %dot_general3A_1228 {dimension_numbers = #tpu.dot_dimension_numbers<[1], [1], [0], [0], [0, 0, 1, 0], [], []>, transpose_lhs_hint = false} : vector<32x32xf32>, vector<64x32xf32>, vector<32x64xf32> -> vector<32x64xf32>
    %mul3A_1230 = vector.broadcast %select_n3A_1221 : vector<1x64xf32> to vector<32x64xf32>
    %mul3A_1231 = arith.mulf %dot_general3A_1229, %mul3A_1230 : vector<32x64xf32>
    %slice3A_1232 = vector.extract_strided_slice %mul3A_5 {offsets = [23, 0], sizes = [1, 65], strides = [1, 1]} : vector<65x65xf32> to vector<1x65xf32>
    %add3A_1233 = vector.broadcast %slice3A_1232 : vector<1x65xf32> to vector<32x65xf32>
    %add3A_1234 = arith.addf %add3A_1233, %select_n3A : vector<32x65xf32>
    %concatenate3A_1235 = tpu.concatenate %broadcast_in_dim3A_20, %mul3A_1231 in 1 : vector<32x1xf32>, vector<32x64xf32> -> vector<32x65xf32>
    %add3A_1236 = arith.addf %add3A_1234, %concatenate3A_1235 : vector<32x65xf32>
    %swap3A_1237 = arith.constant 0 : index
    %swap3A_1238 = arith.constant 0 : index
    %swap3A_1239 = arith.constant 23 : index
    %swap3A_1240 = arith.constant 0 : index
    %swap3A_1241 = vector.load %arg5[%swap3A_1237, %swap3A_1238, %swap3A_1239, %swap3A_1240] : memref<1x32x65x65xf32, #tpu.memory_space<vmem>>, vector<1x32x1x65xf32>
    %swap3A_1242 = vector.shape_cast %swap3A_1241 : vector<1x32x1x65xf32> to vector<32x65xf32>
    %swap3A_1243 = vector.shape_cast %add3A_1236 : vector<32x65xf32> to vector<1x32x1x65xf32>
    tpu.vector_store %arg5[%swap3A_1237, %swap3A_1238, %swap3A_1239, %swap3A_1240], %swap3A_1243 {strides = array<i32>} : memref<1x32x65x65xf32, #tpu.memory_space<vmem>>, vector<1x32x1x65xf32>,
    %get3A_1244 = arith.constant 0 : index
    %get3A_1245 = arith.constant 23 : index
    %get3A_1246 = arith.constant 0 : index
    %get3A_1247 = vector.load %arg2[%get3A_1244, %get3A_1245, %get3A_1246] : memref<1x64x64xi32, #tpu.memory_space<vmem>>, vector<1x1x64xi32>
    %get3A_1248 = vector.shape_cast %get3A_1247 : vector<1x1x64xi32> to vector<1x64xi32>
    %le3A_1249 = arith.constant 2 : i32
    %le3A_1250 = vector.broadcast %le3A_1249 : i32 to vector<1x64xi32>
    %le3A_1251 = arith.cmpi sle, %get3A_1248, %le3A_1250 : vector<1x64xi32>
    %eq3A_1252 = arith.constant 3 : i32
    %eq3A_1253 = vector.broadcast %eq3A_1252 : i32 to vector<1x64xi32>
    %eq3A_1254 = arith.cmpi eq, %get3A_1248, %eq3A_1253 : vector<1x64xi32>
    %eq3A_1255 = arith.constant 4 : i32
    %eq3A_1256 = vector.broadcast %eq3A_1255 : i32 to vector<1x64xi32>
    %eq3A_1257 = arith.cmpi eq, %get3A_1248, %eq3A_1256 : vector<1x64xi32>
    %eq3A_1258 = arith.constant 5 : i32
    %eq3A_1259 = vector.broadcast %eq3A_1258 : i32 to vector<1x64xi32>
    %eq3A_1260 = arith.cmpi eq, %get3A_1248, %eq3A_1259 : vector<1x64xi32>
    %jit3A_1261 = arith.constant 2.500000e-01 : f32
    %jit3A_1262 = arith.constant 2.000000e-01 : f32
    %broadcast_in_dim3A_1263 = vector.broadcast %jit3A_1261 : f32 to vector<1x64xf32>
    %broadcast_in_dim3A_1264 = vector.broadcast %jit3A_1262 : f32 to vector<1x64xf32>
    %select_n3A_1265 = arith.select %eq3A_1260, %broadcast_in_dim3A_1263, %broadcast_in_dim3A_1264 : vector<1x64xi1>, vector<1x64xf32>
    %jit3A_1266 = arith.constant 0.333333343 : f32
    %broadcast_in_dim3A_1267 = vector.broadcast %jit3A_1266 : f32 to vector<1x64xf32>
    %select_n3A_1268 = arith.select %eq3A_1257, %broadcast_in_dim3A_1267, %select_n3A_1265 : vector<1x64xi1>, vector<1x64xf32>
    %jit3A_1269 = arith.constant 5.000000e-01 : f32
    %broadcast_in_dim3A_1270 = vector.broadcast %jit3A_1269 : f32 to vector<1x64xf32>
    %select_n3A_1271 = arith.select %eq3A_1254, %broadcast_in_dim3A_1270, %select_n3A_1268 : vector<1x64xi1>, vector<1x64xf32>
    %jit3A_1272 = arith.constant 1.000000e+00 : f32
    %broadcast_in_dim3A_1273 = vector.broadcast %jit3A_1272 : f32 to vector<1x64xf32>
    %select_n3A_1274 = arith.select %le3A_1251, %broadcast_in_dim3A_1273, %select_n3A_1271 : vector<1x64xi1>, vector<1x64xf32>
    %get3A_1275 = arith.constant 0 : index
    %get3A_1276 = arith.constant 23 : index
    %get3A_1277 = arith.constant 0 : index
    %get3A_1278 = arith.constant 0 : index
    %get3A_1279 = vector.load %arg1[%get3A_1275, %get3A_1276, %get3A_1277, %get3A_1278] : memref<1x64x64x128xf32, #tpu.memory_space<vmem>>, vector<1x1x64x32xf32>
    %get3A_1280 = vector.shape_cast %get3A_1279 : vector<1x1x64x32xf32> to vector<64x32xf32>
    %dot_general3A_1281 = arith.constant dense<0.000000e+00> : vector<32x64xf32>
    %dot_general3A_1282 = tpu.matmul %convert_element_type3A_11, %get3A_1280, %dot_general3A_1281 {dimension_numbers = #tpu.dot_dimension_numbers<[1], [1], [0], [0], [0, 0, 1, 0], [], []>, transpose_lhs_hint = false} : vector<32x32xf32>, vector<64x32xf32>, vector<32x64xf32> -> vector<32x64xf32>
    %mul3A_1283 = vector.broadcast %select_n3A_1274 : vector<1x64xf32> to vector<32x64xf32>
    %mul3A_1284 = arith.mulf %dot_general3A_1282, %mul3A_1283 : vector<32x64xf32>
    %slice3A_1285 = vector.extract_strided_slice %mul3A_5 {offsets = [24, 0], sizes = [1, 65], strides = [1, 1]} : vector<65x65xf32> to vector<1x65xf32>
    %add3A_1286 = vector.broadcast %slice3A_1285 : vector<1x65xf32> to vector<32x65xf32>
    %add3A_1287 = arith.addf %add3A_1286, %select_n3A : vector<32x65xf32>
    %concatenate3A_1288 = tpu.concatenate %broadcast_in_dim3A_20, %mul3A_1284 in 1 : vector<32x1xf32>, vector<32x64xf32> -> vector<32x65xf32>
    %add3A_1289 = arith.addf %add3A_1287, %concatenate3A_1288 : vector<32x65xf32>
    %swap3A_1290 = arith.constant 0 : index
    %swap3A_1291 = arith.constant 0 : index
    %swap3A_1292 = arith.constant 24 : index
    %swap3A_1293 = arith.constant 0 : index
    %swap3A_1294 = vector.load %arg5[%swap3A_1290, %swap3A_1291, %swap3A_1292, %swap3A_1293] : memref<1x32x65x65xf32, #tpu.memory_space<vmem>>, vector<1x32x1x65xf32>
    %swap3A_1295 = vector.shape_cast %swap3A_1294 : vector<1x32x1x65xf32> to vector<32x65xf32>
    %swap3A_1296 = vector.shape_cast %add3A_1289 : vector<32x65xf32> to vector<1x32x1x65xf32>
    tpu.vector_store %arg5[%swap3A_1290, %swap3A_1291, %swap3A_1292, %swap3A_1293], %swap3A_1296 {strides = array<i32>} : memref<1x32x65x65xf32, #tpu.memory_space<vmem>>, vector<1x32x1x65xf32>,
    %get3A_1297 = arith.constant 0 : index
    %get3A_1298 = arith.constant 24 : index
    %get3A_1299 = arith.constant 0 : index
    %get3A_1300 = vector.load %arg2[%get3A_1297, %get3A_1298, %get3A_1299] : memref<1x64x64xi32, #tpu.memory_space<vmem>>, vector<1x1x64xi32>
    %get3A_1301 = vector.shape_cast %get3A_1300 : vector<1x1x64xi32> to vector<1x64xi32>
    %le3A_1302 = arith.constant 2 : i32
    %le3A_1303 = vector.broadcast %le3A_1302 : i32 to vector<1x64xi32>
    %le3A_1304 = arith.cmpi sle, %get3A_1301, %le3A_1303 : vector<1x64xi32>
    %eq3A_1305 = arith.constant 3 : i32
    %eq3A_1306 = vector.broadcast %eq3A_1305 : i32 to vector<1x64xi32>
    %eq3A_1307 = arith.cmpi eq, %get3A_1301, %eq3A_1306 : vector<1x64xi32>
    %eq3A_1308 = arith.constant 4 : i32
    %eq3A_1309 = vector.broadcast %eq3A_1308 : i32 to vector<1x64xi32>
    %eq3A_1310 = arith.cmpi eq, %get3A_1301, %eq3A_1309 : vector<1x64xi32>
    %eq3A_1311 = arith.constant 5 : i32
    %eq3A_1312 = vector.broadcast %eq3A_1311 : i32 to vector<1x64xi32>
    %eq3A_1313 = arith.cmpi eq, %get3A_1301, %eq3A_1312 : vector<1x64xi32>
    %jit3A_1314 = arith.constant 2.500000e-01 : f32
    %jit3A_1315 = arith.constant 2.000000e-01 : f32
    %broadcast_in_dim3A_1316 = vector.broadcast %jit3A_1314 : f32 to vector<1x64xf32>
    %broadcast_in_dim3A_1317 = vector.broadcast %jit3A_1315 : f32 to vector<1x64xf32>
    %select_n3A_1318 = arith.select %eq3A_1313, %broadcast_in_dim3A_1316, %broadcast_in_dim3A_1317 : vector<1x64xi1>, vector<1x64xf32>
    %jit3A_1319 = arith.constant 0.333333343 : f32
    %broadcast_in_dim3A_1320 = vector.broadcast %jit3A_1319 : f32 to vector<1x64xf32>
    %select_n3A_1321 = arith.select %eq3A_1310, %broadcast_in_dim3A_1320, %select_n3A_1318 : vector<1x64xi1>, vector<1x64xf32>
    %jit3A_1322 = arith.constant 5.000000e-01 : f32
    %broadcast_in_dim3A_1323 = vector.broadcast %jit3A_1322 : f32 to vector<1x64xf32>
    %select_n3A_1324 = arith.select %eq3A_1307, %broadcast_in_dim3A_1323, %select_n3A_1321 : vector<1x64xi1>, vector<1x64xf32>
    %jit3A_1325 = arith.constant 1.000000e+00 : f32
    %broadcast_in_dim3A_1326 = vector.broadcast %jit3A_1325 : f32 to vector<1x64xf32>
    %select_n3A_1327 = arith.select %le3A_1304, %broadcast_in_dim3A_1326, %select_n3A_1324 : vector<1x64xi1>, vector<1x64xf32>
    %get3A_1328 = arith.constant 0 : index
    %get3A_1329 = arith.constant 24 : index
    %get3A_1330 = arith.constant 0 : index
    %get3A_1331 = arith.constant 0 : index
    %get3A_1332 = vector.load %arg1[%get3A_1328, %get3A_1329, %get3A_1330, %get3A_1331] : memref<1x64x64x128xf32, #tpu.memory_space<vmem>>, vector<1x1x64x32xf32>
    %get3A_1333 = vector.shape_cast %get3A_1332 : vector<1x1x64x32xf32> to vector<64x32xf32>
    %dot_general3A_1334 = arith.constant dense<0.000000e+00> : vector<32x64xf32>
    %dot_general3A_1335 = tpu.matmul %convert_element_type3A_11, %get3A_1333, %dot_general3A_1334 {dimension_numbers = #tpu.dot_dimension_numbers<[1], [1], [0], [0], [0, 0, 1, 0], [], []>, transpose_lhs_hint = false} : vector<32x32xf32>, vector<64x32xf32>, vector<32x64xf32> -> vector<32x64xf32>
    %mul3A_1336 = vector.broadcast %select_n3A_1327 : vector<1x64xf32> to vector<32x64xf32>
    %mul3A_1337 = arith.mulf %dot_general3A_1335, %mul3A_1336 : vector<32x64xf32>
    %slice3A_1338 = vector.extract_strided_slice %mul3A_5 {offsets = [25, 0], sizes = [1, 65], strides = [1, 1]} : vector<65x65xf32> to vector<1x65xf32>
    %add3A_1339 = vector.broadcast %slice3A_1338 : vector<1x65xf32> to vector<32x65xf32>
    %add3A_1340 = arith.addf %add3A_1339, %select_n3A : vector<32x65xf32>
    %concatenate3A_1341 = tpu.concatenate %broadcast_in_dim3A_20, %mul3A_1337 in 1 : vector<32x1xf32>, vector<32x64xf32> -> vector<32x65xf32>
    %add3A_1342 = arith.addf %add3A_1340, %concatenate3A_1341 : vector<32x65xf32>
    %swap3A_1343 = arith.constant 0 : index
    %swap3A_1344 = arith.constant 0 : index
    %swap3A_1345 = arith.constant 25 : index
    %swap3A_1346 = arith.constant 0 : index
    %swap3A_1347 = vector.load %arg5[%swap3A_1343, %swap3A_1344, %swap3A_1345, %swap3A_1346] : memref<1x32x65x65xf32, #tpu.memory_space<vmem>>, vector<1x32x1x65xf32>
    %swap3A_1348 = vector.shape_cast %swap3A_1347 : vector<1x32x1x65xf32> to vector<32x65xf32>
    %swap3A_1349 = vector.shape_cast %add3A_1342 : vector<32x65xf32> to vector<1x32x1x65xf32>
    tpu.vector_store %arg5[%swap3A_1343, %swap3A_1344, %swap3A_1345, %swap3A_1346], %swap3A_1349 {strides = array<i32>} : memref<1x32x65x65xf32, #tpu.memory_space<vmem>>, vector<1x32x1x65xf32>,
    %get3A_1350 = arith.constant 0 : index
    %get3A_1351 = arith.constant 25 : index
    %get3A_1352 = arith.constant 0 : index
    %get3A_1353 = vector.load %arg2[%get3A_1350, %get3A_1351, %get3A_1352] : memref<1x64x64xi32, #tpu.memory_space<vmem>>, vector<1x1x64xi32>
    %get3A_1354 = vector.shape_cast %get3A_1353 : vector<1x1x64xi32> to vector<1x64xi32>
    %le3A_1355 = arith.constant 2 : i32
    %le3A_1356 = vector.broadcast %le3A_1355 : i32 to vector<1x64xi32>
    %le3A_1357 = arith.cmpi sle, %get3A_1354, %le3A_1356 : vector<1x64xi32>
    %eq3A_1358 = arith.constant 3 : i32
    %eq3A_1359 = vector.broadcast %eq3A_1358 : i32 to vector<1x64xi32>
    %eq3A_1360 = arith.cmpi eq, %get3A_1354, %eq3A_1359 : vector<1x64xi32>
    %eq3A_1361 = arith.constant 4 : i32
    %eq3A_1362 = vector.broadcast %eq3A_1361 : i32 to vector<1x64xi32>
    %eq3A_1363 = arith.cmpi eq, %get3A_1354, %eq3A_1362 : vector<1x64xi32>
    %eq3A_1364 = arith.constant 5 : i32
    %eq3A_1365 = vector.broadcast %eq3A_1364 : i32 to vector<1x64xi32>
    %eq3A_1366 = arith.cmpi eq, %get3A_1354, %eq3A_1365 : vector<1x64xi32>
    %jit3A_1367 = arith.constant 2.500000e-01 : f32
    %jit3A_1368 = arith.constant 2.000000e-01 : f32
    %broadcast_in_dim3A_1369 = vector.broadcast %jit3A_1367 : f32 to vector<1x64xf32>
    %broadcast_in_dim3A_1370 = vector.broadcast %jit3A_1368 : f32 to vector<1x64xf32>
    %select_n3A_1371 = arith.select %eq3A_1366, %broadcast_in_dim3A_1369, %broadcast_in_dim3A_1370 : vector<1x64xi1>, vector<1x64xf32>
    %jit3A_1372 = arith.constant 0.333333343 : f32
    %broadcast_in_dim3A_1373 = vector.broadcast %jit3A_1372 : f32 to vector<1x64xf32>
    %select_n3A_1374 = arith.select %eq3A_1363, %broadcast_in_dim3A_1373, %select_n3A_1371 : vector<1x64xi1>, vector<1x64xf32>
    %jit3A_1375 = arith.constant 5.000000e-01 : f32
    %broadcast_in_dim3A_1376 = vector.broadcast %jit3A_1375 : f32 to vector<1x64xf32>
    %select_n3A_1377 = arith.select %eq3A_1360, %broadcast_in_dim3A_1376, %select_n3A_1374 : vector<1x64xi1>, vector<1x64xf32>
    %jit3A_1378 = arith.constant 1.000000e+00 : f32
    %broadcast_in_dim3A_1379 = vector.broadcast %jit3A_1378 : f32 to vector<1x64xf32>
    %select_n3A_1380 = arith.select %le3A_1357, %broadcast_in_dim3A_1379, %select_n3A_1377 : vector<1x64xi1>, vector<1x64xf32>
    %get3A_1381 = arith.constant 0 : index
    %get3A_1382 = arith.constant 25 : index
    %get3A_1383 = arith.constant 0 : index
    %get3A_1384 = arith.constant 0 : index
    %get3A_1385 = vector.load %arg1[%get3A_1381, %get3A_1382, %get3A_1383, %get3A_1384] : memref<1x64x64x128xf32, #tpu.memory_space<vmem>>, vector<1x1x64x32xf32>
    %get3A_1386 = vector.shape_cast %get3A_1385 : vector<1x1x64x32xf32> to vector<64x32xf32>
    %dot_general3A_1387 = arith.constant dense<0.000000e+00> : vector<32x64xf32>
    %dot_general3A_1388 = tpu.matmul %convert_element_type3A_11, %get3A_1386, %dot_general3A_1387 {dimension_numbers = #tpu.dot_dimension_numbers<[1], [1], [0], [0], [0, 0, 1, 0], [], []>, transpose_lhs_hint = false} : vector<32x32xf32>, vector<64x32xf32>, vector<32x64xf32> -> vector<32x64xf32>
    %mul3A_1389 = vector.broadcast %select_n3A_1380 : vector<1x64xf32> to vector<32x64xf32>
    %mul3A_1390 = arith.mulf %dot_general3A_1388, %mul3A_1389 : vector<32x64xf32>
    %slice3A_1391 = vector.extract_strided_slice %mul3A_5 {offsets = [26, 0], sizes = [1, 65], strides = [1, 1]} : vector<65x65xf32> to vector<1x65xf32>
    %add3A_1392 = vector.broadcast %slice3A_1391 : vector<1x65xf32> to vector<32x65xf32>
    %add3A_1393 = arith.addf %add3A_1392, %select_n3A : vector<32x65xf32>
    %concatenate3A_1394 = tpu.concatenate %broadcast_in_dim3A_20, %mul3A_1390 in 1 : vector<32x1xf32>, vector<32x64xf32> -> vector<32x65xf32>
    %add3A_1395 = arith.addf %add3A_1393, %concatenate3A_1394 : vector<32x65xf32>
    %swap3A_1396 = arith.constant 0 : index
    %swap3A_1397 = arith.constant 0 : index
    %swap3A_1398 = arith.constant 26 : index
    %swap3A_1399 = arith.constant 0 : index
    %swap3A_1400 = vector.load %arg5[%swap3A_1396, %swap3A_1397, %swap3A_1398, %swap3A_1399] : memref<1x32x65x65xf32, #tpu.memory_space<vmem>>, vector<1x32x1x65xf32>
    %swap3A_1401 = vector.shape_cast %swap3A_1400 : vector<1x32x1x65xf32> to vector<32x65xf32>
    %swap3A_1402 = vector.shape_cast %add3A_1395 : vector<32x65xf32> to vector<1x32x1x65xf32>
    tpu.vector_store %arg5[%swap3A_1396, %swap3A_1397, %swap3A_1398, %swap3A_1399], %swap3A_1402 {strides = array<i32>} : memref<1x32x65x65xf32, #tpu.memory_space<vmem>>, vector<1x32x1x65xf32>,
    %get3A_1403 = arith.constant 0 : index
    %get3A_1404 = arith.constant 26 : index
    %get3A_1405 = arith.constant 0 : index
    %get3A_1406 = vector.load %arg2[%get3A_1403, %get3A_1404, %get3A_1405] : memref<1x64x64xi32, #tpu.memory_space<vmem>>, vector<1x1x64xi32>
    %get3A_1407 = vector.shape_cast %get3A_1406 : vector<1x1x64xi32> to vector<1x64xi32>
    %le3A_1408 = arith.constant 2 : i32
    %le3A_1409 = vector.broadcast %le3A_1408 : i32 to vector<1x64xi32>
    %le3A_1410 = arith.cmpi sle, %get3A_1407, %le3A_1409 : vector<1x64xi32>
    %eq3A_1411 = arith.constant 3 : i32
    %eq3A_1412 = vector.broadcast %eq3A_1411 : i32 to vector<1x64xi32>
    %eq3A_1413 = arith.cmpi eq, %get3A_1407, %eq3A_1412 : vector<1x64xi32>
    %eq3A_1414 = arith.constant 4 : i32
    %eq3A_1415 = vector.broadcast %eq3A_1414 : i32 to vector<1x64xi32>
    %eq3A_1416 = arith.cmpi eq, %get3A_1407, %eq3A_1415 : vector<1x64xi32>
    %eq3A_1417 = arith.constant 5 : i32
    %eq3A_1418 = vector.broadcast %eq3A_1417 : i32 to vector<1x64xi32>
    %eq3A_1419 = arith.cmpi eq, %get3A_1407, %eq3A_1418 : vector<1x64xi32>
    %jit3A_1420 = arith.constant 2.500000e-01 : f32
    %jit3A_1421 = arith.constant 2.000000e-01 : f32
    %broadcast_in_dim3A_1422 = vector.broadcast %jit3A_1420 : f32 to vector<1x64xf32>
    %broadcast_in_dim3A_1423 = vector.broadcast %jit3A_1421 : f32 to vector<1x64xf32>
    %select_n3A_1424 = arith.select %eq3A_1419, %broadcast_in_dim3A_1422, %broadcast_in_dim3A_1423 : vector<1x64xi1>, vector<1x64xf32>
    %jit3A_1425 = arith.constant 0.333333343 : f32
    %broadcast_in_dim3A_1426 = vector.broadcast %jit3A_1425 : f32 to vector<1x64xf32>
    %select_n3A_1427 = arith.select %eq3A_1416, %broadcast_in_dim3A_1426, %select_n3A_1424 : vector<1x64xi1>, vector<1x64xf32>
    %jit3A_1428 = arith.constant 5.000000e-01 : f32
    %broadcast_in_dim3A_1429 = vector.broadcast %jit3A_1428 : f32 to vector<1x64xf32>
    %select_n3A_1430 = arith.select %eq3A_1413, %broadcast_in_dim3A_1429, %select_n3A_1427 : vector<1x64xi1>, vector<1x64xf32>
    %jit3A_1431 = arith.constant 1.000000e+00 : f32
    %broadcast_in_dim3A_1432 = vector.broadcast %jit3A_1431 : f32 to vector<1x64xf32>
    %select_n3A_1433 = arith.select %le3A_1410, %broadcast_in_dim3A_1432, %select_n3A_1430 : vector<1x64xi1>, vector<1x64xf32>
    %get3A_1434 = arith.constant 0 : index
    %get3A_1435 = arith.constant 26 : index
    %get3A_1436 = arith.constant 0 : index
    %get3A_1437 = arith.constant 0 : index
    %get3A_1438 = vector.load %arg1[%get3A_1434, %get3A_1435, %get3A_1436, %get3A_1437] : memref<1x64x64x128xf32, #tpu.memory_space<vmem>>, vector<1x1x64x32xf32>
    %get3A_1439 = vector.shape_cast %get3A_1438 : vector<1x1x64x32xf32> to vector<64x32xf32>
    %dot_general3A_1440 = arith.constant dense<0.000000e+00> : vector<32x64xf32>
    %dot_general3A_1441 = tpu.matmul %convert_element_type3A_11, %get3A_1439, %dot_general3A_1440 {dimension_numbers = #tpu.dot_dimension_numbers<[1], [1], [0], [0], [0, 0, 1, 0], [], []>, transpose_lhs_hint = false} : vector<32x32xf32>, vector<64x32xf32>, vector<32x64xf32> -> vector<32x64xf32>
    %mul3A_1442 = vector.broadcast %select_n3A_1433 : vector<1x64xf32> to vector<32x64xf32>
    %mul3A_1443 = arith.mulf %dot_general3A_1441, %mul3A_1442 : vector<32x64xf32>
    %slice3A_1444 = vector.extract_strided_slice %mul3A_5 {offsets = [27, 0], sizes = [1, 65], strides = [1, 1]} : vector<65x65xf32> to vector<1x65xf32>
    %add3A_1445 = vector.broadcast %slice3A_1444 : vector<1x65xf32> to vector<32x65xf32>
    %add3A_1446 = arith.addf %add3A_1445, %select_n3A : vector<32x65xf32>
    %concatenate3A_1447 = tpu.concatenate %broadcast_in_dim3A_20, %mul3A_1443 in 1 : vector<32x1xf32>, vector<32x64xf32> -> vector<32x65xf32>
    %add3A_1448 = arith.addf %add3A_1446, %concatenate3A_1447 : vector<32x65xf32>
    %swap3A_1449 = arith.constant 0 : index
    %swap3A_1450 = arith.constant 0 : index
    %swap3A_1451 = arith.constant 27 : index
    %swap3A_1452 = arith.constant 0 : index
    %swap3A_1453 = vector.load %arg5[%swap3A_1449, %swap3A_1450, %swap3A_1451, %swap3A_1452] : memref<1x32x65x65xf32, #tpu.memory_space<vmem>>, vector<1x32x1x65xf32>
    %swap3A_1454 = vector.shape_cast %swap3A_1453 : vector<1x32x1x65xf32> to vector<32x65xf32>
    %swap3A_1455 = vector.shape_cast %add3A_1448 : vector<32x65xf32> to vector<1x32x1x65xf32>
    tpu.vector_store %arg5[%swap3A_1449, %swap3A_1450, %swap3A_1451, %swap3A_1452], %swap3A_1455 {strides = array<i32>} : memref<1x32x65x65xf32, #tpu.memory_space<vmem>>, vector<1x32x1x65xf32>,
    %get3A_1456 = arith.constant 0 : index
    %get3A_1457 = arith.constant 27 : index
    %get3A_1458 = arith.constant 0 : index
    %get3A_1459 = vector.load %arg2[%get3A_1456, %get3A_1457, %get3A_1458] : memref<1x64x64xi32, #tpu.memory_space<vmem>>, vector<1x1x64xi32>
    %get3A_1460 = vector.shape_cast %get3A_1459 : vector<1x1x64xi32> to vector<1x64xi32>
    %le3A_1461 = arith.constant 2 : i32
    %le3A_1462 = vector.broadcast %le3A_1461 : i32 to vector<1x64xi32>
    %le3A_1463 = arith.cmpi sle, %get3A_1460, %le3A_1462 : vector<1x64xi32>
    %eq3A_1464 = arith.constant 3 : i32
    %eq3A_1465 = vector.broadcast %eq3A_1464 : i32 to vector<1x64xi32>
    %eq3A_1466 = arith.cmpi eq, %get3A_1460, %eq3A_1465 : vector<1x64xi32>
    %eq3A_1467 = arith.constant 4 : i32
    %eq3A_1468 = vector.broadcast %eq3A_1467 : i32 to vector<1x64xi32>
    %eq3A_1469 = arith.cmpi eq, %get3A_1460, %eq3A_1468 : vector<1x64xi32>
    %eq3A_1470 = arith.constant 5 : i32
    %eq3A_1471 = vector.broadcast %eq3A_1470 : i32 to vector<1x64xi32>
    %eq3A_1472 = arith.cmpi eq, %get3A_1460, %eq3A_1471 : vector<1x64xi32>
    %jit3A_1473 = arith.constant 2.500000e-01 : f32
    %jit3A_1474 = arith.constant 2.000000e-01 : f32
    %broadcast_in_dim3A_1475 = vector.broadcast %jit3A_1473 : f32 to vector<1x64xf32>
    %broadcast_in_dim3A_1476 = vector.broadcast %jit3A_1474 : f32 to vector<1x64xf32>
    %select_n3A_1477 = arith.select %eq3A_1472, %broadcast_in_dim3A_1475, %broadcast_in_dim3A_1476 : vector<1x64xi1>, vector<1x64xf32>
    %jit3A_1478 = arith.constant 0.333333343 : f32
    %broadcast_in_dim3A_1479 = vector.broadcast %jit3A_1478 : f32 to vector<1x64xf32>
    %select_n3A_1480 = arith.select %eq3A_1469, %broadcast_in_dim3A_1479, %select_n3A_1477 : vector<1x64xi1>, vector<1x64xf32>
    %jit3A_1481 = arith.constant 5.000000e-01 : f32
    %broadcast_in_dim3A_1482 = vector.broadcast %jit3A_1481 : f32 to vector<1x64xf32>
    %select_n3A_1483 = arith.select %eq3A_1466, %broadcast_in_dim3A_1482, %select_n3A_1480 : vector<1x64xi1>, vector<1x64xf32>
    %jit3A_1484 = arith.constant 1.000000e+00 : f32
    %broadcast_in_dim3A_1485 = vector.broadcast %jit3A_1484 : f32 to vector<1x64xf32>
    %select_n3A_1486 = arith.select %le3A_1463, %broadcast_in_dim3A_1485, %select_n3A_1483 : vector<1x64xi1>, vector<1x64xf32>
    %get3A_1487 = arith.constant 0 : index
    %get3A_1488 = arith.constant 27 : index
    %get3A_1489 = arith.constant 0 : index
    %get3A_1490 = arith.constant 0 : index
    %get3A_1491 = vector.load %arg1[%get3A_1487, %get3A_1488, %get3A_1489, %get3A_1490] : memref<1x64x64x128xf32, #tpu.memory_space<vmem>>, vector<1x1x64x32xf32>
    %get3A_1492 = vector.shape_cast %get3A_1491 : vector<1x1x64x32xf32> to vector<64x32xf32>
    %dot_general3A_1493 = arith.constant dense<0.000000e+00> : vector<32x64xf32>
    %dot_general3A_1494 = tpu.matmul %convert_element_type3A_11, %get3A_1492, %dot_general3A_1493 {dimension_numbers = #tpu.dot_dimension_numbers<[1], [1], [0], [0], [0, 0, 1, 0], [], []>, transpose_lhs_hint = false} : vector<32x32xf32>, vector<64x32xf32>, vector<32x64xf32> -> vector<32x64xf32>
    %mul3A_1495 = vector.broadcast %select_n3A_1486 : vector<1x64xf32> to vector<32x64xf32>
    %mul3A_1496 = arith.mulf %dot_general3A_1494, %mul3A_1495 : vector<32x64xf32>
    %slice3A_1497 = vector.extract_strided_slice %mul3A_5 {offsets = [28, 0], sizes = [1, 65], strides = [1, 1]} : vector<65x65xf32> to vector<1x65xf32>
    %add3A_1498 = vector.broadcast %slice3A_1497 : vector<1x65xf32> to vector<32x65xf32>
    %add3A_1499 = arith.addf %add3A_1498, %select_n3A : vector<32x65xf32>
    %concatenate3A_1500 = tpu.concatenate %broadcast_in_dim3A_20, %mul3A_1496 in 1 : vector<32x1xf32>, vector<32x64xf32> -> vector<32x65xf32>
    %add3A_1501 = arith.addf %add3A_1499, %concatenate3A_1500 : vector<32x65xf32>
    %swap3A_1502 = arith.constant 0 : index
    %swap3A_1503 = arith.constant 0 : index
    %swap3A_1504 = arith.constant 28 : index
    %swap3A_1505 = arith.constant 0 : index
    %swap3A_1506 = vector.load %arg5[%swap3A_1502, %swap3A_1503, %swap3A_1504, %swap3A_1505] : memref<1x32x65x65xf32, #tpu.memory_space<vmem>>, vector<1x32x1x65xf32>
    %swap3A_1507 = vector.shape_cast %swap3A_1506 : vector<1x32x1x65xf32> to vector<32x65xf32>
    %swap3A_1508 = vector.shape_cast %add3A_1501 : vector<32x65xf32> to vector<1x32x1x65xf32>
    tpu.vector_store %arg5[%swap3A_1502, %swap3A_1503, %swap3A_1504, %swap3A_1505], %swap3A_1508 {strides = array<i32>} : memref<1x32x65x65xf32, #tpu.memory_space<vmem>>, vector<1x32x1x65xf32>,
    %get3A_1509 = arith.constant 0 : index
    %get3A_1510 = arith.constant 28 : index
    %get3A_1511 = arith.constant 0 : index
    %get3A_1512 = vector.load %arg2[%get3A_1509, %get3A_1510, %get3A_1511] : memref<1x64x64xi32, #tpu.memory_space<vmem>>, vector<1x1x64xi32>
    %get3A_1513 = vector.shape_cast %get3A_1512 : vector<1x1x64xi32> to vector<1x64xi32>
    %le3A_1514 = arith.constant 2 : i32
    %le3A_1515 = vector.broadcast %le3A_1514 : i32 to vector<1x64xi32>
    %le3A_1516 = arith.cmpi sle, %get3A_1513, %le3A_1515 : vector<1x64xi32>
    %eq3A_1517 = arith.constant 3 : i32
    %eq3A_1518 = vector.broadcast %eq3A_1517 : i32 to vector<1x64xi32>
    %eq3A_1519 = arith.cmpi eq, %get3A_1513, %eq3A_1518 : vector<1x64xi32>
    %eq3A_1520 = arith.constant 4 : i32
    %eq3A_1521 = vector.broadcast %eq3A_1520 : i32 to vector<1x64xi32>
    %eq3A_1522 = arith.cmpi eq, %get3A_1513, %eq3A_1521 : vector<1x64xi32>
    %eq3A_1523 = arith.constant 5 : i32
    %eq3A_1524 = vector.broadcast %eq3A_1523 : i32 to vector<1x64xi32>
    %eq3A_1525 = arith.cmpi eq, %get3A_1513, %eq3A_1524 : vector<1x64xi32>
    %jit3A_1526 = arith.constant 2.500000e-01 : f32
    %jit3A_1527 = arith.constant 2.000000e-01 : f32
    %broadcast_in_dim3A_1528 = vector.broadcast %jit3A_1526 : f32 to vector<1x64xf32>
    %broadcast_in_dim3A_1529 = vector.broadcast %jit3A_1527 : f32 to vector<1x64xf32>
    %select_n3A_1530 = arith.select %eq3A_1525, %broadcast_in_dim3A_1528, %broadcast_in_dim3A_1529 : vector<1x64xi1>, vector<1x64xf32>
    %jit3A_1531 = arith.constant 0.333333343 : f32
    %broadcast_in_dim3A_1532 = vector.broadcast %jit3A_1531 : f32 to vector<1x64xf32>
    %select_n3A_1533 = arith.select %eq3A_1522, %broadcast_in_dim3A_1532, %select_n3A_1530 : vector<1x64xi1>, vector<1x64xf32>
    %jit3A_1534 = arith.constant 5.000000e-01 : f32
    %broadcast_in_dim3A_1535 = vector.broadcast %jit3A_1534 : f32 to vector<1x64xf32>
    %select_n3A_1536 = arith.select %eq3A_1519, %broadcast_in_dim3A_1535, %select_n3A_1533 : vector<1x64xi1>, vector<1x64xf32>
    %jit3A_1537 = arith.constant 1.000000e+00 : f32
    %broadcast_in_dim3A_1538 = vector.broadcast %jit3A_1537 : f32 to vector<1x64xf32>
    %select_n3A_1539 = arith.select %le3A_1516, %broadcast_in_dim3A_1538, %select_n3A_1536 : vector<1x64xi1>, vector<1x64xf32>
    %get3A_1540 = arith.constant 0 : index
    %get3A_1541 = arith.constant 28 : index
    %get3A_1542 = arith.constant 0 : index
    %get3A_1543 = arith.constant 0 : index
    %get3A_1544 = vector.load %arg1[%get3A_1540, %get3A_1541, %get3A_1542, %get3A_1543] : memref<1x64x64x128xf32, #tpu.memory_space<vmem>>, vector<1x1x64x32xf32>
    %get3A_1545 = vector.shape_cast %get3A_1544 : vector<1x1x64x32xf32> to vector<64x32xf32>
    %dot_general3A_1546 = arith.constant dense<0.000000e+00> : vector<32x64xf32>
    %dot_general3A_1547 = tpu.matmul %convert_element_type3A_11, %get3A_1545, %dot_general3A_1546 {dimension_numbers = #tpu.dot_dimension_numbers<[1], [1], [0], [0], [0, 0, 1, 0], [], []>, transpose_lhs_hint = false} : vector<32x32xf32>, vector<64x32xf32>, vector<32x64xf32> -> vector<32x64xf32>
    %mul3A_1548 = vector.broadcast %select_n3A_1539 : vector<1x64xf32> to vector<32x64xf32>
    %mul3A_1549 = arith.mulf %dot_general3A_1547, %mul3A_1548 : vector<32x64xf32>
    %slice3A_1550 = vector.extract_strided_slice %mul3A_5 {offsets = [29, 0], sizes = [1, 65], strides = [1, 1]} : vector<65x65xf32> to vector<1x65xf32>
    %add3A_1551 = vector.broadcast %slice3A_1550 : vector<1x65xf32> to vector<32x65xf32>
    %add3A_1552 = arith.addf %add3A_1551, %select_n3A : vector<32x65xf32>
    %concatenate3A_1553 = tpu.concatenate %broadcast_in_dim3A_20, %mul3A_1549 in 1 : vector<32x1xf32>, vector<32x64xf32> -> vector<32x65xf32>
    %add3A_1554 = arith.addf %add3A_1552, %concatenate3A_1553 : vector<32x65xf32>
    %swap3A_1555 = arith.constant 0 : index
    %swap3A_1556 = arith.constant 0 : index
    %swap3A_1557 = arith.constant 29 : index
    %swap3A_1558 = arith.constant 0 : index
    %swap3A_1559 = vector.load %arg5[%swap3A_1555, %swap3A_1556, %swap3A_1557, %swap3A_1558] : memref<1x32x65x65xf32, #tpu.memory_space<vmem>>, vector<1x32x1x65xf32>
    %swap3A_1560 = vector.shape_cast %swap3A_1559 : vector<1x32x1x65xf32> to vector<32x65xf32>
    %swap3A_1561 = vector.shape_cast %add3A_1554 : vector<32x65xf32> to vector<1x32x1x65xf32>
    tpu.vector_store %arg5[%swap3A_1555, %swap3A_1556, %swap3A_1557, %swap3A_1558], %swap3A_1561 {strides = array<i32>} : memref<1x32x65x65xf32, #tpu.memory_space<vmem>>, vector<1x32x1x65xf32>,
    %get3A_1562 = arith.constant 0 : index
    %get3A_1563 = arith.constant 29 : index
    %get3A_1564 = arith.constant 0 : index
    %get3A_1565 = vector.load %arg2[%get3A_1562, %get3A_1563, %get3A_1564] : memref<1x64x64xi32, #tpu.memory_space<vmem>>, vector<1x1x64xi32>
    %get3A_1566 = vector.shape_cast %get3A_1565 : vector<1x1x64xi32> to vector<1x64xi32>
    %le3A_1567 = arith.constant 2 : i32
    %le3A_1568 = vector.broadcast %le3A_1567 : i32 to vector<1x64xi32>
    %le3A_1569 = arith.cmpi sle, %get3A_1566, %le3A_1568 : vector<1x64xi32>
    %eq3A_1570 = arith.constant 3 : i32
    %eq3A_1571 = vector.broadcast %eq3A_1570 : i32 to vector<1x64xi32>
    %eq3A_1572 = arith.cmpi eq, %get3A_1566, %eq3A_1571 : vector<1x64xi32>
    %eq3A_1573 = arith.constant 4 : i32
    %eq3A_1574 = vector.broadcast %eq3A_1573 : i32 to vector<1x64xi32>
    %eq3A_1575 = arith.cmpi eq, %get3A_1566, %eq3A_1574 : vector<1x64xi32>
    %eq3A_1576 = arith.constant 5 : i32
    %eq3A_1577 = vector.broadcast %eq3A_1576 : i32 to vector<1x64xi32>
    %eq3A_1578 = arith.cmpi eq, %get3A_1566, %eq3A_1577 : vector<1x64xi32>
    %jit3A_1579 = arith.constant 2.500000e-01 : f32
    %jit3A_1580 = arith.constant 2.000000e-01 : f32
    %broadcast_in_dim3A_1581 = vector.broadcast %jit3A_1579 : f32 to vector<1x64xf32>
    %broadcast_in_dim3A_1582 = vector.broadcast %jit3A_1580 : f32 to vector<1x64xf32>
    %select_n3A_1583 = arith.select %eq3A_1578, %broadcast_in_dim3A_1581, %broadcast_in_dim3A_1582 : vector<1x64xi1>, vector<1x64xf32>
    %jit3A_1584 = arith.constant 0.333333343 : f32
    %broadcast_in_dim3A_1585 = vector.broadcast %jit3A_1584 : f32 to vector<1x64xf32>
    %select_n3A_1586 = arith.select %eq3A_1575, %broadcast_in_dim3A_1585, %select_n3A_1583 : vector<1x64xi1>, vector<1x64xf32>
    %jit3A_1587 = arith.constant 5.000000e-01 : f32
    %broadcast_in_dim3A_1588 = vector.broadcast %jit3A_1587 : f32 to vector<1x64xf32>
    %select_n3A_1589 = arith.select %eq3A_1572, %broadcast_in_dim3A_1588, %select_n3A_1586 : vector<1x64xi1>, vector<1x64xf32>
    %jit3A_1590 = arith.constant 1.000000e+00 : f32
    %broadcast_in_dim3A_1591 = vector.broadcast %jit3A_1590 : f32 to vector<1x64xf32>
    %select_n3A_1592 = arith.select %le3A_1569, %broadcast_in_dim3A_1591, %select_n3A_1589 : vector<1x64xi1>, vector<1x64xf32>
    %get3A_1593 = arith.constant 0 : index
    %get3A_1594 = arith.constant 29 : index
    %get3A_1595 = arith.constant 0 : index
    %get3A_1596 = arith.constant 0 : index
    %get3A_1597 = vector.load %arg1[%get3A_1593, %get3A_1594, %get3A_1595, %get3A_1596] : memref<1x64x64x128xf32, #tpu.memory_space<vmem>>, vector<1x1x64x32xf32>
    %get3A_1598 = vector.shape_cast %get3A_1597 : vector<1x1x64x32xf32> to vector<64x32xf32>
    %dot_general3A_1599 = arith.constant dense<0.000000e+00> : vector<32x64xf32>
    %dot_general3A_1600 = tpu.matmul %convert_element_type3A_11, %get3A_1598, %dot_general3A_1599 {dimension_numbers = #tpu.dot_dimension_numbers<[1], [1], [0], [0], [0, 0, 1, 0], [], []>, transpose_lhs_hint = false} : vector<32x32xf32>, vector<64x32xf32>, vector<32x64xf32> -> vector<32x64xf32>
    %mul3A_1601 = vector.broadcast %select_n3A_1592 : vector<1x64xf32> to vector<32x64xf32>
    %mul3A_1602 = arith.mulf %dot_general3A_1600, %mul3A_1601 : vector<32x64xf32>
    %slice3A_1603 = vector.extract_strided_slice %mul3A_5 {offsets = [30, 0], sizes = [1, 65], strides = [1, 1]} : vector<65x65xf32> to vector<1x65xf32>
    %add3A_1604 = vector.broadcast %slice3A_1603 : vector<1x65xf32> to vector<32x65xf32>
    %add3A_1605 = arith.addf %add3A_1604, %select_n3A : vector<32x65xf32>
    %concatenate3A_1606 = tpu.concatenate %broadcast_in_dim3A_20, %mul3A_1602 in 1 : vector<32x1xf32>, vector<32x64xf32> -> vector<32x65xf32>
    %add3A_1607 = arith.addf %add3A_1605, %concatenate3A_1606 : vector<32x65xf32>
    %swap3A_1608 = arith.constant 0 : index
    %swap3A_1609 = arith.constant 0 : index
    %swap3A_1610 = arith.constant 30 : index
    %swap3A_1611 = arith.constant 0 : index
    %swap3A_1612 = vector.load %arg5[%swap3A_1608, %swap3A_1609, %swap3A_1610, %swap3A_1611] : memref<1x32x65x65xf32, #tpu.memory_space<vmem>>, vector<1x32x1x65xf32>
    %swap3A_1613 = vector.shape_cast %swap3A_1612 : vector<1x32x1x65xf32> to vector<32x65xf32>
    %swap3A_1614 = vector.shape_cast %add3A_1607 : vector<32x65xf32> to vector<1x32x1x65xf32>
    tpu.vector_store %arg5[%swap3A_1608, %swap3A_1609, %swap3A_1610, %swap3A_1611], %swap3A_1614 {strides = array<i32>} : memref<1x32x65x65xf32, #tpu.memory_space<vmem>>, vector<1x32x1x65xf32>,
    %get3A_1615 = arith.constant 0 : index
    %get3A_1616 = arith.constant 30 : index
    %get3A_1617 = arith.constant 0 : index
    %get3A_1618 = vector.load %arg2[%get3A_1615, %get3A_1616, %get3A_1617] : memref<1x64x64xi32, #tpu.memory_space<vmem>>, vector<1x1x64xi32>
    %get3A_1619 = vector.shape_cast %get3A_1618 : vector<1x1x64xi32> to vector<1x64xi32>
    %le3A_1620 = arith.constant 2 : i32
    %le3A_1621 = vector.broadcast %le3A_1620 : i32 to vector<1x64xi32>
    %le3A_1622 = arith.cmpi sle, %get3A_1619, %le3A_1621 : vector<1x64xi32>
    %eq3A_1623 = arith.constant 3 : i32
    %eq3A_1624 = vector.broadcast %eq3A_1623 : i32 to vector<1x64xi32>
    %eq3A_1625 = arith.cmpi eq, %get3A_1619, %eq3A_1624 : vector<1x64xi32>
    %eq3A_1626 = arith.constant 4 : i32
    %eq3A_1627 = vector.broadcast %eq3A_1626 : i32 to vector<1x64xi32>
    %eq3A_1628 = arith.cmpi eq, %get3A_1619, %eq3A_1627 : vector<1x64xi32>
    %eq3A_1629 = arith.constant 5 : i32
    %eq3A_1630 = vector.broadcast %eq3A_1629 : i32 to vector<1x64xi32>
    %eq3A_1631 = arith.cmpi eq, %get3A_1619, %eq3A_1630 : vector<1x64xi32>
    %jit3A_1632 = arith.constant 2.500000e-01 : f32
    %jit3A_1633 = arith.constant 2.000000e-01 : f32
    %broadcast_in_dim3A_1634 = vector.broadcast %jit3A_1632 : f32 to vector<1x64xf32>
    %broadcast_in_dim3A_1635 = vector.broadcast %jit3A_1633 : f32 to vector<1x64xf32>
    %select_n3A_1636 = arith.select %eq3A_1631, %broadcast_in_dim3A_1634, %broadcast_in_dim3A_1635 : vector<1x64xi1>, vector<1x64xf32>
    %jit3A_1637 = arith.constant 0.333333343 : f32
    %broadcast_in_dim3A_1638 = vector.broadcast %jit3A_1637 : f32 to vector<1x64xf32>
    %select_n3A_1639 = arith.select %eq3A_1628, %broadcast_in_dim3A_1638, %select_n3A_1636 : vector<1x64xi1>, vector<1x64xf32>
    %jit3A_1640 = arith.constant 5.000000e-01 : f32
    %broadcast_in_dim3A_1641 = vector.broadcast %jit3A_1640 : f32 to vector<1x64xf32>
    %select_n3A_1642 = arith.select %eq3A_1625, %broadcast_in_dim3A_1641, %select_n3A_1639 : vector<1x64xi1>, vector<1x64xf32>
    %jit3A_1643 = arith.constant 1.000000e+00 : f32
    %broadcast_in_dim3A_1644 = vector.broadcast %jit3A_1643 : f32 to vector<1x64xf32>
    %select_n3A_1645 = arith.select %le3A_1622, %broadcast_in_dim3A_1644, %select_n3A_1642 : vector<1x64xi1>, vector<1x64xf32>
    %get3A_1646 = arith.constant 0 : index
    %get3A_1647 = arith.constant 30 : index
    %get3A_1648 = arith.constant 0 : index
    %get3A_1649 = arith.constant 0 : index
    %get3A_1650 = vector.load %arg1[%get3A_1646, %get3A_1647, %get3A_1648, %get3A_1649] : memref<1x64x64x128xf32, #tpu.memory_space<vmem>>, vector<1x1x64x32xf32>
    %get3A_1651 = vector.shape_cast %get3A_1650 : vector<1x1x64x32xf32> to vector<64x32xf32>
    %dot_general3A_1652 = arith.constant dense<0.000000e+00> : vector<32x64xf32>
    %dot_general3A_1653 = tpu.matmul %convert_element_type3A_11, %get3A_1651, %dot_general3A_1652 {dimension_numbers = #tpu.dot_dimension_numbers<[1], [1], [0], [0], [0, 0, 1, 0], [], []>, transpose_lhs_hint = false} : vector<32x32xf32>, vector<64x32xf32>, vector<32x64xf32> -> vector<32x64xf32>
    %mul3A_1654 = vector.broadcast %select_n3A_1645 : vector<1x64xf32> to vector<32x64xf32>
    %mul3A_1655 = arith.mulf %dot_general3A_1653, %mul3A_1654 : vector<32x64xf32>
    %slice3A_1656 = vector.extract_strided_slice %mul3A_5 {offsets = [31, 0], sizes = [1, 65], strides = [1, 1]} : vector<65x65xf32> to vector<1x65xf32>
    %add3A_1657 = vector.broadcast %slice3A_1656 : vector<1x65xf32> to vector<32x65xf32>
    %add3A_1658 = arith.addf %add3A_1657, %select_n3A : vector<32x65xf32>
    %concatenate3A_1659 = tpu.concatenate %broadcast_in_dim3A_20, %mul3A_1655 in 1 : vector<32x1xf32>, vector<32x64xf32> -> vector<32x65xf32>
    %add3A_1660 = arith.addf %add3A_1658, %concatenate3A_1659 : vector<32x65xf32>
    %swap3A_1661 = arith.constant 0 : index
    %swap3A_1662 = arith.constant 0 : index
    %swap3A_1663 = arith.constant 31 : index
    %swap3A_1664 = arith.constant 0 : index
    %swap3A_1665 = vector.load %arg5[%swap3A_1661, %swap3A_1662, %swap3A_1663, %swap3A_1664] : memref<1x32x65x65xf32, #tpu.memory_space<vmem>>, vector<1x32x1x65xf32>
    %swap3A_1666 = vector.shape_cast %swap3A_1665 : vector<1x32x1x65xf32> to vector<32x65xf32>
    %swap3A_1667 = vector.shape_cast %add3A_1660 : vector<32x65xf32> to vector<1x32x1x65xf32>
    tpu.vector_store %arg5[%swap3A_1661, %swap3A_1662, %swap3A_1663, %swap3A_1664], %swap3A_1667 {strides = array<i32>} : memref<1x32x65x65xf32, #tpu.memory_space<vmem>>, vector<1x32x1x65xf32>,
    %get3A_1668 = arith.constant 0 : index
    %get3A_1669 = arith.constant 31 : index
    %get3A_1670 = arith.constant 0 : index
    %get3A_1671 = vector.load %arg2[%get3A_1668, %get3A_1669, %get3A_1670] : memref<1x64x64xi32, #tpu.memory_space<vmem>>, vector<1x1x64xi32>
    %get3A_1672 = vector.shape_cast %get3A_1671 : vector<1x1x64xi32> to vector<1x64xi32>
    %le3A_1673 = arith.constant 2 : i32
    %le3A_1674 = vector.broadcast %le3A_1673 : i32 to vector<1x64xi32>
    %le3A_1675 = arith.cmpi sle, %get3A_1672, %le3A_1674 : vector<1x64xi32>
    %eq3A_1676 = arith.constant 3 : i32
    %eq3A_1677 = vector.broadcast %eq3A_1676 : i32 to vector<1x64xi32>
    %eq3A_1678 = arith.cmpi eq, %get3A_1672, %eq3A_1677 : vector<1x64xi32>
    %eq3A_1679 = arith.constant 4 : i32
    %eq3A_1680 = vector.broadcast %eq3A_1679 : i32 to vector<1x64xi32>
    %eq3A_1681 = arith.cmpi eq, %get3A_1672, %eq3A_1680 : vector<1x64xi32>
    %eq3A_1682 = arith.constant 5 : i32
    %eq3A_1683 = vector.broadcast %eq3A_1682 : i32 to vector<1x64xi32>
    %eq3A_1684 = arith.cmpi eq, %get3A_1672, %eq3A_1683 : vector<1x64xi32>
    %jit3A_1685 = arith.constant 2.500000e-01 : f32
    %jit3A_1686 = arith.constant 2.000000e-01 : f32
    %broadcast_in_dim3A_1687 = vector.broadcast %jit3A_1685 : f32 to vector<1x64xf32>
    %broadcast_in_dim3A_1688 = vector.broadcast %jit3A_1686 : f32 to vector<1x64xf32>
    %select_n3A_1689 = arith.select %eq3A_1684, %broadcast_in_dim3A_1687, %broadcast_in_dim3A_1688 : vector<1x64xi1>, vector<1x64xf32>
    %jit3A_1690 = arith.constant 0.333333343 : f32
    %broadcast_in_dim3A_1691 = vector.broadcast %jit3A_1690 : f32 to vector<1x64xf32>
    %select_n3A_1692 = arith.select %eq3A_1681, %broadcast_in_dim3A_1691, %select_n3A_1689 : vector<1x64xi1>, vector<1x64xf32>
    %jit3A_1693 = arith.constant 5.000000e-01 : f32
    %broadcast_in_dim3A_1694 = vector.broadcast %jit3A_1693 : f32 to vector<1x64xf32>
    %select_n3A_1695 = arith.select %eq3A_1678, %broadcast_in_dim3A_1694, %select_n3A_1692 : vector<1x64xi1>, vector<1x64xf32>
    %jit3A_1696 = arith.constant 1.000000e+00 : f32
    %broadcast_in_dim3A_1697 = vector.broadcast %jit3A_1696 : f32 to vector<1x64xf32>
    %select_n3A_1698 = arith.select %le3A_1675, %broadcast_in_dim3A_1697, %select_n3A_1695 : vector<1x64xi1>, vector<1x64xf32>
    %get3A_1699 = arith.constant 0 : index
    %get3A_1700 = arith.constant 31 : index
    %get3A_1701 = arith.constant 0 : index
    %get3A_1702 = arith.constant 0 : index
    %get3A_1703 = vector.load %arg1[%get3A_1699, %get3A_1700, %get3A_1701, %get3A_1702] : memref<1x64x64x128xf32, #tpu.memory_space<vmem>>, vector<1x1x64x32xf32>
    %get3A_1704 = vector.shape_cast %get3A_1703 : vector<1x1x64x32xf32> to vector<64x32xf32>
    %dot_general3A_1705 = arith.constant dense<0.000000e+00> : vector<32x64xf32>
    %dot_general3A_1706 = tpu.matmul %convert_element_type3A_11, %get3A_1704, %dot_general3A_1705 {dimension_numbers = #tpu.dot_dimension_numbers<[1], [1], [0], [0], [0, 0, 1, 0], [], []>, transpose_lhs_hint = false} : vector<32x32xf32>, vector<64x32xf32>, vector<32x64xf32> -> vector<32x64xf32>
    %mul3A_1707 = vector.broadcast %select_n3A_1698 : vector<1x64xf32> to vector<32x64xf32>
    %mul3A_1708 = arith.mulf %dot_general3A_1706, %mul3A_1707 : vector<32x64xf32>
    %slice3A_1709 = vector.extract_strided_slice %mul3A_5 {offsets = [32, 0], sizes = [1, 65], strides = [1, 1]} : vector<65x65xf32> to vector<1x65xf32>
    %add3A_1710 = vector.broadcast %slice3A_1709 : vector<1x65xf32> to vector<32x65xf32>
    %add3A_1711 = arith.addf %add3A_1710, %select_n3A : vector<32x65xf32>
    %concatenate3A_1712 = tpu.concatenate %broadcast_in_dim3A_20, %mul3A_1708 in 1 : vector<32x1xf32>, vector<32x64xf32> -> vector<32x65xf32>
    %add3A_1713 = arith.addf %add3A_1711, %concatenate3A_1712 : vector<32x65xf32>
    %swap3A_1714 = arith.constant 0 : index
    %swap3A_1715 = arith.constant 0 : index
    %swap3A_1716 = arith.constant 32 : index
    %swap3A_1717 = arith.constant 0 : index
    %swap3A_1718 = vector.load %arg5[%swap3A_1714, %swap3A_1715, %swap3A_1716, %swap3A_1717] : memref<1x32x65x65xf32, #tpu.memory_space<vmem>>, vector<1x32x1x65xf32>
    %swap3A_1719 = vector.shape_cast %swap3A_1718 : vector<1x32x1x65xf32> to vector<32x65xf32>
    %swap3A_1720 = vector.shape_cast %add3A_1713 : vector<32x65xf32> to vector<1x32x1x65xf32>
    tpu.vector_store %arg5[%swap3A_1714, %swap3A_1715, %swap3A_1716, %swap3A_1717], %swap3A_1720 {strides = array<i32>} : memref<1x32x65x65xf32, #tpu.memory_space<vmem>>, vector<1x32x1x65xf32>,
    %get3A_1721 = arith.constant 0 : index
    %get3A_1722 = arith.constant 32 : index
    %get3A_1723 = arith.constant 0 : index
    %get3A_1724 = vector.load %arg2[%get3A_1721, %get3A_1722, %get3A_1723] : memref<1x64x64xi32, #tpu.memory_space<vmem>>, vector<1x1x64xi32>
    %get3A_1725 = vector.shape_cast %get3A_1724 : vector<1x1x64xi32> to vector<1x64xi32>
    %le3A_1726 = arith.constant 2 : i32
    %le3A_1727 = vector.broadcast %le3A_1726 : i32 to vector<1x64xi32>
    %le3A_1728 = arith.cmpi sle, %get3A_1725, %le3A_1727 : vector<1x64xi32>
    %eq3A_1729 = arith.constant 3 : i32
    %eq3A_1730 = vector.broadcast %eq3A_1729 : i32 to vector<1x64xi32>
    %eq3A_1731 = arith.cmpi eq, %get3A_1725, %eq3A_1730 : vector<1x64xi32>
    %eq3A_1732 = arith.constant 4 : i32
    %eq3A_1733 = vector.broadcast %eq3A_1732 : i32 to vector<1x64xi32>
    %eq3A_1734 = arith.cmpi eq, %get3A_1725, %eq3A_1733 : vector<1x64xi32>
    %eq3A_1735 = arith.constant 5 : i32
    %eq3A_1736 = vector.broadcast %eq3A_1735 : i32 to vector<1x64xi32>
    %eq3A_1737 = arith.cmpi eq, %get3A_1725, %eq3A_1736 : vector<1x64xi32>
    %jit3A_1738 = arith.constant 2.500000e-01 : f32
    %jit3A_1739 = arith.constant 2.000000e-01 : f32
    %broadcast_in_dim3A_1740 = vector.broadcast %jit3A_1738 : f32 to vector<1x64xf32>
    %broadcast_in_dim3A_1741 = vector.broadcast %jit3A_1739 : f32 to vector<1x64xf32>
    %select_n3A_1742 = arith.select %eq3A_1737, %broadcast_in_dim3A_1740, %broadcast_in_dim3A_1741 : vector<1x64xi1>, vector<1x64xf32>
    %jit3A_1743 = arith.constant 0.333333343 : f32
    %broadcast_in_dim3A_1744 = vector.broadcast %jit3A_1743 : f32 to vector<1x64xf32>
    %select_n3A_1745 = arith.select %eq3A_1734, %broadcast_in_dim3A_1744, %select_n3A_1742 : vector<1x64xi1>, vector<1x64xf32>
    %jit3A_1746 = arith.constant 5.000000e-01 : f32
    %broadcast_in_dim3A_1747 = vector.broadcast %jit3A_1746 : f32 to vector<1x64xf32>
    %select_n3A_1748 = arith.select %eq3A_1731, %broadcast_in_dim3A_1747, %select_n3A_1745 : vector<1x64xi1>, vector<1x64xf32>
    %jit3A_1749 = arith.constant 1.000000e+00 : f32
    %broadcast_in_dim3A_1750 = vector.broadcast %jit3A_1749 : f32 to vector<1x64xf32>
    %select_n3A_1751 = arith.select %le3A_1728, %broadcast_in_dim3A_1750, %select_n3A_1748 : vector<1x64xi1>, vector<1x64xf32>
    %get3A_1752 = arith.constant 0 : index
    %get3A_1753 = arith.constant 32 : index
    %get3A_1754 = arith.constant 0 : index
    %get3A_1755 = arith.constant 0 : index
    %get3A_1756 = vector.load %arg1[%get3A_1752, %get3A_1753, %get3A_1754, %get3A_1755] : memref<1x64x64x128xf32, #tpu.memory_space<vmem>>, vector<1x1x64x32xf32>
    %get3A_1757 = vector.shape_cast %get3A_1756 : vector<1x1x64x32xf32> to vector<64x32xf32>
    %dot_general3A_1758 = arith.constant dense<0.000000e+00> : vector<32x64xf32>
    %dot_general3A_1759 = tpu.matmul %convert_element_type3A_11, %get3A_1757, %dot_general3A_1758 {dimension_numbers = #tpu.dot_dimension_numbers<[1], [1], [0], [0], [0, 0, 1, 0], [], []>, transpose_lhs_hint = false} : vector<32x32xf32>, vector<64x32xf32>, vector<32x64xf32> -> vector<32x64xf32>
    %mul3A_1760 = vector.broadcast %select_n3A_1751 : vector<1x64xf32> to vector<32x64xf32>
    %mul3A_1761 = arith.mulf %dot_general3A_1759, %mul3A_1760 : vector<32x64xf32>
    %slice3A_1762 = vector.extract_strided_slice %mul3A_5 {offsets = [33, 0], sizes = [1, 65], strides = [1, 1]} : vector<65x65xf32> to vector<1x65xf32>
    %add3A_1763 = vector.broadcast %slice3A_1762 : vector<1x65xf32> to vector<32x65xf32>
    %add3A_1764 = arith.addf %add3A_1763, %select_n3A : vector<32x65xf32>
    %concatenate3A_1765 = tpu.concatenate %broadcast_in_dim3A_20, %mul3A_1761 in 1 : vector<32x1xf32>, vector<32x64xf32> -> vector<32x65xf32>
    %add3A_1766 = arith.addf %add3A_1764, %concatenate3A_1765 : vector<32x65xf32>
    %swap3A_1767 = arith.constant 0 : index
    %swap3A_1768 = arith.constant 0 : index
    %swap3A_1769 = arith.constant 33 : index
    %swap3A_1770 = arith.constant 0 : index
    %swap3A_1771 = vector.load %arg5[%swap3A_1767, %swap3A_1768, %swap3A_1769, %swap3A_1770] : memref<1x32x65x65xf32, #tpu.memory_space<vmem>>, vector<1x32x1x65xf32>
    %swap3A_1772 = vector.shape_cast %swap3A_1771 : vector<1x32x1x65xf32> to vector<32x65xf32>
    %swap3A_1773 = vector.shape_cast %add3A_1766 : vector<32x65xf32> to vector<1x32x1x65xf32>
    tpu.vector_store %arg5[%swap3A_1767, %swap3A_1768, %swap3A_1769, %swap3A_1770], %swap3A_1773 {strides = array<i32>} : memref<1x32x65x65xf32, #tpu.memory_space<vmem>>, vector<1x32x1x65xf32>,
    %get3A_1774 = arith.constant 0 : index
    %get3A_1775 = arith.constant 33 : index
    %get3A_1776 = arith.constant 0 : index
    %get3A_1777 = vector.load %arg2[%get3A_1774, %get3A_1775, %get3A_1776] : memref<1x64x64xi32, #tpu.memory_space<vmem>>, vector<1x1x64xi32>
    %get3A_1778 = vector.shape_cast %get3A_1777 : vector<1x1x64xi32> to vector<1x64xi32>
    %le3A_1779 = arith.constant 2 : i32
    %le3A_1780 = vector.broadcast %le3A_1779 : i32 to vector<1x64xi32>
    %le3A_1781 = arith.cmpi sle, %get3A_1778, %le3A_1780 : vector<1x64xi32>
    %eq3A_1782 = arith.constant 3 : i32
    %eq3A_1783 = vector.broadcast %eq3A_1782 : i32 to vector<1x64xi32>
    %eq3A_1784 = arith.cmpi eq, %get3A_1778, %eq3A_1783 : vector<1x64xi32>
    %eq3A_1785 = arith.constant 4 : i32
    %eq3A_1786 = vector.broadcast %eq3A_1785 : i32 to vector<1x64xi32>
    %eq3A_1787 = arith.cmpi eq, %get3A_1778, %eq3A_1786 : vector<1x64xi32>
    %eq3A_1788 = arith.constant 5 : i32
    %eq3A_1789 = vector.broadcast %eq3A_1788 : i32 to vector<1x64xi32>
    %eq3A_1790 = arith.cmpi eq, %get3A_1778, %eq3A_1789 : vector<1x64xi32>
    %jit3A_1791 = arith.constant 2.500000e-01 : f32
    %jit3A_1792 = arith.constant 2.000000e-01 : f32
    %broadcast_in_dim3A_1793 = vector.broadcast %jit3A_1791 : f32 to vector<1x64xf32>
    %broadcast_in_dim3A_1794 = vector.broadcast %jit3A_1792 : f32 to vector<1x64xf32>
    %select_n3A_1795 = arith.select %eq3A_1790, %broadcast_in_dim3A_1793, %broadcast_in_dim3A_1794 : vector<1x64xi1>, vector<1x64xf32>
    %jit3A_1796 = arith.constant 0.333333343 : f32
    %broadcast_in_dim3A_1797 = vector.broadcast %jit3A_1796 : f32 to vector<1x64xf32>
    %select_n3A_1798 = arith.select %eq3A_1787, %broadcast_in_dim3A_1797, %select_n3A_1795 : vector<1x64xi1>, vector<1x64xf32>
    %jit3A_1799 = arith.constant 5.000000e-01 : f32
    %broadcast_in_dim3A_1800 = vector.broadcast %jit3A_1799 : f32 to vector<1x64xf32>
    %select_n3A_1801 = arith.select %eq3A_1784, %broadcast_in_dim3A_1800, %select_n3A_1798 : vector<1x64xi1>, vector<1x64xf32>
    %jit3A_1802 = arith.constant 1.000000e+00 : f32
    %broadcast_in_dim3A_1803 = vector.broadcast %jit3A_1802 : f32 to vector<1x64xf32>
    %select_n3A_1804 = arith.select %le3A_1781, %broadcast_in_dim3A_1803, %select_n3A_1801 : vector<1x64xi1>, vector<1x64xf32>
    %get3A_1805 = arith.constant 0 : index
    %get3A_1806 = arith.constant 33 : index
    %get3A_1807 = arith.constant 0 : index
    %get3A_1808 = arith.constant 0 : index
    %get3A_1809 = vector.load %arg1[%get3A_1805, %get3A_1806, %get3A_1807, %get3A_1808] : memref<1x64x64x128xf32, #tpu.memory_space<vmem>>, vector<1x1x64x32xf32>
    %get3A_1810 = vector.shape_cast %get3A_1809 : vector<1x1x64x32xf32> to vector<64x32xf32>
    %dot_general3A_1811 = arith.constant dense<0.000000e+00> : vector<32x64xf32>
    %dot_general3A_1812 = tpu.matmul %convert_element_type3A_11, %get3A_1810, %dot_general3A_1811 {dimension_numbers = #tpu.dot_dimension_numbers<[1], [1], [0], [0], [0, 0, 1, 0], [], []>, transpose_lhs_hint = false} : vector<32x32xf32>, vector<64x32xf32>, vector<32x64xf32> -> vector<32x64xf32>
    %mul3A_1813 = vector.broadcast %select_n3A_1804 : vector<1x64xf32> to vector<32x64xf32>
    %mul3A_1814 = arith.mulf %dot_general3A_1812, %mul3A_1813 : vector<32x64xf32>
    %slice3A_1815 = vector.extract_strided_slice %mul3A_5 {offsets = [34, 0], sizes = [1, 65], strides = [1, 1]} : vector<65x65xf32> to vector<1x65xf32>
    %add3A_1816 = vector.broadcast %slice3A_1815 : vector<1x65xf32> to vector<32x65xf32>
    %add3A_1817 = arith.addf %add3A_1816, %select_n3A : vector<32x65xf32>
    %concatenate3A_1818 = tpu.concatenate %broadcast_in_dim3A_20, %mul3A_1814 in 1 : vector<32x1xf32>, vector<32x64xf32> -> vector<32x65xf32>
    %add3A_1819 = arith.addf %add3A_1817, %concatenate3A_1818 : vector<32x65xf32>
    %swap3A_1820 = arith.constant 0 : index
    %swap3A_1821 = arith.constant 0 : index
    %swap3A_1822 = arith.constant 34 : index
    %swap3A_1823 = arith.constant 0 : index
    %swap3A_1824 = vector.load %arg5[%swap3A_1820, %swap3A_1821, %swap3A_1822, %swap3A_1823] : memref<1x32x65x65xf32, #tpu.memory_space<vmem>>, vector<1x32x1x65xf32>
    %swap3A_1825 = vector.shape_cast %swap3A_1824 : vector<1x32x1x65xf32> to vector<32x65xf32>
    %swap3A_1826 = vector.shape_cast %add3A_1819 : vector<32x65xf32> to vector<1x32x1x65xf32>
    tpu.vector_store %arg5[%swap3A_1820, %swap3A_1821, %swap3A_1822, %swap3A_1823], %swap3A_1826 {strides = array<i32>} : memref<1x32x65x65xf32, #tpu.memory_space<vmem>>, vector<1x32x1x65xf32>,
    %get3A_1827 = arith.constant 0 : index
    %get3A_1828 = arith.constant 34 : index
    %get3A_1829 = arith.constant 0 : index
    %get3A_1830 = vector.load %arg2[%get3A_1827, %get3A_1828, %get3A_1829] : memref<1x64x64xi32, #tpu.memory_space<vmem>>, vector<1x1x64xi32>
    %get3A_1831 = vector.shape_cast %get3A_1830 : vector<1x1x64xi32> to vector<1x64xi32>
    %le3A_1832 = arith.constant 2 : i32
    %le3A_1833 = vector.broadcast %le3A_1832 : i32 to vector<1x64xi32>
    %le3A_1834 = arith.cmpi sle, %get3A_1831, %le3A_1833 : vector<1x64xi32>
    %eq3A_1835 = arith.constant 3 : i32
    %eq3A_1836 = vector.broadcast %eq3A_1835 : i32 to vector<1x64xi32>
    %eq3A_1837 = arith.cmpi eq, %get3A_1831, %eq3A_1836 : vector<1x64xi32>
    %eq3A_1838 = arith.constant 4 : i32
    %eq3A_1839 = vector.broadcast %eq3A_1838 : i32 to vector<1x64xi32>
    %eq3A_1840 = arith.cmpi eq, %get3A_1831, %eq3A_1839 : vector<1x64xi32>
    %eq3A_1841 = arith.constant 5 : i32
    %eq3A_1842 = vector.broadcast %eq3A_1841 : i32 to vector<1x64xi32>
    %eq3A_1843 = arith.cmpi eq, %get3A_1831, %eq3A_1842 : vector<1x64xi32>
    %jit3A_1844 = arith.constant 2.500000e-01 : f32
    %jit3A_1845 = arith.constant 2.000000e-01 : f32
    %broadcast_in_dim3A_1846 = vector.broadcast %jit3A_1844 : f32 to vector<1x64xf32>
    %broadcast_in_dim3A_1847 = vector.broadcast %jit3A_1845 : f32 to vector<1x64xf32>
    %select_n3A_1848 = arith.select %eq3A_1843, %broadcast_in_dim3A_1846, %broadcast_in_dim3A_1847 : vector<1x64xi1>, vector<1x64xf32>
    %jit3A_1849 = arith.constant 0.333333343 : f32
    %broadcast_in_dim3A_1850 = vector.broadcast %jit3A_1849 : f32 to vector<1x64xf32>
    %select_n3A_1851 = arith.select %eq3A_1840, %broadcast_in_dim3A_1850, %select_n3A_1848 : vector<1x64xi1>, vector<1x64xf32>
    %jit3A_1852 = arith.constant 5.000000e-01 : f32
    %broadcast_in_dim3A_1853 = vector.broadcast %jit3A_1852 : f32 to vector<1x64xf32>
    %select_n3A_1854 = arith.select %eq3A_1837, %broadcast_in_dim3A_1853, %select_n3A_1851 : vector<1x64xi1>, vector<1x64xf32>
    %jit3A_1855 = arith.constant 1.000000e+00 : f32
    %broadcast_in_dim3A_1856 = vector.broadcast %jit3A_1855 : f32 to vector<1x64xf32>
    %select_n3A_1857 = arith.select %le3A_1834, %broadcast_in_dim3A_1856, %select_n3A_1854 : vector<1x64xi1>, vector<1x64xf32>
    %get3A_1858 = arith.constant 0 : index
    %get3A_1859 = arith.constant 34 : index
    %get3A_1860 = arith.constant 0 : index
    %get3A_1861 = arith.constant 0 : index
    %get3A_1862 = vector.load %arg1[%get3A_1858, %get3A_1859, %get3A_1860, %get3A_1861] : memref<1x64x64x128xf32, #tpu.memory_space<vmem>>, vector<1x1x64x32xf32>
    %get3A_1863 = vector.shape_cast %get3A_1862 : vector<1x1x64x32xf32> to vector<64x32xf32>
    %dot_general3A_1864 = arith.constant dense<0.000000e+00> : vector<32x64xf32>
    %dot_general3A_1865 = tpu.matmul %convert_element_type3A_11, %get3A_1863, %dot_general3A_1864 {dimension_numbers = #tpu.dot_dimension_numbers<[1], [1], [0], [0], [0, 0, 1, 0], [], []>, transpose_lhs_hint = false} : vector<32x32xf32>, vector<64x32xf32>, vector<32x64xf32> -> vector<32x64xf32>
    %mul3A_1866 = vector.broadcast %select_n3A_1857 : vector<1x64xf32> to vector<32x64xf32>
    %mul3A_1867 = arith.mulf %dot_general3A_1865, %mul3A_1866 : vector<32x64xf32>
    %slice3A_1868 = vector.extract_strided_slice %mul3A_5 {offsets = [35, 0], sizes = [1, 65], strides = [1, 1]} : vector<65x65xf32> to vector<1x65xf32>
    %add3A_1869 = vector.broadcast %slice3A_1868 : vector<1x65xf32> to vector<32x65xf32>
    %add3A_1870 = arith.addf %add3A_1869, %select_n3A : vector<32x65xf32>
    %concatenate3A_1871 = tpu.concatenate %broadcast_in_dim3A_20, %mul3A_1867 in 1 : vector<32x1xf32>, vector<32x64xf32> -> vector<32x65xf32>
    %add3A_1872 = arith.addf %add3A_1870, %concatenate3A_1871 : vector<32x65xf32>
    %swap3A_1873 = arith.constant 0 : index
    %swap3A_1874 = arith.constant 0 : index
    %swap3A_1875 = arith.constant 35 : index
    %swap3A_1876 = arith.constant 0 : index
    %swap3A_1877 = vector.load %arg5[%swap3A_1873, %swap3A_1874, %swap3A_1875, %swap3A_1876] : memref<1x32x65x65xf32, #tpu.memory_space<vmem>>, vector<1x32x1x65xf32>
    %swap3A_1878 = vector.shape_cast %swap3A_1877 : vector<1x32x1x65xf32> to vector<32x65xf32>
    %swap3A_1879 = vector.shape_cast %add3A_1872 : vector<32x65xf32> to vector<1x32x1x65xf32>
    tpu.vector_store %arg5[%swap3A_1873, %swap3A_1874, %swap3A_1875, %swap3A_1876], %swap3A_1879 {strides = array<i32>} : memref<1x32x65x65xf32, #tpu.memory_space<vmem>>, vector<1x32x1x65xf32>,
    %get3A_1880 = arith.constant 0 : index
    %get3A_1881 = arith.constant 35 : index
    %get3A_1882 = arith.constant 0 : index
    %get3A_1883 = vector.load %arg2[%get3A_1880, %get3A_1881, %get3A_1882] : memref<1x64x64xi32, #tpu.memory_space<vmem>>, vector<1x1x64xi32>
    %get3A_1884 = vector.shape_cast %get3A_1883 : vector<1x1x64xi32> to vector<1x64xi32>
    %le3A_1885 = arith.constant 2 : i32
    %le3A_1886 = vector.broadcast %le3A_1885 : i32 to vector<1x64xi32>
    %le3A_1887 = arith.cmpi sle, %get3A_1884, %le3A_1886 : vector<1x64xi32>
    %eq3A_1888 = arith.constant 3 : i32
    %eq3A_1889 = vector.broadcast %eq3A_1888 : i32 to vector<1x64xi32>
    %eq3A_1890 = arith.cmpi eq, %get3A_1884, %eq3A_1889 : vector<1x64xi32>
    %eq3A_1891 = arith.constant 4 : i32
    %eq3A_1892 = vector.broadcast %eq3A_1891 : i32 to vector<1x64xi32>
    %eq3A_1893 = arith.cmpi eq, %get3A_1884, %eq3A_1892 : vector<1x64xi32>
    %eq3A_1894 = arith.constant 5 : i32
    %eq3A_1895 = vector.broadcast %eq3A_1894 : i32 to vector<1x64xi32>
    %eq3A_1896 = arith.cmpi eq, %get3A_1884, %eq3A_1895 : vector<1x64xi32>
    %jit3A_1897 = arith.constant 2.500000e-01 : f32
    %jit3A_1898 = arith.constant 2.000000e-01 : f32
    %broadcast_in_dim3A_1899 = vector.broadcast %jit3A_1897 : f32 to vector<1x64xf32>
    %broadcast_in_dim3A_1900 = vector.broadcast %jit3A_1898 : f32 to vector<1x64xf32>
    %select_n3A_1901 = arith.select %eq3A_1896, %broadcast_in_dim3A_1899, %broadcast_in_dim3A_1900 : vector<1x64xi1>, vector<1x64xf32>
    %jit3A_1902 = arith.constant 0.333333343 : f32
    %broadcast_in_dim3A_1903 = vector.broadcast %jit3A_1902 : f32 to vector<1x64xf32>
    %select_n3A_1904 = arith.select %eq3A_1893, %broadcast_in_dim3A_1903, %select_n3A_1901 : vector<1x64xi1>, vector<1x64xf32>
    %jit3A_1905 = arith.constant 5.000000e-01 : f32
    %broadcast_in_dim3A_1906 = vector.broadcast %jit3A_1905 : f32 to vector<1x64xf32>
    %select_n3A_1907 = arith.select %eq3A_1890, %broadcast_in_dim3A_1906, %select_n3A_1904 : vector<1x64xi1>, vector<1x64xf32>
    %jit3A_1908 = arith.constant 1.000000e+00 : f32
    %broadcast_in_dim3A_1909 = vector.broadcast %jit3A_1908 : f32 to vector<1x64xf32>
    %select_n3A_1910 = arith.select %le3A_1887, %broadcast_in_dim3A_1909, %select_n3A_1907 : vector<1x64xi1>, vector<1x64xf32>
    %get3A_1911 = arith.constant 0 : index
    %get3A_1912 = arith.constant 35 : index
    %get3A_1913 = arith.constant 0 : index
    %get3A_1914 = arith.constant 0 : index
    %get3A_1915 = vector.load %arg1[%get3A_1911, %get3A_1912, %get3A_1913, %get3A_1914] : memref<1x64x64x128xf32, #tpu.memory_space<vmem>>, vector<1x1x64x32xf32>
    %get3A_1916 = vector.shape_cast %get3A_1915 : vector<1x1x64x32xf32> to vector<64x32xf32>
    %dot_general3A_1917 = arith.constant dense<0.000000e+00> : vector<32x64xf32>
    %dot_general3A_1918 = tpu.matmul %convert_element_type3A_11, %get3A_1916, %dot_general3A_1917 {dimension_numbers = #tpu.dot_dimension_numbers<[1], [1], [0], [0], [0, 0, 1, 0], [], []>, transpose_lhs_hint = false} : vector<32x32xf32>, vector<64x32xf32>, vector<32x64xf32> -> vector<32x64xf32>
    %mul3A_1919 = vector.broadcast %select_n3A_1910 : vector<1x64xf32> to vector<32x64xf32>
    %mul3A_1920 = arith.mulf %dot_general3A_1918, %mul3A_1919 : vector<32x64xf32>
    %slice3A_1921 = vector.extract_strided_slice %mul3A_5 {offsets = [36, 0], sizes = [1, 65], strides = [1, 1]} : vector<65x65xf32> to vector<1x65xf32>
    %add3A_1922 = vector.broadcast %slice3A_1921 : vector<1x65xf32> to vector<32x65xf32>
    %add3A_1923 = arith.addf %add3A_1922, %select_n3A : vector<32x65xf32>
    %concatenate3A_1924 = tpu.concatenate %broadcast_in_dim3A_20, %mul3A_1920 in 1 : vector<32x1xf32>, vector<32x64xf32> -> vector<32x65xf32>
    %add3A_1925 = arith.addf %add3A_1923, %concatenate3A_1924 : vector<32x65xf32>
    %swap3A_1926 = arith.constant 0 : index
    %swap3A_1927 = arith.constant 0 : index
    %swap3A_1928 = arith.constant 36 : index
    %swap3A_1929 = arith.constant 0 : index
    %swap3A_1930 = vector.load %arg5[%swap3A_1926, %swap3A_1927, %swap3A_1928, %swap3A_1929] : memref<1x32x65x65xf32, #tpu.memory_space<vmem>>, vector<1x32x1x65xf32>
    %swap3A_1931 = vector.shape_cast %swap3A_1930 : vector<1x32x1x65xf32> to vector<32x65xf32>
    %swap3A_1932 = vector.shape_cast %add3A_1925 : vector<32x65xf32> to vector<1x32x1x65xf32>
    tpu.vector_store %arg5[%swap3A_1926, %swap3A_1927, %swap3A_1928, %swap3A_1929], %swap3A_1932 {strides = array<i32>} : memref<1x32x65x65xf32, #tpu.memory_space<vmem>>, vector<1x32x1x65xf32>,
    %get3A_1933 = arith.constant 0 : index
    %get3A_1934 = arith.constant 36 : index
    %get3A_1935 = arith.constant 0 : index
    %get3A_1936 = vector.load %arg2[%get3A_1933, %get3A_1934, %get3A_1935] : memref<1x64x64xi32, #tpu.memory_space<vmem>>, vector<1x1x64xi32>
    %get3A_1937 = vector.shape_cast %get3A_1936 : vector<1x1x64xi32> to vector<1x64xi32>
    %le3A_1938 = arith.constant 2 : i32
    %le3A_1939 = vector.broadcast %le3A_1938 : i32 to vector<1x64xi32>
    %le3A_1940 = arith.cmpi sle, %get3A_1937, %le3A_1939 : vector<1x64xi32>
    %eq3A_1941 = arith.constant 3 : i32
    %eq3A_1942 = vector.broadcast %eq3A_1941 : i32 to vector<1x64xi32>
    %eq3A_1943 = arith.cmpi eq, %get3A_1937, %eq3A_1942 : vector<1x64xi32>
    %eq3A_1944 = arith.constant 4 : i32
    %eq3A_1945 = vector.broadcast %eq3A_1944 : i32 to vector<1x64xi32>
    %eq3A_1946 = arith.cmpi eq, %get3A_1937, %eq3A_1945 : vector<1x64xi32>
    %eq3A_1947 = arith.constant 5 : i32
    %eq3A_1948 = vector.broadcast %eq3A_1947 : i32 to vector<1x64xi32>
    %eq3A_1949 = arith.cmpi eq, %get3A_1937, %eq3A_1948 : vector<1x64xi32>
    %jit3A_1950 = arith.constant 2.500000e-01 : f32
    %jit3A_1951 = arith.constant 2.000000e-01 : f32
    %broadcast_in_dim3A_1952 = vector.broadcast %jit3A_1950 : f32 to vector<1x64xf32>
    %broadcast_in_dim3A_1953 = vector.broadcast %jit3A_1951 : f32 to vector<1x64xf32>
    %select_n3A_1954 = arith.select %eq3A_1949, %broadcast_in_dim3A_1952, %broadcast_in_dim3A_1953 : vector<1x64xi1>, vector<1x64xf32>
    %jit3A_1955 = arith.constant 0.333333343 : f32
    %broadcast_in_dim3A_1956 = vector.broadcast %jit3A_1955 : f32 to vector<1x64xf32>
    %select_n3A_1957 = arith.select %eq3A_1946, %broadcast_in_dim3A_1956, %select_n3A_1954 : vector<1x64xi1>, vector<1x64xf32>
    %jit3A_1958 = arith.constant 5.000000e-01 : f32
    %broadcast_in_dim3A_1959 = vector.broadcast %jit3A_1958 : f32 to vector<1x64xf32>
    %select_n3A_1960 = arith.select %eq3A_1943, %broadcast_in_dim3A_1959, %select_n3A_1957 : vector<1x64xi1>, vector<1x64xf32>
    %jit3A_1961 = arith.constant 1.000000e+00 : f32
    %broadcast_in_dim3A_1962 = vector.broadcast %jit3A_1961 : f32 to vector<1x64xf32>
    %select_n3A_1963 = arith.select %le3A_1940, %broadcast_in_dim3A_1962, %select_n3A_1960 : vector<1x64xi1>, vector<1x64xf32>
    %get3A_1964 = arith.constant 0 : index
    %get3A_1965 = arith.constant 36 : index
    %get3A_1966 = arith.constant 0 : index
    %get3A_1967 = arith.constant 0 : index
    %get3A_1968 = vector.load %arg1[%get3A_1964, %get3A_1965, %get3A_1966, %get3A_1967] : memref<1x64x64x128xf32, #tpu.memory_space<vmem>>, vector<1x1x64x32xf32>
    %get3A_1969 = vector.shape_cast %get3A_1968 : vector<1x1x64x32xf32> to vector<64x32xf32>
    %dot_general3A_1970 = arith.constant dense<0.000000e+00> : vector<32x64xf32>
    %dot_general3A_1971 = tpu.matmul %convert_element_type3A_11, %get3A_1969, %dot_general3A_1970 {dimension_numbers = #tpu.dot_dimension_numbers<[1], [1], [0], [0], [0, 0, 1, 0], [], []>, transpose_lhs_hint = false} : vector<32x32xf32>, vector<64x32xf32>, vector<32x64xf32> -> vector<32x64xf32>
    %mul3A_1972 = vector.broadcast %select_n3A_1963 : vector<1x64xf32> to vector<32x64xf32>
    %mul3A_1973 = arith.mulf %dot_general3A_1971, %mul3A_1972 : vector<32x64xf32>
    %slice3A_1974 = vector.extract_strided_slice %mul3A_5 {offsets = [37, 0], sizes = [1, 65], strides = [1, 1]} : vector<65x65xf32> to vector<1x65xf32>
    %add3A_1975 = vector.broadcast %slice3A_1974 : vector<1x65xf32> to vector<32x65xf32>
    %add3A_1976 = arith.addf %add3A_1975, %select_n3A : vector<32x65xf32>
    %concatenate3A_1977 = tpu.concatenate %broadcast_in_dim3A_20, %mul3A_1973 in 1 : vector<32x1xf32>, vector<32x64xf32> -> vector<32x65xf32>
    %add3A_1978 = arith.addf %add3A_1976, %concatenate3A_1977 : vector<32x65xf32>
    %swap3A_1979 = arith.constant 0 : index
    %swap3A_1980 = arith.constant 0 : index
    %swap3A_1981 = arith.constant 37 : index
    %swap3A_1982 = arith.constant 0 : index
    %swap3A_1983 = vector.load %arg5[%swap3A_1979, %swap3A_1980, %swap3A_1981, %swap3A_1982] : memref<1x32x65x65xf32, #tpu.memory_space<vmem>>, vector<1x32x1x65xf32>
    %swap3A_1984 = vector.shape_cast %swap3A_1983 : vector<1x32x1x65xf32> to vector<32x65xf32>
    %swap3A_1985 = vector.shape_cast %add3A_1978 : vector<32x65xf32> to vector<1x32x1x65xf32>
    tpu.vector_store %arg5[%swap3A_1979, %swap3A_1980, %swap3A_1981, %swap3A_1982], %swap3A_1985 {strides = array<i32>} : memref<1x32x65x65xf32, #tpu.memory_space<vmem>>, vector<1x32x1x65xf32>,
    %get3A_1986 = arith.constant 0 : index
    %get3A_1987 = arith.constant 37 : index
    %get3A_1988 = arith.constant 0 : index
    %get3A_1989 = vector.load %arg2[%get3A_1986, %get3A_1987, %get3A_1988] : memref<1x64x64xi32, #tpu.memory_space<vmem>>, vector<1x1x64xi32>
    %get3A_1990 = vector.shape_cast %get3A_1989 : vector<1x1x64xi32> to vector<1x64xi32>
    %le3A_1991 = arith.constant 2 : i32
    %le3A_1992 = vector.broadcast %le3A_1991 : i32 to vector<1x64xi32>
    %le3A_1993 = arith.cmpi sle, %get3A_1990, %le3A_1992 : vector<1x64xi32>
    %eq3A_1994 = arith.constant 3 : i32
    %eq3A_1995 = vector.broadcast %eq3A_1994 : i32 to vector<1x64xi32>
    %eq3A_1996 = arith.cmpi eq, %get3A_1990, %eq3A_1995 : vector<1x64xi32>
    %eq3A_1997 = arith.constant 4 : i32
    %eq3A_1998 = vector.broadcast %eq3A_1997 : i32 to vector<1x64xi32>
    %eq3A_1999 = arith.cmpi eq, %get3A_1990, %eq3A_1998 : vector<1x64xi32>
    %eq3A_2000 = arith.constant 5 : i32
    %eq3A_2001 = vector.broadcast %eq3A_2000 : i32 to vector<1x64xi32>
    %eq3A_2002 = arith.cmpi eq, %get3A_1990, %eq3A_2001 : vector<1x64xi32>
    %jit3A_2003 = arith.constant 2.500000e-01 : f32
    %jit3A_2004 = arith.constant 2.000000e-01 : f32
    %broadcast_in_dim3A_2005 = vector.broadcast %jit3A_2003 : f32 to vector<1x64xf32>
    %broadcast_in_dim3A_2006 = vector.broadcast %jit3A_2004 : f32 to vector<1x64xf32>
    %select_n3A_2007 = arith.select %eq3A_2002, %broadcast_in_dim3A_2005, %broadcast_in_dim3A_2006 : vector<1x64xi1>, vector<1x64xf32>
    %jit3A_2008 = arith.constant 0.333333343 : f32
    %broadcast_in_dim3A_2009 = vector.broadcast %jit3A_2008 : f32 to vector<1x64xf32>
    %select_n3A_2010 = arith.select %eq3A_1999, %broadcast_in_dim3A_2009, %select_n3A_2007 : vector<1x64xi1>, vector<1x64xf32>
    %jit3A_2011 = arith.constant 5.000000e-01 : f32
    %broadcast_in_dim3A_2012 = vector.broadcast %jit3A_2011 : f32 to vector<1x64xf32>
    %select_n3A_2013 = arith.select %eq3A_1996, %broadcast_in_dim3A_2012, %select_n3A_2010 : vector<1x64xi1>, vector<1x64xf32>
    %jit3A_2014 = arith.constant 1.000000e+00 : f32
    %broadcast_in_dim3A_2015 = vector.broadcast %jit3A_2014 : f32 to vector<1x64xf32>
    %select_n3A_2016 = arith.select %le3A_1993, %broadcast_in_dim3A_2015, %select_n3A_2013 : vector<1x64xi1>, vector<1x64xf32>
    %get3A_2017 = arith.constant 0 : index
    %get3A_2018 = arith.constant 37 : index
    %get3A_2019 = arith.constant 0 : index
    %get3A_2020 = arith.constant 0 : index
    %get3A_2021 = vector.load %arg1[%get3A_2017, %get3A_2018, %get3A_2019, %get3A_2020] : memref<1x64x64x128xf32, #tpu.memory_space<vmem>>, vector<1x1x64x32xf32>
    %get3A_2022 = vector.shape_cast %get3A_2021 : vector<1x1x64x32xf32> to vector<64x32xf32>
    %dot_general3A_2023 = arith.constant dense<0.000000e+00> : vector<32x64xf32>
    %dot_general3A_2024 = tpu.matmul %convert_element_type3A_11, %get3A_2022, %dot_general3A_2023 {dimension_numbers = #tpu.dot_dimension_numbers<[1], [1], [0], [0], [0, 0, 1, 0], [], []>, transpose_lhs_hint = false} : vector<32x32xf32>, vector<64x32xf32>, vector<32x64xf32> -> vector<32x64xf32>
    %mul3A_2025 = vector.broadcast %select_n3A_2016 : vector<1x64xf32> to vector<32x64xf32>
    %mul3A_2026 = arith.mulf %dot_general3A_2024, %mul3A_2025 : vector<32x64xf32>
    %slice3A_2027 = vector.extract_strided_slice %mul3A_5 {offsets = [38, 0], sizes = [1, 65], strides = [1, 1]} : vector<65x65xf32> to vector<1x65xf32>
    %add3A_2028 = vector.broadcast %slice3A_2027 : vector<1x65xf32> to vector<32x65xf32>
    %add3A_2029 = arith.addf %add3A_2028, %select_n3A : vector<32x65xf32>
    %concatenate3A_2030 = tpu.concatenate %broadcast_in_dim3A_20, %mul3A_2026 in 1 : vector<32x1xf32>, vector<32x64xf32> -> vector<32x65xf32>
    %add3A_2031 = arith.addf %add3A_2029, %concatenate3A_2030 : vector<32x65xf32>
    %swap3A_2032 = arith.constant 0 : index
    %swap3A_2033 = arith.constant 0 : index
    %swap3A_2034 = arith.constant 38 : index
    %swap3A_2035 = arith.constant 0 : index
    %swap3A_2036 = vector.load %arg5[%swap3A_2032, %swap3A_2033, %swap3A_2034, %swap3A_2035] : memref<1x32x65x65xf32, #tpu.memory_space<vmem>>, vector<1x32x1x65xf32>
    %swap3A_2037 = vector.shape_cast %swap3A_2036 : vector<1x32x1x65xf32> to vector<32x65xf32>
    %swap3A_2038 = vector.shape_cast %add3A_2031 : vector<32x65xf32> to vector<1x32x1x65xf32>
    tpu.vector_store %arg5[%swap3A_2032, %swap3A_2033, %swap3A_2034, %swap3A_2035], %swap3A_2038 {strides = array<i32>} : memref<1x32x65x65xf32, #tpu.memory_space<vmem>>, vector<1x32x1x65xf32>,
    %get3A_2039 = arith.constant 0 : index
    %get3A_2040 = arith.constant 38 : index
    %get3A_2041 = arith.constant 0 : index
    %get3A_2042 = vector.load %arg2[%get3A_2039, %get3A_2040, %get3A_2041] : memref<1x64x64xi32, #tpu.memory_space<vmem>>, vector<1x1x64xi32>
    %get3A_2043 = vector.shape_cast %get3A_2042 : vector<1x1x64xi32> to vector<1x64xi32>
    %le3A_2044 = arith.constant 2 : i32
    %le3A_2045 = vector.broadcast %le3A_2044 : i32 to vector<1x64xi32>
    %le3A_2046 = arith.cmpi sle, %get3A_2043, %le3A_2045 : vector<1x64xi32>
    %eq3A_2047 = arith.constant 3 : i32
    %eq3A_2048 = vector.broadcast %eq3A_2047 : i32 to vector<1x64xi32>
    %eq3A_2049 = arith.cmpi eq, %get3A_2043, %eq3A_2048 : vector<1x64xi32>
    %eq3A_2050 = arith.constant 4 : i32
    %eq3A_2051 = vector.broadcast %eq3A_2050 : i32 to vector<1x64xi32>
    %eq3A_2052 = arith.cmpi eq, %get3A_2043, %eq3A_2051 : vector<1x64xi32>
    %eq3A_2053 = arith.constant 5 : i32
    %eq3A_2054 = vector.broadcast %eq3A_2053 : i32 to vector<1x64xi32>
    %eq3A_2055 = arith.cmpi eq, %get3A_2043, %eq3A_2054 : vector<1x64xi32>
    %jit3A_2056 = arith.constant 2.500000e-01 : f32
    %jit3A_2057 = arith.constant 2.000000e-01 : f32
    %broadcast_in_dim3A_2058 = vector.broadcast %jit3A_2056 : f32 to vector<1x64xf32>
    %broadcast_in_dim3A_2059 = vector.broadcast %jit3A_2057 : f32 to vector<1x64xf32>
    %select_n3A_2060 = arith.select %eq3A_2055, %broadcast_in_dim3A_2058, %broadcast_in_dim3A_2059 : vector<1x64xi1>, vector<1x64xf32>
    %jit3A_2061 = arith.constant 0.333333343 : f32
    %broadcast_in_dim3A_2062 = vector.broadcast %jit3A_2061 : f32 to vector<1x64xf32>
    %select_n3A_2063 = arith.select %eq3A_2052, %broadcast_in_dim3A_2062, %select_n3A_2060 : vector<1x64xi1>, vector<1x64xf32>
    %jit3A_2064 = arith.constant 5.000000e-01 : f32
    %broadcast_in_dim3A_2065 = vector.broadcast %jit3A_2064 : f32 to vector<1x64xf32>
    %select_n3A_2066 = arith.select %eq3A_2049, %broadcast_in_dim3A_2065, %select_n3A_2063 : vector<1x64xi1>, vector<1x64xf32>
    %jit3A_2067 = arith.constant 1.000000e+00 : f32
    %broadcast_in_dim3A_2068 = vector.broadcast %jit3A_2067 : f32 to vector<1x64xf32>
    %select_n3A_2069 = arith.select %le3A_2046, %broadcast_in_dim3A_2068, %select_n3A_2066 : vector<1x64xi1>, vector<1x64xf32>
    %get3A_2070 = arith.constant 0 : index
    %get3A_2071 = arith.constant 38 : index
    %get3A_2072 = arith.constant 0 : index
    %get3A_2073 = arith.constant 0 : index
    %get3A_2074 = vector.load %arg1[%get3A_2070, %get3A_2071, %get3A_2072, %get3A_2073] : memref<1x64x64x128xf32, #tpu.memory_space<vmem>>, vector<1x1x64x32xf32>
    %get3A_2075 = vector.shape_cast %get3A_2074 : vector<1x1x64x32xf32> to vector<64x32xf32>
    %dot_general3A_2076 = arith.constant dense<0.000000e+00> : vector<32x64xf32>
    %dot_general3A_2077 = tpu.matmul %convert_element_type3A_11, %get3A_2075, %dot_general3A_2076 {dimension_numbers = #tpu.dot_dimension_numbers<[1], [1], [0], [0], [0, 0, 1, 0], [], []>, transpose_lhs_hint = false} : vector<32x32xf32>, vector<64x32xf32>, vector<32x64xf32> -> vector<32x64xf32>
    %mul3A_2078 = vector.broadcast %select_n3A_2069 : vector<1x64xf32> to vector<32x64xf32>
    %mul3A_2079 = arith.mulf %dot_general3A_2077, %mul3A_2078 : vector<32x64xf32>
    %slice3A_2080 = vector.extract_strided_slice %mul3A_5 {offsets = [39, 0], sizes = [1, 65], strides = [1, 1]} : vector<65x65xf32> to vector<1x65xf32>
    %add3A_2081 = vector.broadcast %slice3A_2080 : vector<1x65xf32> to vector<32x65xf32>
    %add3A_2082 = arith.addf %add3A_2081, %select_n3A : vector<32x65xf32>
    %concatenate3A_2083 = tpu.concatenate %broadcast_in_dim3A_20, %mul3A_2079 in 1 : vector<32x1xf32>, vector<32x64xf32> -> vector<32x65xf32>
    %add3A_2084 = arith.addf %add3A_2082, %concatenate3A_2083 : vector<32x65xf32>
    %swap3A_2085 = arith.constant 0 : index
    %swap3A_2086 = arith.constant 0 : index
    %swap3A_2087 = arith.constant 39 : index
    %swap3A_2088 = arith.constant 0 : index
    %swap3A_2089 = vector.load %arg5[%swap3A_2085, %swap3A_2086, %swap3A_2087, %swap3A_2088] : memref<1x32x65x65xf32, #tpu.memory_space<vmem>>, vector<1x32x1x65xf32>
    %swap3A_2090 = vector.shape_cast %swap3A_2089 : vector<1x32x1x65xf32> to vector<32x65xf32>
    %swap3A_2091 = vector.shape_cast %add3A_2084 : vector<32x65xf32> to vector<1x32x1x65xf32>
    tpu.vector_store %arg5[%swap3A_2085, %swap3A_2086, %swap3A_2087, %swap3A_2088], %swap3A_2091 {strides = array<i32>} : memref<1x32x65x65xf32, #tpu.memory_space<vmem>>, vector<1x32x1x65xf32>,
    %get3A_2092 = arith.constant 0 : index
    %get3A_2093 = arith.constant 39 : index
    %get3A_2094 = arith.constant 0 : index
    %get3A_2095 = vector.load %arg2[%get3A_2092, %get3A_2093, %get3A_2094] : memref<1x64x64xi32, #tpu.memory_space<vmem>>, vector<1x1x64xi32>
    %get3A_2096 = vector.shape_cast %get3A_2095 : vector<1x1x64xi32> to vector<1x64xi32>
    %le3A_2097 = arith.constant 2 : i32
    %le3A_2098 = vector.broadcast %le3A_2097 : i32 to vector<1x64xi32>
    %le3A_2099 = arith.cmpi sle, %get3A_2096, %le3A_2098 : vector<1x64xi32>
    %eq3A_2100 = arith.constant 3 : i32
    %eq3A_2101 = vector.broadcast %eq3A_2100 : i32 to vector<1x64xi32>
    %eq3A_2102 = arith.cmpi eq, %get3A_2096, %eq3A_2101 : vector<1x64xi32>
    %eq3A_2103 = arith.constant 4 : i32
    %eq3A_2104 = vector.broadcast %eq3A_2103 : i32 to vector<1x64xi32>
    %eq3A_2105 = arith.cmpi eq, %get3A_2096, %eq3A_2104 : vector<1x64xi32>
    %eq3A_2106 = arith.constant 5 : i32
    %eq3A_2107 = vector.broadcast %eq3A_2106 : i32 to vector<1x64xi32>
    %eq3A_2108 = arith.cmpi eq, %get3A_2096, %eq3A_2107 : vector<1x64xi32>
    %jit3A_2109 = arith.constant 2.500000e-01 : f32
    %jit3A_2110 = arith.constant 2.000000e-01 : f32
    %broadcast_in_dim3A_2111 = vector.broadcast %jit3A_2109 : f32 to vector<1x64xf32>
    %broadcast_in_dim3A_2112 = vector.broadcast %jit3A_2110 : f32 to vector<1x64xf32>
    %select_n3A_2113 = arith.select %eq3A_2108, %broadcast_in_dim3A_2111, %broadcast_in_dim3A_2112 : vector<1x64xi1>, vector<1x64xf32>
    %jit3A_2114 = arith.constant 0.333333343 : f32
    %broadcast_in_dim3A_2115 = vector.broadcast %jit3A_2114 : f32 to vector<1x64xf32>
    %select_n3A_2116 = arith.select %eq3A_2105, %broadcast_in_dim3A_2115, %select_n3A_2113 : vector<1x64xi1>, vector<1x64xf32>
    %jit3A_2117 = arith.constant 5.000000e-01 : f32
    %broadcast_in_dim3A_2118 = vector.broadcast %jit3A_2117 : f32 to vector<1x64xf32>
    %select_n3A_2119 = arith.select %eq3A_2102, %broadcast_in_dim3A_2118, %select_n3A_2116 : vector<1x64xi1>, vector<1x64xf32>
    %jit3A_2120 = arith.constant 1.000000e+00 : f32
    %broadcast_in_dim3A_2121 = vector.broadcast %jit3A_2120 : f32 to vector<1x64xf32>
    %select_n3A_2122 = arith.select %le3A_2099, %broadcast_in_dim3A_2121, %select_n3A_2119 : vector<1x64xi1>, vector<1x64xf32>
    %get3A_2123 = arith.constant 0 : index
    %get3A_2124 = arith.constant 39 : index
    %get3A_2125 = arith.constant 0 : index
    %get3A_2126 = arith.constant 0 : index
    %get3A_2127 = vector.load %arg1[%get3A_2123, %get3A_2124, %get3A_2125, %get3A_2126] : memref<1x64x64x128xf32, #tpu.memory_space<vmem>>, vector<1x1x64x32xf32>
    %get3A_2128 = vector.shape_cast %get3A_2127 : vector<1x1x64x32xf32> to vector<64x32xf32>
    %dot_general3A_2129 = arith.constant dense<0.000000e+00> : vector<32x64xf32>
    %dot_general3A_2130 = tpu.matmul %convert_element_type3A_11, %get3A_2128, %dot_general3A_2129 {dimension_numbers = #tpu.dot_dimension_numbers<[1], [1], [0], [0], [0, 0, 1, 0], [], []>, transpose_lhs_hint = false} : vector<32x32xf32>, vector<64x32xf32>, vector<32x64xf32> -> vector<32x64xf32>
    %mul3A_2131 = vector.broadcast %select_n3A_2122 : vector<1x64xf32> to vector<32x64xf32>
    %mul3A_2132 = arith.mulf %dot_general3A_2130, %mul3A_2131 : vector<32x64xf32>
    %slice3A_2133 = vector.extract_strided_slice %mul3A_5 {offsets = [40, 0], sizes = [1, 65], strides = [1, 1]} : vector<65x65xf32> to vector<1x65xf32>
    %add3A_2134 = vector.broadcast %slice3A_2133 : vector<1x65xf32> to vector<32x65xf32>
    %add3A_2135 = arith.addf %add3A_2134, %select_n3A : vector<32x65xf32>
    %concatenate3A_2136 = tpu.concatenate %broadcast_in_dim3A_20, %mul3A_2132 in 1 : vector<32x1xf32>, vector<32x64xf32> -> vector<32x65xf32>
    %add3A_2137 = arith.addf %add3A_2135, %concatenate3A_2136 : vector<32x65xf32>
    %swap3A_2138 = arith.constant 0 : index
    %swap3A_2139 = arith.constant 0 : index
    %swap3A_2140 = arith.constant 40 : index
    %swap3A_2141 = arith.constant 0 : index
    %swap3A_2142 = vector.load %arg5[%swap3A_2138, %swap3A_2139, %swap3A_2140, %swap3A_2141] : memref<1x32x65x65xf32, #tpu.memory_space<vmem>>, vector<1x32x1x65xf32>
    %swap3A_2143 = vector.shape_cast %swap3A_2142 : vector<1x32x1x65xf32> to vector<32x65xf32>
    %swap3A_2144 = vector.shape_cast %add3A_2137 : vector<32x65xf32> to vector<1x32x1x65xf32>
    tpu.vector_store %arg5[%swap3A_2138, %swap3A_2139, %swap3A_2140, %swap3A_2141], %swap3A_2144 {strides = array<i32>} : memref<1x32x65x65xf32, #tpu.memory_space<vmem>>, vector<1x32x1x65xf32>,
    %get3A_2145 = arith.constant 0 : index
    %get3A_2146 = arith.constant 40 : index
    %get3A_2147 = arith.constant 0 : index
    %get3A_2148 = vector.load %arg2[%get3A_2145, %get3A_2146, %get3A_2147] : memref<1x64x64xi32, #tpu.memory_space<vmem>>, vector<1x1x64xi32>
    %get3A_2149 = vector.shape_cast %get3A_2148 : vector<1x1x64xi32> to vector<1x64xi32>
    %le3A_2150 = arith.constant 2 : i32
    %le3A_2151 = vector.broadcast %le3A_2150 : i32 to vector<1x64xi32>
    %le3A_2152 = arith.cmpi sle, %get3A_2149, %le3A_2151 : vector<1x64xi32>
    %eq3A_2153 = arith.constant 3 : i32
    %eq3A_2154 = vector.broadcast %eq3A_2153 : i32 to vector<1x64xi32>
    %eq3A_2155 = arith.cmpi eq, %get3A_2149, %eq3A_2154 : vector<1x64xi32>
    %eq3A_2156 = arith.constant 4 : i32
    %eq3A_2157 = vector.broadcast %eq3A_2156 : i32 to vector<1x64xi32>
    %eq3A_2158 = arith.cmpi eq, %get3A_2149, %eq3A_2157 : vector<1x64xi32>
    %eq3A_2159 = arith.constant 5 : i32
    %eq3A_2160 = vector.broadcast %eq3A_2159 : i32 to vector<1x64xi32>
    %eq3A_2161 = arith.cmpi eq, %get3A_2149, %eq3A_2160 : vector<1x64xi32>
    %jit3A_2162 = arith.constant 2.500000e-01 : f32
    %jit3A_2163 = arith.constant 2.000000e-01 : f32
    %broadcast_in_dim3A_2164 = vector.broadcast %jit3A_2162 : f32 to vector<1x64xf32>
    %broadcast_in_dim3A_2165 = vector.broadcast %jit3A_2163 : f32 to vector<1x64xf32>
    %select_n3A_2166 = arith.select %eq3A_2161, %broadcast_in_dim3A_2164, %broadcast_in_dim3A_2165 : vector<1x64xi1>, vector<1x64xf32>
    %jit3A_2167 = arith.constant 0.333333343 : f32
    %broadcast_in_dim3A_2168 = vector.broadcast %jit3A_2167 : f32 to vector<1x64xf32>
    %select_n3A_2169 = arith.select %eq3A_2158, %broadcast_in_dim3A_2168, %select_n3A_2166 : vector<1x64xi1>, vector<1x64xf32>
    %jit3A_2170 = arith.constant 5.000000e-01 : f32
    %broadcast_in_dim3A_2171 = vector.broadcast %jit3A_2170 : f32 to vector<1x64xf32>
    %select_n3A_2172 = arith.select %eq3A_2155, %broadcast_in_dim3A_2171, %select_n3A_2169 : vector<1x64xi1>, vector<1x64xf32>
    %jit3A_2173 = arith.constant 1.000000e+00 : f32
    %broadcast_in_dim3A_2174 = vector.broadcast %jit3A_2173 : f32 to vector<1x64xf32>
    %select_n3A_2175 = arith.select %le3A_2152, %broadcast_in_dim3A_2174, %select_n3A_2172 : vector<1x64xi1>, vector<1x64xf32>
    %get3A_2176 = arith.constant 0 : index
    %get3A_2177 = arith.constant 40 : index
    %get3A_2178 = arith.constant 0 : index
    %get3A_2179 = arith.constant 0 : index
    %get3A_2180 = vector.load %arg1[%get3A_2176, %get3A_2177, %get3A_2178, %get3A_2179] : memref<1x64x64x128xf32, #tpu.memory_space<vmem>>, vector<1x1x64x32xf32>
    %get3A_2181 = vector.shape_cast %get3A_2180 : vector<1x1x64x32xf32> to vector<64x32xf32>
    %dot_general3A_2182 = arith.constant dense<0.000000e+00> : vector<32x64xf32>
    %dot_general3A_2183 = tpu.matmul %convert_element_type3A_11, %get3A_2181, %dot_general3A_2182 {dimension_numbers = #tpu.dot_dimension_numbers<[1], [1], [0], [0], [0, 0, 1, 0], [], []>, transpose_lhs_hint = false} : vector<32x32xf32>, vector<64x32xf32>, vector<32x64xf32> -> vector<32x64xf32>
    %mul3A_2184 = vector.broadcast %select_n3A_2175 : vector<1x64xf32> to vector<32x64xf32>
    %mul3A_2185 = arith.mulf %dot_general3A_2183, %mul3A_2184 : vector<32x64xf32>
    %slice3A_2186 = vector.extract_strided_slice %mul3A_5 {offsets = [41, 0], sizes = [1, 65], strides = [1, 1]} : vector<65x65xf32> to vector<1x65xf32>
    %add3A_2187 = vector.broadcast %slice3A_2186 : vector<1x65xf32> to vector<32x65xf32>
    %add3A_2188 = arith.addf %add3A_2187, %select_n3A : vector<32x65xf32>
    %concatenate3A_2189 = tpu.concatenate %broadcast_in_dim3A_20, %mul3A_2185 in 1 : vector<32x1xf32>, vector<32x64xf32> -> vector<32x65xf32>
    %add3A_2190 = arith.addf %add3A_2188, %concatenate3A_2189 : vector<32x65xf32>
    %swap3A_2191 = arith.constant 0 : index
    %swap3A_2192 = arith.constant 0 : index
    %swap3A_2193 = arith.constant 41 : index
    %swap3A_2194 = arith.constant 0 : index
    %swap3A_2195 = vector.load %arg5[%swap3A_2191, %swap3A_2192, %swap3A_2193, %swap3A_2194] : memref<1x32x65x65xf32, #tpu.memory_space<vmem>>, vector<1x32x1x65xf32>
    %swap3A_2196 = vector.shape_cast %swap3A_2195 : vector<1x32x1x65xf32> to vector<32x65xf32>
    %swap3A_2197 = vector.shape_cast %add3A_2190 : vector<32x65xf32> to vector<1x32x1x65xf32>
    tpu.vector_store %arg5[%swap3A_2191, %swap3A_2192, %swap3A_2193, %swap3A_2194], %swap3A_2197 {strides = array<i32>} : memref<1x32x65x65xf32, #tpu.memory_space<vmem>>, vector<1x32x1x65xf32>,
    %get3A_2198 = arith.constant 0 : index
    %get3A_2199 = arith.constant 41 : index
    %get3A_2200 = arith.constant 0 : index
    %get3A_2201 = vector.load %arg2[%get3A_2198, %get3A_2199, %get3A_2200] : memref<1x64x64xi32, #tpu.memory_space<vmem>>, vector<1x1x64xi32>
    %get3A_2202 = vector.shape_cast %get3A_2201 : vector<1x1x64xi32> to vector<1x64xi32>
    %le3A_2203 = arith.constant 2 : i32
    %le3A_2204 = vector.broadcast %le3A_2203 : i32 to vector<1x64xi32>
    %le3A_2205 = arith.cmpi sle, %get3A_2202, %le3A_2204 : vector<1x64xi32>
    %eq3A_2206 = arith.constant 3 : i32
    %eq3A_2207 = vector.broadcast %eq3A_2206 : i32 to vector<1x64xi32>
    %eq3A_2208 = arith.cmpi eq, %get3A_2202, %eq3A_2207 : vector<1x64xi32>
    %eq3A_2209 = arith.constant 4 : i32
    %eq3A_2210 = vector.broadcast %eq3A_2209 : i32 to vector<1x64xi32>
    %eq3A_2211 = arith.cmpi eq, %get3A_2202, %eq3A_2210 : vector<1x64xi32>
    %eq3A_2212 = arith.constant 5 : i32
    %eq3A_2213 = vector.broadcast %eq3A_2212 : i32 to vector<1x64xi32>
    %eq3A_2214 = arith.cmpi eq, %get3A_2202, %eq3A_2213 : vector<1x64xi32>
    %jit3A_2215 = arith.constant 2.500000e-01 : f32
    %jit3A_2216 = arith.constant 2.000000e-01 : f32
    %broadcast_in_dim3A_2217 = vector.broadcast %jit3A_2215 : f32 to vector<1x64xf32>
    %broadcast_in_dim3A_2218 = vector.broadcast %jit3A_2216 : f32 to vector<1x64xf32>
    %select_n3A_2219 = arith.select %eq3A_2214, %broadcast_in_dim3A_2217, %broadcast_in_dim3A_2218 : vector<1x64xi1>, vector<1x64xf32>
    %jit3A_2220 = arith.constant 0.333333343 : f32
    %broadcast_in_dim3A_2221 = vector.broadcast %jit3A_2220 : f32 to vector<1x64xf32>
    %select_n3A_2222 = arith.select %eq3A_2211, %broadcast_in_dim3A_2221, %select_n3A_2219 : vector<1x64xi1>, vector<1x64xf32>
    %jit3A_2223 = arith.constant 5.000000e-01 : f32
    %broadcast_in_dim3A_2224 = vector.broadcast %jit3A_2223 : f32 to vector<1x64xf32>
    %select_n3A_2225 = arith.select %eq3A_2208, %broadcast_in_dim3A_2224, %select_n3A_2222 : vector<1x64xi1>, vector<1x64xf32>
    %jit3A_2226 = arith.constant 1.000000e+00 : f32
    %broadcast_in_dim3A_2227 = vector.broadcast %jit3A_2226 : f32 to vector<1x64xf32>
    %select_n3A_2228 = arith.select %le3A_2205, %broadcast_in_dim3A_2227, %select_n3A_2225 : vector<1x64xi1>, vector<1x64xf32>
    %get3A_2229 = arith.constant 0 : index
    %get3A_2230 = arith.constant 41 : index
    %get3A_2231 = arith.constant 0 : index
    %get3A_2232 = arith.constant 0 : index
    %get3A_2233 = vector.load %arg1[%get3A_2229, %get3A_2230, %get3A_2231, %get3A_2232] : memref<1x64x64x128xf32, #tpu.memory_space<vmem>>, vector<1x1x64x32xf32>
    %get3A_2234 = vector.shape_cast %get3A_2233 : vector<1x1x64x32xf32> to vector<64x32xf32>
    %dot_general3A_2235 = arith.constant dense<0.000000e+00> : vector<32x64xf32>
    %dot_general3A_2236 = tpu.matmul %convert_element_type3A_11, %get3A_2234, %dot_general3A_2235 {dimension_numbers = #tpu.dot_dimension_numbers<[1], [1], [0], [0], [0, 0, 1, 0], [], []>, transpose_lhs_hint = false} : vector<32x32xf32>, vector<64x32xf32>, vector<32x64xf32> -> vector<32x64xf32>
    %mul3A_2237 = vector.broadcast %select_n3A_2228 : vector<1x64xf32> to vector<32x64xf32>
    %mul3A_2238 = arith.mulf %dot_general3A_2236, %mul3A_2237 : vector<32x64xf32>
    %slice3A_2239 = vector.extract_strided_slice %mul3A_5 {offsets = [42, 0], sizes = [1, 65], strides = [1, 1]} : vector<65x65xf32> to vector<1x65xf32>
    %add3A_2240 = vector.broadcast %slice3A_2239 : vector<1x65xf32> to vector<32x65xf32>
    %add3A_2241 = arith.addf %add3A_2240, %select_n3A : vector<32x65xf32>
    %concatenate3A_2242 = tpu.concatenate %broadcast_in_dim3A_20, %mul3A_2238 in 1 : vector<32x1xf32>, vector<32x64xf32> -> vector<32x65xf32>
    %add3A_2243 = arith.addf %add3A_2241, %concatenate3A_2242 : vector<32x65xf32>
    %swap3A_2244 = arith.constant 0 : index
    %swap3A_2245 = arith.constant 0 : index
    %swap3A_2246 = arith.constant 42 : index
    %swap3A_2247 = arith.constant 0 : index
    %swap3A_2248 = vector.load %arg5[%swap3A_2244, %swap3A_2245, %swap3A_2246, %swap3A_2247] : memref<1x32x65x65xf32, #tpu.memory_space<vmem>>, vector<1x32x1x65xf32>
    %swap3A_2249 = vector.shape_cast %swap3A_2248 : vector<1x32x1x65xf32> to vector<32x65xf32>
    %swap3A_2250 = vector.shape_cast %add3A_2243 : vector<32x65xf32> to vector<1x32x1x65xf32>
    tpu.vector_store %arg5[%swap3A_2244, %swap3A_2245, %swap3A_2246, %swap3A_2247], %swap3A_2250 {strides = array<i32>} : memref<1x32x65x65xf32, #tpu.memory_space<vmem>>, vector<1x32x1x65xf32>,
    %get3A_2251 = arith.constant 0 : index
    %get3A_2252 = arith.constant 42 : index
    %get3A_2253 = arith.constant 0 : index
    %get3A_2254 = vector.load %arg2[%get3A_2251, %get3A_2252, %get3A_2253] : memref<1x64x64xi32, #tpu.memory_space<vmem>>, vector<1x1x64xi32>
    %get3A_2255 = vector.shape_cast %get3A_2254 : vector<1x1x64xi32> to vector<1x64xi32>
    %le3A_2256 = arith.constant 2 : i32
    %le3A_2257 = vector.broadcast %le3A_2256 : i32 to vector<1x64xi32>
    %le3A_2258 = arith.cmpi sle, %get3A_2255, %le3A_2257 : vector<1x64xi32>
    %eq3A_2259 = arith.constant 3 : i32
    %eq3A_2260 = vector.broadcast %eq3A_2259 : i32 to vector<1x64xi32>
    %eq3A_2261 = arith.cmpi eq, %get3A_2255, %eq3A_2260 : vector<1x64xi32>
    %eq3A_2262 = arith.constant 4 : i32
    %eq3A_2263 = vector.broadcast %eq3A_2262 : i32 to vector<1x64xi32>
    %eq3A_2264 = arith.cmpi eq, %get3A_2255, %eq3A_2263 : vector<1x64xi32>
    %eq3A_2265 = arith.constant 5 : i32
    %eq3A_2266 = vector.broadcast %eq3A_2265 : i32 to vector<1x64xi32>
    %eq3A_2267 = arith.cmpi eq, %get3A_2255, %eq3A_2266 : vector<1x64xi32>
    %jit3A_2268 = arith.constant 2.500000e-01 : f32
    %jit3A_2269 = arith.constant 2.000000e-01 : f32
    %broadcast_in_dim3A_2270 = vector.broadcast %jit3A_2268 : f32 to vector<1x64xf32>
    %broadcast_in_dim3A_2271 = vector.broadcast %jit3A_2269 : f32 to vector<1x64xf32>
    %select_n3A_2272 = arith.select %eq3A_2267, %broadcast_in_dim3A_2270, %broadcast_in_dim3A_2271 : vector<1x64xi1>, vector<1x64xf32>
    %jit3A_2273 = arith.constant 0.333333343 : f32
    %broadcast_in_dim3A_2274 = vector.broadcast %jit3A_2273 : f32 to vector<1x64xf32>
    %select_n3A_2275 = arith.select %eq3A_2264, %broadcast_in_dim3A_2274, %select_n3A_2272 : vector<1x64xi1>, vector<1x64xf32>
    %jit3A_2276 = arith.constant 5.000000e-01 : f32
    %broadcast_in_dim3A_2277 = vector.broadcast %jit3A_2276 : f32 to vector<1x64xf32>
    %select_n3A_2278 = arith.select %eq3A_2261, %broadcast_in_dim3A_2277, %select_n3A_2275 : vector<1x64xi1>, vector<1x64xf32>
    %jit3A_2279 = arith.constant 1.000000e+00 : f32
    %broadcast_in_dim3A_2280 = vector.broadcast %jit3A_2279 : f32 to vector<1x64xf32>
    %select_n3A_2281 = arith.select %le3A_2258, %broadcast_in_dim3A_2280, %select_n3A_2278 : vector<1x64xi1>, vector<1x64xf32>
    %get3A_2282 = arith.constant 0 : index
    %get3A_2283 = arith.constant 42 : index
    %get3A_2284 = arith.constant 0 : index
    %get3A_2285 = arith.constant 0 : index
    %get3A_2286 = vector.load %arg1[%get3A_2282, %get3A_2283, %get3A_2284, %get3A_2285] : memref<1x64x64x128xf32, #tpu.memory_space<vmem>>, vector<1x1x64x32xf32>
    %get3A_2287 = vector.shape_cast %get3A_2286 : vector<1x1x64x32xf32> to vector<64x32xf32>
    %dot_general3A_2288 = arith.constant dense<0.000000e+00> : vector<32x64xf32>
    %dot_general3A_2289 = tpu.matmul %convert_element_type3A_11, %get3A_2287, %dot_general3A_2288 {dimension_numbers = #tpu.dot_dimension_numbers<[1], [1], [0], [0], [0, 0, 1, 0], [], []>, transpose_lhs_hint = false} : vector<32x32xf32>, vector<64x32xf32>, vector<32x64xf32> -> vector<32x64xf32>
    %mul3A_2290 = vector.broadcast %select_n3A_2281 : vector<1x64xf32> to vector<32x64xf32>
    %mul3A_2291 = arith.mulf %dot_general3A_2289, %mul3A_2290 : vector<32x64xf32>
    %slice3A_2292 = vector.extract_strided_slice %mul3A_5 {offsets = [43, 0], sizes = [1, 65], strides = [1, 1]} : vector<65x65xf32> to vector<1x65xf32>
    %add3A_2293 = vector.broadcast %slice3A_2292 : vector<1x65xf32> to vector<32x65xf32>
    %add3A_2294 = arith.addf %add3A_2293, %select_n3A : vector<32x65xf32>
    %concatenate3A_2295 = tpu.concatenate %broadcast_in_dim3A_20, %mul3A_2291 in 1 : vector<32x1xf32>, vector<32x64xf32> -> vector<32x65xf32>
    %add3A_2296 = arith.addf %add3A_2294, %concatenate3A_2295 : vector<32x65xf32>
    %swap3A_2297 = arith.constant 0 : index
    %swap3A_2298 = arith.constant 0 : index
    %swap3A_2299 = arith.constant 43 : index
    %swap3A_2300 = arith.constant 0 : index
    %swap3A_2301 = vector.load %arg5[%swap3A_2297, %swap3A_2298, %swap3A_2299, %swap3A_2300] : memref<1x32x65x65xf32, #tpu.memory_space<vmem>>, vector<1x32x1x65xf32>
    %swap3A_2302 = vector.shape_cast %swap3A_2301 : vector<1x32x1x65xf32> to vector<32x65xf32>
    %swap3A_2303 = vector.shape_cast %add3A_2296 : vector<32x65xf32> to vector<1x32x1x65xf32>
    tpu.vector_store %arg5[%swap3A_2297, %swap3A_2298, %swap3A_2299, %swap3A_2300], %swap3A_2303 {strides = array<i32>} : memref<1x32x65x65xf32, #tpu.memory_space<vmem>>, vector<1x32x1x65xf32>,
    %get3A_2304 = arith.constant 0 : index
    %get3A_2305 = arith.constant 43 : index
    %get3A_2306 = arith.constant 0 : index
    %get3A_2307 = vector.load %arg2[%get3A_2304, %get3A_2305, %get3A_2306] : memref<1x64x64xi32, #tpu.memory_space<vmem>>, vector<1x1x64xi32>
    %get3A_2308 = vector.shape_cast %get3A_2307 : vector<1x1x64xi32> to vector<1x64xi32>
    %le3A_2309 = arith.constant 2 : i32
    %le3A_2310 = vector.broadcast %le3A_2309 : i32 to vector<1x64xi32>
    %le3A_2311 = arith.cmpi sle, %get3A_2308, %le3A_2310 : vector<1x64xi32>
    %eq3A_2312 = arith.constant 3 : i32
    %eq3A_2313 = vector.broadcast %eq3A_2312 : i32 to vector<1x64xi32>
    %eq3A_2314 = arith.cmpi eq, %get3A_2308, %eq3A_2313 : vector<1x64xi32>
    %eq3A_2315 = arith.constant 4 : i32
    %eq3A_2316 = vector.broadcast %eq3A_2315 : i32 to vector<1x64xi32>
    %eq3A_2317 = arith.cmpi eq, %get3A_2308, %eq3A_2316 : vector<1x64xi32>
    %eq3A_2318 = arith.constant 5 : i32
    %eq3A_2319 = vector.broadcast %eq3A_2318 : i32 to vector<1x64xi32>
    %eq3A_2320 = arith.cmpi eq, %get3A_2308, %eq3A_2319 : vector<1x64xi32>
    %jit3A_2321 = arith.constant 2.500000e-01 : f32
    %jit3A_2322 = arith.constant 2.000000e-01 : f32
    %broadcast_in_dim3A_2323 = vector.broadcast %jit3A_2321 : f32 to vector<1x64xf32>
    %broadcast_in_dim3A_2324 = vector.broadcast %jit3A_2322 : f32 to vector<1x64xf32>
    %select_n3A_2325 = arith.select %eq3A_2320, %broadcast_in_dim3A_2323, %broadcast_in_dim3A_2324 : vector<1x64xi1>, vector<1x64xf32>
    %jit3A_2326 = arith.constant 0.333333343 : f32
    %broadcast_in_dim3A_2327 = vector.broadcast %jit3A_2326 : f32 to vector<1x64xf32>
    %select_n3A_2328 = arith.select %eq3A_2317, %broadcast_in_dim3A_2327, %select_n3A_2325 : vector<1x64xi1>, vector<1x64xf32>
    %jit3A_2329 = arith.constant 5.000000e-01 : f32
    %broadcast_in_dim3A_2330 = vector.broadcast %jit3A_2329 : f32 to vector<1x64xf32>
    %select_n3A_2331 = arith.select %eq3A_2314, %broadcast_in_dim3A_2330, %select_n3A_2328 : vector<1x64xi1>, vector<1x64xf32>
    %jit3A_2332 = arith.constant 1.000000e+00 : f32
    %broadcast_in_dim3A_2333 = vector.broadcast %jit3A_2332 : f32 to vector<1x64xf32>
    %select_n3A_2334 = arith.select %le3A_2311, %broadcast_in_dim3A_2333, %select_n3A_2331 : vector<1x64xi1>, vector<1x64xf32>
    %get3A_2335 = arith.constant 0 : index
    %get3A_2336 = arith.constant 43 : index
    %get3A_2337 = arith.constant 0 : index
    %get3A_2338 = arith.constant 0 : index
    %get3A_2339 = vector.load %arg1[%get3A_2335, %get3A_2336, %get3A_2337, %get3A_2338] : memref<1x64x64x128xf32, #tpu.memory_space<vmem>>, vector<1x1x64x32xf32>
    %get3A_2340 = vector.shape_cast %get3A_2339 : vector<1x1x64x32xf32> to vector<64x32xf32>
    %dot_general3A_2341 = arith.constant dense<0.000000e+00> : vector<32x64xf32>
    %dot_general3A_2342 = tpu.matmul %convert_element_type3A_11, %get3A_2340, %dot_general3A_2341 {dimension_numbers = #tpu.dot_dimension_numbers<[1], [1], [0], [0], [0, 0, 1, 0], [], []>, transpose_lhs_hint = false} : vector<32x32xf32>, vector<64x32xf32>, vector<32x64xf32> -> vector<32x64xf32>
    %mul3A_2343 = vector.broadcast %select_n3A_2334 : vector<1x64xf32> to vector<32x64xf32>
    %mul3A_2344 = arith.mulf %dot_general3A_2342, %mul3A_2343 : vector<32x64xf32>
    %slice3A_2345 = vector.extract_strided_slice %mul3A_5 {offsets = [44, 0], sizes = [1, 65], strides = [1, 1]} : vector<65x65xf32> to vector<1x65xf32>
    %add3A_2346 = vector.broadcast %slice3A_2345 : vector<1x65xf32> to vector<32x65xf32>
    %add3A_2347 = arith.addf %add3A_2346, %select_n3A : vector<32x65xf32>
    %concatenate3A_2348 = tpu.concatenate %broadcast_in_dim3A_20, %mul3A_2344 in 1 : vector<32x1xf32>, vector<32x64xf32> -> vector<32x65xf32>
    %add3A_2349 = arith.addf %add3A_2347, %concatenate3A_2348 : vector<32x65xf32>
    %swap3A_2350 = arith.constant 0 : index
    %swap3A_2351 = arith.constant 0 : index
    %swap3A_2352 = arith.constant 44 : index
    %swap3A_2353 = arith.constant 0 : index
    %swap3A_2354 = vector.load %arg5[%swap3A_2350, %swap3A_2351, %swap3A_2352, %swap3A_2353] : memref<1x32x65x65xf32, #tpu.memory_space<vmem>>, vector<1x32x1x65xf32>
    %swap3A_2355 = vector.shape_cast %swap3A_2354 : vector<1x32x1x65xf32> to vector<32x65xf32>
    %swap3A_2356 = vector.shape_cast %add3A_2349 : vector<32x65xf32> to vector<1x32x1x65xf32>
    tpu.vector_store %arg5[%swap3A_2350, %swap3A_2351, %swap3A_2352, %swap3A_2353], %swap3A_2356 {strides = array<i32>} : memref<1x32x65x65xf32, #tpu.memory_space<vmem>>, vector<1x32x1x65xf32>,
    %get3A_2357 = arith.constant 0 : index
    %get3A_2358 = arith.constant 44 : index
    %get3A_2359 = arith.constant 0 : index
    %get3A_2360 = vector.load %arg2[%get3A_2357, %get3A_2358, %get3A_2359] : memref<1x64x64xi32, #tpu.memory_space<vmem>>, vector<1x1x64xi32>
    %get3A_2361 = vector.shape_cast %get3A_2360 : vector<1x1x64xi32> to vector<1x64xi32>
    %le3A_2362 = arith.constant 2 : i32
    %le3A_2363 = vector.broadcast %le3A_2362 : i32 to vector<1x64xi32>
    %le3A_2364 = arith.cmpi sle, %get3A_2361, %le3A_2363 : vector<1x64xi32>
    %eq3A_2365 = arith.constant 3 : i32
    %eq3A_2366 = vector.broadcast %eq3A_2365 : i32 to vector<1x64xi32>
    %eq3A_2367 = arith.cmpi eq, %get3A_2361, %eq3A_2366 : vector<1x64xi32>
    %eq3A_2368 = arith.constant 4 : i32
    %eq3A_2369 = vector.broadcast %eq3A_2368 : i32 to vector<1x64xi32>
    %eq3A_2370 = arith.cmpi eq, %get3A_2361, %eq3A_2369 : vector<1x64xi32>
    %eq3A_2371 = arith.constant 5 : i32
    %eq3A_2372 = vector.broadcast %eq3A_2371 : i32 to vector<1x64xi32>
    %eq3A_2373 = arith.cmpi eq, %get3A_2361, %eq3A_2372 : vector<1x64xi32>
    %jit3A_2374 = arith.constant 2.500000e-01 : f32
    %jit3A_2375 = arith.constant 2.000000e-01 : f32
    %broadcast_in_dim3A_2376 = vector.broadcast %jit3A_2374 : f32 to vector<1x64xf32>
    %broadcast_in_dim3A_2377 = vector.broadcast %jit3A_2375 : f32 to vector<1x64xf32>
    %select_n3A_2378 = arith.select %eq3A_2373, %broadcast_in_dim3A_2376, %broadcast_in_dim3A_2377 : vector<1x64xi1>, vector<1x64xf32>
    %jit3A_2379 = arith.constant 0.333333343 : f32
    %broadcast_in_dim3A_2380 = vector.broadcast %jit3A_2379 : f32 to vector<1x64xf32>
    %select_n3A_2381 = arith.select %eq3A_2370, %broadcast_in_dim3A_2380, %select_n3A_2378 : vector<1x64xi1>, vector<1x64xf32>
    %jit3A_2382 = arith.constant 5.000000e-01 : f32
    %broadcast_in_dim3A_2383 = vector.broadcast %jit3A_2382 : f32 to vector<1x64xf32>
    %select_n3A_2384 = arith.select %eq3A_2367, %broadcast_in_dim3A_2383, %select_n3A_2381 : vector<1x64xi1>, vector<1x64xf32>
    %jit3A_2385 = arith.constant 1.000000e+00 : f32
    %broadcast_in_dim3A_2386 = vector.broadcast %jit3A_2385 : f32 to vector<1x64xf32>
    %select_n3A_2387 = arith.select %le3A_2364, %broadcast_in_dim3A_2386, %select_n3A_2384 : vector<1x64xi1>, vector<1x64xf32>
    %get3A_2388 = arith.constant 0 : index
    %get3A_2389 = arith.constant 44 : index
    %get3A_2390 = arith.constant 0 : index
    %get3A_2391 = arith.constant 0 : index
    %get3A_2392 = vector.load %arg1[%get3A_2388, %get3A_2389, %get3A_2390, %get3A_2391] : memref<1x64x64x128xf32, #tpu.memory_space<vmem>>, vector<1x1x64x32xf32>
    %get3A_2393 = vector.shape_cast %get3A_2392 : vector<1x1x64x32xf32> to vector<64x32xf32>
    %dot_general3A_2394 = arith.constant dense<0.000000e+00> : vector<32x64xf32>
    %dot_general3A_2395 = tpu.matmul %convert_element_type3A_11, %get3A_2393, %dot_general3A_2394 {dimension_numbers = #tpu.dot_dimension_numbers<[1], [1], [0], [0], [0, 0, 1, 0], [], []>, transpose_lhs_hint = false} : vector<32x32xf32>, vector<64x32xf32>, vector<32x64xf32> -> vector<32x64xf32>
    %mul3A_2396 = vector.broadcast %select_n3A_2387 : vector<1x64xf32> to vector<32x64xf32>
    %mul3A_2397 = arith.mulf %dot_general3A_2395, %mul3A_2396 : vector<32x64xf32>
    %slice3A_2398 = vector.extract_strided_slice %mul3A_5 {offsets = [45, 0], sizes = [1, 65], strides = [1, 1]} : vector<65x65xf32> to vector<1x65xf32>
    %add3A_2399 = vector.broadcast %slice3A_2398 : vector<1x65xf32> to vector<32x65xf32>
    %add3A_2400 = arith.addf %add3A_2399, %select_n3A : vector<32x65xf32>
    %concatenate3A_2401 = tpu.concatenate %broadcast_in_dim3A_20, %mul3A_2397 in 1 : vector<32x1xf32>, vector<32x64xf32> -> vector<32x65xf32>
    %add3A_2402 = arith.addf %add3A_2400, %concatenate3A_2401 : vector<32x65xf32>
    %swap3A_2403 = arith.constant 0 : index
    %swap3A_2404 = arith.constant 0 : index
    %swap3A_2405 = arith.constant 45 : index
    %swap3A_2406 = arith.constant 0 : index
    %swap3A_2407 = vector.load %arg5[%swap3A_2403, %swap3A_2404, %swap3A_2405, %swap3A_2406] : memref<1x32x65x65xf32, #tpu.memory_space<vmem>>, vector<1x32x1x65xf32>
    %swap3A_2408 = vector.shape_cast %swap3A_2407 : vector<1x32x1x65xf32> to vector<32x65xf32>
    %swap3A_2409 = vector.shape_cast %add3A_2402 : vector<32x65xf32> to vector<1x32x1x65xf32>
    tpu.vector_store %arg5[%swap3A_2403, %swap3A_2404, %swap3A_2405, %swap3A_2406], %swap3A_2409 {strides = array<i32>} : memref<1x32x65x65xf32, #tpu.memory_space<vmem>>, vector<1x32x1x65xf32>,
    %get3A_2410 = arith.constant 0 : index
    %get3A_2411 = arith.constant 45 : index
    %get3A_2412 = arith.constant 0 : index
    %get3A_2413 = vector.load %arg2[%get3A_2410, %get3A_2411, %get3A_2412] : memref<1x64x64xi32, #tpu.memory_space<vmem>>, vector<1x1x64xi32>
    %get3A_2414 = vector.shape_cast %get3A_2413 : vector<1x1x64xi32> to vector<1x64xi32>
    %le3A_2415 = arith.constant 2 : i32
    %le3A_2416 = vector.broadcast %le3A_2415 : i32 to vector<1x64xi32>
    %le3A_2417 = arith.cmpi sle, %get3A_2414, %le3A_2416 : vector<1x64xi32>
    %eq3A_2418 = arith.constant 3 : i32
    %eq3A_2419 = vector.broadcast %eq3A_2418 : i32 to vector<1x64xi32>
    %eq3A_2420 = arith.cmpi eq, %get3A_2414, %eq3A_2419 : vector<1x64xi32>
    %eq3A_2421 = arith.constant 4 : i32
    %eq3A_2422 = vector.broadcast %eq3A_2421 : i32 to vector<1x64xi32>
    %eq3A_2423 = arith.cmpi eq, %get3A_2414, %eq3A_2422 : vector<1x64xi32>
    %eq3A_2424 = arith.constant 5 : i32
    %eq3A_2425 = vector.broadcast %eq3A_2424 : i32 to vector<1x64xi32>
    %eq3A_2426 = arith.cmpi eq, %get3A_2414, %eq3A_2425 : vector<1x64xi32>
    %jit3A_2427 = arith.constant 2.500000e-01 : f32
    %jit3A_2428 = arith.constant 2.000000e-01 : f32
    %broadcast_in_dim3A_2429 = vector.broadcast %jit3A_2427 : f32 to vector<1x64xf32>
    %broadcast_in_dim3A_2430 = vector.broadcast %jit3A_2428 : f32 to vector<1x64xf32>
    %select_n3A_2431 = arith.select %eq3A_2426, %broadcast_in_dim3A_2429, %broadcast_in_dim3A_2430 : vector<1x64xi1>, vector<1x64xf32>
    %jit3A_2432 = arith.constant 0.333333343 : f32
    %broadcast_in_dim3A_2433 = vector.broadcast %jit3A_2432 : f32 to vector<1x64xf32>
    %select_n3A_2434 = arith.select %eq3A_2423, %broadcast_in_dim3A_2433, %select_n3A_2431 : vector<1x64xi1>, vector<1x64xf32>
    %jit3A_2435 = arith.constant 5.000000e-01 : f32
    %broadcast_in_dim3A_2436 = vector.broadcast %jit3A_2435 : f32 to vector<1x64xf32>
    %select_n3A_2437 = arith.select %eq3A_2420, %broadcast_in_dim3A_2436, %select_n3A_2434 : vector<1x64xi1>, vector<1x64xf32>
    %jit3A_2438 = arith.constant 1.000000e+00 : f32
    %broadcast_in_dim3A_2439 = vector.broadcast %jit3A_2438 : f32 to vector<1x64xf32>
    %select_n3A_2440 = arith.select %le3A_2417, %broadcast_in_dim3A_2439, %select_n3A_2437 : vector<1x64xi1>, vector<1x64xf32>
    %get3A_2441 = arith.constant 0 : index
    %get3A_2442 = arith.constant 45 : index
    %get3A_2443 = arith.constant 0 : index
    %get3A_2444 = arith.constant 0 : index
    %get3A_2445 = vector.load %arg1[%get3A_2441, %get3A_2442, %get3A_2443, %get3A_2444] : memref<1x64x64x128xf32, #tpu.memory_space<vmem>>, vector<1x1x64x32xf32>
    %get3A_2446 = vector.shape_cast %get3A_2445 : vector<1x1x64x32xf32> to vector<64x32xf32>
    %dot_general3A_2447 = arith.constant dense<0.000000e+00> : vector<32x64xf32>
    %dot_general3A_2448 = tpu.matmul %convert_element_type3A_11, %get3A_2446, %dot_general3A_2447 {dimension_numbers = #tpu.dot_dimension_numbers<[1], [1], [0], [0], [0, 0, 1, 0], [], []>, transpose_lhs_hint = false} : vector<32x32xf32>, vector<64x32xf32>, vector<32x64xf32> -> vector<32x64xf32>
    %mul3A_2449 = vector.broadcast %select_n3A_2440 : vector<1x64xf32> to vector<32x64xf32>
    %mul3A_2450 = arith.mulf %dot_general3A_2448, %mul3A_2449 : vector<32x64xf32>
    %slice3A_2451 = vector.extract_strided_slice %mul3A_5 {offsets = [46, 0], sizes = [1, 65], strides = [1, 1]} : vector<65x65xf32> to vector<1x65xf32>
    %add3A_2452 = vector.broadcast %slice3A_2451 : vector<1x65xf32> to vector<32x65xf32>
    %add3A_2453 = arith.addf %add3A_2452, %select_n3A : vector<32x65xf32>
    %concatenate3A_2454 = tpu.concatenate %broadcast_in_dim3A_20, %mul3A_2450 in 1 : vector<32x1xf32>, vector<32x64xf32> -> vector<32x65xf32>
    %add3A_2455 = arith.addf %add3A_2453, %concatenate3A_2454 : vector<32x65xf32>
    %swap3A_2456 = arith.constant 0 : index
    %swap3A_2457 = arith.constant 0 : index
    %swap3A_2458 = arith.constant 46 : index
    %swap3A_2459 = arith.constant 0 : index
    %swap3A_2460 = vector.load %arg5[%swap3A_2456, %swap3A_2457, %swap3A_2458, %swap3A_2459] : memref<1x32x65x65xf32, #tpu.memory_space<vmem>>, vector<1x32x1x65xf32>
    %swap3A_2461 = vector.shape_cast %swap3A_2460 : vector<1x32x1x65xf32> to vector<32x65xf32>
    %swap3A_2462 = vector.shape_cast %add3A_2455 : vector<32x65xf32> to vector<1x32x1x65xf32>
    tpu.vector_store %arg5[%swap3A_2456, %swap3A_2457, %swap3A_2458, %swap3A_2459], %swap3A_2462 {strides = array<i32>} : memref<1x32x65x65xf32, #tpu.memory_space<vmem>>, vector<1x32x1x65xf32>,
    %get3A_2463 = arith.constant 0 : index
    %get3A_2464 = arith.constant 46 : index
    %get3A_2465 = arith.constant 0 : index
    %get3A_2466 = vector.load %arg2[%get3A_2463, %get3A_2464, %get3A_2465] : memref<1x64x64xi32, #tpu.memory_space<vmem>>, vector<1x1x64xi32>
    %get3A_2467 = vector.shape_cast %get3A_2466 : vector<1x1x64xi32> to vector<1x64xi32>
    %le3A_2468 = arith.constant 2 : i32
    %le3A_2469 = vector.broadcast %le3A_2468 : i32 to vector<1x64xi32>
    %le3A_2470 = arith.cmpi sle, %get3A_2467, %le3A_2469 : vector<1x64xi32>
    %eq3A_2471 = arith.constant 3 : i32
    %eq3A_2472 = vector.broadcast %eq3A_2471 : i32 to vector<1x64xi32>
    %eq3A_2473 = arith.cmpi eq, %get3A_2467, %eq3A_2472 : vector<1x64xi32>
    %eq3A_2474 = arith.constant 4 : i32
    %eq3A_2475 = vector.broadcast %eq3A_2474 : i32 to vector<1x64xi32>
    %eq3A_2476 = arith.cmpi eq, %get3A_2467, %eq3A_2475 : vector<1x64xi32>
    %eq3A_2477 = arith.constant 5 : i32
    %eq3A_2478 = vector.broadcast %eq3A_2477 : i32 to vector<1x64xi32>
    %eq3A_2479 = arith.cmpi eq, %get3A_2467, %eq3A_2478 : vector<1x64xi32>
    %jit3A_2480 = arith.constant 2.500000e-01 : f32
    %jit3A_2481 = arith.constant 2.000000e-01 : f32
    %broadcast_in_dim3A_2482 = vector.broadcast %jit3A_2480 : f32 to vector<1x64xf32>
    %broadcast_in_dim3A_2483 = vector.broadcast %jit3A_2481 : f32 to vector<1x64xf32>
    %select_n3A_2484 = arith.select %eq3A_2479, %broadcast_in_dim3A_2482, %broadcast_in_dim3A_2483 : vector<1x64xi1>, vector<1x64xf32>
    %jit3A_2485 = arith.constant 0.333333343 : f32
    %broadcast_in_dim3A_2486 = vector.broadcast %jit3A_2485 : f32 to vector<1x64xf32>
    %select_n3A_2487 = arith.select %eq3A_2476, %broadcast_in_dim3A_2486, %select_n3A_2484 : vector<1x64xi1>, vector<1x64xf32>
    %jit3A_2488 = arith.constant 5.000000e-01 : f32
    %broadcast_in_dim3A_2489 = vector.broadcast %jit3A_2488 : f32 to vector<1x64xf32>
    %select_n3A_2490 = arith.select %eq3A_2473, %broadcast_in_dim3A_2489, %select_n3A_2487 : vector<1x64xi1>, vector<1x64xf32>
    %jit3A_2491 = arith.constant 1.000000e+00 : f32
    %broadcast_in_dim3A_2492 = vector.broadcast %jit3A_2491 : f32 to vector<1x64xf32>
    %select_n3A_2493 = arith.select %le3A_2470, %broadcast_in_dim3A_2492, %select_n3A_2490 : vector<1x64xi1>, vector<1x64xf32>
    %get3A_2494 = arith.constant 0 : index
    %get3A_2495 = arith.constant 46 : index
    %get3A_2496 = arith.constant 0 : index
    %get3A_2497 = arith.constant 0 : index
    %get3A_2498 = vector.load %arg1[%get3A_2494, %get3A_2495, %get3A_2496, %get3A_2497] : memref<1x64x64x128xf32, #tpu.memory_space<vmem>>, vector<1x1x64x32xf32>
    %get3A_2499 = vector.shape_cast %get3A_2498 : vector<1x1x64x32xf32> to vector<64x32xf32>
    %dot_general3A_2500 = arith.constant dense<0.000000e+00> : vector<32x64xf32>
    %dot_general3A_2501 = tpu.matmul %convert_element_type3A_11, %get3A_2499, %dot_general3A_2500 {dimension_numbers = #tpu.dot_dimension_numbers<[1], [1], [0], [0], [0, 0, 1, 0], [], []>, transpose_lhs_hint = false} : vector<32x32xf32>, vector<64x32xf32>, vector<32x64xf32> -> vector<32x64xf32>
    %mul3A_2502 = vector.broadcast %select_n3A_2493 : vector<1x64xf32> to vector<32x64xf32>
    %mul3A_2503 = arith.mulf %dot_general3A_2501, %mul3A_2502 : vector<32x64xf32>
    %slice3A_2504 = vector.extract_strided_slice %mul3A_5 {offsets = [47, 0], sizes = [1, 65], strides = [1, 1]} : vector<65x65xf32> to vector<1x65xf32>
    %add3A_2505 = vector.broadcast %slice3A_2504 : vector<1x65xf32> to vector<32x65xf32>
    %add3A_2506 = arith.addf %add3A_2505, %select_n3A : vector<32x65xf32>
    %concatenate3A_2507 = tpu.concatenate %broadcast_in_dim3A_20, %mul3A_2503 in 1 : vector<32x1xf32>, vector<32x64xf32> -> vector<32x65xf32>
    %add3A_2508 = arith.addf %add3A_2506, %concatenate3A_2507 : vector<32x65xf32>
    %swap3A_2509 = arith.constant 0 : index
    %swap3A_2510 = arith.constant 0 : index
    %swap3A_2511 = arith.constant 47 : index
    %swap3A_2512 = arith.constant 0 : index
    %swap3A_2513 = vector.load %arg5[%swap3A_2509, %swap3A_2510, %swap3A_2511, %swap3A_2512] : memref<1x32x65x65xf32, #tpu.memory_space<vmem>>, vector<1x32x1x65xf32>
    %swap3A_2514 = vector.shape_cast %swap3A_2513 : vector<1x32x1x65xf32> to vector<32x65xf32>
    %swap3A_2515 = vector.shape_cast %add3A_2508 : vector<32x65xf32> to vector<1x32x1x65xf32>
    tpu.vector_store %arg5[%swap3A_2509, %swap3A_2510, %swap3A_2511, %swap3A_2512], %swap3A_2515 {strides = array<i32>} : memref<1x32x65x65xf32, #tpu.memory_space<vmem>>, vector<1x32x1x65xf32>,
    %get3A_2516 = arith.constant 0 : index
    %get3A_2517 = arith.constant 47 : index
    %get3A_2518 = arith.constant 0 : index
    %get3A_2519 = vector.load %arg2[%get3A_2516, %get3A_2517, %get3A_2518] : memref<1x64x64xi32, #tpu.memory_space<vmem>>, vector<1x1x64xi32>
    %get3A_2520 = vector.shape_cast %get3A_2519 : vector<1x1x64xi32> to vector<1x64xi32>
    %le3A_2521 = arith.constant 2 : i32
    %le3A_2522 = vector.broadcast %le3A_2521 : i32 to vector<1x64xi32>
    %le3A_2523 = arith.cmpi sle, %get3A_2520, %le3A_2522 : vector<1x64xi32>
    %eq3A_2524 = arith.constant 3 : i32
    %eq3A_2525 = vector.broadcast %eq3A_2524 : i32 to vector<1x64xi32>
    %eq3A_2526 = arith.cmpi eq, %get3A_2520, %eq3A_2525 : vector<1x64xi32>
    %eq3A_2527 = arith.constant 4 : i32
    %eq3A_2528 = vector.broadcast %eq3A_2527 : i32 to vector<1x64xi32>
    %eq3A_2529 = arith.cmpi eq, %get3A_2520, %eq3A_2528 : vector<1x64xi32>
    %eq3A_2530 = arith.constant 5 : i32
    %eq3A_2531 = vector.broadcast %eq3A_2530 : i32 to vector<1x64xi32>
    %eq3A_2532 = arith.cmpi eq, %get3A_2520, %eq3A_2531 : vector<1x64xi32>
    %jit3A_2533 = arith.constant 2.500000e-01 : f32
    %jit3A_2534 = arith.constant 2.000000e-01 : f32
    %broadcast_in_dim3A_2535 = vector.broadcast %jit3A_2533 : f32 to vector<1x64xf32>
    %broadcast_in_dim3A_2536 = vector.broadcast %jit3A_2534 : f32 to vector<1x64xf32>
    %select_n3A_2537 = arith.select %eq3A_2532, %broadcast_in_dim3A_2535, %broadcast_in_dim3A_2536 : vector<1x64xi1>, vector<1x64xf32>
    %jit3A_2538 = arith.constant 0.333333343 : f32
    %broadcast_in_dim3A_2539 = vector.broadcast %jit3A_2538 : f32 to vector<1x64xf32>
    %select_n3A_2540 = arith.select %eq3A_2529, %broadcast_in_dim3A_2539, %select_n3A_2537 : vector<1x64xi1>, vector<1x64xf32>
    %jit3A_2541 = arith.constant 5.000000e-01 : f32
    %broadcast_in_dim3A_2542 = vector.broadcast %jit3A_2541 : f32 to vector<1x64xf32>
    %select_n3A_2543 = arith.select %eq3A_2526, %broadcast_in_dim3A_2542, %select_n3A_2540 : vector<1x64xi1>, vector<1x64xf32>
    %jit3A_2544 = arith.constant 1.000000e+00 : f32
    %broadcast_in_dim3A_2545 = vector.broadcast %jit3A_2544 : f32 to vector<1x64xf32>
    %select_n3A_2546 = arith.select %le3A_2523, %broadcast_in_dim3A_2545, %select_n3A_2543 : vector<1x64xi1>, vector<1x64xf32>
    %get3A_2547 = arith.constant 0 : index
    %get3A_2548 = arith.constant 47 : index
    %get3A_2549 = arith.constant 0 : index
    %get3A_2550 = arith.constant 0 : index
    %get3A_2551 = vector.load %arg1[%get3A_2547, %get3A_2548, %get3A_2549, %get3A_2550] : memref<1x64x64x128xf32, #tpu.memory_space<vmem>>, vector<1x1x64x32xf32>
    %get3A_2552 = vector.shape_cast %get3A_2551 : vector<1x1x64x32xf32> to vector<64x32xf32>
    %dot_general3A_2553 = arith.constant dense<0.000000e+00> : vector<32x64xf32>
    %dot_general3A_2554 = tpu.matmul %convert_element_type3A_11, %get3A_2552, %dot_general3A_2553 {dimension_numbers = #tpu.dot_dimension_numbers<[1], [1], [0], [0], [0, 0, 1, 0], [], []>, transpose_lhs_hint = false} : vector<32x32xf32>, vector<64x32xf32>, vector<32x64xf32> -> vector<32x64xf32>
    %mul3A_2555 = vector.broadcast %select_n3A_2546 : vector<1x64xf32> to vector<32x64xf32>
    %mul3A_2556 = arith.mulf %dot_general3A_2554, %mul3A_2555 : vector<32x64xf32>
    %slice3A_2557 = vector.extract_strided_slice %mul3A_5 {offsets = [48, 0], sizes = [1, 65], strides = [1, 1]} : vector<65x65xf32> to vector<1x65xf32>
    %add3A_2558 = vector.broadcast %slice3A_2557 : vector<1x65xf32> to vector<32x65xf32>
    %add3A_2559 = arith.addf %add3A_2558, %select_n3A : vector<32x65xf32>
    %concatenate3A_2560 = tpu.concatenate %broadcast_in_dim3A_20, %mul3A_2556 in 1 : vector<32x1xf32>, vector<32x64xf32> -> vector<32x65xf32>
    %add3A_2561 = arith.addf %add3A_2559, %concatenate3A_2560 : vector<32x65xf32>
    %swap3A_2562 = arith.constant 0 : index
    %swap3A_2563 = arith.constant 0 : index
    %swap3A_2564 = arith.constant 48 : index
    %swap3A_2565 = arith.constant 0 : index
    %swap3A_2566 = vector.load %arg5[%swap3A_2562, %swap3A_2563, %swap3A_2564, %swap3A_2565] : memref<1x32x65x65xf32, #tpu.memory_space<vmem>>, vector<1x32x1x65xf32>
    %swap3A_2567 = vector.shape_cast %swap3A_2566 : vector<1x32x1x65xf32> to vector<32x65xf32>
    %swap3A_2568 = vector.shape_cast %add3A_2561 : vector<32x65xf32> to vector<1x32x1x65xf32>
    tpu.vector_store %arg5[%swap3A_2562, %swap3A_2563, %swap3A_2564, %swap3A_2565], %swap3A_2568 {strides = array<i32>} : memref<1x32x65x65xf32, #tpu.memory_space<vmem>>, vector<1x32x1x65xf32>,
    %get3A_2569 = arith.constant 0 : index
    %get3A_2570 = arith.constant 48 : index
    %get3A_2571 = arith.constant 0 : index
    %get3A_2572 = vector.load %arg2[%get3A_2569, %get3A_2570, %get3A_2571] : memref<1x64x64xi32, #tpu.memory_space<vmem>>, vector<1x1x64xi32>
    %get3A_2573 = vector.shape_cast %get3A_2572 : vector<1x1x64xi32> to vector<1x64xi32>
    %le3A_2574 = arith.constant 2 : i32
    %le3A_2575 = vector.broadcast %le3A_2574 : i32 to vector<1x64xi32>
    %le3A_2576 = arith.cmpi sle, %get3A_2573, %le3A_2575 : vector<1x64xi32>
    %eq3A_2577 = arith.constant 3 : i32
    %eq3A_2578 = vector.broadcast %eq3A_2577 : i32 to vector<1x64xi32>
    %eq3A_2579 = arith.cmpi eq, %get3A_2573, %eq3A_2578 : vector<1x64xi32>
    %eq3A_2580 = arith.constant 4 : i32
    %eq3A_2581 = vector.broadcast %eq3A_2580 : i32 to vector<1x64xi32>
    %eq3A_2582 = arith.cmpi eq, %get3A_2573, %eq3A_2581 : vector<1x64xi32>
    %eq3A_2583 = arith.constant 5 : i32
    %eq3A_2584 = vector.broadcast %eq3A_2583 : i32 to vector<1x64xi32>
    %eq3A_2585 = arith.cmpi eq, %get3A_2573, %eq3A_2584 : vector<1x64xi32>
    %jit3A_2586 = arith.constant 2.500000e-01 : f32
    %jit3A_2587 = arith.constant 2.000000e-01 : f32
    %broadcast_in_dim3A_2588 = vector.broadcast %jit3A_2586 : f32 to vector<1x64xf32>
    %broadcast_in_dim3A_2589 = vector.broadcast %jit3A_2587 : f32 to vector<1x64xf32>
    %select_n3A_2590 = arith.select %eq3A_2585, %broadcast_in_dim3A_2588, %broadcast_in_dim3A_2589 : vector<1x64xi1>, vector<1x64xf32>
    %jit3A_2591 = arith.constant 0.333333343 : f32
    %broadcast_in_dim3A_2592 = vector.broadcast %jit3A_2591 : f32 to vector<1x64xf32>
    %select_n3A_2593 = arith.select %eq3A_2582, %broadcast_in_dim3A_2592, %select_n3A_2590 : vector<1x64xi1>, vector<1x64xf32>
    %jit3A_2594 = arith.constant 5.000000e-01 : f32
    %broadcast_in_dim3A_2595 = vector.broadcast %jit3A_2594 : f32 to vector<1x64xf32>
    %select_n3A_2596 = arith.select %eq3A_2579, %broadcast_in_dim3A_2595, %select_n3A_2593 : vector<1x64xi1>, vector<1x64xf32>
    %jit3A_2597 = arith.constant 1.000000e+00 : f32
    %broadcast_in_dim3A_2598 = vector.broadcast %jit3A_2597 : f32 to vector<1x64xf32>
    %select_n3A_2599 = arith.select %le3A_2576, %broadcast_in_dim3A_2598, %select_n3A_2596 : vector<1x64xi1>, vector<1x64xf32>
    %get3A_2600 = arith.constant 0 : index
    %get3A_2601 = arith.constant 48 : index
    %get3A_2602 = arith.constant 0 : index
    %get3A_2603 = arith.constant 0 : index
    %get3A_2604 = vector.load %arg1[%get3A_2600, %get3A_2601, %get3A_2602, %get3A_2603] : memref<1x64x64x128xf32, #tpu.memory_space<vmem>>, vector<1x1x64x32xf32>
    %get3A_2605 = vector.shape_cast %get3A_2604 : vector<1x1x64x32xf32> to vector<64x32xf32>
    %dot_general3A_2606 = arith.constant dense<0.000000e+00> : vector<32x64xf32>
    %dot_general3A_2607 = tpu.matmul %convert_element_type3A_11, %get3A_2605, %dot_general3A_2606 {dimension_numbers = #tpu.dot_dimension_numbers<[1], [1], [0], [0], [0, 0, 1, 0], [], []>, transpose_lhs_hint = false} : vector<32x32xf32>, vector<64x32xf32>, vector<32x64xf32> -> vector<32x64xf32>
    %mul3A_2608 = vector.broadcast %select_n3A_2599 : vector<1x64xf32> to vector<32x64xf32>
    %mul3A_2609 = arith.mulf %dot_general3A_2607, %mul3A_2608 : vector<32x64xf32>
    %slice3A_2610 = vector.extract_strided_slice %mul3A_5 {offsets = [49, 0], sizes = [1, 65], strides = [1, 1]} : vector<65x65xf32> to vector<1x65xf32>
    %add3A_2611 = vector.broadcast %slice3A_2610 : vector<1x65xf32> to vector<32x65xf32>
    %add3A_2612 = arith.addf %add3A_2611, %select_n3A : vector<32x65xf32>
    %concatenate3A_2613 = tpu.concatenate %broadcast_in_dim3A_20, %mul3A_2609 in 1 : vector<32x1xf32>, vector<32x64xf32> -> vector<32x65xf32>
    %add3A_2614 = arith.addf %add3A_2612, %concatenate3A_2613 : vector<32x65xf32>
    %swap3A_2615 = arith.constant 0 : index
    %swap3A_2616 = arith.constant 0 : index
    %swap3A_2617 = arith.constant 49 : index
    %swap3A_2618 = arith.constant 0 : index
    %swap3A_2619 = vector.load %arg5[%swap3A_2615, %swap3A_2616, %swap3A_2617, %swap3A_2618] : memref<1x32x65x65xf32, #tpu.memory_space<vmem>>, vector<1x32x1x65xf32>
    %swap3A_2620 = vector.shape_cast %swap3A_2619 : vector<1x32x1x65xf32> to vector<32x65xf32>
    %swap3A_2621 = vector.shape_cast %add3A_2614 : vector<32x65xf32> to vector<1x32x1x65xf32>
    tpu.vector_store %arg5[%swap3A_2615, %swap3A_2616, %swap3A_2617, %swap3A_2618], %swap3A_2621 {strides = array<i32>} : memref<1x32x65x65xf32, #tpu.memory_space<vmem>>, vector<1x32x1x65xf32>,
    %get3A_2622 = arith.constant 0 : index
    %get3A_2623 = arith.constant 49 : index
    %get3A_2624 = arith.constant 0 : index
    %get3A_2625 = vector.load %arg2[%get3A_2622, %get3A_2623, %get3A_2624] : memref<1x64x64xi32, #tpu.memory_space<vmem>>, vector<1x1x64xi32>
    %get3A_2626 = vector.shape_cast %get3A_2625 : vector<1x1x64xi32> to vector<1x64xi32>
    %le3A_2627 = arith.constant 2 : i32
    %le3A_2628 = vector.broadcast %le3A_2627 : i32 to vector<1x64xi32>
    %le3A_2629 = arith.cmpi sle, %get3A_2626, %le3A_2628 : vector<1x64xi32>
    %eq3A_2630 = arith.constant 3 : i32
    %eq3A_2631 = vector.broadcast %eq3A_2630 : i32 to vector<1x64xi32>
    %eq3A_2632 = arith.cmpi eq, %get3A_2626, %eq3A_2631 : vector<1x64xi32>
    %eq3A_2633 = arith.constant 4 : i32
    %eq3A_2634 = vector.broadcast %eq3A_2633 : i32 to vector<1x64xi32>
    %eq3A_2635 = arith.cmpi eq, %get3A_2626, %eq3A_2634 : vector<1x64xi32>
    %eq3A_2636 = arith.constant 5 : i32
    %eq3A_2637 = vector.broadcast %eq3A_2636 : i32 to vector<1x64xi32>
    %eq3A_2638 = arith.cmpi eq, %get3A_2626, %eq3A_2637 : vector<1x64xi32>
    %jit3A_2639 = arith.constant 2.500000e-01 : f32
    %jit3A_2640 = arith.constant 2.000000e-01 : f32
    %broadcast_in_dim3A_2641 = vector.broadcast %jit3A_2639 : f32 to vector<1x64xf32>
    %broadcast_in_dim3A_2642 = vector.broadcast %jit3A_2640 : f32 to vector<1x64xf32>
    %select_n3A_2643 = arith.select %eq3A_2638, %broadcast_in_dim3A_2641, %broadcast_in_dim3A_2642 : vector<1x64xi1>, vector<1x64xf32>
    %jit3A_2644 = arith.constant 0.333333343 : f32
    %broadcast_in_dim3A_2645 = vector.broadcast %jit3A_2644 : f32 to vector<1x64xf32>
    %select_n3A_2646 = arith.select %eq3A_2635, %broadcast_in_dim3A_2645, %select_n3A_2643 : vector<1x64xi1>, vector<1x64xf32>
    %jit3A_2647 = arith.constant 5.000000e-01 : f32
    %broadcast_in_dim3A_2648 = vector.broadcast %jit3A_2647 : f32 to vector<1x64xf32>
    %select_n3A_2649 = arith.select %eq3A_2632, %broadcast_in_dim3A_2648, %select_n3A_2646 : vector<1x64xi1>, vector<1x64xf32>
    %jit3A_2650 = arith.constant 1.000000e+00 : f32
    %broadcast_in_dim3A_2651 = vector.broadcast %jit3A_2650 : f32 to vector<1x64xf32>
    %select_n3A_2652 = arith.select %le3A_2629, %broadcast_in_dim3A_2651, %select_n3A_2649 : vector<1x64xi1>, vector<1x64xf32>
    %get3A_2653 = arith.constant 0 : index
    %get3A_2654 = arith.constant 49 : index
    %get3A_2655 = arith.constant 0 : index
    %get3A_2656 = arith.constant 0 : index
    %get3A_2657 = vector.load %arg1[%get3A_2653, %get3A_2654, %get3A_2655, %get3A_2656] : memref<1x64x64x128xf32, #tpu.memory_space<vmem>>, vector<1x1x64x32xf32>
    %get3A_2658 = vector.shape_cast %get3A_2657 : vector<1x1x64x32xf32> to vector<64x32xf32>
    %dot_general3A_2659 = arith.constant dense<0.000000e+00> : vector<32x64xf32>
    %dot_general3A_2660 = tpu.matmul %convert_element_type3A_11, %get3A_2658, %dot_general3A_2659 {dimension_numbers = #tpu.dot_dimension_numbers<[1], [1], [0], [0], [0, 0, 1, 0], [], []>, transpose_lhs_hint = false} : vector<32x32xf32>, vector<64x32xf32>, vector<32x64xf32> -> vector<32x64xf32>
    %mul3A_2661 = vector.broadcast %select_n3A_2652 : vector<1x64xf32> to vector<32x64xf32>
    %mul3A_2662 = arith.mulf %dot_general3A_2660, %mul3A_2661 : vector<32x64xf32>
    %slice3A_2663 = vector.extract_strided_slice %mul3A_5 {offsets = [50, 0], sizes = [1, 65], strides = [1, 1]} : vector<65x65xf32> to vector<1x65xf32>
    %add3A_2664 = vector.broadcast %slice3A_2663 : vector<1x65xf32> to vector<32x65xf32>
    %add3A_2665 = arith.addf %add3A_2664, %select_n3A : vector<32x65xf32>
    %concatenate3A_2666 = tpu.concatenate %broadcast_in_dim3A_20, %mul3A_2662 in 1 : vector<32x1xf32>, vector<32x64xf32> -> vector<32x65xf32>
    %add3A_2667 = arith.addf %add3A_2665, %concatenate3A_2666 : vector<32x65xf32>
    %swap3A_2668 = arith.constant 0 : index
    %swap3A_2669 = arith.constant 0 : index
    %swap3A_2670 = arith.constant 50 : index
    %swap3A_2671 = arith.constant 0 : index
    %swap3A_2672 = vector.load %arg5[%swap3A_2668, %swap3A_2669, %swap3A_2670, %swap3A_2671] : memref<1x32x65x65xf32, #tpu.memory_space<vmem>>, vector<1x32x1x65xf32>
    %swap3A_2673 = vector.shape_cast %swap3A_2672 : vector<1x32x1x65xf32> to vector<32x65xf32>
    %swap3A_2674 = vector.shape_cast %add3A_2667 : vector<32x65xf32> to vector<1x32x1x65xf32>
    tpu.vector_store %arg5[%swap3A_2668, %swap3A_2669, %swap3A_2670, %swap3A_2671], %swap3A_2674 {strides = array<i32>} : memref<1x32x65x65xf32, #tpu.memory_space<vmem>>, vector<1x32x1x65xf32>,
    %get3A_2675 = arith.constant 0 : index
    %get3A_2676 = arith.constant 50 : index
    %get3A_2677 = arith.constant 0 : index
    %get3A_2678 = vector.load %arg2[%get3A_2675, %get3A_2676, %get3A_2677] : memref<1x64x64xi32, #tpu.memory_space<vmem>>, vector<1x1x64xi32>
    %get3A_2679 = vector.shape_cast %get3A_2678 : vector<1x1x64xi32> to vector<1x64xi32>
    %le3A_2680 = arith.constant 2 : i32
    %le3A_2681 = vector.broadcast %le3A_2680 : i32 to vector<1x64xi32>
    %le3A_2682 = arith.cmpi sle, %get3A_2679, %le3A_2681 : vector<1x64xi32>
    %eq3A_2683 = arith.constant 3 : i32
    %eq3A_2684 = vector.broadcast %eq3A_2683 : i32 to vector<1x64xi32>
    %eq3A_2685 = arith.cmpi eq, %get3A_2679, %eq3A_2684 : vector<1x64xi32>
    %eq3A_2686 = arith.constant 4 : i32
    %eq3A_2687 = vector.broadcast %eq3A_2686 : i32 to vector<1x64xi32>
    %eq3A_2688 = arith.cmpi eq, %get3A_2679, %eq3A_2687 : vector<1x64xi32>
    %eq3A_2689 = arith.constant 5 : i32
    %eq3A_2690 = vector.broadcast %eq3A_2689 : i32 to vector<1x64xi32>
    %eq3A_2691 = arith.cmpi eq, %get3A_2679, %eq3A_2690 : vector<1x64xi32>
    %jit3A_2692 = arith.constant 2.500000e-01 : f32
    %jit3A_2693 = arith.constant 2.000000e-01 : f32
    %broadcast_in_dim3A_2694 = vector.broadcast %jit3A_2692 : f32 to vector<1x64xf32>
    %broadcast_in_dim3A_2695 = vector.broadcast %jit3A_2693 : f32 to vector<1x64xf32>
    %select_n3A_2696 = arith.select %eq3A_2691, %broadcast_in_dim3A_2694, %broadcast_in_dim3A_2695 : vector<1x64xi1>, vector<1x64xf32>
    %jit3A_2697 = arith.constant 0.333333343 : f32
    %broadcast_in_dim3A_2698 = vector.broadcast %jit3A_2697 : f32 to vector<1x64xf32>
    %select_n3A_2699 = arith.select %eq3A_2688, %broadcast_in_dim3A_2698, %select_n3A_2696 : vector<1x64xi1>, vector<1x64xf32>
    %jit3A_2700 = arith.constant 5.000000e-01 : f32
    %broadcast_in_dim3A_2701 = vector.broadcast %jit3A_2700 : f32 to vector<1x64xf32>
    %select_n3A_2702 = arith.select %eq3A_2685, %broadcast_in_dim3A_2701, %select_n3A_2699 : vector<1x64xi1>, vector<1x64xf32>
    %jit3A_2703 = arith.constant 1.000000e+00 : f32
    %broadcast_in_dim3A_2704 = vector.broadcast %jit3A_2703 : f32 to vector<1x64xf32>
    %select_n3A_2705 = arith.select %le3A_2682, %broadcast_in_dim3A_2704, %select_n3A_2702 : vector<1x64xi1>, vector<1x64xf32>
    %get3A_2706 = arith.constant 0 : index
    %get3A_2707 = arith.constant 50 : index
    %get3A_2708 = arith.constant 0 : index
    %get3A_2709 = arith.constant 0 : index
    %get3A_2710 = vector.load %arg1[%get3A_2706, %get3A_2707, %get3A_2708, %get3A_2709] : memref<1x64x64x128xf32, #tpu.memory_space<vmem>>, vector<1x1x64x32xf32>
    %get3A_2711 = vector.shape_cast %get3A_2710 : vector<1x1x64x32xf32> to vector<64x32xf32>
    %dot_general3A_2712 = arith.constant dense<0.000000e+00> : vector<32x64xf32>
    %dot_general3A_2713 = tpu.matmul %convert_element_type3A_11, %get3A_2711, %dot_general3A_2712 {dimension_numbers = #tpu.dot_dimension_numbers<[1], [1], [0], [0], [0, 0, 1, 0], [], []>, transpose_lhs_hint = false} : vector<32x32xf32>, vector<64x32xf32>, vector<32x64xf32> -> vector<32x64xf32>
    %mul3A_2714 = vector.broadcast %select_n3A_2705 : vector<1x64xf32> to vector<32x64xf32>
    %mul3A_2715 = arith.mulf %dot_general3A_2713, %mul3A_2714 : vector<32x64xf32>
    %slice3A_2716 = vector.extract_strided_slice %mul3A_5 {offsets = [51, 0], sizes = [1, 65], strides = [1, 1]} : vector<65x65xf32> to vector<1x65xf32>
    %add3A_2717 = vector.broadcast %slice3A_2716 : vector<1x65xf32> to vector<32x65xf32>
    %add3A_2718 = arith.addf %add3A_2717, %select_n3A : vector<32x65xf32>
    %concatenate3A_2719 = tpu.concatenate %broadcast_in_dim3A_20, %mul3A_2715 in 1 : vector<32x1xf32>, vector<32x64xf32> -> vector<32x65xf32>
    %add3A_2720 = arith.addf %add3A_2718, %concatenate3A_2719 : vector<32x65xf32>
    %swap3A_2721 = arith.constant 0 : index
    %swap3A_2722 = arith.constant 0 : index
    %swap3A_2723 = arith.constant 51 : index
    %swap3A_2724 = arith.constant 0 : index
    %swap3A_2725 = vector.load %arg5[%swap3A_2721, %swap3A_2722, %swap3A_2723, %swap3A_2724] : memref<1x32x65x65xf32, #tpu.memory_space<vmem>>, vector<1x32x1x65xf32>
    %swap3A_2726 = vector.shape_cast %swap3A_2725 : vector<1x32x1x65xf32> to vector<32x65xf32>
    %swap3A_2727 = vector.shape_cast %add3A_2720 : vector<32x65xf32> to vector<1x32x1x65xf32>
    tpu.vector_store %arg5[%swap3A_2721, %swap3A_2722, %swap3A_2723, %swap3A_2724], %swap3A_2727 {strides = array<i32>} : memref<1x32x65x65xf32, #tpu.memory_space<vmem>>, vector<1x32x1x65xf32>,
    %get3A_2728 = arith.constant 0 : index
    %get3A_2729 = arith.constant 51 : index
    %get3A_2730 = arith.constant 0 : index
    %get3A_2731 = vector.load %arg2[%get3A_2728, %get3A_2729, %get3A_2730] : memref<1x64x64xi32, #tpu.memory_space<vmem>>, vector<1x1x64xi32>
    %get3A_2732 = vector.shape_cast %get3A_2731 : vector<1x1x64xi32> to vector<1x64xi32>
    %le3A_2733 = arith.constant 2 : i32
    %le3A_2734 = vector.broadcast %le3A_2733 : i32 to vector<1x64xi32>
    %le3A_2735 = arith.cmpi sle, %get3A_2732, %le3A_2734 : vector<1x64xi32>
    %eq3A_2736 = arith.constant 3 : i32
    %eq3A_2737 = vector.broadcast %eq3A_2736 : i32 to vector<1x64xi32>
    %eq3A_2738 = arith.cmpi eq, %get3A_2732, %eq3A_2737 : vector<1x64xi32>
    %eq3A_2739 = arith.constant 4 : i32
    %eq3A_2740 = vector.broadcast %eq3A_2739 : i32 to vector<1x64xi32>
    %eq3A_2741 = arith.cmpi eq, %get3A_2732, %eq3A_2740 : vector<1x64xi32>
    %eq3A_2742 = arith.constant 5 : i32
    %eq3A_2743 = vector.broadcast %eq3A_2742 : i32 to vector<1x64xi32>
    %eq3A_2744 = arith.cmpi eq, %get3A_2732, %eq3A_2743 : vector<1x64xi32>
    %jit3A_2745 = arith.constant 2.500000e-01 : f32
    %jit3A_2746 = arith.constant 2.000000e-01 : f32
    %broadcast_in_dim3A_2747 = vector.broadcast %jit3A_2745 : f32 to vector<1x64xf32>
    %broadcast_in_dim3A_2748 = vector.broadcast %jit3A_2746 : f32 to vector<1x64xf32>
    %select_n3A_2749 = arith.select %eq3A_2744, %broadcast_in_dim3A_2747, %broadcast_in_dim3A_2748 : vector<1x64xi1>, vector<1x64xf32>
    %jit3A_2750 = arith.constant 0.333333343 : f32
    %broadcast_in_dim3A_2751 = vector.broadcast %jit3A_2750 : f32 to vector<1x64xf32>
    %select_n3A_2752 = arith.select %eq3A_2741, %broadcast_in_dim3A_2751, %select_n3A_2749 : vector<1x64xi1>, vector<1x64xf32>
    %jit3A_2753 = arith.constant 5.000000e-01 : f32
    %broadcast_in_dim3A_2754 = vector.broadcast %jit3A_2753 : f32 to vector<1x64xf32>
    %select_n3A_2755 = arith.select %eq3A_2738, %broadcast_in_dim3A_2754, %select_n3A_2752 : vector<1x64xi1>, vector<1x64xf32>
    %jit3A_2756 = arith.constant 1.000000e+00 : f32
    %broadcast_in_dim3A_2757 = vector.broadcast %jit3A_2756 : f32 to vector<1x64xf32>
    %select_n3A_2758 = arith.select %le3A_2735, %broadcast_in_dim3A_2757, %select_n3A_2755 : vector<1x64xi1>, vector<1x64xf32>
    %get3A_2759 = arith.constant 0 : index
    %get3A_2760 = arith.constant 51 : index
    %get3A_2761 = arith.constant 0 : index
    %get3A_2762 = arith.constant 0 : index
    %get3A_2763 = vector.load %arg1[%get3A_2759, %get3A_2760, %get3A_2761, %get3A_2762] : memref<1x64x64x128xf32, #tpu.memory_space<vmem>>, vector<1x1x64x32xf32>
    %get3A_2764 = vector.shape_cast %get3A_2763 : vector<1x1x64x32xf32> to vector<64x32xf32>
    %dot_general3A_2765 = arith.constant dense<0.000000e+00> : vector<32x64xf32>
    %dot_general3A_2766 = tpu.matmul %convert_element_type3A_11, %get3A_2764, %dot_general3A_2765 {dimension_numbers = #tpu.dot_dimension_numbers<[1], [1], [0], [0], [0, 0, 1, 0], [], []>, transpose_lhs_hint = false} : vector<32x32xf32>, vector<64x32xf32>, vector<32x64xf32> -> vector<32x64xf32>
    %mul3A_2767 = vector.broadcast %select_n3A_2758 : vector<1x64xf32> to vector<32x64xf32>
    %mul3A_2768 = arith.mulf %dot_general3A_2766, %mul3A_2767 : vector<32x64xf32>
    %slice3A_2769 = vector.extract_strided_slice %mul3A_5 {offsets = [52, 0], sizes = [1, 65], strides = [1, 1]} : vector<65x65xf32> to vector<1x65xf32>
    %add3A_2770 = vector.broadcast %slice3A_2769 : vector<1x65xf32> to vector<32x65xf32>
    %add3A_2771 = arith.addf %add3A_2770, %select_n3A : vector<32x65xf32>
    %concatenate3A_2772 = tpu.concatenate %broadcast_in_dim3A_20, %mul3A_2768 in 1 : vector<32x1xf32>, vector<32x64xf32> -> vector<32x65xf32>
    %add3A_2773 = arith.addf %add3A_2771, %concatenate3A_2772 : vector<32x65xf32>
    %swap3A_2774 = arith.constant 0 : index
    %swap3A_2775 = arith.constant 0 : index
    %swap3A_2776 = arith.constant 52 : index
    %swap3A_2777 = arith.constant 0 : index
    %swap3A_2778 = vector.load %arg5[%swap3A_2774, %swap3A_2775, %swap3A_2776, %swap3A_2777] : memref<1x32x65x65xf32, #tpu.memory_space<vmem>>, vector<1x32x1x65xf32>
    %swap3A_2779 = vector.shape_cast %swap3A_2778 : vector<1x32x1x65xf32> to vector<32x65xf32>
    %swap3A_2780 = vector.shape_cast %add3A_2773 : vector<32x65xf32> to vector<1x32x1x65xf32>
    tpu.vector_store %arg5[%swap3A_2774, %swap3A_2775, %swap3A_2776, %swap3A_2777], %swap3A_2780 {strides = array<i32>} : memref<1x32x65x65xf32, #tpu.memory_space<vmem>>, vector<1x32x1x65xf32>,
    %get3A_2781 = arith.constant 0 : index
    %get3A_2782 = arith.constant 52 : index
    %get3A_2783 = arith.constant 0 : index
    %get3A_2784 = vector.load %arg2[%get3A_2781, %get3A_2782, %get3A_2783] : memref<1x64x64xi32, #tpu.memory_space<vmem>>, vector<1x1x64xi32>
    %get3A_2785 = vector.shape_cast %get3A_2784 : vector<1x1x64xi32> to vector<1x64xi32>
    %le3A_2786 = arith.constant 2 : i32
    %le3A_2787 = vector.broadcast %le3A_2786 : i32 to vector<1x64xi32>
    %le3A_2788 = arith.cmpi sle, %get3A_2785, %le3A_2787 : vector<1x64xi32>
    %eq3A_2789 = arith.constant 3 : i32
    %eq3A_2790 = vector.broadcast %eq3A_2789 : i32 to vector<1x64xi32>
    %eq3A_2791 = arith.cmpi eq, %get3A_2785, %eq3A_2790 : vector<1x64xi32>
    %eq3A_2792 = arith.constant 4 : i32
    %eq3A_2793 = vector.broadcast %eq3A_2792 : i32 to vector<1x64xi32>
    %eq3A_2794 = arith.cmpi eq, %get3A_2785, %eq3A_2793 : vector<1x64xi32>
    %eq3A_2795 = arith.constant 5 : i32
    %eq3A_2796 = vector.broadcast %eq3A_2795 : i32 to vector<1x64xi32>
    %eq3A_2797 = arith.cmpi eq, %get3A_2785, %eq3A_2796 : vector<1x64xi32>
    %jit3A_2798 = arith.constant 2.500000e-01 : f32
    %jit3A_2799 = arith.constant 2.000000e-01 : f32
    %broadcast_in_dim3A_2800 = vector.broadcast %jit3A_2798 : f32 to vector<1x64xf32>
    %broadcast_in_dim3A_2801 = vector.broadcast %jit3A_2799 : f32 to vector<1x64xf32>
    %select_n3A_2802 = arith.select %eq3A_2797, %broadcast_in_dim3A_2800, %broadcast_in_dim3A_2801 : vector<1x64xi1>, vector<1x64xf32>
    %jit3A_2803 = arith.constant 0.333333343 : f32
    %broadcast_in_dim3A_2804 = vector.broadcast %jit3A_2803 : f32 to vector<1x64xf32>
    %select_n3A_2805 = arith.select %eq3A_2794, %broadcast_in_dim3A_2804, %select_n3A_2802 : vector<1x64xi1>, vector<1x64xf32>
    %jit3A_2806 = arith.constant 5.000000e-01 : f32
    %broadcast_in_dim3A_2807 = vector.broadcast %jit3A_2806 : f32 to vector<1x64xf32>
    %select_n3A_2808 = arith.select %eq3A_2791, %broadcast_in_dim3A_2807, %select_n3A_2805 : vector<1x64xi1>, vector<1x64xf32>
    %jit3A_2809 = arith.constant 1.000000e+00 : f32
    %broadcast_in_dim3A_2810 = vector.broadcast %jit3A_2809 : f32 to vector<1x64xf32>
    %select_n3A_2811 = arith.select %le3A_2788, %broadcast_in_dim3A_2810, %select_n3A_2808 : vector<1x64xi1>, vector<1x64xf32>
    %get3A_2812 = arith.constant 0 : index
    %get3A_2813 = arith.constant 52 : index
    %get3A_2814 = arith.constant 0 : index
    %get3A_2815 = arith.constant 0 : index
    %get3A_2816 = vector.load %arg1[%get3A_2812, %get3A_2813, %get3A_2814, %get3A_2815] : memref<1x64x64x128xf32, #tpu.memory_space<vmem>>, vector<1x1x64x32xf32>
    %get3A_2817 = vector.shape_cast %get3A_2816 : vector<1x1x64x32xf32> to vector<64x32xf32>
    %dot_general3A_2818 = arith.constant dense<0.000000e+00> : vector<32x64xf32>
    %dot_general3A_2819 = tpu.matmul %convert_element_type3A_11, %get3A_2817, %dot_general3A_2818 {dimension_numbers = #tpu.dot_dimension_numbers<[1], [1], [0], [0], [0, 0, 1, 0], [], []>, transpose_lhs_hint = false} : vector<32x32xf32>, vector<64x32xf32>, vector<32x64xf32> -> vector<32x64xf32>
    %mul3A_2820 = vector.broadcast %select_n3A_2811 : vector<1x64xf32> to vector<32x64xf32>
    %mul3A_2821 = arith.mulf %dot_general3A_2819, %mul3A_2820 : vector<32x64xf32>
    %slice3A_2822 = vector.extract_strided_slice %mul3A_5 {offsets = [53, 0], sizes = [1, 65], strides = [1, 1]} : vector<65x65xf32> to vector<1x65xf32>
    %add3A_2823 = vector.broadcast %slice3A_2822 : vector<1x65xf32> to vector<32x65xf32>
    %add3A_2824 = arith.addf %add3A_2823, %select_n3A : vector<32x65xf32>
    %concatenate3A_2825 = tpu.concatenate %broadcast_in_dim3A_20, %mul3A_2821 in 1 : vector<32x1xf32>, vector<32x64xf32> -> vector<32x65xf32>
    %add3A_2826 = arith.addf %add3A_2824, %concatenate3A_2825 : vector<32x65xf32>
    %swap3A_2827 = arith.constant 0 : index
    %swap3A_2828 = arith.constant 0 : index
    %swap3A_2829 = arith.constant 53 : index
    %swap3A_2830 = arith.constant 0 : index
    %swap3A_2831 = vector.load %arg5[%swap3A_2827, %swap3A_2828, %swap3A_2829, %swap3A_2830] : memref<1x32x65x65xf32, #tpu.memory_space<vmem>>, vector<1x32x1x65xf32>
    %swap3A_2832 = vector.shape_cast %swap3A_2831 : vector<1x32x1x65xf32> to vector<32x65xf32>
    %swap3A_2833 = vector.shape_cast %add3A_2826 : vector<32x65xf32> to vector<1x32x1x65xf32>
    tpu.vector_store %arg5[%swap3A_2827, %swap3A_2828, %swap3A_2829, %swap3A_2830], %swap3A_2833 {strides = array<i32>} : memref<1x32x65x65xf32, #tpu.memory_space<vmem>>, vector<1x32x1x65xf32>,
    %get3A_2834 = arith.constant 0 : index
    %get3A_2835 = arith.constant 53 : index
    %get3A_2836 = arith.constant 0 : index
    %get3A_2837 = vector.load %arg2[%get3A_2834, %get3A_2835, %get3A_2836] : memref<1x64x64xi32, #tpu.memory_space<vmem>>, vector<1x1x64xi32>
    %get3A_2838 = vector.shape_cast %get3A_2837 : vector<1x1x64xi32> to vector<1x64xi32>
    %le3A_2839 = arith.constant 2 : i32
    %le3A_2840 = vector.broadcast %le3A_2839 : i32 to vector<1x64xi32>
    %le3A_2841 = arith.cmpi sle, %get3A_2838, %le3A_2840 : vector<1x64xi32>
    %eq3A_2842 = arith.constant 3 : i32
    %eq3A_2843 = vector.broadcast %eq3A_2842 : i32 to vector<1x64xi32>
    %eq3A_2844 = arith.cmpi eq, %get3A_2838, %eq3A_2843 : vector<1x64xi32>
    %eq3A_2845 = arith.constant 4 : i32
    %eq3A_2846 = vector.broadcast %eq3A_2845 : i32 to vector<1x64xi32>
    %eq3A_2847 = arith.cmpi eq, %get3A_2838, %eq3A_2846 : vector<1x64xi32>
    %eq3A_2848 = arith.constant 5 : i32
    %eq3A_2849 = vector.broadcast %eq3A_2848 : i32 to vector<1x64xi32>
    %eq3A_2850 = arith.cmpi eq, %get3A_2838, %eq3A_2849 : vector<1x64xi32>
    %jit3A_2851 = arith.constant 2.500000e-01 : f32
    %jit3A_2852 = arith.constant 2.000000e-01 : f32
    %broadcast_in_dim3A_2853 = vector.broadcast %jit3A_2851 : f32 to vector<1x64xf32>
    %broadcast_in_dim3A_2854 = vector.broadcast %jit3A_2852 : f32 to vector<1x64xf32>
    %select_n3A_2855 = arith.select %eq3A_2850, %broadcast_in_dim3A_2853, %broadcast_in_dim3A_2854 : vector<1x64xi1>, vector<1x64xf32>
    %jit3A_2856 = arith.constant 0.333333343 : f32
    %broadcast_in_dim3A_2857 = vector.broadcast %jit3A_2856 : f32 to vector<1x64xf32>
    %select_n3A_2858 = arith.select %eq3A_2847, %broadcast_in_dim3A_2857, %select_n3A_2855 : vector<1x64xi1>, vector<1x64xf32>
    %jit3A_2859 = arith.constant 5.000000e-01 : f32
    %broadcast_in_dim3A_2860 = vector.broadcast %jit3A_2859 : f32 to vector<1x64xf32>
    %select_n3A_2861 = arith.select %eq3A_2844, %broadcast_in_dim3A_2860, %select_n3A_2858 : vector<1x64xi1>, vector<1x64xf32>
    %jit3A_2862 = arith.constant 1.000000e+00 : f32
    %broadcast_in_dim3A_2863 = vector.broadcast %jit3A_2862 : f32 to vector<1x64xf32>
    %select_n3A_2864 = arith.select %le3A_2841, %broadcast_in_dim3A_2863, %select_n3A_2861 : vector<1x64xi1>, vector<1x64xf32>
    %get3A_2865 = arith.constant 0 : index
    %get3A_2866 = arith.constant 53 : index
    %get3A_2867 = arith.constant 0 : index
    %get3A_2868 = arith.constant 0 : index
    %get3A_2869 = vector.load %arg1[%get3A_2865, %get3A_2866, %get3A_2867, %get3A_2868] : memref<1x64x64x128xf32, #tpu.memory_space<vmem>>, vector<1x1x64x32xf32>
    %get3A_2870 = vector.shape_cast %get3A_2869 : vector<1x1x64x32xf32> to vector<64x32xf32>
    %dot_general3A_2871 = arith.constant dense<0.000000e+00> : vector<32x64xf32>
    %dot_general3A_2872 = tpu.matmul %convert_element_type3A_11, %get3A_2870, %dot_general3A_2871 {dimension_numbers = #tpu.dot_dimension_numbers<[1], [1], [0], [0], [0, 0, 1, 0], [], []>, transpose_lhs_hint = false} : vector<32x32xf32>, vector<64x32xf32>, vector<32x64xf32> -> vector<32x64xf32>
    %mul3A_2873 = vector.broadcast %select_n3A_2864 : vector<1x64xf32> to vector<32x64xf32>
    %mul3A_2874 = arith.mulf %dot_general3A_2872, %mul3A_2873 : vector<32x64xf32>
    %slice3A_2875 = vector.extract_strided_slice %mul3A_5 {offsets = [54, 0], sizes = [1, 65], strides = [1, 1]} : vector<65x65xf32> to vector<1x65xf32>
    %add3A_2876 = vector.broadcast %slice3A_2875 : vector<1x65xf32> to vector<32x65xf32>
    %add3A_2877 = arith.addf %add3A_2876, %select_n3A : vector<32x65xf32>
    %concatenate3A_2878 = tpu.concatenate %broadcast_in_dim3A_20, %mul3A_2874 in 1 : vector<32x1xf32>, vector<32x64xf32> -> vector<32x65xf32>
    %add3A_2879 = arith.addf %add3A_2877, %concatenate3A_2878 : vector<32x65xf32>
    %swap3A_2880 = arith.constant 0 : index
    %swap3A_2881 = arith.constant 0 : index
    %swap3A_2882 = arith.constant 54 : index
    %swap3A_2883 = arith.constant 0 : index
    %swap3A_2884 = vector.load %arg5[%swap3A_2880, %swap3A_2881, %swap3A_2882, %swap3A_2883] : memref<1x32x65x65xf32, #tpu.memory_space<vmem>>, vector<1x32x1x65xf32>
    %swap3A_2885 = vector.shape_cast %swap3A_2884 : vector<1x32x1x65xf32> to vector<32x65xf32>
    %swap3A_2886 = vector.shape_cast %add3A_2879 : vector<32x65xf32> to vector<1x32x1x65xf32>
    tpu.vector_store %arg5[%swap3A_2880, %swap3A_2881, %swap3A_2882, %swap3A_2883], %swap3A_2886 {strides = array<i32>} : memref<1x32x65x65xf32, #tpu.memory_space<vmem>>, vector<1x32x1x65xf32>,
    %get3A_2887 = arith.constant 0 : index
    %get3A_2888 = arith.constant 54 : index
    %get3A_2889 = arith.constant 0 : index
    %get3A_2890 = vector.load %arg2[%get3A_2887, %get3A_2888, %get3A_2889] : memref<1x64x64xi32, #tpu.memory_space<vmem>>, vector<1x1x64xi32>
    %get3A_2891 = vector.shape_cast %get3A_2890 : vector<1x1x64xi32> to vector<1x64xi32>
    %le3A_2892 = arith.constant 2 : i32
    %le3A_2893 = vector.broadcast %le3A_2892 : i32 to vector<1x64xi32>
    %le3A_2894 = arith.cmpi sle, %get3A_2891, %le3A_2893 : vector<1x64xi32>
    %eq3A_2895 = arith.constant 3 : i32
    %eq3A_2896 = vector.broadcast %eq3A_2895 : i32 to vector<1x64xi32>
    %eq3A_2897 = arith.cmpi eq, %get3A_2891, %eq3A_2896 : vector<1x64xi32>
    %eq3A_2898 = arith.constant 4 : i32
    %eq3A_2899 = vector.broadcast %eq3A_2898 : i32 to vector<1x64xi32>
    %eq3A_2900 = arith.cmpi eq, %get3A_2891, %eq3A_2899 : vector<1x64xi32>
    %eq3A_2901 = arith.constant 5 : i32
    %eq3A_2902 = vector.broadcast %eq3A_2901 : i32 to vector<1x64xi32>
    %eq3A_2903 = arith.cmpi eq, %get3A_2891, %eq3A_2902 : vector<1x64xi32>
    %jit3A_2904 = arith.constant 2.500000e-01 : f32
    %jit3A_2905 = arith.constant 2.000000e-01 : f32
    %broadcast_in_dim3A_2906 = vector.broadcast %jit3A_2904 : f32 to vector<1x64xf32>
    %broadcast_in_dim3A_2907 = vector.broadcast %jit3A_2905 : f32 to vector<1x64xf32>
    %select_n3A_2908 = arith.select %eq3A_2903, %broadcast_in_dim3A_2906, %broadcast_in_dim3A_2907 : vector<1x64xi1>, vector<1x64xf32>
    %jit3A_2909 = arith.constant 0.333333343 : f32
    %broadcast_in_dim3A_2910 = vector.broadcast %jit3A_2909 : f32 to vector<1x64xf32>
    %select_n3A_2911 = arith.select %eq3A_2900, %broadcast_in_dim3A_2910, %select_n3A_2908 : vector<1x64xi1>, vector<1x64xf32>
    %jit3A_2912 = arith.constant 5.000000e-01 : f32
    %broadcast_in_dim3A_2913 = vector.broadcast %jit3A_2912 : f32 to vector<1x64xf32>
    %select_n3A_2914 = arith.select %eq3A_2897, %broadcast_in_dim3A_2913, %select_n3A_2911 : vector<1x64xi1>, vector<1x64xf32>
    %jit3A_2915 = arith.constant 1.000000e+00 : f32
    %broadcast_in_dim3A_2916 = vector.broadcast %jit3A_2915 : f32 to vector<1x64xf32>
    %select_n3A_2917 = arith.select %le3A_2894, %broadcast_in_dim3A_2916, %select_n3A_2914 : vector<1x64xi1>, vector<1x64xf32>
    %get3A_2918 = arith.constant 0 : index
    %get3A_2919 = arith.constant 54 : index
    %get3A_2920 = arith.constant 0 : index
    %get3A_2921 = arith.constant 0 : index
    %get3A_2922 = vector.load %arg1[%get3A_2918, %get3A_2919, %get3A_2920, %get3A_2921] : memref<1x64x64x128xf32, #tpu.memory_space<vmem>>, vector<1x1x64x32xf32>
    %get3A_2923 = vector.shape_cast %get3A_2922 : vector<1x1x64x32xf32> to vector<64x32xf32>
    %dot_general3A_2924 = arith.constant dense<0.000000e+00> : vector<32x64xf32>
    %dot_general3A_2925 = tpu.matmul %convert_element_type3A_11, %get3A_2923, %dot_general3A_2924 {dimension_numbers = #tpu.dot_dimension_numbers<[1], [1], [0], [0], [0, 0, 1, 0], [], []>, transpose_lhs_hint = false} : vector<32x32xf32>, vector<64x32xf32>, vector<32x64xf32> -> vector<32x64xf32>
    %mul3A_2926 = vector.broadcast %select_n3A_2917 : vector<1x64xf32> to vector<32x64xf32>
    %mul3A_2927 = arith.mulf %dot_general3A_2925, %mul3A_2926 : vector<32x64xf32>
    %slice3A_2928 = vector.extract_strided_slice %mul3A_5 {offsets = [55, 0], sizes = [1, 65], strides = [1, 1]} : vector<65x65xf32> to vector<1x65xf32>
    %add3A_2929 = vector.broadcast %slice3A_2928 : vector<1x65xf32> to vector<32x65xf32>
    %add3A_2930 = arith.addf %add3A_2929, %select_n3A : vector<32x65xf32>
    %concatenate3A_2931 = tpu.concatenate %broadcast_in_dim3A_20, %mul3A_2927 in 1 : vector<32x1xf32>, vector<32x64xf32> -> vector<32x65xf32>
    %add3A_2932 = arith.addf %add3A_2930, %concatenate3A_2931 : vector<32x65xf32>
    %swap3A_2933 = arith.constant 0 : index
    %swap3A_2934 = arith.constant 0 : index
    %swap3A_2935 = arith.constant 55 : index
    %swap3A_2936 = arith.constant 0 : index
    %swap3A_2937 = vector.load %arg5[%swap3A_2933, %swap3A_2934, %swap3A_2935, %swap3A_2936] : memref<1x32x65x65xf32, #tpu.memory_space<vmem>>, vector<1x32x1x65xf32>
    %swap3A_2938 = vector.shape_cast %swap3A_2937 : vector<1x32x1x65xf32> to vector<32x65xf32>
    %swap3A_2939 = vector.shape_cast %add3A_2932 : vector<32x65xf32> to vector<1x32x1x65xf32>
    tpu.vector_store %arg5[%swap3A_2933, %swap3A_2934, %swap3A_2935, %swap3A_2936], %swap3A_2939 {strides = array<i32>} : memref<1x32x65x65xf32, #tpu.memory_space<vmem>>, vector<1x32x1x65xf32>,
    %get3A_2940 = arith.constant 0 : index
    %get3A_2941 = arith.constant 55 : index
    %get3A_2942 = arith.constant 0 : index
    %get3A_2943 = vector.load %arg2[%get3A_2940, %get3A_2941, %get3A_2942] : memref<1x64x64xi32, #tpu.memory_space<vmem>>, vector<1x1x64xi32>
    %get3A_2944 = vector.shape_cast %get3A_2943 : vector<1x1x64xi32> to vector<1x64xi32>
    %le3A_2945 = arith.constant 2 : i32
    %le3A_2946 = vector.broadcast %le3A_2945 : i32 to vector<1x64xi32>
    %le3A_2947 = arith.cmpi sle, %get3A_2944, %le3A_2946 : vector<1x64xi32>
    %eq3A_2948 = arith.constant 3 : i32
    %eq3A_2949 = vector.broadcast %eq3A_2948 : i32 to vector<1x64xi32>
    %eq3A_2950 = arith.cmpi eq, %get3A_2944, %eq3A_2949 : vector<1x64xi32>
    %eq3A_2951 = arith.constant 4 : i32
    %eq3A_2952 = vector.broadcast %eq3A_2951 : i32 to vector<1x64xi32>
    %eq3A_2953 = arith.cmpi eq, %get3A_2944, %eq3A_2952 : vector<1x64xi32>
    %eq3A_2954 = arith.constant 5 : i32
    %eq3A_2955 = vector.broadcast %eq3A_2954 : i32 to vector<1x64xi32>
    %eq3A_2956 = arith.cmpi eq, %get3A_2944, %eq3A_2955 : vector<1x64xi32>
    %jit3A_2957 = arith.constant 2.500000e-01 : f32
    %jit3A_2958 = arith.constant 2.000000e-01 : f32
    %broadcast_in_dim3A_2959 = vector.broadcast %jit3A_2957 : f32 to vector<1x64xf32>
    %broadcast_in_dim3A_2960 = vector.broadcast %jit3A_2958 : f32 to vector<1x64xf32>
    %select_n3A_2961 = arith.select %eq3A_2956, %broadcast_in_dim3A_2959, %broadcast_in_dim3A_2960 : vector<1x64xi1>, vector<1x64xf32>
    %jit3A_2962 = arith.constant 0.333333343 : f32
    %broadcast_in_dim3A_2963 = vector.broadcast %jit3A_2962 : f32 to vector<1x64xf32>
    %select_n3A_2964 = arith.select %eq3A_2953, %broadcast_in_dim3A_2963, %select_n3A_2961 : vector<1x64xi1>, vector<1x64xf32>
    %jit3A_2965 = arith.constant 5.000000e-01 : f32
    %broadcast_in_dim3A_2966 = vector.broadcast %jit3A_2965 : f32 to vector<1x64xf32>
    %select_n3A_2967 = arith.select %eq3A_2950, %broadcast_in_dim3A_2966, %select_n3A_2964 : vector<1x64xi1>, vector<1x64xf32>
    %jit3A_2968 = arith.constant 1.000000e+00 : f32
    %broadcast_in_dim3A_2969 = vector.broadcast %jit3A_2968 : f32 to vector<1x64xf32>
    %select_n3A_2970 = arith.select %le3A_2947, %broadcast_in_dim3A_2969, %select_n3A_2967 : vector<1x64xi1>, vector<1x64xf32>
    %get3A_2971 = arith.constant 0 : index
    %get3A_2972 = arith.constant 55 : index
    %get3A_2973 = arith.constant 0 : index
    %get3A_2974 = arith.constant 0 : index
    %get3A_2975 = vector.load %arg1[%get3A_2971, %get3A_2972, %get3A_2973, %get3A_2974] : memref<1x64x64x128xf32, #tpu.memory_space<vmem>>, vector<1x1x64x32xf32>
    %get3A_2976 = vector.shape_cast %get3A_2975 : vector<1x1x64x32xf32> to vector<64x32xf32>
    %dot_general3A_2977 = arith.constant dense<0.000000e+00> : vector<32x64xf32>
    %dot_general3A_2978 = tpu.matmul %convert_element_type3A_11, %get3A_2976, %dot_general3A_2977 {dimension_numbers = #tpu.dot_dimension_numbers<[1], [1], [0], [0], [0, 0, 1, 0], [], []>, transpose_lhs_hint = false} : vector<32x32xf32>, vector<64x32xf32>, vector<32x64xf32> -> vector<32x64xf32>
    %mul3A_2979 = vector.broadcast %select_n3A_2970 : vector<1x64xf32> to vector<32x64xf32>
    %mul3A_2980 = arith.mulf %dot_general3A_2978, %mul3A_2979 : vector<32x64xf32>
    %slice3A_2981 = vector.extract_strided_slice %mul3A_5 {offsets = [56, 0], sizes = [1, 65], strides = [1, 1]} : vector<65x65xf32> to vector<1x65xf32>
    %add3A_2982 = vector.broadcast %slice3A_2981 : vector<1x65xf32> to vector<32x65xf32>
    %add3A_2983 = arith.addf %add3A_2982, %select_n3A : vector<32x65xf32>
    %concatenate3A_2984 = tpu.concatenate %broadcast_in_dim3A_20, %mul3A_2980 in 1 : vector<32x1xf32>, vector<32x64xf32> -> vector<32x65xf32>
    %add3A_2985 = arith.addf %add3A_2983, %concatenate3A_2984 : vector<32x65xf32>
    %swap3A_2986 = arith.constant 0 : index
    %swap3A_2987 = arith.constant 0 : index
    %swap3A_2988 = arith.constant 56 : index
    %swap3A_2989 = arith.constant 0 : index
    %swap3A_2990 = vector.load %arg5[%swap3A_2986, %swap3A_2987, %swap3A_2988, %swap3A_2989] : memref<1x32x65x65xf32, #tpu.memory_space<vmem>>, vector<1x32x1x65xf32>
    %swap3A_2991 = vector.shape_cast %swap3A_2990 : vector<1x32x1x65xf32> to vector<32x65xf32>
    %swap3A_2992 = vector.shape_cast %add3A_2985 : vector<32x65xf32> to vector<1x32x1x65xf32>
    tpu.vector_store %arg5[%swap3A_2986, %swap3A_2987, %swap3A_2988, %swap3A_2989], %swap3A_2992 {strides = array<i32>} : memref<1x32x65x65xf32, #tpu.memory_space<vmem>>, vector<1x32x1x65xf32>,
    %get3A_2993 = arith.constant 0 : index
    %get3A_2994 = arith.constant 56 : index
    %get3A_2995 = arith.constant 0 : index
    %get3A_2996 = vector.load %arg2[%get3A_2993, %get3A_2994, %get3A_2995] : memref<1x64x64xi32, #tpu.memory_space<vmem>>, vector<1x1x64xi32>
    %get3A_2997 = vector.shape_cast %get3A_2996 : vector<1x1x64xi32> to vector<1x64xi32>
    %le3A_2998 = arith.constant 2 : i32
    %le3A_2999 = vector.broadcast %le3A_2998 : i32 to vector<1x64xi32>
    %le3A_3000 = arith.cmpi sle, %get3A_2997, %le3A_2999 : vector<1x64xi32>
    %eq3A_3001 = arith.constant 3 : i32
    %eq3A_3002 = vector.broadcast %eq3A_3001 : i32 to vector<1x64xi32>
    %eq3A_3003 = arith.cmpi eq, %get3A_2997, %eq3A_3002 : vector<1x64xi32>
    %eq3A_3004 = arith.constant 4 : i32
    %eq3A_3005 = vector.broadcast %eq3A_3004 : i32 to vector<1x64xi32>
    %eq3A_3006 = arith.cmpi eq, %get3A_2997, %eq3A_3005 : vector<1x64xi32>
    %eq3A_3007 = arith.constant 5 : i32
    %eq3A_3008 = vector.broadcast %eq3A_3007 : i32 to vector<1x64xi32>
    %eq3A_3009 = arith.cmpi eq, %get3A_2997, %eq3A_3008 : vector<1x64xi32>
    %jit3A_3010 = arith.constant 2.500000e-01 : f32
    %jit3A_3011 = arith.constant 2.000000e-01 : f32
    %broadcast_in_dim3A_3012 = vector.broadcast %jit3A_3010 : f32 to vector<1x64xf32>
    %broadcast_in_dim3A_3013 = vector.broadcast %jit3A_3011 : f32 to vector<1x64xf32>
    %select_n3A_3014 = arith.select %eq3A_3009, %broadcast_in_dim3A_3012, %broadcast_in_dim3A_3013 : vector<1x64xi1>, vector<1x64xf32>
    %jit3A_3015 = arith.constant 0.333333343 : f32
    %broadcast_in_dim3A_3016 = vector.broadcast %jit3A_3015 : f32 to vector<1x64xf32>
    %select_n3A_3017 = arith.select %eq3A_3006, %broadcast_in_dim3A_3016, %select_n3A_3014 : vector<1x64xi1>, vector<1x64xf32>
    %jit3A_3018 = arith.constant 5.000000e-01 : f32
    %broadcast_in_dim3A_3019 = vector.broadcast %jit3A_3018 : f32 to vector<1x64xf32>
    %select_n3A_3020 = arith.select %eq3A_3003, %broadcast_in_dim3A_3019, %select_n3A_3017 : vector<1x64xi1>, vector<1x64xf32>
    %jit3A_3021 = arith.constant 1.000000e+00 : f32
    %broadcast_in_dim3A_3022 = vector.broadcast %jit3A_3021 : f32 to vector<1x64xf32>
    %select_n3A_3023 = arith.select %le3A_3000, %broadcast_in_dim3A_3022, %select_n3A_3020 : vector<1x64xi1>, vector<1x64xf32>
    %get3A_3024 = arith.constant 0 : index
    %get3A_3025 = arith.constant 56 : index
    %get3A_3026 = arith.constant 0 : index
    %get3A_3027 = arith.constant 0 : index
    %get3A_3028 = vector.load %arg1[%get3A_3024, %get3A_3025, %get3A_3026, %get3A_3027] : memref<1x64x64x128xf32, #tpu.memory_space<vmem>>, vector<1x1x64x32xf32>
    %get3A_3029 = vector.shape_cast %get3A_3028 : vector<1x1x64x32xf32> to vector<64x32xf32>
    %dot_general3A_3030 = arith.constant dense<0.000000e+00> : vector<32x64xf32>
    %dot_general3A_3031 = tpu.matmul %convert_element_type3A_11, %get3A_3029, %dot_general3A_3030 {dimension_numbers = #tpu.dot_dimension_numbers<[1], [1], [0], [0], [0, 0, 1, 0], [], []>, transpose_lhs_hint = false} : vector<32x32xf32>, vector<64x32xf32>, vector<32x64xf32> -> vector<32x64xf32>
    %mul3A_3032 = vector.broadcast %select_n3A_3023 : vector<1x64xf32> to vector<32x64xf32>
    %mul3A_3033 = arith.mulf %dot_general3A_3031, %mul3A_3032 : vector<32x64xf32>
    %slice3A_3034 = vector.extract_strided_slice %mul3A_5 {offsets = [57, 0], sizes = [1, 65], strides = [1, 1]} : vector<65x65xf32> to vector<1x65xf32>
    %add3A_3035 = vector.broadcast %slice3A_3034 : vector<1x65xf32> to vector<32x65xf32>
    %add3A_3036 = arith.addf %add3A_3035, %select_n3A : vector<32x65xf32>
    %concatenate3A_3037 = tpu.concatenate %broadcast_in_dim3A_20, %mul3A_3033 in 1 : vector<32x1xf32>, vector<32x64xf32> -> vector<32x65xf32>
    %add3A_3038 = arith.addf %add3A_3036, %concatenate3A_3037 : vector<32x65xf32>
    %swap3A_3039 = arith.constant 0 : index
    %swap3A_3040 = arith.constant 0 : index
    %swap3A_3041 = arith.constant 57 : index
    %swap3A_3042 = arith.constant 0 : index
    %swap3A_3043 = vector.load %arg5[%swap3A_3039, %swap3A_3040, %swap3A_3041, %swap3A_3042] : memref<1x32x65x65xf32, #tpu.memory_space<vmem>>, vector<1x32x1x65xf32>
    %swap3A_3044 = vector.shape_cast %swap3A_3043 : vector<1x32x1x65xf32> to vector<32x65xf32>
    %swap3A_3045 = vector.shape_cast %add3A_3038 : vector<32x65xf32> to vector<1x32x1x65xf32>
    tpu.vector_store %arg5[%swap3A_3039, %swap3A_3040, %swap3A_3041, %swap3A_3042], %swap3A_3045 {strides = array<i32>} : memref<1x32x65x65xf32, #tpu.memory_space<vmem>>, vector<1x32x1x65xf32>,
    %get3A_3046 = arith.constant 0 : index
    %get3A_3047 = arith.constant 57 : index
    %get3A_3048 = arith.constant 0 : index
    %get3A_3049 = vector.load %arg2[%get3A_3046, %get3A_3047, %get3A_3048] : memref<1x64x64xi32, #tpu.memory_space<vmem>>, vector<1x1x64xi32>
    %get3A_3050 = vector.shape_cast %get3A_3049 : vector<1x1x64xi32> to vector<1x64xi32>
    %le3A_3051 = arith.constant 2 : i32
    %le3A_3052 = vector.broadcast %le3A_3051 : i32 to vector<1x64xi32>
    %le3A_3053 = arith.cmpi sle, %get3A_3050, %le3A_3052 : vector<1x64xi32>
    %eq3A_3054 = arith.constant 3 : i32
    %eq3A_3055 = vector.broadcast %eq3A_3054 : i32 to vector<1x64xi32>
    %eq3A_3056 = arith.cmpi eq, %get3A_3050, %eq3A_3055 : vector<1x64xi32>
    %eq3A_3057 = arith.constant 4 : i32
    %eq3A_3058 = vector.broadcast %eq3A_3057 : i32 to vector<1x64xi32>
    %eq3A_3059 = arith.cmpi eq, %get3A_3050, %eq3A_3058 : vector<1x64xi32>
    %eq3A_3060 = arith.constant 5 : i32
    %eq3A_3061 = vector.broadcast %eq3A_3060 : i32 to vector<1x64xi32>
    %eq3A_3062 = arith.cmpi eq, %get3A_3050, %eq3A_3061 : vector<1x64xi32>
    %jit3A_3063 = arith.constant 2.500000e-01 : f32
    %jit3A_3064 = arith.constant 2.000000e-01 : f32
    %broadcast_in_dim3A_3065 = vector.broadcast %jit3A_3063 : f32 to vector<1x64xf32>
    %broadcast_in_dim3A_3066 = vector.broadcast %jit3A_3064 : f32 to vector<1x64xf32>
    %select_n3A_3067 = arith.select %eq3A_3062, %broadcast_in_dim3A_3065, %broadcast_in_dim3A_3066 : vector<1x64xi1>, vector<1x64xf32>
    %jit3A_3068 = arith.constant 0.333333343 : f32
    %broadcast_in_dim3A_3069 = vector.broadcast %jit3A_3068 : f32 to vector<1x64xf32>
    %select_n3A_3070 = arith.select %eq3A_3059, %broadcast_in_dim3A_3069, %select_n3A_3067 : vector<1x64xi1>, vector<1x64xf32>
    %jit3A_3071 = arith.constant 5.000000e-01 : f32
    %broadcast_in_dim3A_3072 = vector.broadcast %jit3A_3071 : f32 to vector<1x64xf32>
    %select_n3A_3073 = arith.select %eq3A_3056, %broadcast_in_dim3A_3072, %select_n3A_3070 : vector<1x64xi1>, vector<1x64xf32>
    %jit3A_3074 = arith.constant 1.000000e+00 : f32
    %broadcast_in_dim3A_3075 = vector.broadcast %jit3A_3074 : f32 to vector<1x64xf32>
    %select_n3A_3076 = arith.select %le3A_3053, %broadcast_in_dim3A_3075, %select_n3A_3073 : vector<1x64xi1>, vector<1x64xf32>
    %get3A_3077 = arith.constant 0 : index
    %get3A_3078 = arith.constant 57 : index
    %get3A_3079 = arith.constant 0 : index
    %get3A_3080 = arith.constant 0 : index
    %get3A_3081 = vector.load %arg1[%get3A_3077, %get3A_3078, %get3A_3079, %get3A_3080] : memref<1x64x64x128xf32, #tpu.memory_space<vmem>>, vector<1x1x64x32xf32>
    %get3A_3082 = vector.shape_cast %get3A_3081 : vector<1x1x64x32xf32> to vector<64x32xf32>
    %dot_general3A_3083 = arith.constant dense<0.000000e+00> : vector<32x64xf32>
    %dot_general3A_3084 = tpu.matmul %convert_element_type3A_11, %get3A_3082, %dot_general3A_3083 {dimension_numbers = #tpu.dot_dimension_numbers<[1], [1], [0], [0], [0, 0, 1, 0], [], []>, transpose_lhs_hint = false} : vector<32x32xf32>, vector<64x32xf32>, vector<32x64xf32> -> vector<32x64xf32>
    %mul3A_3085 = vector.broadcast %select_n3A_3076 : vector<1x64xf32> to vector<32x64xf32>
    %mul3A_3086 = arith.mulf %dot_general3A_3084, %mul3A_3085 : vector<32x64xf32>
    %slice3A_3087 = vector.extract_strided_slice %mul3A_5 {offsets = [58, 0], sizes = [1, 65], strides = [1, 1]} : vector<65x65xf32> to vector<1x65xf32>
    %add3A_3088 = vector.broadcast %slice3A_3087 : vector<1x65xf32> to vector<32x65xf32>
    %add3A_3089 = arith.addf %add3A_3088, %select_n3A : vector<32x65xf32>
    %concatenate3A_3090 = tpu.concatenate %broadcast_in_dim3A_20, %mul3A_3086 in 1 : vector<32x1xf32>, vector<32x64xf32> -> vector<32x65xf32>
    %add3A_3091 = arith.addf %add3A_3089, %concatenate3A_3090 : vector<32x65xf32>
    %swap3A_3092 = arith.constant 0 : index
    %swap3A_3093 = arith.constant 0 : index
    %swap3A_3094 = arith.constant 58 : index
    %swap3A_3095 = arith.constant 0 : index
    %swap3A_3096 = vector.load %arg5[%swap3A_3092, %swap3A_3093, %swap3A_3094, %swap3A_3095] : memref<1x32x65x65xf32, #tpu.memory_space<vmem>>, vector<1x32x1x65xf32>
    %swap3A_3097 = vector.shape_cast %swap3A_3096 : vector<1x32x1x65xf32> to vector<32x65xf32>
    %swap3A_3098 = vector.shape_cast %add3A_3091 : vector<32x65xf32> to vector<1x32x1x65xf32>
    tpu.vector_store %arg5[%swap3A_3092, %swap3A_3093, %swap3A_3094, %swap3A_3095], %swap3A_3098 {strides = array<i32>} : memref<1x32x65x65xf32, #tpu.memory_space<vmem>>, vector<1x32x1x65xf32>,
    %get3A_3099 = arith.constant 0 : index
    %get3A_3100 = arith.constant 58 : index
    %get3A_3101 = arith.constant 0 : index
    %get3A_3102 = vector.load %arg2[%get3A_3099, %get3A_3100, %get3A_3101] : memref<1x64x64xi32, #tpu.memory_space<vmem>>, vector<1x1x64xi32>
    %get3A_3103 = vector.shape_cast %get3A_3102 : vector<1x1x64xi32> to vector<1x64xi32>
    %le3A_3104 = arith.constant 2 : i32
    %le3A_3105 = vector.broadcast %le3A_3104 : i32 to vector<1x64xi32>
    %le3A_3106 = arith.cmpi sle, %get3A_3103, %le3A_3105 : vector<1x64xi32>
    %eq3A_3107 = arith.constant 3 : i32
    %eq3A_3108 = vector.broadcast %eq3A_3107 : i32 to vector<1x64xi32>
    %eq3A_3109 = arith.cmpi eq, %get3A_3103, %eq3A_3108 : vector<1x64xi32>
    %eq3A_3110 = arith.constant 4 : i32
    %eq3A_3111 = vector.broadcast %eq3A_3110 : i32 to vector<1x64xi32>
    %eq3A_3112 = arith.cmpi eq, %get3A_3103, %eq3A_3111 : vector<1x64xi32>
    %eq3A_3113 = arith.constant 5 : i32
    %eq3A_3114 = vector.broadcast %eq3A_3113 : i32 to vector<1x64xi32>
    %eq3A_3115 = arith.cmpi eq, %get3A_3103, %eq3A_3114 : vector<1x64xi32>
    %jit3A_3116 = arith.constant 2.500000e-01 : f32
    %jit3A_3117 = arith.constant 2.000000e-01 : f32
    %broadcast_in_dim3A_3118 = vector.broadcast %jit3A_3116 : f32 to vector<1x64xf32>
    %broadcast_in_dim3A_3119 = vector.broadcast %jit3A_3117 : f32 to vector<1x64xf32>
    %select_n3A_3120 = arith.select %eq3A_3115, %broadcast_in_dim3A_3118, %broadcast_in_dim3A_3119 : vector<1x64xi1>, vector<1x64xf32>
    %jit3A_3121 = arith.constant 0.333333343 : f32
    %broadcast_in_dim3A_3122 = vector.broadcast %jit3A_3121 : f32 to vector<1x64xf32>
    %select_n3A_3123 = arith.select %eq3A_3112, %broadcast_in_dim3A_3122, %select_n3A_3120 : vector<1x64xi1>, vector<1x64xf32>
    %jit3A_3124 = arith.constant 5.000000e-01 : f32
    %broadcast_in_dim3A_3125 = vector.broadcast %jit3A_3124 : f32 to vector<1x64xf32>
    %select_n3A_3126 = arith.select %eq3A_3109, %broadcast_in_dim3A_3125, %select_n3A_3123 : vector<1x64xi1>, vector<1x64xf32>
    %jit3A_3127 = arith.constant 1.000000e+00 : f32
    %broadcast_in_dim3A_3128 = vector.broadcast %jit3A_3127 : f32 to vector<1x64xf32>
    %select_n3A_3129 = arith.select %le3A_3106, %broadcast_in_dim3A_3128, %select_n3A_3126 : vector<1x64xi1>, vector<1x64xf32>
    %get3A_3130 = arith.constant 0 : index
    %get3A_3131 = arith.constant 58 : index
    %get3A_3132 = arith.constant 0 : index
    %get3A_3133 = arith.constant 0 : index
    %get3A_3134 = vector.load %arg1[%get3A_3130, %get3A_3131, %get3A_3132, %get3A_3133] : memref<1x64x64x128xf32, #tpu.memory_space<vmem>>, vector<1x1x64x32xf32>
    %get3A_3135 = vector.shape_cast %get3A_3134 : vector<1x1x64x32xf32> to vector<64x32xf32>
    %dot_general3A_3136 = arith.constant dense<0.000000e+00> : vector<32x64xf32>
    %dot_general3A_3137 = tpu.matmul %convert_element_type3A_11, %get3A_3135, %dot_general3A_3136 {dimension_numbers = #tpu.dot_dimension_numbers<[1], [1], [0], [0], [0, 0, 1, 0], [], []>, transpose_lhs_hint = false} : vector<32x32xf32>, vector<64x32xf32>, vector<32x64xf32> -> vector<32x64xf32>
    %mul3A_3138 = vector.broadcast %select_n3A_3129 : vector<1x64xf32> to vector<32x64xf32>
    %mul3A_3139 = arith.mulf %dot_general3A_3137, %mul3A_3138 : vector<32x64xf32>
    %slice3A_3140 = vector.extract_strided_slice %mul3A_5 {offsets = [59, 0], sizes = [1, 65], strides = [1, 1]} : vector<65x65xf32> to vector<1x65xf32>
    %add3A_3141 = vector.broadcast %slice3A_3140 : vector<1x65xf32> to vector<32x65xf32>
    %add3A_3142 = arith.addf %add3A_3141, %select_n3A : vector<32x65xf32>
    %concatenate3A_3143 = tpu.concatenate %broadcast_in_dim3A_20, %mul3A_3139 in 1 : vector<32x1xf32>, vector<32x64xf32> -> vector<32x65xf32>
    %add3A_3144 = arith.addf %add3A_3142, %concatenate3A_3143 : vector<32x65xf32>
    %swap3A_3145 = arith.constant 0 : index
    %swap3A_3146 = arith.constant 0 : index
    %swap3A_3147 = arith.constant 59 : index
    %swap3A_3148 = arith.constant 0 : index
    %swap3A_3149 = vector.load %arg5[%swap3A_3145, %swap3A_3146, %swap3A_3147, %swap3A_3148] : memref<1x32x65x65xf32, #tpu.memory_space<vmem>>, vector<1x32x1x65xf32>
    %swap3A_3150 = vector.shape_cast %swap3A_3149 : vector<1x32x1x65xf32> to vector<32x65xf32>
    %swap3A_3151 = vector.shape_cast %add3A_3144 : vector<32x65xf32> to vector<1x32x1x65xf32>
    tpu.vector_store %arg5[%swap3A_3145, %swap3A_3146, %swap3A_3147, %swap3A_3148], %swap3A_3151 {strides = array<i32>} : memref<1x32x65x65xf32, #tpu.memory_space<vmem>>, vector<1x32x1x65xf32>,
    %get3A_3152 = arith.constant 0 : index
    %get3A_3153 = arith.constant 59 : index
    %get3A_3154 = arith.constant 0 : index
    %get3A_3155 = vector.load %arg2[%get3A_3152, %get3A_3153, %get3A_3154] : memref<1x64x64xi32, #tpu.memory_space<vmem>>, vector<1x1x64xi32>
    %get3A_3156 = vector.shape_cast %get3A_3155 : vector<1x1x64xi32> to vector<1x64xi32>
    %le3A_3157 = arith.constant 2 : i32
    %le3A_3158 = vector.broadcast %le3A_3157 : i32 to vector<1x64xi32>
    %le3A_3159 = arith.cmpi sle, %get3A_3156, %le3A_3158 : vector<1x64xi32>
    %eq3A_3160 = arith.constant 3 : i32
    %eq3A_3161 = vector.broadcast %eq3A_3160 : i32 to vector<1x64xi32>
    %eq3A_3162 = arith.cmpi eq, %get3A_3156, %eq3A_3161 : vector<1x64xi32>
    %eq3A_3163 = arith.constant 4 : i32
    %eq3A_3164 = vector.broadcast %eq3A_3163 : i32 to vector<1x64xi32>
    %eq3A_3165 = arith.cmpi eq, %get3A_3156, %eq3A_3164 : vector<1x64xi32>
    %eq3A_3166 = arith.constant 5 : i32
    %eq3A_3167 = vector.broadcast %eq3A_3166 : i32 to vector<1x64xi32>
    %eq3A_3168 = arith.cmpi eq, %get3A_3156, %eq3A_3167 : vector<1x64xi32>
    %jit3A_3169 = arith.constant 2.500000e-01 : f32
    %jit3A_3170 = arith.constant 2.000000e-01 : f32
    %broadcast_in_dim3A_3171 = vector.broadcast %jit3A_3169 : f32 to vector<1x64xf32>
    %broadcast_in_dim3A_3172 = vector.broadcast %jit3A_3170 : f32 to vector<1x64xf32>
    %select_n3A_3173 = arith.select %eq3A_3168, %broadcast_in_dim3A_3171, %broadcast_in_dim3A_3172 : vector<1x64xi1>, vector<1x64xf32>
    %jit3A_3174 = arith.constant 0.333333343 : f32
    %broadcast_in_dim3A_3175 = vector.broadcast %jit3A_3174 : f32 to vector<1x64xf32>
    %select_n3A_3176 = arith.select %eq3A_3165, %broadcast_in_dim3A_3175, %select_n3A_3173 : vector<1x64xi1>, vector<1x64xf32>
    %jit3A_3177 = arith.constant 5.000000e-01 : f32
    %broadcast_in_dim3A_3178 = vector.broadcast %jit3A_3177 : f32 to vector<1x64xf32>
    %select_n3A_3179 = arith.select %eq3A_3162, %broadcast_in_dim3A_3178, %select_n3A_3176 : vector<1x64xi1>, vector<1x64xf32>
    %jit3A_3180 = arith.constant 1.000000e+00 : f32
    %broadcast_in_dim3A_3181 = vector.broadcast %jit3A_3180 : f32 to vector<1x64xf32>
    %select_n3A_3182 = arith.select %le3A_3159, %broadcast_in_dim3A_3181, %select_n3A_3179 : vector<1x64xi1>, vector<1x64xf32>
    %get3A_3183 = arith.constant 0 : index
    %get3A_3184 = arith.constant 59 : index
    %get3A_3185 = arith.constant 0 : index
    %get3A_3186 = arith.constant 0 : index
    %get3A_3187 = vector.load %arg1[%get3A_3183, %get3A_3184, %get3A_3185, %get3A_3186] : memref<1x64x64x128xf32, #tpu.memory_space<vmem>>, vector<1x1x64x32xf32>
    %get3A_3188 = vector.shape_cast %get3A_3187 : vector<1x1x64x32xf32> to vector<64x32xf32>
    %dot_general3A_3189 = arith.constant dense<0.000000e+00> : vector<32x64xf32>
    %dot_general3A_3190 = tpu.matmul %convert_element_type3A_11, %get3A_3188, %dot_general3A_3189 {dimension_numbers = #tpu.dot_dimension_numbers<[1], [1], [0], [0], [0, 0, 1, 0], [], []>, transpose_lhs_hint = false} : vector<32x32xf32>, vector<64x32xf32>, vector<32x64xf32> -> vector<32x64xf32>
    %mul3A_3191 = vector.broadcast %select_n3A_3182 : vector<1x64xf32> to vector<32x64xf32>
    %mul3A_3192 = arith.mulf %dot_general3A_3190, %mul3A_3191 : vector<32x64xf32>
    %slice3A_3193 = vector.extract_strided_slice %mul3A_5 {offsets = [60, 0], sizes = [1, 65], strides = [1, 1]} : vector<65x65xf32> to vector<1x65xf32>
    %add3A_3194 = vector.broadcast %slice3A_3193 : vector<1x65xf32> to vector<32x65xf32>
    %add3A_3195 = arith.addf %add3A_3194, %select_n3A : vector<32x65xf32>
    %concatenate3A_3196 = tpu.concatenate %broadcast_in_dim3A_20, %mul3A_3192 in 1 : vector<32x1xf32>, vector<32x64xf32> -> vector<32x65xf32>
    %add3A_3197 = arith.addf %add3A_3195, %concatenate3A_3196 : vector<32x65xf32>
    %swap3A_3198 = arith.constant 0 : index
    %swap3A_3199 = arith.constant 0 : index
    %swap3A_3200 = arith.constant 60 : index
    %swap3A_3201 = arith.constant 0 : index
    %swap3A_3202 = vector.load %arg5[%swap3A_3198, %swap3A_3199, %swap3A_3200, %swap3A_3201] : memref<1x32x65x65xf32, #tpu.memory_space<vmem>>, vector<1x32x1x65xf32>
    %swap3A_3203 = vector.shape_cast %swap3A_3202 : vector<1x32x1x65xf32> to vector<32x65xf32>
    %swap3A_3204 = vector.shape_cast %add3A_3197 : vector<32x65xf32> to vector<1x32x1x65xf32>
    tpu.vector_store %arg5[%swap3A_3198, %swap3A_3199, %swap3A_3200, %swap3A_3201], %swap3A_3204 {strides = array<i32>} : memref<1x32x65x65xf32, #tpu.memory_space<vmem>>, vector<1x32x1x65xf32>,
    %get3A_3205 = arith.constant 0 : index
    %get3A_3206 = arith.constant 60 : index
    %get3A_3207 = arith.constant 0 : index
    %get3A_3208 = vector.load %arg2[%get3A_3205, %get3A_3206, %get3A_3207] : memref<1x64x64xi32, #tpu.memory_space<vmem>>, vector<1x1x64xi32>
    %get3A_3209 = vector.shape_cast %get3A_3208 : vector<1x1x64xi32> to vector<1x64xi32>
    %le3A_3210 = arith.constant 2 : i32
    %le3A_3211 = vector.broadcast %le3A_3210 : i32 to vector<1x64xi32>
    %le3A_3212 = arith.cmpi sle, %get3A_3209, %le3A_3211 : vector<1x64xi32>
    %eq3A_3213 = arith.constant 3 : i32
    %eq3A_3214 = vector.broadcast %eq3A_3213 : i32 to vector<1x64xi32>
    %eq3A_3215 = arith.cmpi eq, %get3A_3209, %eq3A_3214 : vector<1x64xi32>
    %eq3A_3216 = arith.constant 4 : i32
    %eq3A_3217 = vector.broadcast %eq3A_3216 : i32 to vector<1x64xi32>
    %eq3A_3218 = arith.cmpi eq, %get3A_3209, %eq3A_3217 : vector<1x64xi32>
    %eq3A_3219 = arith.constant 5 : i32
    %eq3A_3220 = vector.broadcast %eq3A_3219 : i32 to vector<1x64xi32>
    %eq3A_3221 = arith.cmpi eq, %get3A_3209, %eq3A_3220 : vector<1x64xi32>
    %jit3A_3222 = arith.constant 2.500000e-01 : f32
    %jit3A_3223 = arith.constant 2.000000e-01 : f32
    %broadcast_in_dim3A_3224 = vector.broadcast %jit3A_3222 : f32 to vector<1x64xf32>
    %broadcast_in_dim3A_3225 = vector.broadcast %jit3A_3223 : f32 to vector<1x64xf32>
    %select_n3A_3226 = arith.select %eq3A_3221, %broadcast_in_dim3A_3224, %broadcast_in_dim3A_3225 : vector<1x64xi1>, vector<1x64xf32>
    %jit3A_3227 = arith.constant 0.333333343 : f32
    %broadcast_in_dim3A_3228 = vector.broadcast %jit3A_3227 : f32 to vector<1x64xf32>
    %select_n3A_3229 = arith.select %eq3A_3218, %broadcast_in_dim3A_3228, %select_n3A_3226 : vector<1x64xi1>, vector<1x64xf32>
    %jit3A_3230 = arith.constant 5.000000e-01 : f32
    %broadcast_in_dim3A_3231 = vector.broadcast %jit3A_3230 : f32 to vector<1x64xf32>
    %select_n3A_3232 = arith.select %eq3A_3215, %broadcast_in_dim3A_3231, %select_n3A_3229 : vector<1x64xi1>, vector<1x64xf32>
    %jit3A_3233 = arith.constant 1.000000e+00 : f32
    %broadcast_in_dim3A_3234 = vector.broadcast %jit3A_3233 : f32 to vector<1x64xf32>
    %select_n3A_3235 = arith.select %le3A_3212, %broadcast_in_dim3A_3234, %select_n3A_3232 : vector<1x64xi1>, vector<1x64xf32>
    %get3A_3236 = arith.constant 0 : index
    %get3A_3237 = arith.constant 60 : index
    %get3A_3238 = arith.constant 0 : index
    %get3A_3239 = arith.constant 0 : index
    %get3A_3240 = vector.load %arg1[%get3A_3236, %get3A_3237, %get3A_3238, %get3A_3239] : memref<1x64x64x128xf32, #tpu.memory_space<vmem>>, vector<1x1x64x32xf32>
    %get3A_3241 = vector.shape_cast %get3A_3240 : vector<1x1x64x32xf32> to vector<64x32xf32>
    %dot_general3A_3242 = arith.constant dense<0.000000e+00> : vector<32x64xf32>
    %dot_general3A_3243 = tpu.matmul %convert_element_type3A_11, %get3A_3241, %dot_general3A_3242 {dimension_numbers = #tpu.dot_dimension_numbers<[1], [1], [0], [0], [0, 0, 1, 0], [], []>, transpose_lhs_hint = false} : vector<32x32xf32>, vector<64x32xf32>, vector<32x64xf32> -> vector<32x64xf32>
    %mul3A_3244 = vector.broadcast %select_n3A_3235 : vector<1x64xf32> to vector<32x64xf32>
    %mul3A_3245 = arith.mulf %dot_general3A_3243, %mul3A_3244 : vector<32x64xf32>
    %slice3A_3246 = vector.extract_strided_slice %mul3A_5 {offsets = [61, 0], sizes = [1, 65], strides = [1, 1]} : vector<65x65xf32> to vector<1x65xf32>
    %add3A_3247 = vector.broadcast %slice3A_3246 : vector<1x65xf32> to vector<32x65xf32>
    %add3A_3248 = arith.addf %add3A_3247, %select_n3A : vector<32x65xf32>
    %concatenate3A_3249 = tpu.concatenate %broadcast_in_dim3A_20, %mul3A_3245 in 1 : vector<32x1xf32>, vector<32x64xf32> -> vector<32x65xf32>
    %add3A_3250 = arith.addf %add3A_3248, %concatenate3A_3249 : vector<32x65xf32>
    %swap3A_3251 = arith.constant 0 : index
    %swap3A_3252 = arith.constant 0 : index
    %swap3A_3253 = arith.constant 61 : index
    %swap3A_3254 = arith.constant 0 : index
    %swap3A_3255 = vector.load %arg5[%swap3A_3251, %swap3A_3252, %swap3A_3253, %swap3A_3254] : memref<1x32x65x65xf32, #tpu.memory_space<vmem>>, vector<1x32x1x65xf32>
    %swap3A_3256 = vector.shape_cast %swap3A_3255 : vector<1x32x1x65xf32> to vector<32x65xf32>
    %swap3A_3257 = vector.shape_cast %add3A_3250 : vector<32x65xf32> to vector<1x32x1x65xf32>
    tpu.vector_store %arg5[%swap3A_3251, %swap3A_3252, %swap3A_3253, %swap3A_3254], %swap3A_3257 {strides = array<i32>} : memref<1x32x65x65xf32, #tpu.memory_space<vmem>>, vector<1x32x1x65xf32>,
    %get3A_3258 = arith.constant 0 : index
    %get3A_3259 = arith.constant 61 : index
    %get3A_3260 = arith.constant 0 : index
    %get3A_3261 = vector.load %arg2[%get3A_3258, %get3A_3259, %get3A_3260] : memref<1x64x64xi32, #tpu.memory_space<vmem>>, vector<1x1x64xi32>
    %get3A_3262 = vector.shape_cast %get3A_3261 : vector<1x1x64xi32> to vector<1x64xi32>
    %le3A_3263 = arith.constant 2 : i32
    %le3A_3264 = vector.broadcast %le3A_3263 : i32 to vector<1x64xi32>
    %le3A_3265 = arith.cmpi sle, %get3A_3262, %le3A_3264 : vector<1x64xi32>
    %eq3A_3266 = arith.constant 3 : i32
    %eq3A_3267 = vector.broadcast %eq3A_3266 : i32 to vector<1x64xi32>
    %eq3A_3268 = arith.cmpi eq, %get3A_3262, %eq3A_3267 : vector<1x64xi32>
    %eq3A_3269 = arith.constant 4 : i32
    %eq3A_3270 = vector.broadcast %eq3A_3269 : i32 to vector<1x64xi32>
    %eq3A_3271 = arith.cmpi eq, %get3A_3262, %eq3A_3270 : vector<1x64xi32>
    %eq3A_3272 = arith.constant 5 : i32
    %eq3A_3273 = vector.broadcast %eq3A_3272 : i32 to vector<1x64xi32>
    %eq3A_3274 = arith.cmpi eq, %get3A_3262, %eq3A_3273 : vector<1x64xi32>
    %jit3A_3275 = arith.constant 2.500000e-01 : f32
    %jit3A_3276 = arith.constant 2.000000e-01 : f32
    %broadcast_in_dim3A_3277 = vector.broadcast %jit3A_3275 : f32 to vector<1x64xf32>
    %broadcast_in_dim3A_3278 = vector.broadcast %jit3A_3276 : f32 to vector<1x64xf32>
    %select_n3A_3279 = arith.select %eq3A_3274, %broadcast_in_dim3A_3277, %broadcast_in_dim3A_3278 : vector<1x64xi1>, vector<1x64xf32>
    %jit3A_3280 = arith.constant 0.333333343 : f32
    %broadcast_in_dim3A_3281 = vector.broadcast %jit3A_3280 : f32 to vector<1x64xf32>
    %select_n3A_3282 = arith.select %eq3A_3271, %broadcast_in_dim3A_3281, %select_n3A_3279 : vector<1x64xi1>, vector<1x64xf32>
    %jit3A_3283 = arith.constant 5.000000e-01 : f32
    %broadcast_in_dim3A_3284 = vector.broadcast %jit3A_3283 : f32 to vector<1x64xf32>
    %select_n3A_3285 = arith.select %eq3A_3268, %broadcast_in_dim3A_3284, %select_n3A_3282 : vector<1x64xi1>, vector<1x64xf32>
    %jit3A_3286 = arith.constant 1.000000e+00 : f32
    %broadcast_in_dim3A_3287 = vector.broadcast %jit3A_3286 : f32 to vector<1x64xf32>
    %select_n3A_3288 = arith.select %le3A_3265, %broadcast_in_dim3A_3287, %select_n3A_3285 : vector<1x64xi1>, vector<1x64xf32>
    %get3A_3289 = arith.constant 0 : index
    %get3A_3290 = arith.constant 61 : index
    %get3A_3291 = arith.constant 0 : index
    %get3A_3292 = arith.constant 0 : index
    %get3A_3293 = vector.load %arg1[%get3A_3289, %get3A_3290, %get3A_3291, %get3A_3292] : memref<1x64x64x128xf32, #tpu.memory_space<vmem>>, vector<1x1x64x32xf32>
    %get3A_3294 = vector.shape_cast %get3A_3293 : vector<1x1x64x32xf32> to vector<64x32xf32>
    %dot_general3A_3295 = arith.constant dense<0.000000e+00> : vector<32x64xf32>
    %dot_general3A_3296 = tpu.matmul %convert_element_type3A_11, %get3A_3294, %dot_general3A_3295 {dimension_numbers = #tpu.dot_dimension_numbers<[1], [1], [0], [0], [0, 0, 1, 0], [], []>, transpose_lhs_hint = false} : vector<32x32xf32>, vector<64x32xf32>, vector<32x64xf32> -> vector<32x64xf32>
    %mul3A_3297 = vector.broadcast %select_n3A_3288 : vector<1x64xf32> to vector<32x64xf32>
    %mul3A_3298 = arith.mulf %dot_general3A_3296, %mul3A_3297 : vector<32x64xf32>
    %slice3A_3299 = vector.extract_strided_slice %mul3A_5 {offsets = [62, 0], sizes = [1, 65], strides = [1, 1]} : vector<65x65xf32> to vector<1x65xf32>
    %add3A_3300 = vector.broadcast %slice3A_3299 : vector<1x65xf32> to vector<32x65xf32>
    %add3A_3301 = arith.addf %add3A_3300, %select_n3A : vector<32x65xf32>
    %concatenate3A_3302 = tpu.concatenate %broadcast_in_dim3A_20, %mul3A_3298 in 1 : vector<32x1xf32>, vector<32x64xf32> -> vector<32x65xf32>
    %add3A_3303 = arith.addf %add3A_3301, %concatenate3A_3302 : vector<32x65xf32>
    %swap3A_3304 = arith.constant 0 : index
    %swap3A_3305 = arith.constant 0 : index
    %swap3A_3306 = arith.constant 62 : index
    %swap3A_3307 = arith.constant 0 : index
    %swap3A_3308 = vector.load %arg5[%swap3A_3304, %swap3A_3305, %swap3A_3306, %swap3A_3307] : memref<1x32x65x65xf32, #tpu.memory_space<vmem>>, vector<1x32x1x65xf32>
    %swap3A_3309 = vector.shape_cast %swap3A_3308 : vector<1x32x1x65xf32> to vector<32x65xf32>
    %swap3A_3310 = vector.shape_cast %add3A_3303 : vector<32x65xf32> to vector<1x32x1x65xf32>
    tpu.vector_store %arg5[%swap3A_3304, %swap3A_3305, %swap3A_3306, %swap3A_3307], %swap3A_3310 {strides = array<i32>} : memref<1x32x65x65xf32, #tpu.memory_space<vmem>>, vector<1x32x1x65xf32>,
    %get3A_3311 = arith.constant 0 : index
    %get3A_3312 = arith.constant 62 : index
    %get3A_3313 = arith.constant 0 : index
    %get3A_3314 = vector.load %arg2[%get3A_3311, %get3A_3312, %get3A_3313] : memref<1x64x64xi32, #tpu.memory_space<vmem>>, vector<1x1x64xi32>
    %get3A_3315 = vector.shape_cast %get3A_3314 : vector<1x1x64xi32> to vector<1x64xi32>
    %le3A_3316 = arith.constant 2 : i32
    %le3A_3317 = vector.broadcast %le3A_3316 : i32 to vector<1x64xi32>
    %le3A_3318 = arith.cmpi sle, %get3A_3315, %le3A_3317 : vector<1x64xi32>
    %eq3A_3319 = arith.constant 3 : i32
    %eq3A_3320 = vector.broadcast %eq3A_3319 : i32 to vector<1x64xi32>
    %eq3A_3321 = arith.cmpi eq, %get3A_3315, %eq3A_3320 : vector<1x64xi32>
    %eq3A_3322 = arith.constant 4 : i32
    %eq3A_3323 = vector.broadcast %eq3A_3322 : i32 to vector<1x64xi32>
    %eq3A_3324 = arith.cmpi eq, %get3A_3315, %eq3A_3323 : vector<1x64xi32>
    %eq3A_3325 = arith.constant 5 : i32
    %eq3A_3326 = vector.broadcast %eq3A_3325 : i32 to vector<1x64xi32>
    %eq3A_3327 = arith.cmpi eq, %get3A_3315, %eq3A_3326 : vector<1x64xi32>
    %jit3A_3328 = arith.constant 2.500000e-01 : f32
    %jit3A_3329 = arith.constant 2.000000e-01 : f32
    %broadcast_in_dim3A_3330 = vector.broadcast %jit3A_3328 : f32 to vector<1x64xf32>
    %broadcast_in_dim3A_3331 = vector.broadcast %jit3A_3329 : f32 to vector<1x64xf32>
    %select_n3A_3332 = arith.select %eq3A_3327, %broadcast_in_dim3A_3330, %broadcast_in_dim3A_3331 : vector<1x64xi1>, vector<1x64xf32>
    %jit3A_3333 = arith.constant 0.333333343 : f32
    %broadcast_in_dim3A_3334 = vector.broadcast %jit3A_3333 : f32 to vector<1x64xf32>
    %select_n3A_3335 = arith.select %eq3A_3324, %broadcast_in_dim3A_3334, %select_n3A_3332 : vector<1x64xi1>, vector<1x64xf32>
    %jit3A_3336 = arith.constant 5.000000e-01 : f32
    %broadcast_in_dim3A_3337 = vector.broadcast %jit3A_3336 : f32 to vector<1x64xf32>
    %select_n3A_3338 = arith.select %eq3A_3321, %broadcast_in_dim3A_3337, %select_n3A_3335 : vector<1x64xi1>, vector<1x64xf32>
    %jit3A_3339 = arith.constant 1.000000e+00 : f32
    %broadcast_in_dim3A_3340 = vector.broadcast %jit3A_3339 : f32 to vector<1x64xf32>
    %select_n3A_3341 = arith.select %le3A_3318, %broadcast_in_dim3A_3340, %select_n3A_3338 : vector<1x64xi1>, vector<1x64xf32>
    %get3A_3342 = arith.constant 0 : index
    %get3A_3343 = arith.constant 62 : index
    %get3A_3344 = arith.constant 0 : index
    %get3A_3345 = arith.constant 0 : index
    %get3A_3346 = vector.load %arg1[%get3A_3342, %get3A_3343, %get3A_3344, %get3A_3345] : memref<1x64x64x128xf32, #tpu.memory_space<vmem>>, vector<1x1x64x32xf32>
    %get3A_3347 = vector.shape_cast %get3A_3346 : vector<1x1x64x32xf32> to vector<64x32xf32>
    %dot_general3A_3348 = arith.constant dense<0.000000e+00> : vector<32x64xf32>
    %dot_general3A_3349 = tpu.matmul %convert_element_type3A_11, %get3A_3347, %dot_general3A_3348 {dimension_numbers = #tpu.dot_dimension_numbers<[1], [1], [0], [0], [0, 0, 1, 0], [], []>, transpose_lhs_hint = false} : vector<32x32xf32>, vector<64x32xf32>, vector<32x64xf32> -> vector<32x64xf32>
    %mul3A_3350 = vector.broadcast %select_n3A_3341 : vector<1x64xf32> to vector<32x64xf32>
    %mul3A_3351 = arith.mulf %dot_general3A_3349, %mul3A_3350 : vector<32x64xf32>
    %slice3A_3352 = vector.extract_strided_slice %mul3A_5 {offsets = [63, 0], sizes = [1, 65], strides = [1, 1]} : vector<65x65xf32> to vector<1x65xf32>
    %add3A_3353 = vector.broadcast %slice3A_3352 : vector<1x65xf32> to vector<32x65xf32>
    %add3A_3354 = arith.addf %add3A_3353, %select_n3A : vector<32x65xf32>
    %concatenate3A_3355 = tpu.concatenate %broadcast_in_dim3A_20, %mul3A_3351 in 1 : vector<32x1xf32>, vector<32x64xf32> -> vector<32x65xf32>
    %add3A_3356 = arith.addf %add3A_3354, %concatenate3A_3355 : vector<32x65xf32>
    %swap3A_3357 = arith.constant 0 : index
    %swap3A_3358 = arith.constant 0 : index
    %swap3A_3359 = arith.constant 63 : index
    %swap3A_3360 = arith.constant 0 : index
    %swap3A_3361 = vector.load %arg5[%swap3A_3357, %swap3A_3358, %swap3A_3359, %swap3A_3360] : memref<1x32x65x65xf32, #tpu.memory_space<vmem>>, vector<1x32x1x65xf32>
    %swap3A_3362 = vector.shape_cast %swap3A_3361 : vector<1x32x1x65xf32> to vector<32x65xf32>
    %swap3A_3363 = vector.shape_cast %add3A_3356 : vector<32x65xf32> to vector<1x32x1x65xf32>
    tpu.vector_store %arg5[%swap3A_3357, %swap3A_3358, %swap3A_3359, %swap3A_3360], %swap3A_3363 {strides = array<i32>} : memref<1x32x65x65xf32, #tpu.memory_space<vmem>>, vector<1x32x1x65xf32>,
    %get3A_3364 = arith.constant 0 : index
    %get3A_3365 = arith.constant 63 : index
    %get3A_3366 = arith.constant 0 : index
    %get3A_3367 = vector.load %arg2[%get3A_3364, %get3A_3365, %get3A_3366] : memref<1x64x64xi32, #tpu.memory_space<vmem>>, vector<1x1x64xi32>
    %get3A_3368 = vector.shape_cast %get3A_3367 : vector<1x1x64xi32> to vector<1x64xi32>
    %le3A_3369 = arith.constant 2 : i32
    %le3A_3370 = vector.broadcast %le3A_3369 : i32 to vector<1x64xi32>
    %le3A_3371 = arith.cmpi sle, %get3A_3368, %le3A_3370 : vector<1x64xi32>
    %eq3A_3372 = arith.constant 3 : i32
    %eq3A_3373 = vector.broadcast %eq3A_3372 : i32 to vector<1x64xi32>
    %eq3A_3374 = arith.cmpi eq, %get3A_3368, %eq3A_3373 : vector<1x64xi32>
    %eq3A_3375 = arith.constant 4 : i32
    %eq3A_3376 = vector.broadcast %eq3A_3375 : i32 to vector<1x64xi32>
    %eq3A_3377 = arith.cmpi eq, %get3A_3368, %eq3A_3376 : vector<1x64xi32>
    %eq3A_3378 = arith.constant 5 : i32
    %eq3A_3379 = vector.broadcast %eq3A_3378 : i32 to vector<1x64xi32>
    %eq3A_3380 = arith.cmpi eq, %get3A_3368, %eq3A_3379 : vector<1x64xi32>
    %jit3A_3381 = arith.constant 2.500000e-01 : f32
    %jit3A_3382 = arith.constant 2.000000e-01 : f32
    %broadcast_in_dim3A_3383 = vector.broadcast %jit3A_3381 : f32 to vector<1x64xf32>
    %broadcast_in_dim3A_3384 = vector.broadcast %jit3A_3382 : f32 to vector<1x64xf32>
    %select_n3A_3385 = arith.select %eq3A_3380, %broadcast_in_dim3A_3383, %broadcast_in_dim3A_3384 : vector<1x64xi1>, vector<1x64xf32>
    %jit3A_3386 = arith.constant 0.333333343 : f32
    %broadcast_in_dim3A_3387 = vector.broadcast %jit3A_3386 : f32 to vector<1x64xf32>
    %select_n3A_3388 = arith.select %eq3A_3377, %broadcast_in_dim3A_3387, %select_n3A_3385 : vector<1x64xi1>, vector<1x64xf32>
    %jit3A_3389 = arith.constant 5.000000e-01 : f32
    %broadcast_in_dim3A_3390 = vector.broadcast %jit3A_3389 : f32 to vector<1x64xf32>
    %select_n3A_3391 = arith.select %eq3A_3374, %broadcast_in_dim3A_3390, %select_n3A_3388 : vector<1x64xi1>, vector<1x64xf32>
    %jit3A_3392 = arith.constant 1.000000e+00 : f32
    %broadcast_in_dim3A_3393 = vector.broadcast %jit3A_3392 : f32 to vector<1x64xf32>
    %select_n3A_3394 = arith.select %le3A_3371, %broadcast_in_dim3A_3393, %select_n3A_3391 : vector<1x64xi1>, vector<1x64xf32>
    %get3A_3395 = arith.constant 0 : index
    %get3A_3396 = arith.constant 63 : index
    %get3A_3397 = arith.constant 0 : index
    %get3A_3398 = arith.constant 0 : index
    %get3A_3399 = vector.load %arg1[%get3A_3395, %get3A_3396, %get3A_3397, %get3A_3398] : memref<1x64x64x128xf32, #tpu.memory_space<vmem>>, vector<1x1x64x32xf32>
    %get3A_3400 = vector.shape_cast %get3A_3399 : vector<1x1x64x32xf32> to vector<64x32xf32>
    %dot_general3A_3401 = arith.constant dense<0.000000e+00> : vector<32x64xf32>
    %dot_general3A_3402 = tpu.matmul %convert_element_type3A_11, %get3A_3400, %dot_general3A_3401 {dimension_numbers = #tpu.dot_dimension_numbers<[1], [1], [0], [0], [0, 0, 1, 0], [], []>, transpose_lhs_hint = false} : vector<32x32xf32>, vector<64x32xf32>, vector<32x64xf32> -> vector<32x64xf32>
    %mul3A_3403 = vector.broadcast %select_n3A_3394 : vector<1x64xf32> to vector<32x64xf32>
    %mul3A_3404 = arith.mulf %dot_general3A_3402, %mul3A_3403 : vector<32x64xf32>
    %slice3A_3405 = vector.extract_strided_slice %mul3A_5 {offsets = [64, 0], sizes = [1, 65], strides = [1, 1]} : vector<65x65xf32> to vector<1x65xf32>
    %add3A_3406 = vector.broadcast %slice3A_3405 : vector<1x65xf32> to vector<32x65xf32>
    %add3A_3407 = arith.addf %add3A_3406, %select_n3A : vector<32x65xf32>
    %concatenate3A_3408 = tpu.concatenate %broadcast_in_dim3A_20, %mul3A_3404 in 1 : vector<32x1xf32>, vector<32x64xf32> -> vector<32x65xf32>
    %add3A_3409 = arith.addf %add3A_3407, %concatenate3A_3408 : vector<32x65xf32>
    %swap3A_3410 = arith.constant 0 : index
    %swap3A_3411 = arith.constant 0 : index
    %swap3A_3412 = arith.constant 64 : index
    %swap3A_3413 = arith.constant 0 : index
    %swap3A_3414 = vector.load %arg5[%swap3A_3410, %swap3A_3411, %swap3A_3412, %swap3A_3413] : memref<1x32x65x65xf32, #tpu.memory_space<vmem>>, vector<1x32x1x65xf32>
    %swap3A_3415 = vector.shape_cast %swap3A_3414 : vector<1x32x1x65xf32> to vector<32x65xf32>
    %swap3A_3416 = vector.shape_cast %add3A_3409 : vector<32x65xf32> to vector<1x32x1x65xf32>
    tpu.vector_store %arg5[%swap3A_3410, %swap3A_3411, %swap3A_3412, %swap3A_3413], %swap3A_3416 {strides = array<i32>} : memref<1x32x65x65xf32, #tpu.memory_space<vmem>>, vector<1x32x1x65xf32>,
    return
  }
  func.func @transform_0(%arg0: i32) -> (i32, i32, i32, i32) {
    %c0_i32 = arith.constant 0 : i32
    %c0_i32_0 = arith.constant 0 : i32
    %c0_i32_1 = arith.constant 0 : i32
    %c0_i32_2 = arith.constant 0 : i32
    return %arg0, %c0_i32, %c0_i32_0, %c0_i32_1 : i32, i32, i32, i32
  }
  func.func @transform_1(%arg0: i32) -> (i32, i32, i32) {
    %c0_i32 = arith.constant 0 : i32
    %c0_i32_0 = arith.constant 0 : i32
    %c0_i32_1 = arith.constant 0 : i32
    return %arg0, %c0_i32, %c0_i32_0 : i32, i32, i32
  }
  func.func @transform_2(%arg0: i32) -> (i32, i32, i32) {
    %c0_i32 = arith.constant 0 : i32
    %c0_i32_0 = arith.constant 0 : i32
    %c0_i32_1 = arith.constant 0 : i32
    return %arg0, %c0_i32, %c0_i32_0 : i32, i32, i32
  }
  func.func @transform_3(%arg0: i32) -> (i32, i32) {
    %c0_i32 = arith.constant 0 : i32
    %c0_i32_0 = arith.constant 0 : i32
    %c0_i32_1 = arith.constant 0 : i32
    return %c0_i32, %c0_i32_0 : i32, i32
  }
  func.func @transform_4(%arg0: i32) -> (i32, i32, i32, i32) {
    %c0_i32 = arith.constant 0 : i32
    %c0_i32_0 = arith.constant 0 : i32
    %c0_i32_1 = arith.constant 0 : i32
    %c0_i32_2 = arith.constant 0 : i32
    return %arg0, %c0_i32, %c0_i32_0, %c0_i32_1 : i32, i32, i32, i32
  }
}

</mosaic_0001>

<sc_bundles>
// kernel: kernel.5.cloned.1.call-start
scs
__scs_entry_jumppad:
0x0: {  	(pc) =	sbr.rel $0x88, $3  }
0x1: {  	(tag) =	ssettag $0x0;
	lr =	simm.s32 $0x1  }
0x2: {  	[smem:$0x3F9A] =	sst lr;
	_ =	strace $0xD0000000  }
0x3: {  	_ = 	snop  }
0x4: {  	_ = 	snop  }
0x5: {  	_ = 	snop  }
0x6: {  	_ = 	snop  }
0x7: {  	_ = 	snop  }
__scs_overlays_trampoline_lowered:
0x8: {  	[smem:$0x3FA9] =	sst s0  }
0x9: {  	[smem:$0x3FAA] =	sst s1  }
0xa: {  	[smem:$0x3FAB] =	sst s2  }
0xb: {  	[smem:$0x3FAC] =	sst s3  }
0xc: {  	[smem:$0x3FAD] =	sst s4  }
0xd: {  	[smem:$0x3FAE] =	sst s5  }
0xe: {  	[smem:$0x3FAF] =	sst s6  }
0xf: {  	[smem:$0x3FB0] =	sst s7  }
0x10: {  	[smem:$0x3FB1] =	sst s8  }
0x11: {  	[smem:$0x3FB2] =	sst s9;
	s0 =	simm.s32 @!p0 $0x0  }
0x12: {  	s1 =	sld [smem:$0x3F98];
	s0 =	simm.s32 @p0 $0x1  }
0x13: {  	[smem:$0x3FB3] =	sst s0;
	s0 =	simm.s32 @!p1 $0x0  }
0x14: {  	s2 =	sld [smem:$0x3F97];
	s0 =	simm.s32 @p1 $0x1  }
0x15: {  	[smem:$0x3FB4] =	sst s0;
	s0 =	simm.s32 @!p2 $0x0  }
0x16: {  	s3 =	sld [smem:$0x3FDB];
	s0 =	simm.s32 @p2 $0x1  }
0x17: {  	s4 =	simm.s32 $0x1BF5;
	[smem:$0x3FB6] =	sst s0  }
0x18: {  	s0 =	sld [smem:$0x3F99];
	_ =	swait.ge [sflag:s4], $0x0  }
0x19: {  	s7 =	sld [smem:$0x3F9A]  }
0x1a: {  	s8 =	sadd.s32 $0xFFFFE003, lr  }
0x1b: {  	s9 =	sadd.s32 $0xFFFFFEF7, lr;
	s5 =	simm.s32 $0xFFFFFFFF;
	p2 =	slt.u32 s8, $0xFFFFF086  }
0x1c: {  	p1 =	slt.u32 s9, $0xF7A;
	s5 =	simm.s32 @!p2 $0x0  }
0x1d: {  	s5 =	simm.s32 @p1 $0x1;
	p0 =	seq.s32 s7, s2  }
0x1e: {  	s7 =	smul.u32 @!p0 $0xF7A, s2;
	p2 =	seq.s32 @!p0 s5, $0x0  }
0x1f: {  	s9 =	smul.u32 $0xF7A, s1;
	s8 =	simm.s32 @!p0 $0x1BF5;
	p2 =	por !p2, p0  }
0x20: {  	[sflag:s8] =	ssyncset.s32 @!p0 $0xFFFFF086;
	s6 =	sadd.s32 @!p0 s3, s7;
	s7 =	simm.s32 @!p0 $0x108  }
0x21: {  	s3 =	sadd.s32 s3, s9;
	s6 =	sadd.s32 @!p0 $0x88, s6;
	s7 =	simm.s32 @p2 $0x1082  }
0x22: {  	[simem:s7], [sflag:s8] =	dma.local @!p0 [hbm:s6], $0xF7A  }
0x23: {  	s9 =	sor.u32 $0xD0000000, s2;
	s6 =	simm.s32 $0x108;
	_ =	swait.ge @!p0 [sflag:s8], $0x0  }
0x24: {  	s3 =	sadd.s32 $0x88, s3;
	s6 =	simm.s32 @!p1 $0x1082;
	[sflag:s4] =	ssyncset.s32 $0xFFFFF086  }
0x25: {  	[simem:s6], [sflag:s4] =	dma.local [hbm:s3], $0xF7A  }
0x26: {  	[smem:$0x3F9A] =	sst s1;
	(tag) =	ssettag s2;
	_ =	strace s9  }
0x27: {  	s1 =	sld [smem:$0x3FAA]  }
0x28: {  	s2 =	sld [smem:$0x3FAB]  }
0x29: {  	s4 =	sld [smem:$0x3FAD]  }
0x2a: {  	p0 =	seq.s32 s5, $0x0;
	s5 =	sld [smem:$0x3FAE]  }
0x2b: {  	s6 =	sld [smem:$0x3FAF]  }
0x2c: {  	s7 =	sld [smem:$0x3FB0]  }
0x2d: {  	s3 =	simm.s32 $0x108;
	s8 =	sld [smem:$0x3FB1]  }
0x2e: {  	s3 =	simm.s32 @!p0 $0x1082;
	s9 =	sld [smem:$0x3FB2]  }
0x2f: {  	lr =	sadd.s32 s0, s3;
	s0 =	sld [smem:$0x3FA9]  }
0x30: {  	s3 =	sld [smem:$0x3FAC]  }
0x31: {  	[smem:$0x3FB5] =	sst s10  }
0x32: {  	s10 =	sld [smem:$0x3FB3];
	_ =	sdelay $0x3  }
0x33: {  	p0 =	seq.s32 s10, $0x1;
	s10 =	sld [smem:$0x3FB5];
	_ =	sdelay $0x3  }
0x34: {  	[smem:$0x3FB5] =	sst s10  }
0x35: {  	s10 =	sld [smem:$0x3FB4];
	_ =	sdelay $0x3  }
0x36: {  	p1 =	seq.s32 s10, $0x1;
	s10 =	sld [smem:$0x3FB5];
	_ =	sdelay $0x3  }
0x37: {  	[smem:$0x3FB5] =	sst s10  }
0x38: {  	s10 =	sld [smem:$0x3FB6]  }
0x39: {  	_ = 	snop;
	(pc) =	sbr.ind lr, $3  }
0x3a: {  	_ = 	snop  }
0x3b: {  	_ = 	snop  }
0x3c: {  	p2 =	seq.s32 s10, $0x1;
	s10 =	sld [smem:$0x3FB5]  }
0x3d: {  	_ =	shalt  }
0x3e: {  	_ =	shalt  }
0x3f: {  	_ =	shalt  }
0x40: {  	_ =	shalt  }
0x41: {  	_ =	shalt  }
0x42: {  	_ =	shalt  }
0x43: {  	_ =	shalt  }
0x44: {  	_ =	shalt  }
0x45: {  	_ =	shalt  }
0x46: {  	_ =	shalt  }
0x47: {  	_ =	shalt  }
0x48: {  	_ =	shalt  }
0x49: {  	_ =	shalt  }
0x4a: {  	_ =	shalt  }
0x4b: {  	_ =	shalt  }
0x4c: {  	_ =	shalt  }
0x4d: {  	_ =	shalt  }
0x4e: {  	_ =	shalt  }
0x4f: {  	_ =	shalt  }
0x50: {  	_ =	shalt  }
0x51: {  	_ =	shalt  }
0x52: {  	_ =	shalt  }
0x53: {  	_ =	shalt  }
0x54: {  	_ =	shalt  }
0x55: {  	_ =	shalt  }
0x56: {  	_ =	shalt  }
0x57: {  	_ =	shalt  }
0x58: {  	_ =	shalt  }
0x59: {  	_ =	shalt  }
0x5a: {  	_ =	shalt  }
0x5b: {  	_ =	shalt  }
0x5c: {  	_ =	shalt  }
0x5d: {  	_ =	shalt  }
0x5e: {  	_ =	shalt  }
0x5f: {  	_ =	shalt  }
0x60: {  	_ =	shalt  }
0x61: {  	_ =	shalt  }
0x62: {  	_ =	shalt  }
0x63: {  	_ =	shalt  }
0x64: {  	_ =	shalt  }
0x65: {  	_ =	shalt  }
0x66: {  	_ =	shalt  }
0x67: {  	_ =	shalt  }
0x68: {  	_ =	shalt  }
0x69: {  	_ =	shalt  }
0x6a: {  	_ =	shalt  }
0x6b: {  	_ =	shalt  }
0x6c: {  	_ =	shalt  }
0x6d: {  	_ =	shalt  }
0x6e: {  	_ =	shalt  }
0x6f: {  	_ =	shalt  }
0x70: {  	_ =	shalt  }
0x71: {  	_ =	shalt  }
0x72: {  	_ =	shalt  }
0x73: {  	_ =	shalt  }
0x74: {  	_ =	shalt  }
0x75: {  	_ =	shalt  }
0x76: {  	_ =	shalt  }
0x77: {  	_ =	shalt  }
0x78: {  	_ =	shalt  }
0x79: {  	_ =	shalt  }
0x7a: {  	_ =	shalt  }
0x7b: {  	_ =	shalt  }
0x7c: {  	_ =	shalt  }
0x7d: {  	_ =	shalt  }
0x7e: {  	_ =	shalt  }
0x7f: {  	_ =	shalt  }
0x80: {  	_ =	shalt  }
0x81: {  	_ =	shalt  }
0x82: {  	_ =	shalt  }
0x83: {  	_ =	shalt  }
0x84: {  	_ =	shalt  }
0x85: {  	_ =	shalt  }
0x86: {  	_ =	shalt  }
0x87: {  	_ =	shalt  }
.Lfunc_end0:
.L_simem_size_0:
called_computation_lowered:
.L_overlay_start_0:
0x88: {  	s2 =	sld [smem:$0x3FD9]  }
0x89: {  	s3 =	sld [smem:$0x3FFE];
	_ =	sdelay $0x1  }
0x8a: {  	s1 =	srdreg.scid  }
0x8b: {  	s0 =	sand.u32 $0x1, s1  }
0x8c: {  	s17 =	sshll.u32 s0, $0xA;
	s2 =	sadd.s32 s3, s2  }
0x8d: {  	s2 =	sadd.s32 s2, s17  }
0x8e: {  	[smem:$0x3FC1] =	sst s2  }
0x8f: {  	_ = 	snop  }
0x90: {  	s2 =	sld [smem:$0x3FD0];
	(tm) =	ssettm $0x1  }
0x91: {  	s18 =	sld [smem:$0x3FFB];
	_ =	sdelay $0x3  }
0x92: {  	_ =	strace s18  }
0x93: {  	s3 =	sld [smem:$0x3FFC];
	_ =	sdelay $0x3  }
0x94: {  	_ =	strace s3  }
0x95: {  	s3 =	sld [smem:$0x3FFD];
	_ =	sdelay $0x3  }
0x96: {  	_ =	strace s3  }
0x97: {  	_ =	strace $0x8FFFFFFF  }
0x98: {  	s19 =	sld [smem:$0x3FDB];
	_ =	sdelay $0x1  }
0x99: {  	s4 =	simm.s32 $_scs_section_size  }
0x9a: {  	s5 =	simm.s32 $_size__tile_overlayer_lowered;
	s6 =	simm.s32 $_tile_overlayer_lowered  }
0x9b: {  	s22 =	simm.s32 $0x1BFF;
	s21 =	sshll.u32 s6, $0x1;
	s3 =	sadd.s32 s4, s19  }
0x9c: {  	s7 =	simm.s32 $0x0;
	s20 =	sshll.u32 s5, $0x1;
	s5 =	sadd.s32 s21, s3  }
0x9d: {  	[timem:s7], [sflag:s22] =	dma.local [hbm:s5], s20  }
0x9e: {  	_ =	swait.ge [sflag:s22], s20  }
0x9f: {  	s4 =	ssub.s32 $0x0, s20;
	[sflag:s22] =	ssyncset.done $0x0  }
0xa0: {  	[sflag:s22] =	ssyncadd.s32 s4;
	_ =	sdelay $0x1  }
0xa1: {  	s23 =	simm.s32 $0x1B8B  }
0xa2: {  	_ =	swait.ge [sflag:s23], $0x1  }
0xa3: {  	[sflag:s23] =	ssyncset.done $0x0  }
0xa4: {  	s25 =	simm.s32 $0x1B8E;
	s24 =	sld [smem:$0x3FFE];
	[sflag:s23] =	ssyncadd.s32 $0xFFFFFFFF  }
0xa5: {  	s26 =	simm.s32 $execute0_lowered;
	[smem:$0x3FD2] =	sst s25  }
0xa6: {  	s5 =	sshll.u32 s26, $0x1;
	_ =	strace $0x80000046;
	[dreg:$0x1] =	wrdreg $0xFFFFFFFF  }
0xa7: {  	s28 =	simm.s32 $_size_execute0_lowered;
	s3 =	sadd.s32 s3, s5;
	[dreg:$0x0] =	wrdreg $0x0  }
0xa8: {  	s5 =	sshll.u32 s28, $0x1;
	[dreg:$0x2] =	wrdreg s3  }
0xa9: {  	[dreg:$0x3] =	wrdreg s5  }
0xaa: {  	[dreg:$0x4] =	wrdreg $0xC0  }
0xab: {  	_ =	task [dreg:s7], $0x5FFFF  }
0xac: {  	[dreg:$0x1] =	wrdreg $0xFFFFFFFF  }
0xad: {  	[dreg:$0x0] =	wrdreg $0x60  }
0xae: {  	[dreg:$0x2] =	wrdreg s24  }
0xaf: {  	[dreg:$0x3] =	wrdreg s2  }
0xb0: {  	[dreg:$0x4] =	wrdreg $0x10F800  }
0xb1: {  	[dreg:$0x5] =	wrdreg $0x9  }
0xb2: {  	_ =	task.clear_ibuf [dreg:s7], $0x6FFFF;
	_ =	strace $0x90000046  }
0xb3: {  	s29 =	simm.s32 $0x9;
	_ =	strace $0x80000048  }
0xb4: {  	_ =	swait.ge [sflag:s29], $0x1  }
0xb5: {  	[sflag:s29] =	ssyncadd.s32 $0xFFFFFFFF  }
0xb6: {  	_ =	strace $0x90000048  }
0xb7: {  	_ =	sfence  }
0xb8: {  	s30 =	sld [smem:$0x0];
	_ =	sdelay $0x2  }
0xb9: {  	s31 =	sshll.u32 s1, $0xD;
	s1 =	sshrl.u32 s1, $0x2  }
0xba: {  	s3 =	sand.u32 $0x4000, s31;
	s1 =	sadd.s32 s1, s30  }
0xbb: {  	s0 =	sor.u32 s3, s0;
	s1 =	sshll.u32 s1, $0x11  }
0xbc: {  	s0 =	sor.u32 s1, s0  }
0xbd: {  	s0 =	sadd.s32 $0x8F2B, s0  }
0xbe: {  	[sflag:s0] =	ssyncadd.remote.s32 $0x1  }
0xbf: {  	_ =	sfence.sel $0xFFFF  }
0xc0: {  	[dreg:$0x0] =	wrdreg $0xFFFFFFFF;
	(pc) =	sbr.abs _section_cstart, $3  }
0xc1: {  	[dreg:$0x1] =	wrdreg $0xFFFFFFFF  }
0xc2: {  	_ =	task.clear_ibuf [dreg:s7], $0x2FFFF;
	_ =	strace $0x9FFFFFFF  }
0xc3: {  	(tm) =	ssettm $0x7FFFFFFF  }
tec
execute0_lowered:
.L_overlay_start_1:
0x0: {  	(tag) =	ssettag $0x1  }
0x1: {  	s0 =	rddreg [dreg:$0x0]  }
0x2: {  	s2 =	rddreg [dreg:$0x1]  }
0x3: {  	s6 =	rddreg [dreg:$0x2];
	s4 =	srdreg.scid  }
0x4: {  	s1 =	stileid.u32;
	s3 =	simm.s32 $0x0;
	s15 =	simm.s32 $0x780  }
0x5: {  	s30 =	simm.s32 $0x1;
	s31 =	simm.s32 $0x878;
	s28 =	simm.s32 $0x2  }
0x6: {  	s5 =	sand.u32 $0x1, s4;
	s17 =	sshll.u32 s1, $0x1;
	[smem:$0x7FF] =	sst s3  }
0x7: {  	s4 =	sadd.s32 $0x4A00, s0;
	s18 =	sadd.s32 $0x800, s0;
	s19 =	sadd.s32 $0x600, s0  }
0x8: {  	s23 =	smul.u32 $0x6000, s1;
	_ =	strace $0x80000047;
	[dreg:$0x4] =	wrdreg s18  }
0x9: {  	s7 =	sor.u32 s5, s17;
	s10 =	ssub.s32 $0x2, s5;
	[dreg:$0x5] =	wrdreg s19  }
0xa: {  	s17 =	simm.s32 $0x800;
	s18 =	simm.s32 $0x5;
	s19 =	simm.s32 $0x968  }
0xb: {  	s8 =	sshll.u32 s7, $0x9;
	s5 =	smul.u32 $0xF000, s7;
	s11 =	sshrl.u32 s10, $0x1  }
0xc: {  	s25 =	sshll.u32 s7, $0x10;
	s13 =	sshll.u32 s7, $0x13;
	s26 =	sshrl.u32 s23, $0x2  }
0xd: {  	s23 =	simm.s32 $0xA58;
	s7 =	simm.s32 $0x0;
	s9 =	sadd.s32 s8, s0  }
0xe: {  	s8 =	sadd.s32 $0xCC00, s0;
	s20 =	ssub.s32 s10, s11;
	s14 =	sadd.s32 s26, s6  }
0xf: {  	s26 =	simm.s32 $0xB48;
	s6 =	simm.s32 $0x4;
	s21 =	sshrl.u32 s5, $0x3  }
0x10: {  	s10 =	sadd.s32 $0xA00, s9;
	s24 =	sadd.s32 $0xA08, s9;
	s9 =	sadd.s32 s25, s8  }
.Ltmp0:
0x11: {  	s0 =	smax.u32 s20, $0x1;
	[dreg:$0x8] =	wrdreg s24;
	(pc) =	sbr.rel .LBB2_1-.Ltmp0, $4  }
0x12: {  	s25 =	simm.s32 $0x40;
	s22 =	sadd.s32 s2, s21;
	[dreg:$0xa] =	wrdreg s0  }
0x13: {  	s29 =	sadd.s32 $0xFC00, s9;
	s21 =	simm.s32 $0x78;
	[dreg:$0x6] =	wrdreg s22  }
0x14: {  	s0 =	simm.s32 $0x8F0;
	s3 =	sadd.s32 $0x78, s22;
	[dreg:$0x9] =	wrdreg s29  }
0x15: {  	s24 =	simm.s32 $0xAD0;
	s22 =	simm.s32 $0x9E0;
	[dreg:$0x7] =	wrdreg s3  }
.LBB2_9:
0x16: {  	_ =	swait.ge [sflag:s28], $0xF00  }
0x17: {  	[sflag:s28] =	ssyncset.done $0x0  }
0x18: {  	[sflag:s28] =	ssyncadd.s32 $0xFFFFF100  }
0x19: {  	_ =	swait.ge [sflag:s28], $0xF00  }
0x1a: {  	[sflag:s28] =	ssyncset.done $0x0  }
0x1b: {  	[sflag:s28] =	ssyncadd.s32 $0xFFFFF100  }
0x1c: {  	_ =	swait.ge [sflag:s28], $0xF00  }
0x1d: {  	[sflag:s28] =	ssyncset.done $0x0  }
0x1e: {  	[sflag:s28] =	ssyncadd.s32 $0xFFFFF100  }
0x1f: {  	_ =	swait.ge [sflag:s28], $0xF00  }
0x20: {  	[sflag:s28] =	ssyncset.done $0x0  }
0x21: {  	[sflag:s28] =	ssyncadd.s32 $0xFFFFF100  }
0x22: {  	_ =	swait.ge [sflag:s28], $0xF00  }
0x23: {  	[sflag:s28] =	ssyncset.done $0x0  }
0x24: {  	[sflag:s28] =	ssyncadd.s32 $0xFFFFF100  }
0x25: {  	_ =	swait.ge [sflag:s28], $0xF00  }
0x26: {  	[sflag:s28] =	ssyncset.done $0x0  }
0x27: {  	[sflag:s28] =	ssyncadd.s32 $0xFFFFF100  }
0x28: {  	_ =	swait.ge [sflag:s28], $0xF00  }
0x29: {  	[sflag:s28] =	ssyncset.done $0x0  }
0x2a: {  	[sflag:s28] =	ssyncadd.s32 $0xFFFFF100  }
0x2b: {  	_ =	swait.ge [sflag:s28], $0xF00  }
0x2c: {  	[sflag:s28] =	ssyncset.done $0x0  }
0x2d: {  	s12 =	simm.s32 $0x3;
	[sflag:s28] =	ssyncadd.s32 $0xFFFFF100  }
0x2e: {  	s3 =	sshll.u32 s1, $0x6;
	_ =	swait.ge [sflag:s12], $0x100  }
0x2f: {  	s9 =	sshrl.u32 s14, $0x3;
	s15 =	simm.s32 $0x10;
	[sflag:s12] =	ssyncset.done $0x0  }
0x30: {  	s3 =	sor.u32 $0x1C03, s3;
	s11 =	rddreg [dreg:$0x9];
	[sflag:s12] =	ssyncadd.s32 $0xFFFFFF00  }
0x31: {  	[hbm:s11@s15], [sflag:s3] =	dma.strided [spmem:s9@s6], $0x100, s30, $0x4   }
0x32: {  	_ =	swait.ge [sflag:s12], $0x100  }
0x33: {  	s7 =	sadd.s32 $0x1, s7;
	s29 =	rddreg [dreg:$0xa]  }
0x34: {  	p0 =	sne.s32 s7, s29  }
.Ltmp1:
0x35: {  	_ = 	snop;
	(pc) =	sbr.rel @!p0 .LBB2_10-.Ltmp1, $3  }
0x36: {  	_ =	sdelay $0x1  }
0x37: {  	[sflag:s12] =	ssyncset.done $0x0  }
0x38: {  	s15 =	simm.s32 $0x780;
	[sflag:s12] =	ssyncadd.s32 $0xFFFFFF00  }
.LBB2_1:
0x39: {  	s3 =	simm.s32 $0x0;
	s9 =	rddreg [dreg:$0x4]  }
0x3a: {  	[tilespmem:s17], [sflag:$0x5] =	stream.linear.gather [hbm4b:s9+s3], $0x3C0, $0x38;
	[tilespmem:$0x12780] =	vst v63  }
0x3b: {  	_ =	swait.ge [sflag:s18], $0x3C0  }
0x3c: {  	[sflag:s18] =	ssyncset.done $0x0  }
0x3d: {  	s11 =	simm.s32 $0xBC0;
	s20 =	rddreg [dreg:$0x5];
	[sflag:s18] =	ssyncadd.s32 $0xFFFFFC40  }
0x3e: {  	[tilespmem:s11], [sflag:$0x5] =	stream.linear.gather [hbm4b:s20+s3], $0x3C0, $0x38;
	[tilespmem:$0x12780] =	vst v63  }
0x3f: {  	_ =	swait.ge [sflag:s18], $0x3C0  }
0x40: {  	[sflag:s18] =	ssyncset.done $0x0  }
0x41: {  	s29 =	rddreg [dreg:$0x6];
	[sflag:s18] =	ssyncadd.s32 $0xFFFFFC40  }
0x42: {  	[tilespmem:s3], [sflag:$0x5] =	stream.linear.gather [hbm4b:s29+s3], $0x3C0, $0x38;
	[tilespmem:$0x12780] =	vst v63  }
0x43: {  	_ =	swait.ge [sflag:s18], $0x3C0  }
0x44: {  	[sflag:s18] =	ssyncset.done $0x0  }
0x45: {  	[sflag:s18] =	ssyncadd.s32 $0xFFFFFC40  }
0x46: {  	[tilespmem:s15], [sflag:$0x5] =	stream.linear.gather [hbm4b:s10+s3], $0x40, $0x38;
	[tilespmem:$0x12780] =	vst v63  }
0x47: {  	_ =	swait.ge [sflag:s18], $0x40  }
0x48: {  	[sflag:s18] =	ssyncset.done $0x0  }
0x49: {  	s11 =	simm.s32 $0x0;
	[sflag:s18] =	ssyncadd.s32 $0xFFFFFFC0  }
0x4a: {  	s12 =	simm.s32 $0x40;
	v0 =	vld [tilespmem:s11+$0xBC0]  }
.LBB2_2:
0x4b: {  	p0 =	sne.s32 s12, $0xEC0;
	v1 =	vld [tilespmem:s11+$0x0];
	_ =	sdelay $0x1  }
.Ltmp2:
0x4c: {  	(pc) =	sbr.rel @p0 .LBB2_2-.Ltmp2, $3  }
0x4d: {  	_ =	sdelay $0x1  }
0x4e: {  	s9 =	sshra.s32 s12, $0x2;
	v1 =	vadd.s32 v1, v0  }
0x4f: {  	s12 =	sadd.s32 $0x40, s12;
	v0 =	vld [tilespmem:s9+$0xBC0];
	[tilespmem:s11+$0x0] =	vst v1;
	s11 =	smov.u32 s9  }
0x50: {  	v1 =	vld [tilespmem:s11+$0x0];
	_ =	sdelay $0x4  }
0x51: {  	v0 =	vadd.s32 v1, v0  }
0x52: {  	[tilespmem:s11+$0x0] =	vst v0  }
0x53: {  	v0 =	vld [tilespmem:$0x780]  }
0x54: {  	v60 =	vld [tilespmem:$0x790]  }
0x55: {  	v2 =	vld [tilespmem:$0x7A0]  }
0x56: {  	v3 =	vld [tilespmem:$0x7B0];
	_ =	sdelay $0x1  }
0x57: {  	v0 =	vadd.s32 $0x1E05, v0  }
0x58: {  	v61 =	vadd.s32 $0x1E05, v60;
	[tilespmem:$0x780] =	vst v0  }
0x59: {  	v62 =	vadd.s32 $0x1E05, v2;
	[tilespmem:$0x790] =	vst v61  }
0x5a: {  	v63 =	vadd.s32 $0x1E05, v3;
	[tilespmem:$0x7A0] =	vst v62  }
0x5b: {  	s3 =	simm.s32 $0xF80;
	s11 =	simm.s32 $0x0;
	[tilespmem:$0x7B0] =	vst v63  }
0x5c: {  	[tilespmem:s3], [sflag:$0x1] =	stream.indirect.gather [hbm4b:s4+s21], $0x20, s11, s21, $0xb8;
	[tilespmem:$0x12780] =	vst v63  }
0x5d: {  	s12 =	simm.s32 $0x1E80  }
0x5e: {  	[tilespmem:s12], [sflag:$0x1] =	stream.indirect.gather [hbm4b:s4+s21], $0x20, s21, s21, $0xb8;
	[tilespmem:$0x12780] =	vst v63  }
0x5f: {  	s16 =	simm.s32 $0xF0;
	s9 =	simm.s32 $0x2D80  }
0x60: {  	[tilespmem:s9], [sflag:$0x1] =	stream.indirect.gather [hbm4b:s4+s21], $0x20, s16, s21, $0xb8;
	[tilespmem:$0x12780] =	vst v63  }
0x61: {  	s20 =	simm.s32 $0x168;
	s29 =	simm.s32 $0x3C80  }
0x62: {  	[tilespmem:s29], [sflag:$0x1] =	stream.indirect.gather [hbm4b:s4+s21], $0x20, s20, s21, $0xb8;
	[tilespmem:$0x12780] =	vst v63  }
0x63: {  	s12 =	simm.s32 $0x1E0;
	s16 =	simm.s32 $0x4B80  }
0x64: {  	[tilespmem:s16], [sflag:$0x1] =	stream.indirect.gather [hbm4b:s4+s21], $0x20, s12, s21, $0xb8;
	[tilespmem:$0x12780] =	vst v63  }
0x65: {  	s20 =	simm.s32 $0x258;
	s29 =	simm.s32 $0x5A80  }
0x66: {  	[tilespmem:s29], [sflag:$0x1] =	stream.indirect.gather [hbm4b:s4+s21], $0x20, s20, s21, $0xb8;
	[tilespmem:$0x12780] =	vst v63  }
0x67: {  	s12 =	simm.s32 $0x2D0;
	s16 =	simm.s32 $0x6980  }
0x68: {  	[tilespmem:s16], [sflag:$0x1] =	stream.indirect.gather [hbm4b:s4+s21], $0x20, s12, s21, $0xb8;
	[tilespmem:$0x12780] =	vst v63  }
0x69: {  	s20 =	simm.s32 $0x348;
	s29 =	simm.s32 $0x7880  }
0x6a: {  	[tilespmem:s29], [sflag:$0x1] =	stream.indirect.gather [hbm4b:s4+s21], $0x20, s20, s21, $0xb8;
	[tilespmem:$0x12780] =	vst v63  }
0x6b: {  	s12 =	simm.s32 $0xFF80  }
0x6c: {  	[tilespmem:s12], [sflag:$0x1] =	stream.indirect.gather [hbm4b:s4+s25], $0x20, s15, s25, $0xb8;
	[tilespmem:$0x12780] =	vst v63  }
.Ltmp3:
0x6d: {  	_ = 	snop;
	(pc) =	sbr.rel .LBB2_4-.Ltmp3, $4  }
0x6e: {  	s16 =	simm.s32 $0x3C0;
	s15 =	rddreg [dreg:$0x7]  }
0x6f: {  	[tilespmem:s16], [sflag:$0x4] =	stream.linear.gather [hbm4b:s15+s11], $0x3C0, $0x38;
	[tilespmem:$0x12780] =	vst v63  }
0x70: {  	p0 =	por $0x1, $0x1;
	s20 =	rddreg [dreg:$0x8];
	s29 =	simm.s32 $0x7C0  }
0x71: {  	[tilespmem:s29], [sflag:$0x4] =	stream.linear.gather [hbm4b:s20+s11], $0x40, $0x38;
	[tilespmem:$0x12780] =	vst v63  }
.LBB2_8:
0x72: {  	s3 =	smulhi.u32 $0xAAAAAAAB, s11;
	_ =	sdelay $0x1  }
0x73: {  	s3 =	sshrl.u32 s3, $0x1  }
0x74: {  	s3 =	smul.u32 $0x3, s3;
	_ =	sdelay $0x1  }
0x75: {  	s3 =	ssub.s32 s11, s3  }
0x76: {  	s9 =	sshll.u32 s12, $0xB;
	s3 =	sshll.u32 s3, $0xB  }
0x77: {  	s16 =	smul.u32 $0x1E000, s12;
	s9 =	sadd.s32 $0xFF80, s9;
	s3 =	sadd.s32 s3, s14  }
0x78: {  	[spmem:s3] =	stream.linear.scatter [tilespmem:s9], [sflag:$0x5], $0x800, $0x38;
	[tilespmem:$0x12780] =	vst v63  }
0x79: {  	_ =	swait.ge [sflag:s18], $0x800  }
0x7a: {  	s9 =	sshrl.u32 s16, $0x2;
	[sflag:s18] =	ssyncset.done $0x0  }
0x7b: {  	s12 =	sadd.s32 $0xF80, s9;
	[sflag:s18] =	ssyncadd.s32 $0xFFFFF800  }
0x7c: {  	[spmem:s3] =	stream.indirect.scatter.add.f32 [tilespmem:s12], [sflag:$0x2], $0x20, s17, s21, $0xb8;
	[tilespmem:$0x12780] =	vst v63  }
0x7d: {  	s20 =	sadd.s32 $0x1E80, s9  }
0x7e: {  	[spmem:s3] =	stream.indirect.scatter.add.f32 [tilespmem:s20], [sflag:$0x2], $0x20, s31, s21, $0xb8;
	[tilespmem:$0x12780] =	vst v63  }
0x7f: {  	s29 =	sadd.s32 $0x2D80, s9  }
0x80: {  	[spmem:s3] =	stream.indirect.scatter.add.f32 [tilespmem:s29], [sflag:$0x2], $0x20, s0, s21, $0xb8;
	[tilespmem:$0x12780] =	vst v63  }
0x81: {  	s15 =	sadd.s32 $0x3C80, s9  }
0x82: {  	[spmem:s3] =	stream.indirect.scatter.add.f32 [tilespmem:s15], [sflag:$0x2], $0x20, s19, s21, $0xb8;
	[tilespmem:$0x12780] =	vst v63  }
0x83: {  	s11 =	sadd.s32 $0x1, s11;
	s16 =	sadd.s32 $0x4B80, s9  }
0x84: {  	[spmem:s3] =	stream.indirect.scatter.add.f32 [tilespmem:s16], [sflag:$0x2], $0x20, s22, s21, $0xb8;
	[tilespmem:$0x12780] =	vst v63  }
0x85: {  	p1 =	sne.s32 s11, $0x40;
	s20 =	sadd.s32 $0x5A80, s9  }
0x86: {  	[spmem:s3] =	stream.indirect.scatter.add.f32 [tilespmem:s20], [sflag:$0x2], $0x20, s23, s21, $0xb8;
	[tilespmem:$0x12780] =	vst v63  }
.Ltmp4:
0x87: {  	_ = 	snop;
	(pc) =	sbr.rel @!p1 .LBB2_9-.Ltmp4, $4  }
0x88: {  	s29 =	sadd.s32 $0x6980, s9  }
0x89: {  	[spmem:s3] =	stream.indirect.scatter.add.f32 [tilespmem:s29], [sflag:$0x2], $0x20, s24, s21, $0xb8;
	[tilespmem:$0x12780] =	vst v63  }
0x8a: {  	p0 =	por !p0, !p0;
	s9 =	sadd.s32 $0x7880, s9  }
0x8b: {  	[spmem:s3] =	stream.indirect.scatter.add.f32 [tilespmem:s9], [sflag:$0x2], $0x20, s26, s21, $0xb8;
	[tilespmem:$0x12780] =	vst v63  }
.LBB2_4:
0x8c: {  	p1 =	seq.s32 s11, $0x0  }
0x8d: {  	s9 =	simm.s32 @!p1 $0x2  }
0x8e: {  	_ =	swait.ge @!p1 [sflag:s9], $0xF00  }
0x8f: {  	[sflag:s9] =	ssyncset.done @!p1 $0x0  }
0x90: {  	[sflag:s9] =	ssyncadd.s32 @!p1 $0xFFFFF100  }
0x91: {  	_ =	swait.ge @!p1 [sflag:s9], $0xF00  }
0x92: {  	[sflag:s9] =	ssyncset.done @!p1 $0x0  }
0x93: {  	[sflag:s9] =	ssyncadd.s32 @!p1 $0xFFFFF100  }
0x94: {  	_ =	swait.ge @!p1 [sflag:s9], $0xF00  }
0x95: {  	[sflag:s9] =	ssyncset.done @!p1 $0x0  }
0x96: {  	[sflag:s9] =	ssyncadd.s32 @!p1 $0xFFFFF100  }
0x97: {  	_ =	swait.ge @!p1 [sflag:s9], $0xF00  }
0x98: {  	[sflag:s9] =	ssyncset.done @!p1 $0x0  }
0x99: {  	[sflag:s9] =	ssyncadd.s32 @!p1 $0xFFFFF100  }
0x9a: {  	_ =	swait.ge @!p1 [sflag:s9], $0xF00  }
0x9b: {  	[sflag:s9] =	ssyncset.done @!p1 $0x0  }
0x9c: {  	s12 =	sadd.s32 @!p1 $0xFFFFFFFF, s11;
	[sflag:s9] =	ssyncadd.s32 @!p1 $0xFFFFF100  }
0x9d: {  	s15 =	sand.u32 @!p1 $0xFF, s12;
	_ =	swait.ge @!p1 [sflag:s9], $0xF00  }
0x9e: {  	s15 =	smul.u32 @!p1 $0xAB, s15;
	[sflag:s9] =	ssyncset.done @!p1 $0x0  }
0x9f: {  	[sflag:s9] =	ssyncadd.s32 @!p1 $0xFFFFF100  }
0xa0: {  	s15 =	sshrl.u32 @!p1 s15, $0x9;
	_ =	swait.ge @!p1 [sflag:s9], $0xF00  }
0xa1: {  	s15 =	smul.u32 @!p1 $0x3, s15;
	[sflag:s9] =	ssyncset.done @!p1 $0x0  }
0xa2: {  	s16 =	simm.s32 @!p1 $0x1;
	s20 =	simm.s32 @!p1 $0x10;
	[sflag:s9] =	ssyncadd.s32 @!p1 $0xFFFFF100  }
0xa3: {  	s3 =	simm.s32 @!p1 $0x4;
	s15 =	ssub.s32 @!p1 s12, s15;
	_ =	swait.ge @!p1 [sflag:s9], $0xF00  }
0xa4: {  	s12 =	sshll.u32 @!p1 s12, $0xD;
	s15 =	sand.u32 @!p1 $0xFF, s15;
	[sflag:s9] =	ssyncset.done @!p1 $0x0  }
0xa5: {  	[sflag:s9] =	ssyncadd.s32 @!p1 $0xFFFFF100;
	s9 =	sadd.s32 @!p1 s13, s12;
	s12 =	sshll.u32 @!p1 s15, $0xB  }
0xa6: {  	s15 =	sshll.u32 @!p1 s1, $0x6;
	s12 =	sadd.s32 @!p1 s12, s14;
	s9 =	sshrl.u32 @!p1 s9, $0x3  }
0xa7: {  	s15 =	sor.u32 @!p1 $0x1C03, s15;
	s9 =	sadd.s32 @!p1 s8, s9;
	s12 =	sshrl.u32 @!p1 s12, $0x3  }
0xa8: {  	[hbm:s9@s20], [sflag:s15] =	dma.strided @!p1 [spmem:s12@s3], $0x100, s16, $0x4   }
0xa9: {  	_ =	swait.ge [sflag:s30], $0xF00  }
0xaa: {  	[sflag:s30] =	ssyncset.done $0x0  }
0xab: {  	[sflag:s30] =	ssyncadd.s32 $0xFFFFF100  }
0xac: {  	_ =	swait.ge [sflag:s30], $0xF00  }
0xad: {  	[sflag:s30] =	ssyncset.done $0x0  }
0xae: {  	[sflag:s30] =	ssyncadd.s32 $0xFFFFF100  }
0xaf: {  	_ =	swait.ge [sflag:s30], $0xF00  }
0xb0: {  	[sflag:s30] =	ssyncset.done $0x0  }
0xb1: {  	[sflag:s30] =	ssyncadd.s32 $0xFFFFF100  }
0xb2: {  	_ =	swait.ge [sflag:s30], $0xF00  }
0xb3: {  	[sflag:s30] =	ssyncset.done $0x0  }
0xb4: {  	[sflag:s30] =	ssyncadd.s32 $0xFFFFF100  }
0xb5: {  	_ =	swait.ge [sflag:s30], $0xF00  }
0xb6: {  	[sflag:s30] =	ssyncset.done $0x0  }
0xb7: {  	[sflag:s30] =	ssyncadd.s32 $0xFFFFF100  }
0xb8: {  	_ =	swait.ge [sflag:s30], $0xF00  }
0xb9: {  	[sflag:s30] =	ssyncset.done $0x0  }
0xba: {  	[sflag:s30] =	ssyncadd.s32 $0xFFFFF100  }
0xbb: {  	_ =	swait.ge [sflag:s30], $0xF00  }
0xbc: {  	[sflag:s30] =	ssyncset.done $0x0  }
0xbd: {  	[sflag:s30] =	ssyncadd.s32 $0xFFFFF100  }
0xbe: {  	_ =	swait.ge [sflag:s30], $0xF00  }
0xbf: {  	p1 =	slt.u32 s11, $0x2;
	[sflag:s30] =	ssyncset.done $0x0  }
0xc0: {  	p2 =	seq.s32 @!p1 s11, $0x3F;
	[sflag:s30] =	ssyncadd.s32 $0xFFFFF100  }
0xc1: {  	p2 =	por p1, !p2;
	_ =	swait.ge [sflag:s30], $0x800  }
.Ltmp5:
0xc2: {  	[sflag:s30] =	ssyncset.done $0x0;
	(pc) =	sbr.rel @!p2 .LBB2_8-.Ltmp5, $4  }
0xc3: {  	s3 =	simm.s32 @!p1 $0x3;
	[sflag:s30] =	ssyncadd.s32 $0xFFFFF800  }
0xc4: {  	_ =	swait.ge @!p1 [sflag:s3], $0x100  }
0xc5: {  	[sflag:s3] =	ssyncset.done @!p1 $0x0  }
0xc6: {  	s12 =	sand.u32 $0x1, s11;
	[sflag:s3] =	ssyncadd.s32 @!p1 $0xFFFFFF00  }
0xc7: {  	s3 =	simm.s32 $0x1  }
0xc8: {  	s3 =	simm.s32 @!p0 $0x0  }
0xc9: {  	s3 =	smul.u32 $0xF00, s3;
	_ =	sdelay $0x1  }
0xca: {  	_ =	swait.ge [sflag:s6], $0x3C0;
	s3 =	sshrl.u32 s3, $0x2  }
0xcb: {  	[sflag:s6] =	ssyncset.done $0x0;
	v0 =	vmov s3  }
0xcc: {  	s20 =	sxor.u32 $0x1, s12;
	[sflag:s6] =	ssyncadd.s32 $0xFFFFFC40  }
0xcd: {  	s9 =	smul.u32 $0xF00, s20;
	_ =	swait.ge [sflag:s6], $0x40  }
0xce: {  	s16 =	simm.s32 $0x0;
	[sflag:s6] =	ssyncset.done $0x0  }
0xcf: {  	s15 =	sshrl.u32 s9, $0x2;
	s9 =	simm.s32 $0x40;
	[sflag:s6] =	ssyncadd.s32 $0xFFFFFFC0  }
.LBB2_6:
0xd0: {  	p1 =	sne.s32 s9, $0xEC0;
	v1 =	vld.idx.msk [tilespmem:v0+s16+$0x0 ss:$0x1], $0xffff  }
0xd1: {  	v2 =	vld [tilespmem:s16+$0xBC0];
	_ =	sdelay $0x1  }
.Ltmp6:
0xd2: {  	(pc) =	sbr.rel @p1 .LBB2_6-.Ltmp6, $3  }
0xd3: {  	_ =	sdelay $0x1  }
0xd4: {  	v1 =	vadd.s32 v1, v2  }
0xd5: {  	[tilespmem:v0+s16+$0x0 ss:$0x1] =	vst.idx.msk $0xffff, v1;
	s16 =	sshra.s32 s9, $0x2;
	s9 =	sadd.s32 $0x40, s9  }
0xd6: {  	_ =	sdelay $0x3  }
0xd7: {  	v1 =	vld.idx.msk [tilespmem:v0+s16+$0x0 ss:$0x1], $0xffff  }
0xd8: {  	v2 =	vld [tilespmem:s16+$0xBC0];
	_ =	sdelay $0x4  }
0xd9: {  	v1 =	vadd.s32 v1, v2  }
0xda: {  	s3 =	sshll.u32 s20, $0x6;
	[tilespmem:v0+s16+$0x0 ss:$0x1] =	vst.idx.msk $0xffff, v1  }
0xdb: {  	v0 =	vld [tilespmem:s3+$0x780]  }
0xdc: {  	v1 =	vld [tilespmem:s3+$0x790]  }
0xdd: {  	v60 =	vld [tilespmem:s3+$0x7A0]  }
0xde: {  	v3 =	vld [tilespmem:s3+$0x7B0];
	_ =	sdelay $0x1  }
0xdf: {  	v0 =	vadd.s32 $0x1E05, v0  }
0xe0: {  	s9 =	smul.u32 $0x1E000, s20;
	v61 =	vadd.s32 $0x1E05, v1;
	[tilespmem:s3+$0x780] =	vst v0  }
0xe1: {  	v62 =	vadd.s32 $0x1E05, v60;
	[tilespmem:s3+$0x790] =	vst v61  }
0xe2: {  	s9 =	sshrl.u32 s9, $0x2;
	v63 =	vadd.s32 $0x1E05, v3;
	[tilespmem:s3+$0x7A0] =	vst v62  }
0xe3: {  	s29 =	sadd.s32 $0xF80, s9;
	[tilespmem:s3+$0x7B0] =	vst v63  }
0xe4: {  	[tilespmem:s29], [sflag:$0x1] =	stream.indirect.gather [hbm4b:s4+s21], $0x20, s15, s21, $0xb8;
	[tilespmem:$0x12780] =	vst v63  }
0xe5: {  	s16 =	sadd.s32 $0x1E80, s9;
	s29 =	sadd.s32 $0x78, s15  }
0xe6: {  	[tilespmem:s16], [sflag:$0x1] =	stream.indirect.gather [hbm4b:s4+s21], $0x20, s29, s21, $0xb8;
	[tilespmem:$0x12780] =	vst v63  }
0xe7: {  	s16 =	sadd.s32 $0x2D80, s9;
	s29 =	sadd.s32 $0xF0, s15  }
0xe8: {  	[tilespmem:s16], [sflag:$0x1] =	stream.indirect.gather [hbm4b:s4+s21], $0x20, s29, s21, $0xb8;
	[tilespmem:$0x12780] =	vst v63  }
0xe9: {  	s16 =	sadd.s32 $0x3C80, s9;
	s29 =	sadd.s32 $0x168, s15  }
0xea: {  	[tilespmem:s16], [sflag:$0x1] =	stream.indirect.gather [hbm4b:s4+s21], $0x20, s29, s21, $0xb8;
	[tilespmem:$0x12780] =	vst v63  }
0xeb: {  	s16 =	sadd.s32 $0x4B80, s9;
	s29 =	sadd.s32 $0x1E0, s15  }
0xec: {  	[tilespmem:s16], [sflag:$0x1] =	stream.indirect.gather [hbm4b:s4+s21], $0x20, s29, s21, $0xb8;
	[tilespmem:$0x12780] =	vst v63  }
0xed: {  	p1 =	sgt.u32 s11, $0x3D;
	s16 =	sadd.s32 $0x5A80, s9;
	s29 =	sadd.s32 $0x258, s15  }
0xee: {  	[tilespmem:s16], [sflag:$0x1] =	stream.indirect.gather [hbm4b:s4+s21], $0x20, s29, s21, $0xb8;
	[tilespmem:$0x12780] =	vst v63  }
0xef: {  	s16 =	sadd.s32 $0x6980, s9;
	s29 =	sadd.s32 $0x2D0, s15;
	s9 =	sadd.s32 $0x7880, s9  }
0xf0: {  	[tilespmem:s16], [sflag:$0x1] =	stream.indirect.gather [hbm4b:s4+s21], $0x20, s29, s21, $0xb8;
	[tilespmem:$0x12780] =	vst v63  }
0xf1: {  	s16 =	sadd.s32 $0x348, s15;
	s29 =	sshll.u32 s20, $0xB;
	s15 =	sadd.s32 @!p1 $0x2, s11  }
0xf2: {  	[tilespmem:s9], [sflag:$0x1] =	stream.indirect.gather [hbm4b:s4+s21], $0x20, s16, s21, $0xb8;
	[tilespmem:$0x12780] =	vst v63  }
0xf3: {  	s3 =	sor.u32 $0x780, s3;
	s9 =	sadd.s32 $0xFF80, s29;
	s16 =	smul.u32 @!p1 $0x3C0, s15  }
0xf4: {  	[tilespmem:s9], [sflag:$0x1] =	stream.indirect.gather [hbm4b:s4+s25], $0x20, s3, s25, $0xb8;
	[tilespmem:$0x12780] =	vst v63  }
0xf5: {  	s3 =	sadd.s32 @!p1 s5, s16;
	s9 =	smul.u32 @!p1 $0xF00, s12  }
0xf6: {  	s16 =	simm.s32 @!p1 $0x0;
	s3 =	sshrl.u32 @!p1 s3, $0x3  }
.Ltmp7:
0xf7: {  	s9 =	sshrl.u32 @!p1 s9, $0x2;
	s3 =	sadd.s32 @!p1 s2, s3;
	(pc) =	sbr.rel .LBB2_8-.Ltmp7, $4  }
0xf8: {  	[tilespmem:s9], [sflag:$0x4] =	stream.linear.gather @!p1 [hbm4b:s3+s16], $0x3C0, $0x38;
	[tilespmem:$0x12780] =	vst v63  }
0xf9: {  	s3 =	sshll.u32 @!p1 s15, $0x3;
	s9 =	sshll.u32 @!p1 s12, $0x6  }
0xfa: {  	s9 =	sor.u32 @!p1 $0x780, s9;
	s3 =	sadd.s32 @!p1 s3, s10  }
0xfb: {  	[tilespmem:s9], [sflag:$0x4] =	stream.linear.gather @!p1 [hbm4b:s3+s16], $0x40, $0x38;
	[tilespmem:$0x12780] =	vst v63  }
.LBB2_10:
0xfc: {  	_ =	sfence.sel $0x180000  }
0xfd: {  	[bflag:$0x0] =	sbarrier.arrive $0xFFFF  }
0xfe: {  	_ =	strace $0x90000047  }
0xff: {  	[bflag:$0x2] =	sbarrier.arrive $0xFFFF  }
0x100: {  	p0 =	sne.s32 s1, $0x0;
	s0 =	rddreg [dreg:$0x3]  }
0x101: {  	s0 =	sadd.s32 @!p0 $0x100000, s0  }
0x102: {  	[sflag:s0] =	ssyncadd.tile.s32 @!p0 $0x1;
	_ =	shalt  }
.Lfunc_end2:
_tile_overlayer_lowered:
.L_overlay_start_2:
0x103: {  	(tag) =	ssettag $0x2  }
0x104: {  	s0 =	rddreg [dreg:$0x0];
	s2 =	stileid.u32  }
0x105: {  	s1 =	rddreg [dreg:$0x1];
	p0 =	sne.s32 s2, $0x0  }
0x106: {  	s3 =	rddreg [dreg:$0x2];
	[bflag:$0x3] =	sbarrier.arrive $0xFFFF;
	s2 =	simm.s32 @!p0 $0x1C05  }
0x107: {  	[timem:s3], [sflag:s2] =	dma.local @!p0 [hbm:s0], s1  }
0x108: {  	s0 =	simm.s32 @!p0 $0x5  }
0x109: {  	_ =	swait.ge @!p0 [sflag:s0], s1  }
0x10a: {  	s1 =	ssub.s32 @!p0 $0x0, s1;
	[sflag:s0] =	ssyncset.done @!p0 $0x0  }
0x10b: {  	[sflag:s0] =	ssyncadd.s32 @!p0 s1  }
0x10c: {  	[bflag:$0x3] =	sbarrier.arrive $0xFFFF  }
0x10d: {  	_ =	shalt  }

</sc_bundles>
